<compile_context>
chip_gen: v7x
topology: tpu7x:2x2x1
jax: 0.10.2.dev20260603
libtpu: 0.0.44.dev20260713+nightly
codegen_flags: <defaults>
</compile_context>

<pallas_src>
import functools

import jax
import jax.numpy as jnp
from jax import lax
from jax.experimental import pallas as pl
from jax.experimental.pallas import tpu as pltpu
from jax.experimental.pallas import tpu_sc as plsc

NC = 2
NS = 16
NW = NC * NS

B = 16384
D = 32
V = 1_000_000
BPW = B // NW
CHUNK = 128
NCHUNK = BPW // CHUNK
L = 16

STRIP = 32768
QR = STRIP // 4
GRID = -(-V // STRIP)
PR = GRID * QR

_mesh = plsc.VectorSubcoreMesh(
    core_axis_name="c", subcore_axis_name="s", num_cores=NC, num_subcores=NS
)


def _repack_body(zt_ref, out_ref):
    y = zt_ref[...].T
    out_ref[...] = jnp.concatenate(
        [y[q * QR:(q + 1) * QR, :] for q in range(4)], axis=1)


_repack = pl.pallas_call(
    _repack_body,
    grid=(GRID,),
    in_specs=[pl.BlockSpec((D, STRIP), lambda i: (0, i))],
    out_specs=pl.BlockSpec((QR, 128), lambda i: (i, 0)),
    out_shape=jax.ShapeDtypeStruct((PR, 128), jnp.float32),
)


@functools.partial(
    pl.kernel,
    mesh=_mesh,
    out_type=jax.ShapeDtypeStruct((B,), jnp.float32),
    compiler_params=pltpu.CompilerParams(needs_layout_passes=False),
    scratch_types=[
        pltpu.VMEM((2, NCHUNK, CHUNK), jnp.int32),
        pltpu.VMEM((1, CHUNK), jnp.int32),
        pltpu.VMEM((1, CHUNK), jnp.int32),
        pltpu.VMEM((CHUNK, 128), jnp.float32),
        pltpu.VMEM((CHUNK, 128), jnp.float32),
        pltpu.VMEM((BPW,), jnp.float32),
        pltpu.SemaphoreType.DMA,
    ],
)
def _sc_dot_decoder(z128_hbm, h_hbm, t_hbm, out_hbm,
                    ids, ridx_h, ridx_t, gbuf_h, gbuf_t, out_v, sem):
    wid = lax.axis_index("s") * NC + lax.axis_index("c")
    base = wid * BPW

    for s, src in enumerate((h_hbm, t_hbm)):
        for c in range(NCHUNK):
            pltpu.sync_copy(src.at[pl.ds(base + c * CHUNK, CHUNK)],
                            ids.at[s, c])

    lane = jnp.arange(L, dtype=jnp.int32)

    def row_of(v):
        return ((v >> 15) << 13) | (v & (QR - 1))

    def off_of(v):
        return ((v >> 13) & 3) * D

    def chunk_body(c, carry):
        for k in range(CHUNK // L):
            sl = pl.ds(k * L, L)
            ridx_h[0, sl] = row_of(ids[0, c, sl])
            ridx_t[0, sl] = row_of(ids[1, c, sl])
        cp1 = pltpu.async_copy(z128_hbm.at[ridx_h.at[0]], gbuf_h, sem)
        cp2 = pltpu.async_copy(z128_hbm.at[ridx_t.at[0]], gbuf_t, sem)
        cp1.wait()
        cp2.wait()

        for g in range(CHUNK // L):
            sl = pl.ds(g * L, L)
            rows = g * L + lane
            offh = off_of(ids[0, c, sl])
            offt = off_of(ids[1, c, sl])
            acc = None
            for d in range(D):
                hv = plsc.load_gather(gbuf_h, [rows, offh + d])
                tv = plsc.load_gather(gbuf_t, [rows, offt + d])
                prod = hv * tv
                acc = prod if acc is None else acc + prod
            out_v[pl.ds(c * CHUNK + g * L, L)] = acc
        return carry

    lax.fori_loop(0, NCHUNK, chunk_body, 0)

    pltpu.sync_copy(out_v, out_hbm.at[pl.ds(base, BPW)])


def kernel(z, triples):
    z128 = _repack(z.T)
    h = triples[:, 0]
    t = triples[:, 2]
    return _sc_dot_decoder(z128, h, t)

# --- scband reference (transcript-rebuilt; emitter-appended) ---
"""Pipeline reference for scband-dot-product-decoder-81209241633076 (READ-ONLY COPY).

The authoritative reference and input builder live on the scoring server;
editing this copy changes nothing except your own understanding.
"""

import jax, jax.numpy as jnp
import numpy as np


def setup_inputs(seed: int = 0) -> dict:
    key = jax.random.key(seed)
    k1, k2 = jax.random.split(key)
    z = jax.random.normal(k1, (1000000, 32), dtype=jnp.float32)
    triples = jax.random.randint(k2, (16384, 3), 0, 1000000)
    return {"z": z, "triples": triples}


def reference(z, triples):
    # score(h, r, t) = <e_h, e_t>; relation column (index 1) is ignored
    h = triples[:, 0]
    t = triples[:, 2]
    e_h = jnp.take(z, h, axis=0)
    e_t = jnp.take(z, t, axis=0)
    return (e_h * e_t).sum(axis=1)

if __name__ == "__main__":
    import jax
    _d = setup_inputs()
    print(jax.jit(kernel)(*tuple(_d.values())))

</pallas_src>

<mosaic_0001>
#map = affine_map<(d0, d1) -> (0, 0)>
#map1 = affine_map<(d0, d1) -> (0)>
module attributes {stable_mosaic.version = 14 : i64} {
  func.func @_sc_dot_decoder(%arg0: i32, %arg1: i32, %arg2: memref<253952x128xf32, #tpu.memory_space<hbm>>, %arg3: memref<16384xi32, #tpu.memory_space<hbm>>, %arg4: memref<16384xi32, #tpu.memory_space<hbm>>, %arg5: memref<16384xf32, #tpu.memory_space<hbm>>, %arg6: memref<2x4x128xi32, #tpu.memory_space<vmem>>, %arg7: memref<1x128xi32, #tpu.memory_space<vmem>>, %arg8: memref<1x128xi32, #tpu.memory_space<vmem>>, %arg9: memref<128x128xf32, #tpu.memory_space<vmem>>, %arg10: memref<128x128xf32, #tpu.memory_space<vmem>>, %arg11: memref<512xf32, #tpu.memory_space<vmem>>, %arg12: memref<!tpu.dma_semaphore, #tpu.memory_space<semaphore_mem>>) attributes {dimension_semantics = [#tpu.dimension_semantics<core_parallel>, #tpu.dimension_semantics<subcore_parallel>], iteration_bounds = array<i64: 2, 16>, scalar_prefetch = 0 : i64, scratch_operands = 7 : i64, tpu.core_type = #tpu.core_type<sc_vector_subcore>, window_params = [{transform_indices = #map}, {transform_indices = #map1}, {transform_indices = #map1}, {transform_indices = #map1}]} {
    %mul3A = arith.constant 2 : i32
    %mul3A_0 = arith.muli %arg1, %mul3A : i32
    %add3A = arith.addi %mul3A_0, %arg0 : i32
    %mul3A_1 = arith.constant 512 : i32
    %mul3A_2 = arith.muli %add3A, %mul3A_1 : i32
    %add3A_3 = arith.constant 0 : i32
    %add3A_4 = arith.addi %mul3A_2, %add3A_3 : i32
    %run_scoped3A = arith.constant 0 : i32
    %run_scoped3A_5 = arith.constant 0 : i32
    "tpu.region"() ({
      %run_scoped3A_39 = tpu.sem_alloc : memref<!tpu.dma_semaphore, #tpu.memory_space<semaphore_mem>>
      %dma_start3A = arith.constant 0 : i32
      %dma_start3A_40 = tpu.memref_slice %arg6[%run_scoped3A, %run_scoped3A_5, %dma_start3A] : memref<2x4x128xi32, #tpu.memory_space<vmem>> -> memref<1x1x128xi32, #tpu.memory_space<vmem>>
      %dma_start3A_41 = tpu.memref_squeeze %dma_start3A_40 : memref<1x1x128xi32, #tpu.memory_space<vmem>> -> memref<128xi32, #tpu.memory_space<vmem>>
      %dma_start3A_42 = tpu.memref_slice %arg3[%add3A_4] : memref<16384xi32, #tpu.memory_space<hbm>> -> memref<128xi32, #tpu.memory_space<hbm>>
      %dma_start3A_43 = arith.constant 0 : i32
      %dma_start3A_44 = tpu.memref_slice %arg6[%run_scoped3A, %run_scoped3A_5, %dma_start3A_43] : memref<2x4x128xi32, #tpu.memory_space<vmem>> -> memref<1x1x128xi32, #tpu.memory_space<vmem>>
      %dma_start3A_45 = tpu.memref_squeeze %dma_start3A_44 : memref<1x1x128xi32, #tpu.memory_space<vmem>> -> memref<128xi32, #tpu.memory_space<vmem>>
      %dma_start3A_46 = tpu.memref_slice %arg3[%add3A_4] : memref<16384xi32, #tpu.memory_space<hbm>> -> memref<128xi32, #tpu.memory_space<hbm>>
      tpu.enqueue_dma source(%dma_start3A_46 : memref<128xi32, #tpu.memory_space<hbm>>) target(%dma_start3A_45 : memref<128xi32, #tpu.memory_space<vmem>>) target_semaphore(%run_scoped3A_39 : memref<!tpu.dma_semaphore, #tpu.memory_space<semaphore_mem>>)
      %dma_wait3A = arith.constant 0 : i32
      %dma_wait3A_47 = tpu.memref_slice %arg6[%run_scoped3A, %run_scoped3A_5, %dma_wait3A] : memref<2x4x128xi32, #tpu.memory_space<vmem>> -> memref<1x1x128xi32, #tpu.memory_space<vmem>>
      %dma_wait3A_48 = tpu.memref_squeeze %dma_wait3A_47 : memref<1x1x128xi32, #tpu.memory_space<vmem>> -> memref<128xi32, #tpu.memory_space<vmem>>
      %dma_wait3A_49 = tpu.memref_slice %arg3[%add3A_4] : memref<16384xi32, #tpu.memory_space<hbm>> -> memref<128xi32, #tpu.memory_space<hbm>>
      %dma_wait3A_50 = arith.constant 0 : i32
      %dma_wait3A_51 = tpu.memref_slice %arg6[%run_scoped3A, %run_scoped3A_5, %dma_wait3A_50] : memref<2x4x128xi32, #tpu.memory_space<vmem>> -> memref<1x1x128xi32, #tpu.memory_space<vmem>>
      %dma_wait3A_52 = tpu.memref_squeeze %dma_wait3A_51 : memref<1x1x128xi32, #tpu.memory_space<vmem>> -> memref<128xi32, #tpu.memory_space<vmem>>
      %dma_wait3A_53 = tpu.memref_slice %arg3[%add3A_4] : memref<16384xi32, #tpu.memory_space<hbm>> -> memref<128xi32, #tpu.memory_space<hbm>>
      tpu.wait_dma2 semaphore(%run_scoped3A_39 : memref<!tpu.dma_semaphore, #tpu.memory_space<semaphore_mem>>) src(%dma_wait3A_53 : memref<128xi32, #tpu.memory_space<hbm>>) dst(%dma_wait3A_52 : memref<128xi32, #tpu.memory_space<vmem>>)
      tpu.yield
    }) : () -> ()
    %add3A_6 = arith.constant 128 : i32
    %add3A_7 = arith.addi %mul3A_2, %add3A_6 : i32
    %run_scoped3A_8 = arith.constant 0 : i32
    %run_scoped3A_9 = arith.constant 1 : i32
    "tpu.region"() ({
      %run_scoped3A_39 = tpu.sem_alloc : memref<!tpu.dma_semaphore, #tpu.memory_space<semaphore_mem>>
      %dma_start3A = arith.constant 0 : i32
      %dma_start3A_40 = tpu.memref_slice %arg6[%run_scoped3A_8, %run_scoped3A_9, %dma_start3A] : memref<2x4x128xi32, #tpu.memory_space<vmem>> -> memref<1x1x128xi32, #tpu.memory_space<vmem>>
      %dma_start3A_41 = tpu.memref_squeeze %dma_start3A_40 : memref<1x1x128xi32, #tpu.memory_space<vmem>> -> memref<128xi32, #tpu.memory_space<vmem>>
      %dma_start3A_42 = tpu.memref_slice %arg3[%add3A_7] : memref<16384xi32, #tpu.memory_space<hbm>> -> memref<128xi32, #tpu.memory_space<hbm>>
      %dma_start3A_43 = arith.constant 0 : i32
      %dma_start3A_44 = tpu.memref_slice %arg6[%run_scoped3A_8, %run_scoped3A_9, %dma_start3A_43] : memref<2x4x128xi32, #tpu.memory_space<vmem>> -> memref<1x1x128xi32, #tpu.memory_space<vmem>>
      %dma_start3A_45 = tpu.memref_squeeze %dma_start3A_44 : memref<1x1x128xi32, #tpu.memory_space<vmem>> -> memref<128xi32, #tpu.memory_space<vmem>>
      %dma_start3A_46 = tpu.memref_slice %arg3[%add3A_7] : memref<16384xi32, #tpu.memory_space<hbm>> -> memref<128xi32, #tpu.memory_space<hbm>>
      tpu.enqueue_dma source(%dma_start3A_46 : memref<128xi32, #tpu.memory_space<hbm>>) target(%dma_start3A_45 : memref<128xi32, #tpu.memory_space<vmem>>) target_semaphore(%run_scoped3A_39 : memref<!tpu.dma_semaphore, #tpu.memory_space<semaphore_mem>>)
      %dma_wait3A = arith.constant 0 : i32
      %dma_wait3A_47 = tpu.memref_slice %arg6[%run_scoped3A_8, %run_scoped3A_9, %dma_wait3A] : memref<2x4x128xi32, #tpu.memory_space<vmem>> -> memref<1x1x128xi32, #tpu.memory_space<vmem>>
      %dma_wait3A_48 = tpu.memref_squeeze %dma_wait3A_47 : memref<1x1x128xi32, #tpu.memory_space<vmem>> -> memref<128xi32, #tpu.memory_space<vmem>>
      %dma_wait3A_49 = tpu.memref_slice %arg3[%add3A_7] : memref<16384xi32, #tpu.memory_space<hbm>> -> memref<128xi32, #tpu.memory_space<hbm>>
      %dma_wait3A_50 = arith.constant 0 : i32
      %dma_wait3A_51 = tpu.memref_slice %arg6[%run_scoped3A_8, %run_scoped3A_9, %dma_wait3A_50] : memref<2x4x128xi32, #tpu.memory_space<vmem>> -> memref<1x1x128xi32, #tpu.memory_space<vmem>>
      %dma_wait3A_52 = tpu.memref_squeeze %dma_wait3A_51 : memref<1x1x128xi32, #tpu.memory_space<vmem>> -> memref<128xi32, #tpu.memory_space<vmem>>
      %dma_wait3A_53 = tpu.memref_slice %arg3[%add3A_7] : memref<16384xi32, #tpu.memory_space<hbm>> -> memref<128xi32, #tpu.memory_space<hbm>>
      tpu.wait_dma2 semaphore(%run_scoped3A_39 : memref<!tpu.dma_semaphore, #tpu.memory_space<semaphore_mem>>) src(%dma_wait3A_53 : memref<128xi32, #tpu.memory_space<hbm>>) dst(%dma_wait3A_52 : memref<128xi32, #tpu.memory_space<vmem>>)
      tpu.yield
    }) : () -> ()
    %add3A_10 = arith.constant 256 : i32
    %add3A_11 = arith.addi %mul3A_2, %add3A_10 : i32
    %run_scoped3A_12 = arith.constant 0 : i32
    %run_scoped3A_13 = arith.constant 2 : i32
    "tpu.region"() ({
      %run_scoped3A_39 = tpu.sem_alloc : memref<!tpu.dma_semaphore, #tpu.memory_space<semaphore_mem>>
      %dma_start3A = arith.constant 0 : i32
      %dma_start3A_40 = tpu.memref_slice %arg6[%run_scoped3A_12, %run_scoped3A_13, %dma_start3A] : memref<2x4x128xi32, #tpu.memory_space<vmem>> -> memref<1x1x128xi32, #tpu.memory_space<vmem>>
      %dma_start3A_41 = tpu.memref_squeeze %dma_start3A_40 : memref<1x1x128xi32, #tpu.memory_space<vmem>> -> memref<128xi32, #tpu.memory_space<vmem>>
      %dma_start3A_42 = tpu.memref_slice %arg3[%add3A_11] : memref<16384xi32, #tpu.memory_space<hbm>> -> memref<128xi32, #tpu.memory_space<hbm>>
      %dma_start3A_43 = arith.constant 0 : i32
      %dma_start3A_44 = tpu.memref_slice %arg6[%run_scoped3A_12, %run_scoped3A_13, %dma_start3A_43] : memref<2x4x128xi32, #tpu.memory_space<vmem>> -> memref<1x1x128xi32, #tpu.memory_space<vmem>>
      %dma_start3A_45 = tpu.memref_squeeze %dma_start3A_44 : memref<1x1x128xi32, #tpu.memory_space<vmem>> -> memref<128xi32, #tpu.memory_space<vmem>>
      %dma_start3A_46 = tpu.memref_slice %arg3[%add3A_11] : memref<16384xi32, #tpu.memory_space<hbm>> -> memref<128xi32, #tpu.memory_space<hbm>>
      tpu.enqueue_dma source(%dma_start3A_46 : memref<128xi32, #tpu.memory_space<hbm>>) target(%dma_start3A_45 : memref<128xi32, #tpu.memory_space<vmem>>) target_semaphore(%run_scoped3A_39 : memref<!tpu.dma_semaphore, #tpu.memory_space<semaphore_mem>>)
      %dma_wait3A = arith.constant 0 : i32
      %dma_wait3A_47 = tpu.memref_slice %arg6[%run_scoped3A_12, %run_scoped3A_13, %dma_wait3A] : memref<2x4x128xi32, #tpu.memory_space<vmem>> -> memref<1x1x128xi32, #tpu.memory_space<vmem>>
      %dma_wait3A_48 = tpu.memref_squeeze %dma_wait3A_47 : memref<1x1x128xi32, #tpu.memory_space<vmem>> -> memref<128xi32, #tpu.memory_space<vmem>>
      %dma_wait3A_49 = tpu.memref_slice %arg3[%add3A_11] : memref<16384xi32, #tpu.memory_space<hbm>> -> memref<128xi32, #tpu.memory_space<hbm>>
      %dma_wait3A_50 = arith.constant 0 : i32
      %dma_wait3A_51 = tpu.memref_slice %arg6[%run_scoped3A_12, %run_scoped3A_13, %dma_wait3A_50] : memref<2x4x128xi32, #tpu.memory_space<vmem>> -> memref<1x1x128xi32, #tpu.memory_space<vmem>>
      %dma_wait3A_52 = tpu.memref_squeeze %dma_wait3A_51 : memref<1x1x128xi32, #tpu.memory_space<vmem>> -> memref<128xi32, #tpu.memory_space<vmem>>
      %dma_wait3A_53 = tpu.memref_slice %arg3[%add3A_11] : memref<16384xi32, #tpu.memory_space<hbm>> -> memref<128xi32, #tpu.memory_space<hbm>>
      tpu.wait_dma2 semaphore(%run_scoped3A_39 : memref<!tpu.dma_semaphore, #tpu.memory_space<semaphore_mem>>) src(%dma_wait3A_53 : memref<128xi32, #tpu.memory_space<hbm>>) dst(%dma_wait3A_52 : memref<128xi32, #tpu.memory_space<vmem>>)
      tpu.yield
    }) : () -> ()
    %add3A_14 = arith.constant 384 : i32
    %add3A_15 = arith.addi %mul3A_2, %add3A_14 : i32
    %run_scoped3A_16 = arith.constant 0 : i32
    %run_scoped3A_17 = arith.constant 3 : i32
    "tpu.region"() ({
      %run_scoped3A_39 = tpu.sem_alloc : memref<!tpu.dma_semaphore, #tpu.memory_space<semaphore_mem>>
      %dma_start3A = arith.constant 0 : i32
      %dma_start3A_40 = tpu.memref_slice %arg6[%run_scoped3A_16, %run_scoped3A_17, %dma_start3A] : memref<2x4x128xi32, #tpu.memory_space<vmem>> -> memref<1x1x128xi32, #tpu.memory_space<vmem>>
      %dma_start3A_41 = tpu.memref_squeeze %dma_start3A_40 : memref<1x1x128xi32, #tpu.memory_space<vmem>> -> memref<128xi32, #tpu.memory_space<vmem>>
      %dma_start3A_42 = tpu.memref_slice %arg3[%add3A_15] : memref<16384xi32, #tpu.memory_space<hbm>> -> memref<128xi32, #tpu.memory_space<hbm>>
      %dma_start3A_43 = arith.constant 0 : i32
      %dma_start3A_44 = tpu.memref_slice %arg6[%run_scoped3A_16, %run_scoped3A_17, %dma_start3A_43] : memref<2x4x128xi32, #tpu.memory_space<vmem>> -> memref<1x1x128xi32, #tpu.memory_space<vmem>>
      %dma_start3A_45 = tpu.memref_squeeze %dma_start3A_44 : memref<1x1x128xi32, #tpu.memory_space<vmem>> -> memref<128xi32, #tpu.memory_space<vmem>>
      %dma_start3A_46 = tpu.memref_slice %arg3[%add3A_15] : memref<16384xi32, #tpu.memory_space<hbm>> -> memref<128xi32, #tpu.memory_space<hbm>>
      tpu.enqueue_dma source(%dma_start3A_46 : memref<128xi32, #tpu.memory_space<hbm>>) target(%dma_start3A_45 : memref<128xi32, #tpu.memory_space<vmem>>) target_semaphore(%run_scoped3A_39 : memref<!tpu.dma_semaphore, #tpu.memory_space<semaphore_mem>>)
      %dma_wait3A = arith.constant 0 : i32
      %dma_wait3A_47 = tpu.memref_slice %arg6[%run_scoped3A_16, %run_scoped3A_17, %dma_wait3A] : memref<2x4x128xi32, #tpu.memory_space<vmem>> -> memref<1x1x128xi32, #tpu.memory_space<vmem>>
      %dma_wait3A_48 = tpu.memref_squeeze %dma_wait3A_47 : memref<1x1x128xi32, #tpu.memory_space<vmem>> -> memref<128xi32, #tpu.memory_space<vmem>>
      %dma_wait3A_49 = tpu.memref_slice %arg3[%add3A_15] : memref<16384xi32, #tpu.memory_space<hbm>> -> memref<128xi32, #tpu.memory_space<hbm>>
      %dma_wait3A_50 = arith.constant 0 : i32
      %dma_wait3A_51 = tpu.memref_slice %arg6[%run_scoped3A_16, %run_scoped3A_17, %dma_wait3A_50] : memref<2x4x128xi32, #tpu.memory_space<vmem>> -> memref<1x1x128xi32, #tpu.memory_space<vmem>>
      %dma_wait3A_52 = tpu.memref_squeeze %dma_wait3A_51 : memref<1x1x128xi32, #tpu.memory_space<vmem>> -> memref<128xi32, #tpu.memory_space<vmem>>
      %dma_wait3A_53 = tpu.memref_slice %arg3[%add3A_15] : memref<16384xi32, #tpu.memory_space<hbm>> -> memref<128xi32, #tpu.memory_space<hbm>>
      tpu.wait_dma2 semaphore(%run_scoped3A_39 : memref<!tpu.dma_semaphore, #tpu.memory_space<semaphore_mem>>) src(%dma_wait3A_53 : memref<128xi32, #tpu.memory_space<hbm>>) dst(%dma_wait3A_52 : memref<128xi32, #tpu.memory_space<vmem>>)
      tpu.yield
    }) : () -> ()
    %add3A_18 = arith.constant 0 : i32
    %add3A_19 = arith.addi %mul3A_2, %add3A_18 : i32
    %run_scoped3A_20 = arith.constant 1 : i32
    %run_scoped3A_21 = arith.constant 0 : i32
    "tpu.region"() ({
      %run_scoped3A_39 = tpu.sem_alloc : memref<!tpu.dma_semaphore, #tpu.memory_space<semaphore_mem>>
      %dma_start3A = arith.constant 0 : i32
      %dma_start3A_40 = tpu.memref_slice %arg6[%run_scoped3A_20, %run_scoped3A_21, %dma_start3A] : memref<2x4x128xi32, #tpu.memory_space<vmem>> -> memref<1x1x128xi32, #tpu.memory_space<vmem>>
      %dma_start3A_41 = tpu.memref_squeeze %dma_start3A_40 : memref<1x1x128xi32, #tpu.memory_space<vmem>> -> memref<128xi32, #tpu.memory_space<vmem>>
      %dma_start3A_42 = tpu.memref_slice %arg4[%add3A_19] : memref<16384xi32, #tpu.memory_space<hbm>> -> memref<128xi32, #tpu.memory_space<hbm>>
      %dma_start3A_43 = arith.constant 0 : i32
      %dma_start3A_44 = tpu.memref_slice %arg6[%run_scoped3A_20, %run_scoped3A_21, %dma_start3A_43] : memref<2x4x128xi32, #tpu.memory_space<vmem>> -> memref<1x1x128xi32, #tpu.memory_space<vmem>>
      %dma_start3A_45 = tpu.memref_squeeze %dma_start3A_44 : memref<1x1x128xi32, #tpu.memory_space<vmem>> -> memref<128xi32, #tpu.memory_space<vmem>>
      %dma_start3A_46 = tpu.memref_slice %arg4[%add3A_19] : memref<16384xi32, #tpu.memory_space<hbm>> -> memref<128xi32, #tpu.memory_space<hbm>>
      tpu.enqueue_dma source(%dma_start3A_46 : memref<128xi32, #tpu.memory_space<hbm>>) target(%dma_start3A_45 : memref<128xi32, #tpu.memory_space<vmem>>) target_semaphore(%run_scoped3A_39 : memref<!tpu.dma_semaphore, #tpu.memory_space<semaphore_mem>>)
      %dma_wait3A = arith.constant 0 : i32
      %dma_wait3A_47 = tpu.memref_slice %arg6[%run_scoped3A_20, %run_scoped3A_21, %dma_wait3A] : memref<2x4x128xi32, #tpu.memory_space<vmem>> -> memref<1x1x128xi32, #tpu.memory_space<vmem>>
      %dma_wait3A_48 = tpu.memref_squeeze %dma_wait3A_47 : memref<1x1x128xi32, #tpu.memory_space<vmem>> -> memref<128xi32, #tpu.memory_space<vmem>>
      %dma_wait3A_49 = tpu.memref_slice %arg4[%add3A_19] : memref<16384xi32, #tpu.memory_space<hbm>> -> memref<128xi32, #tpu.memory_space<hbm>>
      %dma_wait3A_50 = arith.constant 0 : i32
      %dma_wait3A_51 = tpu.memref_slice %arg6[%run_scoped3A_20, %run_scoped3A_21, %dma_wait3A_50] : memref<2x4x128xi32, #tpu.memory_space<vmem>> -> memref<1x1x128xi32, #tpu.memory_space<vmem>>
      %dma_wait3A_52 = tpu.memref_squeeze %dma_wait3A_51 : memref<1x1x128xi32, #tpu.memory_space<vmem>> -> memref<128xi32, #tpu.memory_space<vmem>>
      %dma_wait3A_53 = tpu.memref_slice %arg4[%add3A_19] : memref<16384xi32, #tpu.memory_space<hbm>> -> memref<128xi32, #tpu.memory_space<hbm>>
      tpu.wait_dma2 semaphore(%run_scoped3A_39 : memref<!tpu.dma_semaphore, #tpu.memory_space<semaphore_mem>>) src(%dma_wait3A_53 : memref<128xi32, #tpu.memory_space<hbm>>) dst(%dma_wait3A_52 : memref<128xi32, #tpu.memory_space<vmem>>)
      tpu.yield
    }) : () -> ()
    %add3A_22 = arith.constant 128 : i32
    %add3A_23 = arith.addi %mul3A_2, %add3A_22 : i32
    %run_scoped3A_24 = arith.constant 1 : i32
    %run_scoped3A_25 = arith.constant 1 : i32
    "tpu.region"() ({
      %run_scoped3A_39 = tpu.sem_alloc : memref<!tpu.dma_semaphore, #tpu.memory_space<semaphore_mem>>
      %dma_start3A = arith.constant 0 : i32
      %dma_start3A_40 = tpu.memref_slice %arg6[%run_scoped3A_24, %run_scoped3A_25, %dma_start3A] : memref<2x4x128xi32, #tpu.memory_space<vmem>> -> memref<1x1x128xi32, #tpu.memory_space<vmem>>
      %dma_start3A_41 = tpu.memref_squeeze %dma_start3A_40 : memref<1x1x128xi32, #tpu.memory_space<vmem>> -> memref<128xi32, #tpu.memory_space<vmem>>
      %dma_start3A_42 = tpu.memref_slice %arg4[%add3A_23] : memref<16384xi32, #tpu.memory_space<hbm>> -> memref<128xi32, #tpu.memory_space<hbm>>
      %dma_start3A_43 = arith.constant 0 : i32
      %dma_start3A_44 = tpu.memref_slice %arg6[%run_scoped3A_24, %run_scoped3A_25, %dma_start3A_43] : memref<2x4x128xi32, #tpu.memory_space<vmem>> -> memref<1x1x128xi32, #tpu.memory_space<vmem>>
      %dma_start3A_45 = tpu.memref_squeeze %dma_start3A_44 : memref<1x1x128xi32, #tpu.memory_space<vmem>> -> memref<128xi32, #tpu.memory_space<vmem>>
      %dma_start3A_46 = tpu.memref_slice %arg4[%add3A_23] : memref<16384xi32, #tpu.memory_space<hbm>> -> memref<128xi32, #tpu.memory_space<hbm>>
      tpu.enqueue_dma source(%dma_start3A_46 : memref<128xi32, #tpu.memory_space<hbm>>) target(%dma_start3A_45 : memref<128xi32, #tpu.memory_space<vmem>>) target_semaphore(%run_scoped3A_39 : memref<!tpu.dma_semaphore, #tpu.memory_space<semaphore_mem>>)
      %dma_wait3A = arith.constant 0 : i32
      %dma_wait3A_47 = tpu.memref_slice %arg6[%run_scoped3A_24, %run_scoped3A_25, %dma_wait3A] : memref<2x4x128xi32, #tpu.memory_space<vmem>> -> memref<1x1x128xi32, #tpu.memory_space<vmem>>
      %dma_wait3A_48 = tpu.memref_squeeze %dma_wait3A_47 : memref<1x1x128xi32, #tpu.memory_space<vmem>> -> memref<128xi32, #tpu.memory_space<vmem>>
      %dma_wait3A_49 = tpu.memref_slice %arg4[%add3A_23] : memref<16384xi32, #tpu.memory_space<hbm>> -> memref<128xi32, #tpu.memory_space<hbm>>
      %dma_wait3A_50 = arith.constant 0 : i32
      %dma_wait3A_51 = tpu.memref_slice %arg6[%run_scoped3A_24, %run_scoped3A_25, %dma_wait3A_50] : memref<2x4x128xi32, #tpu.memory_space<vmem>> -> memref<1x1x128xi32, #tpu.memory_space<vmem>>
      %dma_wait3A_52 = tpu.memref_squeeze %dma_wait3A_51 : memref<1x1x128xi32, #tpu.memory_space<vmem>> -> memref<128xi32, #tpu.memory_space<vmem>>
      %dma_wait3A_53 = tpu.memref_slice %arg4[%add3A_23] : memref<16384xi32, #tpu.memory_space<hbm>> -> memref<128xi32, #tpu.memory_space<hbm>>
      tpu.wait_dma2 semaphore(%run_scoped3A_39 : memref<!tpu.dma_semaphore, #tpu.memory_space<semaphore_mem>>) src(%dma_wait3A_53 : memref<128xi32, #tpu.memory_space<hbm>>) dst(%dma_wait3A_52 : memref<128xi32, #tpu.memory_space<vmem>>)
      tpu.yield
    }) : () -> ()
    %add3A_26 = arith.constant 256 : i32
    %add3A_27 = arith.addi %mul3A_2, %add3A_26 : i32
    %run_scoped3A_28 = arith.constant 1 : i32
    %run_scoped3A_29 = arith.constant 2 : i32
    "tpu.region"() ({
      %run_scoped3A_39 = tpu.sem_alloc : memref<!tpu.dma_semaphore, #tpu.memory_space<semaphore_mem>>
      %dma_start3A = arith.constant 0 : i32
      %dma_start3A_40 = tpu.memref_slice %arg6[%run_scoped3A_28, %run_scoped3A_29, %dma_start3A] : memref<2x4x128xi32, #tpu.memory_space<vmem>> -> memref<1x1x128xi32, #tpu.memory_space<vmem>>
      %dma_start3A_41 = tpu.memref_squeeze %dma_start3A_40 : memref<1x1x128xi32, #tpu.memory_space<vmem>> -> memref<128xi32, #tpu.memory_space<vmem>>
      %dma_start3A_42 = tpu.memref_slice %arg4[%add3A_27] : memref<16384xi32, #tpu.memory_space<hbm>> -> memref<128xi32, #tpu.memory_space<hbm>>
      %dma_start3A_43 = arith.constant 0 : i32
      %dma_start3A_44 = tpu.memref_slice %arg6[%run_scoped3A_28, %run_scoped3A_29, %dma_start3A_43] : memref<2x4x128xi32, #tpu.memory_space<vmem>> -> memref<1x1x128xi32, #tpu.memory_space<vmem>>
      %dma_start3A_45 = tpu.memref_squeeze %dma_start3A_44 : memref<1x1x128xi32, #tpu.memory_space<vmem>> -> memref<128xi32, #tpu.memory_space<vmem>>
      %dma_start3A_46 = tpu.memref_slice %arg4[%add3A_27] : memref<16384xi32, #tpu.memory_space<hbm>> -> memref<128xi32, #tpu.memory_space<hbm>>
      tpu.enqueue_dma source(%dma_start3A_46 : memref<128xi32, #tpu.memory_space<hbm>>) target(%dma_start3A_45 : memref<128xi32, #tpu.memory_space<vmem>>) target_semaphore(%run_scoped3A_39 : memref<!tpu.dma_semaphore, #tpu.memory_space<semaphore_mem>>)
      %dma_wait3A = arith.constant 0 : i32
      %dma_wait3A_47 = tpu.memref_slice %arg6[%run_scoped3A_28, %run_scoped3A_29, %dma_wait3A] : memref<2x4x128xi32, #tpu.memory_space<vmem>> -> memref<1x1x128xi32, #tpu.memory_space<vmem>>
      %dma_wait3A_48 = tpu.memref_squeeze %dma_wait3A_47 : memref<1x1x128xi32, #tpu.memory_space<vmem>> -> memref<128xi32, #tpu.memory_space<vmem>>
      %dma_wait3A_49 = tpu.memref_slice %arg4[%add3A_27] : memref<16384xi32, #tpu.memory_space<hbm>> -> memref<128xi32, #tpu.memory_space<hbm>>
      %dma_wait3A_50 = arith.constant 0 : i32
      %dma_wait3A_51 = tpu.memref_slice %arg6[%run_scoped3A_28, %run_scoped3A_29, %dma_wait3A_50] : memref<2x4x128xi32, #tpu.memory_space<vmem>> -> memref<1x1x128xi32, #tpu.memory_space<vmem>>
      %dma_wait3A_52 = tpu.memref_squeeze %dma_wait3A_51 : memref<1x1x128xi32, #tpu.memory_space<vmem>> -> memref<128xi32, #tpu.memory_space<vmem>>
      %dma_wait3A_53 = tpu.memref_slice %arg4[%add3A_27] : memref<16384xi32, #tpu.memory_space<hbm>> -> memref<128xi32, #tpu.memory_space<hbm>>
      tpu.wait_dma2 semaphore(%run_scoped3A_39 : memref<!tpu.dma_semaphore, #tpu.memory_space<semaphore_mem>>) src(%dma_wait3A_53 : memref<128xi32, #tpu.memory_space<hbm>>) dst(%dma_wait3A_52 : memref<128xi32, #tpu.memory_space<vmem>>)
      tpu.yield
    }) : () -> ()
    %add3A_30 = arith.constant 384 : i32
    %add3A_31 = arith.addi %mul3A_2, %add3A_30 : i32
    %run_scoped3A_32 = arith.constant 1 : i32
    %run_scoped3A_33 = arith.constant 3 : i32
    "tpu.region"() ({
      %run_scoped3A_39 = tpu.sem_alloc : memref<!tpu.dma_semaphore, #tpu.memory_space<semaphore_mem>>
      %dma_start3A = arith.constant 0 : i32
      %dma_start3A_40 = tpu.memref_slice %arg6[%run_scoped3A_32, %run_scoped3A_33, %dma_start3A] : memref<2x4x128xi32, #tpu.memory_space<vmem>> -> memref<1x1x128xi32, #tpu.memory_space<vmem>>
      %dma_start3A_41 = tpu.memref_squeeze %dma_start3A_40 : memref<1x1x128xi32, #tpu.memory_space<vmem>> -> memref<128xi32, #tpu.memory_space<vmem>>
      %dma_start3A_42 = tpu.memref_slice %arg4[%add3A_31] : memref<16384xi32, #tpu.memory_space<hbm>> -> memref<128xi32, #tpu.memory_space<hbm>>
      %dma_start3A_43 = arith.constant 0 : i32
      %dma_start3A_44 = tpu.memref_slice %arg6[%run_scoped3A_32, %run_scoped3A_33, %dma_start3A_43] : memref<2x4x128xi32, #tpu.memory_space<vmem>> -> memref<1x1x128xi32, #tpu.memory_space<vmem>>
      %dma_start3A_45 = tpu.memref_squeeze %dma_start3A_44 : memref<1x1x128xi32, #tpu.memory_space<vmem>> -> memref<128xi32, #tpu.memory_space<vmem>>
      %dma_start3A_46 = tpu.memref_slice %arg4[%add3A_31] : memref<16384xi32, #tpu.memory_space<hbm>> -> memref<128xi32, #tpu.memory_space<hbm>>
      tpu.enqueue_dma source(%dma_start3A_46 : memref<128xi32, #tpu.memory_space<hbm>>) target(%dma_start3A_45 : memref<128xi32, #tpu.memory_space<vmem>>) target_semaphore(%run_scoped3A_39 : memref<!tpu.dma_semaphore, #tpu.memory_space<semaphore_mem>>)
      %dma_wait3A = arith.constant 0 : i32
      %dma_wait3A_47 = tpu.memref_slice %arg6[%run_scoped3A_32, %run_scoped3A_33, %dma_wait3A] : memref<2x4x128xi32, #tpu.memory_space<vmem>> -> memref<1x1x128xi32, #tpu.memory_space<vmem>>
      %dma_wait3A_48 = tpu.memref_squeeze %dma_wait3A_47 : memref<1x1x128xi32, #tpu.memory_space<vmem>> -> memref<128xi32, #tpu.memory_space<vmem>>
      %dma_wait3A_49 = tpu.memref_slice %arg4[%add3A_31] : memref<16384xi32, #tpu.memory_space<hbm>> -> memref<128xi32, #tpu.memory_space<hbm>>
      %dma_wait3A_50 = arith.constant 0 : i32
      %dma_wait3A_51 = tpu.memref_slice %arg6[%run_scoped3A_32, %run_scoped3A_33, %dma_wait3A_50] : memref<2x4x128xi32, #tpu.memory_space<vmem>> -> memref<1x1x128xi32, #tpu.memory_space<vmem>>
      %dma_wait3A_52 = tpu.memref_squeeze %dma_wait3A_51 : memref<1x1x128xi32, #tpu.memory_space<vmem>> -> memref<128xi32, #tpu.memory_space<vmem>>
      %dma_wait3A_53 = tpu.memref_slice %arg4[%add3A_31] : memref<16384xi32, #tpu.memory_space<hbm>> -> memref<128xi32, #tpu.memory_space<hbm>>
      tpu.wait_dma2 semaphore(%run_scoped3A_39 : memref<!tpu.dma_semaphore, #tpu.memory_space<semaphore_mem>>) src(%dma_wait3A_53 : memref<128xi32, #tpu.memory_space<hbm>>) dst(%dma_wait3A_52 : memref<128xi32, #tpu.memory_space<vmem>>)
      tpu.yield
    }) : () -> ()
    %iota3A = tpu.iota {dimensions = array<i32: 0>} : vector<16xi32>
    %scan3A = arith.constant 0 : i32
    %scan3A_34 = arith.constant 0 : i32
    %scan3A_35 = arith.constant 4 : i32
    %scan3A_36 = arith.addi %scan3A_34, %scan3A_35 : i32
    %scan3A_37 = arith.constant 1 : i32
    scf.for %scan3A_39 = %scan3A_34 to %scan3A_36 step %scan3A_37  : i32 {
      %get3A = arith.constant 0 : i32
      %get3A_40 = arith.index_cast %get3A : i32 to index
      %get3A_41 = arith.index_cast %scan3A_39 : i32 to index
      %get3A_42 = arith.constant 0 : index
      %get3A_43 = tpu.vector_load %arg6[%get3A_40, %get3A_41, %get3A_42] {strides = array<i32>} : memref<2x4x128xi32, #tpu.memory_space<vmem>>, vector<16xi32>,
      %shift_right_arithmetic3A = arith.constant 15 : i32
      %shift_right_arithmetic3A_44 = vector.broadcast %shift_right_arithmetic3A : i32 to vector<16xi32>
      %shift_right_arithmetic3A_45 = arith.shrsi %get3A_43, %shift_right_arithmetic3A_44 : vector<16xi32>
      %shift_left3A = arith.constant 13 : i32
      %shift_left3A_46 = vector.broadcast %shift_left3A : i32 to vector<16xi32>
      %shift_left3A_47 = arith.shli %shift_right_arithmetic3A_45, %shift_left3A_46 : vector<16xi32>
      %and3A = arith.constant 8191 : i32
      %and3A_48 = vector.broadcast %and3A : i32 to vector<16xi32>
      %and3A_49 = arith.andi %get3A_43, %and3A_48 : vector<16xi32>
      %or3A = arith.ori %shift_left3A_47, %and3A_49 : vector<16xi32>
      %swap3A = arith.constant 0 : i32
      %swap3A_50 = arith.index_cast %swap3A : i32 to index
      %swap3A_51 = arith.constant 0 : index
      %swap3A_52 = tpu.vector_load %arg7[%swap3A_50, %swap3A_51] {strides = array<i32>} : memref<1x128xi32, #tpu.memory_space<vmem>>, vector<16xi32>,
      tpu.vector_store %arg7[%swap3A_50, %swap3A_51], %or3A {strides = array<i32>} : memref<1x128xi32, #tpu.memory_space<vmem>>, vector<16xi32>,
      %get3A_53 = arith.constant 1 : i32
      %get3A_54 = arith.index_cast %get3A_53 : i32 to index
      %get3A_55 = arith.index_cast %scan3A_39 : i32 to index
      %get3A_56 = arith.constant 0 : index
      %get3A_57 = tpu.vector_load %arg6[%get3A_54, %get3A_55, %get3A_56] {strides = array<i32>} : memref<2x4x128xi32, #tpu.memory_space<vmem>>, vector<16xi32>,
      %shift_right_arithmetic3A_58 = arith.constant 15 : i32
      %shift_right_arithmetic3A_59 = vector.broadcast %shift_right_arithmetic3A_58 : i32 to vector<16xi32>
      %shift_right_arithmetic3A_60 = arith.shrsi %get3A_57, %shift_right_arithmetic3A_59 : vector<16xi32>
      %shift_left3A_61 = arith.constant 13 : i32
      %shift_left3A_62 = vector.broadcast %shift_left3A_61 : i32 to vector<16xi32>
      %shift_left3A_63 = arith.shli %shift_right_arithmetic3A_60, %shift_left3A_62 : vector<16xi32>
      %and3A_64 = arith.constant 8191 : i32
      %and3A_65 = vector.broadcast %and3A_64 : i32 to vector<16xi32>
      %and3A_66 = arith.andi %get3A_57, %and3A_65 : vector<16xi32>
      %or3A_67 = arith.ori %shift_left3A_63, %and3A_66 : vector<16xi32>
      %swap3A_68 = arith.constant 0 : i32
      %swap3A_69 = arith.index_cast %swap3A_68 : i32 to index
      %swap3A_70 = arith.constant 0 : index
      %swap3A_71 = tpu.vector_load %arg8[%swap3A_69, %swap3A_70] {strides = array<i32>} : memref<1x128xi32, #tpu.memory_space<vmem>>, vector<16xi32>,
      tpu.vector_store %arg8[%swap3A_69, %swap3A_70], %or3A_67 {strides = array<i32>} : memref<1x128xi32, #tpu.memory_space<vmem>>, vector<16xi32>,
      %get3A_72 = arith.constant 0 : i32
      %get3A_73 = arith.index_cast %get3A_72 : i32 to index
      %get3A_74 = arith.index_cast %scan3A_39 : i32 to index
      %get3A_75 = arith.constant 16 : index
      %get3A_76 = tpu.vector_load %arg6[%get3A_73, %get3A_74, %get3A_75] {strides = array<i32>} : memref<2x4x128xi32, #tpu.memory_space<vmem>>, vector<16xi32>,
      %shift_right_arithmetic3A_77 = arith.constant 15 : i32
      %shift_right_arithmetic3A_78 = vector.broadcast %shift_right_arithmetic3A_77 : i32 to vector<16xi32>
      %shift_right_arithmetic3A_79 = arith.shrsi %get3A_76, %shift_right_arithmetic3A_78 : vector<16xi32>
      %shift_left3A_80 = arith.constant 13 : i32
      %shift_left3A_81 = vector.broadcast %shift_left3A_80 : i32 to vector<16xi32>
      %shift_left3A_82 = arith.shli %shift_right_arithmetic3A_79, %shift_left3A_81 : vector<16xi32>
      %and3A_83 = arith.constant 8191 : i32
      %and3A_84 = vector.broadcast %and3A_83 : i32 to vector<16xi32>
      %and3A_85 = arith.andi %get3A_76, %and3A_84 : vector<16xi32>
      %or3A_86 = arith.ori %shift_left3A_82, %and3A_85 : vector<16xi32>
      %swap3A_87 = arith.constant 0 : i32
      %swap3A_88 = arith.index_cast %swap3A_87 : i32 to index
      %swap3A_89 = arith.constant 16 : index
      %swap3A_90 = tpu.vector_load %arg7[%swap3A_88, %swap3A_89] {strides = array<i32>} : memref<1x128xi32, #tpu.memory_space<vmem>>, vector<16xi32>,
      tpu.vector_store %arg7[%swap3A_88, %swap3A_89], %or3A_86 {strides = array<i32>} : memref<1x128xi32, #tpu.memory_space<vmem>>, vector<16xi32>,
      %get3A_91 = arith.constant 1 : i32
      %get3A_92 = arith.index_cast %get3A_91 : i32 to index
      %get3A_93 = arith.index_cast %scan3A_39 : i32 to index
      %get3A_94 = arith.constant 16 : index
      %get3A_95 = tpu.vector_load %arg6[%get3A_92, %get3A_93, %get3A_94] {strides = array<i32>} : memref<2x4x128xi32, #tpu.memory_space<vmem>>, vector<16xi32>,
      %shift_right_arithmetic3A_96 = arith.constant 15 : i32
      %shift_right_arithmetic3A_97 = vector.broadcast %shift_right_arithmetic3A_96 : i32 to vector<16xi32>
      %shift_right_arithmetic3A_98 = arith.shrsi %get3A_95, %shift_right_arithmetic3A_97 : vector<16xi32>
      %shift_left3A_99 = arith.constant 13 : i32
      %shift_left3A_100 = vector.broadcast %shift_left3A_99 : i32 to vector<16xi32>
      %shift_left3A_101 = arith.shli %shift_right_arithmetic3A_98, %shift_left3A_100 : vector<16xi32>
      %and3A_102 = arith.constant 8191 : i32
      %and3A_103 = vector.broadcast %and3A_102 : i32 to vector<16xi32>
      %and3A_104 = arith.andi %get3A_95, %and3A_103 : vector<16xi32>
      %or3A_105 = arith.ori %shift_left3A_101, %and3A_104 : vector<16xi32>
      %swap3A_106 = arith.constant 0 : i32
      %swap3A_107 = arith.index_cast %swap3A_106 : i32 to index
      %swap3A_108 = arith.constant 16 : index
      %swap3A_109 = tpu.vector_load %arg8[%swap3A_107, %swap3A_108] {strides = array<i32>} : memref<1x128xi32, #tpu.memory_space<vmem>>, vector<16xi32>,
      tpu.vector_store %arg8[%swap3A_107, %swap3A_108], %or3A_105 {strides = array<i32>} : memref<1x128xi32, #tpu.memory_space<vmem>>, vector<16xi32>,
      %get3A_110 = arith.constant 0 : i32
      %get3A_111 = arith.index_cast %get3A_110 : i32 to index
      %get3A_112 = arith.index_cast %scan3A_39 : i32 to index
      %get3A_113 = arith.constant 32 : index
      %get3A_114 = tpu.vector_load %arg6[%get3A_111, %get3A_112, %get3A_113] {strides = array<i32>} : memref<2x4x128xi32, #tpu.memory_space<vmem>>, vector<16xi32>,
      %shift_right_arithmetic3A_115 = arith.constant 15 : i32
      %shift_right_arithmetic3A_116 = vector.broadcast %shift_right_arithmetic3A_115 : i32 to vector<16xi32>
      %shift_right_arithmetic3A_117 = arith.shrsi %get3A_114, %shift_right_arithmetic3A_116 : vector<16xi32>
      %shift_left3A_118 = arith.constant 13 : i32
      %shift_left3A_119 = vector.broadcast %shift_left3A_118 : i32 to vector<16xi32>
      %shift_left3A_120 = arith.shli %shift_right_arithmetic3A_117, %shift_left3A_119 : vector<16xi32>
      %and3A_121 = arith.constant 8191 : i32
      %and3A_122 = vector.broadcast %and3A_121 : i32 to vector<16xi32>
      %and3A_123 = arith.andi %get3A_114, %and3A_122 : vector<16xi32>
      %or3A_124 = arith.ori %shift_left3A_120, %and3A_123 : vector<16xi32>
      %swap3A_125 = arith.constant 0 : i32
      %swap3A_126 = arith.index_cast %swap3A_125 : i32 to index
      %swap3A_127 = arith.constant 32 : index
      %swap3A_128 = tpu.vector_load %arg7[%swap3A_126, %swap3A_127] {strides = array<i32>} : memref<1x128xi32, #tpu.memory_space<vmem>>, vector<16xi32>,
      tpu.vector_store %arg7[%swap3A_126, %swap3A_127], %or3A_124 {strides = array<i32>} : memref<1x128xi32, #tpu.memory_space<vmem>>, vector<16xi32>,
      %get3A_129 = arith.constant 1 : i32
      %get3A_130 = arith.index_cast %get3A_129 : i32 to index
      %get3A_131 = arith.index_cast %scan3A_39 : i32 to index
      %get3A_132 = arith.constant 32 : index
      %get3A_133 = tpu.vector_load %arg6[%get3A_130, %get3A_131, %get3A_132] {strides = array<i32>} : memref<2x4x128xi32, #tpu.memory_space<vmem>>, vector<16xi32>,
      %shift_right_arithmetic3A_134 = arith.constant 15 : i32
      %shift_right_arithmetic3A_135 = vector.broadcast %shift_right_arithmetic3A_134 : i32 to vector<16xi32>
      %shift_right_arithmetic3A_136 = arith.shrsi %get3A_133, %shift_right_arithmetic3A_135 : vector<16xi32>
      %shift_left3A_137 = arith.constant 13 : i32
      %shift_left3A_138 = vector.broadcast %shift_left3A_137 : i32 to vector<16xi32>
      %shift_left3A_139 = arith.shli %shift_right_arithmetic3A_136, %shift_left3A_138 : vector<16xi32>
      %and3A_140 = arith.constant 8191 : i32
      %and3A_141 = vector.broadcast %and3A_140 : i32 to vector<16xi32>
      %and3A_142 = arith.andi %get3A_133, %and3A_141 : vector<16xi32>
      %or3A_143 = arith.ori %shift_left3A_139, %and3A_142 : vector<16xi32>
      %swap3A_144 = arith.constant 0 : i32
      %swap3A_145 = arith.index_cast %swap3A_144 : i32 to index
      %swap3A_146 = arith.constant 32 : index
      %swap3A_147 = tpu.vector_load %arg8[%swap3A_145, %swap3A_146] {strides = array<i32>} : memref<1x128xi32, #tpu.memory_space<vmem>>, vector<16xi32>,
      tpu.vector_store %arg8[%swap3A_145, %swap3A_146], %or3A_143 {strides = array<i32>} : memref<1x128xi32, #tpu.memory_space<vmem>>, vector<16xi32>,
      %get3A_148 = arith.constant 0 : i32
      %get3A_149 = arith.index_cast %get3A_148 : i32 to index
      %get3A_150 = arith.index_cast %scan3A_39 : i32 to index
      %get3A_151 = arith.constant 48 : index
      %get3A_152 = tpu.vector_load %arg6[%get3A_149, %get3A_150, %get3A_151] {strides = array<i32>} : memref<2x4x128xi32, #tpu.memory_space<vmem>>, vector<16xi32>,
      %shift_right_arithmetic3A_153 = arith.constant 15 : i32
      %shift_right_arithmetic3A_154 = vector.broadcast %shift_right_arithmetic3A_153 : i32 to vector<16xi32>
      %shift_right_arithmetic3A_155 = arith.shrsi %get3A_152, %shift_right_arithmetic3A_154 : vector<16xi32>
      %shift_left3A_156 = arith.constant 13 : i32
      %shift_left3A_157 = vector.broadcast %shift_left3A_156 : i32 to vector<16xi32>
      %shift_left3A_158 = arith.shli %shift_right_arithmetic3A_155, %shift_left3A_157 : vector<16xi32>
      %and3A_159 = arith.constant 8191 : i32
      %and3A_160 = vector.broadcast %and3A_159 : i32 to vector<16xi32>
      %and3A_161 = arith.andi %get3A_152, %and3A_160 : vector<16xi32>
      %or3A_162 = arith.ori %shift_left3A_158, %and3A_161 : vector<16xi32>
      %swap3A_163 = arith.constant 0 : i32
      %swap3A_164 = arith.index_cast %swap3A_163 : i32 to index
      %swap3A_165 = arith.constant 48 : index
      %swap3A_166 = tpu.vector_load %arg7[%swap3A_164, %swap3A_165] {strides = array<i32>} : memref<1x128xi32, #tpu.memory_space<vmem>>, vector<16xi32>,
      tpu.vector_store %arg7[%swap3A_164, %swap3A_165], %or3A_162 {strides = array<i32>} : memref<1x128xi32, #tpu.memory_space<vmem>>, vector<16xi32>,
      %get3A_167 = arith.constant 1 : i32
      %get3A_168 = arith.index_cast %get3A_167 : i32 to index
      %get3A_169 = arith.index_cast %scan3A_39 : i32 to index
      %get3A_170 = arith.constant 48 : index
      %get3A_171 = tpu.vector_load %arg6[%get3A_168, %get3A_169, %get3A_170] {strides = array<i32>} : memref<2x4x128xi32, #tpu.memory_space<vmem>>, vector<16xi32>,
      %shift_right_arithmetic3A_172 = arith.constant 15 : i32
      %shift_right_arithmetic3A_173 = vector.broadcast %shift_right_arithmetic3A_172 : i32 to vector<16xi32>
      %shift_right_arithmetic3A_174 = arith.shrsi %get3A_171, %shift_right_arithmetic3A_173 : vector<16xi32>
      %shift_left3A_175 = arith.constant 13 : i32
      %shift_left3A_176 = vector.broadcast %shift_left3A_175 : i32 to vector<16xi32>
      %shift_left3A_177 = arith.shli %shift_right_arithmetic3A_174, %shift_left3A_176 : vector<16xi32>
      %and3A_178 = arith.constant 8191 : i32
      %and3A_179 = vector.broadcast %and3A_178 : i32 to vector<16xi32>
      %and3A_180 = arith.andi %get3A_171, %and3A_179 : vector<16xi32>
      %or3A_181 = arith.ori %shift_left3A_177, %and3A_180 : vector<16xi32>
      %swap3A_182 = arith.constant 0 : i32
      %swap3A_183 = arith.index_cast %swap3A_182 : i32 to index
      %swap3A_184 = arith.constant 48 : index
      %swap3A_185 = tpu.vector_load %arg8[%swap3A_183, %swap3A_184] {strides = array<i32>} : memref<1x128xi32, #tpu.memory_space<vmem>>, vector<16xi32>,
      tpu.vector_store %arg8[%swap3A_183, %swap3A_184], %or3A_181 {strides = array<i32>} : memref<1x128xi32, #tpu.memory_space<vmem>>, vector<16xi32>,
      %get3A_186 = arith.constant 0 : i32
      %get3A_187 = arith.index_cast %get3A_186 : i32 to index
      %get3A_188 = arith.index_cast %scan3A_39 : i32 to index
      %get3A_189 = arith.constant 64 : index
      %get3A_190 = tpu.vector_load %arg6[%get3A_187, %get3A_188, %get3A_189] {strides = array<i32>} : memref<2x4x128xi32, #tpu.memory_space<vmem>>, vector<16xi32>,
      %shift_right_arithmetic3A_191 = arith.constant 15 : i32
      %shift_right_arithmetic3A_192 = vector.broadcast %shift_right_arithmetic3A_191 : i32 to vector<16xi32>
      %shift_right_arithmetic3A_193 = arith.shrsi %get3A_190, %shift_right_arithmetic3A_192 : vector<16xi32>
      %shift_left3A_194 = arith.constant 13 : i32
      %shift_left3A_195 = vector.broadcast %shift_left3A_194 : i32 to vector<16xi32>
      %shift_left3A_196 = arith.shli %shift_right_arithmetic3A_193, %shift_left3A_195 : vector<16xi32>
      %and3A_197 = arith.constant 8191 : i32
      %and3A_198 = vector.broadcast %and3A_197 : i32 to vector<16xi32>
      %and3A_199 = arith.andi %get3A_190, %and3A_198 : vector<16xi32>
      %or3A_200 = arith.ori %shift_left3A_196, %and3A_199 : vector<16xi32>
      %swap3A_201 = arith.constant 0 : i32
      %swap3A_202 = arith.index_cast %swap3A_201 : i32 to index
      %swap3A_203 = arith.constant 64 : index
      %swap3A_204 = tpu.vector_load %arg7[%swap3A_202, %swap3A_203] {strides = array<i32>} : memref<1x128xi32, #tpu.memory_space<vmem>>, vector<16xi32>,
      tpu.vector_store %arg7[%swap3A_202, %swap3A_203], %or3A_200 {strides = array<i32>} : memref<1x128xi32, #tpu.memory_space<vmem>>, vector<16xi32>,
      %get3A_205 = arith.constant 1 : i32
      %get3A_206 = arith.index_cast %get3A_205 : i32 to index
      %get3A_207 = arith.index_cast %scan3A_39 : i32 to index
      %get3A_208 = arith.constant 64 : index
      %get3A_209 = tpu.vector_load %arg6[%get3A_206, %get3A_207, %get3A_208] {strides = array<i32>} : memref<2x4x128xi32, #tpu.memory_space<vmem>>, vector<16xi32>,
      %shift_right_arithmetic3A_210 = arith.constant 15 : i32
      %shift_right_arithmetic3A_211 = vector.broadcast %shift_right_arithmetic3A_210 : i32 to vector<16xi32>
      %shift_right_arithmetic3A_212 = arith.shrsi %get3A_209, %shift_right_arithmetic3A_211 : vector<16xi32>
      %shift_left3A_213 = arith.constant 13 : i32
      %shift_left3A_214 = vector.broadcast %shift_left3A_213 : i32 to vector<16xi32>
      %shift_left3A_215 = arith.shli %shift_right_arithmetic3A_212, %shift_left3A_214 : vector<16xi32>
      %and3A_216 = arith.constant 8191 : i32
      %and3A_217 = vector.broadcast %and3A_216 : i32 to vector<16xi32>
      %and3A_218 = arith.andi %get3A_209, %and3A_217 : vector<16xi32>
      %or3A_219 = arith.ori %shift_left3A_215, %and3A_218 : vector<16xi32>
      %swap3A_220 = arith.constant 0 : i32
      %swap3A_221 = arith.index_cast %swap3A_220 : i32 to index
      %swap3A_222 = arith.constant 64 : index
      %swap3A_223 = tpu.vector_load %arg8[%swap3A_221, %swap3A_222] {strides = array<i32>} : memref<1x128xi32, #tpu.memory_space<vmem>>, vector<16xi32>,
      tpu.vector_store %arg8[%swap3A_221, %swap3A_222], %or3A_219 {strides = array<i32>} : memref<1x128xi32, #tpu.memory_space<vmem>>, vector<16xi32>,
      %get3A_224 = arith.constant 0 : i32
      %get3A_225 = arith.index_cast %get3A_224 : i32 to index
      %get3A_226 = arith.index_cast %scan3A_39 : i32 to index
      %get3A_227 = arith.constant 80 : index
      %get3A_228 = tpu.vector_load %arg6[%get3A_225, %get3A_226, %get3A_227] {strides = array<i32>} : memref<2x4x128xi32, #tpu.memory_space<vmem>>, vector<16xi32>,
      %shift_right_arithmetic3A_229 = arith.constant 15 : i32
      %shift_right_arithmetic3A_230 = vector.broadcast %shift_right_arithmetic3A_229 : i32 to vector<16xi32>
      %shift_right_arithmetic3A_231 = arith.shrsi %get3A_228, %shift_right_arithmetic3A_230 : vector<16xi32>
      %shift_left3A_232 = arith.constant 13 : i32
      %shift_left3A_233 = vector.broadcast %shift_left3A_232 : i32 to vector<16xi32>
      %shift_left3A_234 = arith.shli %shift_right_arithmetic3A_231, %shift_left3A_233 : vector<16xi32>
      %and3A_235 = arith.constant 8191 : i32
      %and3A_236 = vector.broadcast %and3A_235 : i32 to vector<16xi32>
      %and3A_237 = arith.andi %get3A_228, %and3A_236 : vector<16xi32>
      %or3A_238 = arith.ori %shift_left3A_234, %and3A_237 : vector<16xi32>
      %swap3A_239 = arith.constant 0 : i32
      %swap3A_240 = arith.index_cast %swap3A_239 : i32 to index
      %swap3A_241 = arith.constant 80 : index
      %swap3A_242 = tpu.vector_load %arg7[%swap3A_240, %swap3A_241] {strides = array<i32>} : memref<1x128xi32, #tpu.memory_space<vmem>>, vector<16xi32>,
      tpu.vector_store %arg7[%swap3A_240, %swap3A_241], %or3A_238 {strides = array<i32>} : memref<1x128xi32, #tpu.memory_space<vmem>>, vector<16xi32>,
      %get3A_243 = arith.constant 1 : i32
      %get3A_244 = arith.index_cast %get3A_243 : i32 to index
      %get3A_245 = arith.index_cast %scan3A_39 : i32 to index
      %get3A_246 = arith.constant 80 : index
      %get3A_247 = tpu.vector_load %arg6[%get3A_244, %get3A_245, %get3A_246] {strides = array<i32>} : memref<2x4x128xi32, #tpu.memory_space<vmem>>, vector<16xi32>,
      %shift_right_arithmetic3A_248 = arith.constant 15 : i32
      %shift_right_arithmetic3A_249 = vector.broadcast %shift_right_arithmetic3A_248 : i32 to vector<16xi32>
      %shift_right_arithmetic3A_250 = arith.shrsi %get3A_247, %shift_right_arithmetic3A_249 : vector<16xi32>
      %shift_left3A_251 = arith.constant 13 : i32
      %shift_left3A_252 = vector.broadcast %shift_left3A_251 : i32 to vector<16xi32>
      %shift_left3A_253 = arith.shli %shift_right_arithmetic3A_250, %shift_left3A_252 : vector<16xi32>
      %and3A_254 = arith.constant 8191 : i32
      %and3A_255 = vector.broadcast %and3A_254 : i32 to vector<16xi32>
      %and3A_256 = arith.andi %get3A_247, %and3A_255 : vector<16xi32>
      %or3A_257 = arith.ori %shift_left3A_253, %and3A_256 : vector<16xi32>
      %swap3A_258 = arith.constant 0 : i32
      %swap3A_259 = arith.index_cast %swap3A_258 : i32 to index
      %swap3A_260 = arith.constant 80 : index
      %swap3A_261 = tpu.vector_load %arg8[%swap3A_259, %swap3A_260] {strides = array<i32>} : memref<1x128xi32, #tpu.memory_space<vmem>>, vector<16xi32>,
      tpu.vector_store %arg8[%swap3A_259, %swap3A_260], %or3A_257 {strides = array<i32>} : memref<1x128xi32, #tpu.memory_space<vmem>>, vector<16xi32>,
      %get3A_262 = arith.constant 0 : i32
      %get3A_263 = arith.index_cast %get3A_262 : i32 to index
      %get3A_264 = arith.index_cast %scan3A_39 : i32 to index
      %get3A_265 = arith.constant 96 : index
      %get3A_266 = tpu.vector_load %arg6[%get3A_263, %get3A_264, %get3A_265] {strides = array<i32>} : memref<2x4x128xi32, #tpu.memory_space<vmem>>, vector<16xi32>,
      %shift_right_arithmetic3A_267 = arith.constant 15 : i32
      %shift_right_arithmetic3A_268 = vector.broadcast %shift_right_arithmetic3A_267 : i32 to vector<16xi32>
      %shift_right_arithmetic3A_269 = arith.shrsi %get3A_266, %shift_right_arithmetic3A_268 : vector<16xi32>
      %shift_left3A_270 = arith.constant 13 : i32
      %shift_left3A_271 = vector.broadcast %shift_left3A_270 : i32 to vector<16xi32>
      %shift_left3A_272 = arith.shli %shift_right_arithmetic3A_269, %shift_left3A_271 : vector<16xi32>
      %and3A_273 = arith.constant 8191 : i32
      %and3A_274 = vector.broadcast %and3A_273 : i32 to vector<16xi32>
      %and3A_275 = arith.andi %get3A_266, %and3A_274 : vector<16xi32>
      %or3A_276 = arith.ori %shift_left3A_272, %and3A_275 : vector<16xi32>
      %swap3A_277 = arith.constant 0 : i32
      %swap3A_278 = arith.index_cast %swap3A_277 : i32 to index
      %swap3A_279 = arith.constant 96 : index
      %swap3A_280 = tpu.vector_load %arg7[%swap3A_278, %swap3A_279] {strides = array<i32>} : memref<1x128xi32, #tpu.memory_space<vmem>>, vector<16xi32>,
      tpu.vector_store %arg7[%swap3A_278, %swap3A_279], %or3A_276 {strides = array<i32>} : memref<1x128xi32, #tpu.memory_space<vmem>>, vector<16xi32>,
      %get3A_281 = arith.constant 1 : i32
      %get3A_282 = arith.index_cast %get3A_281 : i32 to index
      %get3A_283 = arith.index_cast %scan3A_39 : i32 to index
      %get3A_284 = arith.constant 96 : index
      %get3A_285 = tpu.vector_load %arg6[%get3A_282, %get3A_283, %get3A_284] {strides = array<i32>} : memref<2x4x128xi32, #tpu.memory_space<vmem>>, vector<16xi32>,
      %shift_right_arithmetic3A_286 = arith.constant 15 : i32
      %shift_right_arithmetic3A_287 = vector.broadcast %shift_right_arithmetic3A_286 : i32 to vector<16xi32>
      %shift_right_arithmetic3A_288 = arith.shrsi %get3A_285, %shift_right_arithmetic3A_287 : vector<16xi32>
      %shift_left3A_289 = arith.constant 13 : i32
      %shift_left3A_290 = vector.broadcast %shift_left3A_289 : i32 to vector<16xi32>
      %shift_left3A_291 = arith.shli %shift_right_arithmetic3A_288, %shift_left3A_290 : vector<16xi32>
      %and3A_292 = arith.constant 8191 : i32
      %and3A_293 = vector.broadcast %and3A_292 : i32 to vector<16xi32>
      %and3A_294 = arith.andi %get3A_285, %and3A_293 : vector<16xi32>
      %or3A_295 = arith.ori %shift_left3A_291, %and3A_294 : vector<16xi32>
      %swap3A_296 = arith.constant 0 : i32
      %swap3A_297 = arith.index_cast %swap3A_296 : i32 to index
      %swap3A_298 = arith.constant 96 : index
      %swap3A_299 = tpu.vector_load %arg8[%swap3A_297, %swap3A_298] {strides = array<i32>} : memref<1x128xi32, #tpu.memory_space<vmem>>, vector<16xi32>,
      tpu.vector_store %arg8[%swap3A_297, %swap3A_298], %or3A_295 {strides = array<i32>} : memref<1x128xi32, #tpu.memory_space<vmem>>, vector<16xi32>,
      %get3A_300 = arith.constant 0 : i32
      %get3A_301 = arith.index_cast %get3A_300 : i32 to index
      %get3A_302 = arith.index_cast %scan3A_39 : i32 to index
      %get3A_303 = arith.constant 112 : index
      %get3A_304 = tpu.vector_load %arg6[%get3A_301, %get3A_302, %get3A_303] {strides = array<i32>} : memref<2x4x128xi32, #tpu.memory_space<vmem>>, vector<16xi32>,
      %shift_right_arithmetic3A_305 = arith.constant 15 : i32
      %shift_right_arithmetic3A_306 = vector.broadcast %shift_right_arithmetic3A_305 : i32 to vector<16xi32>
      %shift_right_arithmetic3A_307 = arith.shrsi %get3A_304, %shift_right_arithmetic3A_306 : vector<16xi32>
      %shift_left3A_308 = arith.constant 13 : i32
      %shift_left3A_309 = vector.broadcast %shift_left3A_308 : i32 to vector<16xi32>
      %shift_left3A_310 = arith.shli %shift_right_arithmetic3A_307, %shift_left3A_309 : vector<16xi32>
      %and3A_311 = arith.constant 8191 : i32
      %and3A_312 = vector.broadcast %and3A_311 : i32 to vector<16xi32>
      %and3A_313 = arith.andi %get3A_304, %and3A_312 : vector<16xi32>
      %or3A_314 = arith.ori %shift_left3A_310, %and3A_313 : vector<16xi32>
      %swap3A_315 = arith.constant 0 : i32
      %swap3A_316 = arith.index_cast %swap3A_315 : i32 to index
      %swap3A_317 = arith.constant 112 : index
      %swap3A_318 = tpu.vector_load %arg7[%swap3A_316, %swap3A_317] {strides = array<i32>} : memref<1x128xi32, #tpu.memory_space<vmem>>, vector<16xi32>,
      tpu.vector_store %arg7[%swap3A_316, %swap3A_317], %or3A_314 {strides = array<i32>} : memref<1x128xi32, #tpu.memory_space<vmem>>, vector<16xi32>,
      %get3A_319 = arith.constant 1 : i32
      %get3A_320 = arith.index_cast %get3A_319 : i32 to index
      %get3A_321 = arith.index_cast %scan3A_39 : i32 to index
      %get3A_322 = arith.constant 112 : index
      %get3A_323 = tpu.vector_load %arg6[%get3A_320, %get3A_321, %get3A_322] {strides = array<i32>} : memref<2x4x128xi32, #tpu.memory_space<vmem>>, vector<16xi32>,
      %shift_right_arithmetic3A_324 = arith.constant 15 : i32
      %shift_right_arithmetic3A_325 = vector.broadcast %shift_right_arithmetic3A_324 : i32 to vector<16xi32>
      %shift_right_arithmetic3A_326 = arith.shrsi %get3A_323, %shift_right_arithmetic3A_325 : vector<16xi32>
      %shift_left3A_327 = arith.constant 13 : i32
      %shift_left3A_328 = vector.broadcast %shift_left3A_327 : i32 to vector<16xi32>
      %shift_left3A_329 = arith.shli %shift_right_arithmetic3A_326, %shift_left3A_328 : vector<16xi32>
      %and3A_330 = arith.constant 8191 : i32
      %and3A_331 = vector.broadcast %and3A_330 : i32 to vector<16xi32>
      %and3A_332 = arith.andi %get3A_323, %and3A_331 : vector<16xi32>
      %or3A_333 = arith.ori %shift_left3A_329, %and3A_332 : vector<16xi32>
      %swap3A_334 = arith.constant 0 : i32
      %swap3A_335 = arith.index_cast %swap3A_334 : i32 to index
      %swap3A_336 = arith.constant 112 : index
      %swap3A_337 = tpu.vector_load %arg8[%swap3A_335, %swap3A_336] {strides = array<i32>} : memref<1x128xi32, #tpu.memory_space<vmem>>, vector<16xi32>,
      tpu.vector_store %arg8[%swap3A_335, %swap3A_336], %or3A_333 {strides = array<i32>} : memref<1x128xi32, #tpu.memory_space<vmem>>, vector<16xi32>,
      %dma_start3A = arith.constant 0 : i32
      %dma_start3A_338 = arith.constant 0 : i32
      %dma_start3A_339 = tpu.memref_slice %arg7[%dma_start3A, %dma_start3A_338] : memref<1x128xi32, #tpu.memory_space<vmem>> -> memref<1x128xi32, #tpu.memory_space<vmem>>
      %dma_start3A_340 = tpu.memref_squeeze %dma_start3A_339 : memref<1x128xi32, #tpu.memory_space<vmem>> -> memref<128xi32, #tpu.memory_space<vmem>>
      %dma_start3A_341 = arith.constant 0 : i32
      %dma_start3A_342 = arith.constant 0 : i32
      %dma_start3A_343 = tpu.memref_slice %arg2[%dma_start3A_341, %dma_start3A_342] : memref<253952x128xf32, #tpu.memory_space<hbm>> -> memref<253952x128xf32, #tpu.memory_space<hbm>>
      tpu.enqueue_indirect_dma source(%dma_start3A_343 : memref<253952x128xf32, #tpu.memory_space<hbm>>) target(%arg9 : memref<128x128xf32, #tpu.memory_space<vmem>>) offsets(%dma_start3A_340 : memref<128xi32, #tpu.memory_space<vmem>>) semaphore(%arg12 : memref<!tpu.dma_semaphore, #tpu.memory_space<semaphore_mem>>)
      %dma_start3A_344 = arith.constant 0 : i32
      %dma_start3A_345 = arith.constant 0 : i32
      %dma_start3A_346 = tpu.memref_slice %arg8[%dma_start3A_344, %dma_start3A_345] : memref<1x128xi32, #tpu.memory_space<vmem>> -> memref<1x128xi32, #tpu.memory_space<vmem>>
      %dma_start3A_347 = tpu.memref_squeeze %dma_start3A_346 : memref<1x128xi32, #tpu.memory_space<vmem>> -> memref<128xi32, #tpu.memory_space<vmem>>
      %dma_start3A_348 = arith.constant 0 : i32
      %dma_start3A_349 = arith.constant 0 : i32
      %dma_start3A_350 = tpu.memref_slice %arg2[%dma_start3A_348, %dma_start3A_349] : memref<253952x128xf32, #tpu.memory_space<hbm>> -> memref<253952x128xf32, #tpu.memory_space<hbm>>
      tpu.enqueue_indirect_dma source(%dma_start3A_350 : memref<253952x128xf32, #tpu.memory_space<hbm>>) target(%arg10 : memref<128x128xf32, #tpu.memory_space<vmem>>) offsets(%dma_start3A_347 : memref<128xi32, #tpu.memory_space<vmem>>) semaphore(%arg12 : memref<!tpu.dma_semaphore, #tpu.memory_space<semaphore_mem>>)
      %dma_wait3A = arith.constant 0 : i32
      %dma_wait3A_351 = arith.constant 0 : i32
      %dma_wait3A_352 = tpu.memref_slice %arg7[%dma_wait3A, %dma_wait3A_351] : memref<1x128xi32, #tpu.memory_space<vmem>> -> memref<1x128xi32, #tpu.memory_space<vmem>>
      %dma_wait3A_353 = tpu.memref_squeeze %dma_wait3A_352 : memref<1x128xi32, #tpu.memory_space<vmem>> -> memref<128xi32, #tpu.memory_space<vmem>>
      %dma_wait3A_354 = arith.constant 0 : i32
      %dma_wait3A_355 = arith.constant 0 : i32
      %dma_wait3A_356 = tpu.memref_slice %arg2[%dma_wait3A_354, %dma_wait3A_355] : memref<253952x128xf32, #tpu.memory_space<hbm>> -> memref<253952x128xf32, #tpu.memory_space<hbm>>
      tpu.wait_indirect_dma semaphore(%arg12 : memref<!tpu.dma_semaphore, #tpu.memory_space<semaphore_mem>>) src(%dma_wait3A_356 : memref<253952x128xf32, #tpu.memory_space<hbm>>) dst(%arg9 : memref<128x128xf32, #tpu.memory_space<vmem>>)
      %dma_wait3A_357 = arith.constant 0 : i32
      %dma_wait3A_358 = arith.constant 0 : i32
      %dma_wait3A_359 = tpu.memref_slice %arg8[%dma_wait3A_357, %dma_wait3A_358] : memref<1x128xi32, #tpu.memory_space<vmem>> -> memref<1x128xi32, #tpu.memory_space<vmem>>
      %dma_wait3A_360 = tpu.memref_squeeze %dma_wait3A_359 : memref<1x128xi32, #tpu.memory_space<vmem>> -> memref<128xi32, #tpu.memory_space<vmem>>
      %dma_wait3A_361 = arith.constant 0 : i32
      %dma_wait3A_362 = arith.constant 0 : i32
      %dma_wait3A_363 = tpu.memref_slice %arg2[%dma_wait3A_361, %dma_wait3A_362] : memref<253952x128xf32, #tpu.memory_space<hbm>> -> memref<253952x128xf32, #tpu.memory_space<hbm>>
      tpu.wait_indirect_dma semaphore(%arg12 : memref<!tpu.dma_semaphore, #tpu.memory_space<semaphore_mem>>) src(%dma_wait3A_363 : memref<253952x128xf32, #tpu.memory_space<hbm>>) dst(%arg10 : memref<128x128xf32, #tpu.memory_space<vmem>>)
      %add3A_364 = arith.constant 0 : i32
      %add3A_365 = vector.broadcast %add3A_364 : i32 to vector<16xi32>
      %add3A_366 = arith.addi %add3A_365, %iota3A : vector<16xi32>
      %get3A_367 = arith.constant 0 : i32
      %get3A_368 = arith.index_cast %get3A_367 : i32 to index
      %get3A_369 = arith.index_cast %scan3A_39 : i32 to index
      %get3A_370 = arith.constant 0 : index
      %get3A_371 = tpu.vector_load %arg6[%get3A_368, %get3A_369, %get3A_370] {strides = array<i32>} : memref<2x4x128xi32, #tpu.memory_space<vmem>>, vector<16xi32>,
      %shift_right_arithmetic3A_372 = arith.constant 13 : i32
      %shift_right_arithmetic3A_373 = vector.broadcast %shift_right_arithmetic3A_372 : i32 to vector<16xi32>
      %shift_right_arithmetic3A_374 = arith.shrsi %get3A_371, %shift_right_arithmetic3A_373 : vector<16xi32>
      %and3A_375 = arith.constant 3 : i32
      %and3A_376 = vector.broadcast %and3A_375 : i32 to vector<16xi32>
      %and3A_377 = arith.andi %shift_right_arithmetic3A_374, %and3A_376 : vector<16xi32>
      %mul3A_378 = arith.constant 32 : i32
      %mul3A_379 = vector.broadcast %mul3A_378 : i32 to vector<16xi32>
      %mul3A_380 = arith.muli %and3A_377, %mul3A_379 : vector<16xi32>
      %get3A_381 = arith.constant 1 : i32
      %get3A_382 = arith.index_cast %get3A_381 : i32 to index
      %get3A_383 = arith.index_cast %scan3A_39 : i32 to index
      %get3A_384 = arith.constant 0 : index
      %get3A_385 = tpu.vector_load %arg6[%get3A_382, %get3A_383, %get3A_384] {strides = array<i32>} : memref<2x4x128xi32, #tpu.memory_space<vmem>>, vector<16xi32>,
      %shift_right_arithmetic3A_386 = arith.constant 13 : i32
      %shift_right_arithmetic3A_387 = vector.broadcast %shift_right_arithmetic3A_386 : i32 to vector<16xi32>
      %shift_right_arithmetic3A_388 = arith.shrsi %get3A_385, %shift_right_arithmetic3A_387 : vector<16xi32>
      %and3A_389 = arith.constant 3 : i32
      %and3A_390 = vector.broadcast %and3A_389 : i32 to vector<16xi32>
      %and3A_391 = arith.andi %shift_right_arithmetic3A_388, %and3A_390 : vector<16xi32>
      %mul3A_392 = arith.constant 32 : i32
      %mul3A_393 = vector.broadcast %mul3A_392 : i32 to vector<16xi32>
      %mul3A_394 = arith.muli %and3A_391, %mul3A_393 : vector<16xi32>
      %add3A_395 = arith.constant 0 : i32
      %add3A_396 = vector.broadcast %add3A_395 : i32 to vector<16xi32>
      %add3A_397 = arith.addi %mul3A_380, %add3A_396 : vector<16xi32>
      %gather3A = tpu.vector_load_idx %arg9[%add3A_366, %add3A_397] : memref<128x128xf32, #tpu.memory_space<vmem>>[vector<16xi32>, vector<16xi32>], vector<16xf32>,
      %add3A_398 = arith.constant 0 : i32
      %add3A_399 = vector.broadcast %add3A_398 : i32 to vector<16xi32>
      %add3A_400 = arith.addi %mul3A_394, %add3A_399 : vector<16xi32>
      %gather3A_401 = tpu.vector_load_idx %arg10[%add3A_366, %add3A_400] : memref<128x128xf32, #tpu.memory_space<vmem>>[vector<16xi32>, vector<16xi32>], vector<16xf32>,
      %mul3A_402 = arith.mulf %gather3A, %gather3A_401 : vector<16xf32>
      %add3A_403 = arith.constant 1 : i32
      %add3A_404 = vector.broadcast %add3A_403 : i32 to vector<16xi32>
      %add3A_405 = arith.addi %mul3A_380, %add3A_404 : vector<16xi32>
      %gather3A_406 = tpu.vector_load_idx %arg9[%add3A_366, %add3A_405] : memref<128x128xf32, #tpu.memory_space<vmem>>[vector<16xi32>, vector<16xi32>], vector<16xf32>,
      %add3A_407 = arith.constant 1 : i32
      %add3A_408 = vector.broadcast %add3A_407 : i32 to vector<16xi32>
      %add3A_409 = arith.addi %mul3A_394, %add3A_408 : vector<16xi32>
      %gather3A_410 = tpu.vector_load_idx %arg10[%add3A_366, %add3A_409] : memref<128x128xf32, #tpu.memory_space<vmem>>[vector<16xi32>, vector<16xi32>], vector<16xf32>,
      %mul3A_411 = arith.mulf %gather3A_406, %gather3A_410 : vector<16xf32>
      %add3A_412 = arith.addf %mul3A_402, %mul3A_411 : vector<16xf32>
      %add3A_413 = arith.constant 2 : i32
      %add3A_414 = vector.broadcast %add3A_413 : i32 to vector<16xi32>
      %add3A_415 = arith.addi %mul3A_380, %add3A_414 : vector<16xi32>
      %gather3A_416 = tpu.vector_load_idx %arg9[%add3A_366, %add3A_415] : memref<128x128xf32, #tpu.memory_space<vmem>>[vector<16xi32>, vector<16xi32>], vector<16xf32>,
      %add3A_417 = arith.constant 2 : i32
      %add3A_418 = vector.broadcast %add3A_417 : i32 to vector<16xi32>
      %add3A_419 = arith.addi %mul3A_394, %add3A_418 : vector<16xi32>
      %gather3A_420 = tpu.vector_load_idx %arg10[%add3A_366, %add3A_419] : memref<128x128xf32, #tpu.memory_space<vmem>>[vector<16xi32>, vector<16xi32>], vector<16xf32>,
      %mul3A_421 = arith.mulf %gather3A_416, %gather3A_420 : vector<16xf32>
      %add3A_422 = arith.addf %add3A_412, %mul3A_421 : vector<16xf32>
      %add3A_423 = arith.constant 3 : i32
      %add3A_424 = vector.broadcast %add3A_423 : i32 to vector<16xi32>
      %add3A_425 = arith.addi %mul3A_380, %add3A_424 : vector<16xi32>
      %gather3A_426 = tpu.vector_load_idx %arg9[%add3A_366, %add3A_425] : memref<128x128xf32, #tpu.memory_space<vmem>>[vector<16xi32>, vector<16xi32>], vector<16xf32>,
      %add3A_427 = arith.constant 3 : i32
      %add3A_428 = vector.broadcast %add3A_427 : i32 to vector<16xi32>
      %add3A_429 = arith.addi %mul3A_394, %add3A_428 : vector<16xi32>
      %gather3A_430 = tpu.vector_load_idx %arg10[%add3A_366, %add3A_429] : memref<128x128xf32, #tpu.memory_space<vmem>>[vector<16xi32>, vector<16xi32>], vector<16xf32>,
      %mul3A_431 = arith.mulf %gather3A_426, %gather3A_430 : vector<16xf32>
      %add3A_432 = arith.addf %add3A_422, %mul3A_431 : vector<16xf32>
      %add3A_433 = arith.constant 4 : i32
      %add3A_434 = vector.broadcast %add3A_433 : i32 to vector<16xi32>
      %add3A_435 = arith.addi %mul3A_380, %add3A_434 : vector<16xi32>
      %gather3A_436 = tpu.vector_load_idx %arg9[%add3A_366, %add3A_435] : memref<128x128xf32, #tpu.memory_space<vmem>>[vector<16xi32>, vector<16xi32>], vector<16xf32>,
      %add3A_437 = arith.constant 4 : i32
      %add3A_438 = vector.broadcast %add3A_437 : i32 to vector<16xi32>
      %add3A_439 = arith.addi %mul3A_394, %add3A_438 : vector<16xi32>
      %gather3A_440 = tpu.vector_load_idx %arg10[%add3A_366, %add3A_439] : memref<128x128xf32, #tpu.memory_space<vmem>>[vector<16xi32>, vector<16xi32>], vector<16xf32>,
      %mul3A_441 = arith.mulf %gather3A_436, %gather3A_440 : vector<16xf32>
      %add3A_442 = arith.addf %add3A_432, %mul3A_441 : vector<16xf32>
      %add3A_443 = arith.constant 5 : i32
      %add3A_444 = vector.broadcast %add3A_443 : i32 to vector<16xi32>
      %add3A_445 = arith.addi %mul3A_380, %add3A_444 : vector<16xi32>
      %gather3A_446 = tpu.vector_load_idx %arg9[%add3A_366, %add3A_445] : memref<128x128xf32, #tpu.memory_space<vmem>>[vector<16xi32>, vector<16xi32>], vector<16xf32>,
      %add3A_447 = arith.constant 5 : i32
      %add3A_448 = vector.broadcast %add3A_447 : i32 to vector<16xi32>
      %add3A_449 = arith.addi %mul3A_394, %add3A_448 : vector<16xi32>
      %gather3A_450 = tpu.vector_load_idx %arg10[%add3A_366, %add3A_449] : memref<128x128xf32, #tpu.memory_space<vmem>>[vector<16xi32>, vector<16xi32>], vector<16xf32>,
      %mul3A_451 = arith.mulf %gather3A_446, %gather3A_450 : vector<16xf32>
      %add3A_452 = arith.addf %add3A_442, %mul3A_451 : vector<16xf32>
      %add3A_453 = arith.constant 6 : i32
      %add3A_454 = vector.broadcast %add3A_453 : i32 to vector<16xi32>
      %add3A_455 = arith.addi %mul3A_380, %add3A_454 : vector<16xi32>
      %gather3A_456 = tpu.vector_load_idx %arg9[%add3A_366, %add3A_455] : memref<128x128xf32, #tpu.memory_space<vmem>>[vector<16xi32>, vector<16xi32>], vector<16xf32>,
      %add3A_457 = arith.constant 6 : i32
      %add3A_458 = vector.broadcast %add3A_457 : i32 to vector<16xi32>
      %add3A_459 = arith.addi %mul3A_394, %add3A_458 : vector<16xi32>
      %gather3A_460 = tpu.vector_load_idx %arg10[%add3A_366, %add3A_459] : memref<128x128xf32, #tpu.memory_space<vmem>>[vector<16xi32>, vector<16xi32>], vector<16xf32>,
      %mul3A_461 = arith.mulf %gather3A_456, %gather3A_460 : vector<16xf32>
      %add3A_462 = arith.addf %add3A_452, %mul3A_461 : vector<16xf32>
      %add3A_463 = arith.constant 7 : i32
      %add3A_464 = vector.broadcast %add3A_463 : i32 to vector<16xi32>
      %add3A_465 = arith.addi %mul3A_380, %add3A_464 : vector<16xi32>
      %gather3A_466 = tpu.vector_load_idx %arg9[%add3A_366, %add3A_465] : memref<128x128xf32, #tpu.memory_space<vmem>>[vector<16xi32>, vector<16xi32>], vector<16xf32>,
      %add3A_467 = arith.constant 7 : i32
      %add3A_468 = vector.broadcast %add3A_467 : i32 to vector<16xi32>
      %add3A_469 = arith.addi %mul3A_394, %add3A_468 : vector<16xi32>
      %gather3A_470 = tpu.vector_load_idx %arg10[%add3A_366, %add3A_469] : memref<128x128xf32, #tpu.memory_space<vmem>>[vector<16xi32>, vector<16xi32>], vector<16xf32>,
      %mul3A_471 = arith.mulf %gather3A_466, %gather3A_470 : vector<16xf32>
      %add3A_472 = arith.addf %add3A_462, %mul3A_471 : vector<16xf32>
      %add3A_473 = arith.constant 8 : i32
      %add3A_474 = vector.broadcast %add3A_473 : i32 to vector<16xi32>
      %add3A_475 = arith.addi %mul3A_380, %add3A_474 : vector<16xi32>
      %gather3A_476 = tpu.vector_load_idx %arg9[%add3A_366, %add3A_475] : memref<128x128xf32, #tpu.memory_space<vmem>>[vector<16xi32>, vector<16xi32>], vector<16xf32>,
      %add3A_477 = arith.constant 8 : i32
      %add3A_478 = vector.broadcast %add3A_477 : i32 to vector<16xi32>
      %add3A_479 = arith.addi %mul3A_394, %add3A_478 : vector<16xi32>
      %gather3A_480 = tpu.vector_load_idx %arg10[%add3A_366, %add3A_479] : memref<128x128xf32, #tpu.memory_space<vmem>>[vector<16xi32>, vector<16xi32>], vector<16xf32>,
      %mul3A_481 = arith.mulf %gather3A_476, %gather3A_480 : vector<16xf32>
      %add3A_482 = arith.addf %add3A_472, %mul3A_481 : vector<16xf32>
      %add3A_483 = arith.constant 9 : i32
      %add3A_484 = vector.broadcast %add3A_483 : i32 to vector<16xi32>
      %add3A_485 = arith.addi %mul3A_380, %add3A_484 : vector<16xi32>
      %gather3A_486 = tpu.vector_load_idx %arg9[%add3A_366, %add3A_485] : memref<128x128xf32, #tpu.memory_space<vmem>>[vector<16xi32>, vector<16xi32>], vector<16xf32>,
      %add3A_487 = arith.constant 9 : i32
      %add3A_488 = vector.broadcast %add3A_487 : i32 to vector<16xi32>
      %add3A_489 = arith.addi %mul3A_394, %add3A_488 : vector<16xi32>
      %gather3A_490 = tpu.vector_load_idx %arg10[%add3A_366, %add3A_489] : memref<128x128xf32, #tpu.memory_space<vmem>>[vector<16xi32>, vector<16xi32>], vector<16xf32>,
      %mul3A_491 = arith.mulf %gather3A_486, %gather3A_490 : vector<16xf32>
      %add3A_492 = arith.addf %add3A_482, %mul3A_491 : vector<16xf32>
      %add3A_493 = arith.constant 10 : i32
      %add3A_494 = vector.broadcast %add3A_493 : i32 to vector<16xi32>
      %add3A_495 = arith.addi %mul3A_380, %add3A_494 : vector<16xi32>
      %gather3A_496 = tpu.vector_load_idx %arg9[%add3A_366, %add3A_495] : memref<128x128xf32, #tpu.memory_space<vmem>>[vector<16xi32>, vector<16xi32>], vector<16xf32>,
      %add3A_497 = arith.constant 10 : i32
      %add3A_498 = vector.broadcast %add3A_497 : i32 to vector<16xi32>
      %add3A_499 = arith.addi %mul3A_394, %add3A_498 : vector<16xi32>
      %gather3A_500 = tpu.vector_load_idx %arg10[%add3A_366, %add3A_499] : memref<128x128xf32, #tpu.memory_space<vmem>>[vector<16xi32>, vector<16xi32>], vector<16xf32>,
      %mul3A_501 = arith.mulf %gather3A_496, %gather3A_500 : vector<16xf32>
      %add3A_502 = arith.addf %add3A_492, %mul3A_501 : vector<16xf32>
      %add3A_503 = arith.constant 11 : i32
      %add3A_504 = vector.broadcast %add3A_503 : i32 to vector<16xi32>
      %add3A_505 = arith.addi %mul3A_380, %add3A_504 : vector<16xi32>
      %gather3A_506 = tpu.vector_load_idx %arg9[%add3A_366, %add3A_505] : memref<128x128xf32, #tpu.memory_space<vmem>>[vector<16xi32>, vector<16xi32>], vector<16xf32>,
      %add3A_507 = arith.constant 11 : i32
      %add3A_508 = vector.broadcast %add3A_507 : i32 to vector<16xi32>
      %add3A_509 = arith.addi %mul3A_394, %add3A_508 : vector<16xi32>
      %gather3A_510 = tpu.vector_load_idx %arg10[%add3A_366, %add3A_509] : memref<128x128xf32, #tpu.memory_space<vmem>>[vector<16xi32>, vector<16xi32>], vector<16xf32>,
      %mul3A_511 = arith.mulf %gather3A_506, %gather3A_510 : vector<16xf32>
      %add3A_512 = arith.addf %add3A_502, %mul3A_511 : vector<16xf32>
      %add3A_513 = arith.constant 12 : i32
      %add3A_514 = vector.broadcast %add3A_513 : i32 to vector<16xi32>
      %add3A_515 = arith.addi %mul3A_380, %add3A_514 : vector<16xi32>
      %gather3A_516 = tpu.vector_load_idx %arg9[%add3A_366, %add3A_515] : memref<128x128xf32, #tpu.memory_space<vmem>>[vector<16xi32>, vector<16xi32>], vector<16xf32>,
      %add3A_517 = arith.constant 12 : i32
      %add3A_518 = vector.broadcast %add3A_517 : i32 to vector<16xi32>
      %add3A_519 = arith.addi %mul3A_394, %add3A_518 : vector<16xi32>
      %gather3A_520 = tpu.vector_load_idx %arg10[%add3A_366, %add3A_519] : memref<128x128xf32, #tpu.memory_space<vmem>>[vector<16xi32>, vector<16xi32>], vector<16xf32>,
      %mul3A_521 = arith.mulf %gather3A_516, %gather3A_520 : vector<16xf32>
      %add3A_522 = arith.addf %add3A_512, %mul3A_521 : vector<16xf32>
      %add3A_523 = arith.constant 13 : i32
      %add3A_524 = vector.broadcast %add3A_523 : i32 to vector<16xi32>
      %add3A_525 = arith.addi %mul3A_380, %add3A_524 : vector<16xi32>
      %gather3A_526 = tpu.vector_load_idx %arg9[%add3A_366, %add3A_525] : memref<128x128xf32, #tpu.memory_space<vmem>>[vector<16xi32>, vector<16xi32>], vector<16xf32>,
      %add3A_527 = arith.constant 13 : i32
      %add3A_528 = vector.broadcast %add3A_527 : i32 to vector<16xi32>
      %add3A_529 = arith.addi %mul3A_394, %add3A_528 : vector<16xi32>
      %gather3A_530 = tpu.vector_load_idx %arg10[%add3A_366, %add3A_529] : memref<128x128xf32, #tpu.memory_space<vmem>>[vector<16xi32>, vector<16xi32>], vector<16xf32>,
      %mul3A_531 = arith.mulf %gather3A_526, %gather3A_530 : vector<16xf32>
      %add3A_532 = arith.addf %add3A_522, %mul3A_531 : vector<16xf32>
      %add3A_533 = arith.constant 14 : i32
      %add3A_534 = vector.broadcast %add3A_533 : i32 to vector<16xi32>
      %add3A_535 = arith.addi %mul3A_380, %add3A_534 : vector<16xi32>
      %gather3A_536 = tpu.vector_load_idx %arg9[%add3A_366, %add3A_535] : memref<128x128xf32, #tpu.memory_space<vmem>>[vector<16xi32>, vector<16xi32>], vector<16xf32>,
      %add3A_537 = arith.constant 14 : i32
      %add3A_538 = vector.broadcast %add3A_537 : i32 to vector<16xi32>
      %add3A_539 = arith.addi %mul3A_394, %add3A_538 : vector<16xi32>
      %gather3A_540 = tpu.vector_load_idx %arg10[%add3A_366, %add3A_539] : memref<128x128xf32, #tpu.memory_space<vmem>>[vector<16xi32>, vector<16xi32>], vector<16xf32>,
      %mul3A_541 = arith.mulf %gather3A_536, %gather3A_540 : vector<16xf32>
      %add3A_542 = arith.addf %add3A_532, %mul3A_541 : vector<16xf32>
      %add3A_543 = arith.constant 15 : i32
      %add3A_544 = vector.broadcast %add3A_543 : i32 to vector<16xi32>
      %add3A_545 = arith.addi %mul3A_380, %add3A_544 : vector<16xi32>
      %gather3A_546 = tpu.vector_load_idx %arg9[%add3A_366, %add3A_545] : memref<128x128xf32, #tpu.memory_space<vmem>>[vector<16xi32>, vector<16xi32>], vector<16xf32>,
      %add3A_547 = arith.constant 15 : i32
      %add3A_548 = vector.broadcast %add3A_547 : i32 to vector<16xi32>
      %add3A_549 = arith.addi %mul3A_394, %add3A_548 : vector<16xi32>
      %gather3A_550 = tpu.vector_load_idx %arg10[%add3A_366, %add3A_549] : memref<128x128xf32, #tpu.memory_space<vmem>>[vector<16xi32>, vector<16xi32>], vector<16xf32>,
      %mul3A_551 = arith.mulf %gather3A_546, %gather3A_550 : vector<16xf32>
      %add3A_552 = arith.addf %add3A_542, %mul3A_551 : vector<16xf32>
      %add3A_553 = arith.constant 16 : i32
      %add3A_554 = vector.broadcast %add3A_553 : i32 to vector<16xi32>
      %add3A_555 = arith.addi %mul3A_380, %add3A_554 : vector<16xi32>
      %gather3A_556 = tpu.vector_load_idx %arg9[%add3A_366, %add3A_555] : memref<128x128xf32, #tpu.memory_space<vmem>>[vector<16xi32>, vector<16xi32>], vector<16xf32>,
      %add3A_557 = arith.constant 16 : i32
      %add3A_558 = vector.broadcast %add3A_557 : i32 to vector<16xi32>
      %add3A_559 = arith.addi %mul3A_394, %add3A_558 : vector<16xi32>
      %gather3A_560 = tpu.vector_load_idx %arg10[%add3A_366, %add3A_559] : memref<128x128xf32, #tpu.memory_space<vmem>>[vector<16xi32>, vector<16xi32>], vector<16xf32>,
      %mul3A_561 = arith.mulf %gather3A_556, %gather3A_560 : vector<16xf32>
      %add3A_562 = arith.addf %add3A_552, %mul3A_561 : vector<16xf32>
      %add3A_563 = arith.constant 17 : i32
      %add3A_564 = vector.broadcast %add3A_563 : i32 to vector<16xi32>
      %add3A_565 = arith.addi %mul3A_380, %add3A_564 : vector<16xi32>
      %gather3A_566 = tpu.vector_load_idx %arg9[%add3A_366, %add3A_565] : memref<128x128xf32, #tpu.memory_space<vmem>>[vector<16xi32>, vector<16xi32>], vector<16xf32>,
      %add3A_567 = arith.constant 17 : i32
      %add3A_568 = vector.broadcast %add3A_567 : i32 to vector<16xi32>
      %add3A_569 = arith.addi %mul3A_394, %add3A_568 : vector<16xi32>
      %gather3A_570 = tpu.vector_load_idx %arg10[%add3A_366, %add3A_569] : memref<128x128xf32, #tpu.memory_space<vmem>>[vector<16xi32>, vector<16xi32>], vector<16xf32>,
      %mul3A_571 = arith.mulf %gather3A_566, %gather3A_570 : vector<16xf32>
      %add3A_572 = arith.addf %add3A_562, %mul3A_571 : vector<16xf32>
      %add3A_573 = arith.constant 18 : i32
      %add3A_574 = vector.broadcast %add3A_573 : i32 to vector<16xi32>
      %add3A_575 = arith.addi %mul3A_380, %add3A_574 : vector<16xi32>
      %gather3A_576 = tpu.vector_load_idx %arg9[%add3A_366, %add3A_575] : memref<128x128xf32, #tpu.memory_space<vmem>>[vector<16xi32>, vector<16xi32>], vector<16xf32>,
      %add3A_577 = arith.constant 18 : i32
      %add3A_578 = vector.broadcast %add3A_577 : i32 to vector<16xi32>
      %add3A_579 = arith.addi %mul3A_394, %add3A_578 : vector<16xi32>
      %gather3A_580 = tpu.vector_load_idx %arg10[%add3A_366, %add3A_579] : memref<128x128xf32, #tpu.memory_space<vmem>>[vector<16xi32>, vector<16xi32>], vector<16xf32>,
      %mul3A_581 = arith.mulf %gather3A_576, %gather3A_580 : vector<16xf32>
      %add3A_582 = arith.addf %add3A_572, %mul3A_581 : vector<16xf32>
      %add3A_583 = arith.constant 19 : i32
      %add3A_584 = vector.broadcast %add3A_583 : i32 to vector<16xi32>
      %add3A_585 = arith.addi %mul3A_380, %add3A_584 : vector<16xi32>
      %gather3A_586 = tpu.vector_load_idx %arg9[%add3A_366, %add3A_585] : memref<128x128xf32, #tpu.memory_space<vmem>>[vector<16xi32>, vector<16xi32>], vector<16xf32>,
      %add3A_587 = arith.constant 19 : i32
      %add3A_588 = vector.broadcast %add3A_587 : i32 to vector<16xi32>
      %add3A_589 = arith.addi %mul3A_394, %add3A_588 : vector<16xi32>
      %gather3A_590 = tpu.vector_load_idx %arg10[%add3A_366, %add3A_589] : memref<128x128xf32, #tpu.memory_space<vmem>>[vector<16xi32>, vector<16xi32>], vector<16xf32>,
      %mul3A_591 = arith.mulf %gather3A_586, %gather3A_590 : vector<16xf32>
      %add3A_592 = arith.addf %add3A_582, %mul3A_591 : vector<16xf32>
      %add3A_593 = arith.constant 20 : i32
      %add3A_594 = vector.broadcast %add3A_593 : i32 to vector<16xi32>
      %add3A_595 = arith.addi %mul3A_380, %add3A_594 : vector<16xi32>
      %gather3A_596 = tpu.vector_load_idx %arg9[%add3A_366, %add3A_595] : memref<128x128xf32, #tpu.memory_space<vmem>>[vector<16xi32>, vector<16xi32>], vector<16xf32>,
      %add3A_597 = arith.constant 20 : i32
      %add3A_598 = vector.broadcast %add3A_597 : i32 to vector<16xi32>
      %add3A_599 = arith.addi %mul3A_394, %add3A_598 : vector<16xi32>
      %gather3A_600 = tpu.vector_load_idx %arg10[%add3A_366, %add3A_599] : memref<128x128xf32, #tpu.memory_space<vmem>>[vector<16xi32>, vector<16xi32>], vector<16xf32>,
      %mul3A_601 = arith.mulf %gather3A_596, %gather3A_600 : vector<16xf32>
      %add3A_602 = arith.addf %add3A_592, %mul3A_601 : vector<16xf32>
      %add3A_603 = arith.constant 21 : i32
      %add3A_604 = vector.broadcast %add3A_603 : i32 to vector<16xi32>
      %add3A_605 = arith.addi %mul3A_380, %add3A_604 : vector<16xi32>
      %gather3A_606 = tpu.vector_load_idx %arg9[%add3A_366, %add3A_605] : memref<128x128xf32, #tpu.memory_space<vmem>>[vector<16xi32>, vector<16xi32>], vector<16xf32>,
      %add3A_607 = arith.constant 21 : i32
      %add3A_608 = vector.broadcast %add3A_607 : i32 to vector<16xi32>
      %add3A_609 = arith.addi %mul3A_394, %add3A_608 : vector<16xi32>
      %gather3A_610 = tpu.vector_load_idx %arg10[%add3A_366, %add3A_609] : memref<128x128xf32, #tpu.memory_space<vmem>>[vector<16xi32>, vector<16xi32>], vector<16xf32>,
      %mul3A_611 = arith.mulf %gather3A_606, %gather3A_610 : vector<16xf32>
      %add3A_612 = arith.addf %add3A_602, %mul3A_611 : vector<16xf32>
      %add3A_613 = arith.constant 22 : i32
      %add3A_614 = vector.broadcast %add3A_613 : i32 to vector<16xi32>
      %add3A_615 = arith.addi %mul3A_380, %add3A_614 : vector<16xi32>
      %gather3A_616 = tpu.vector_load_idx %arg9[%add3A_366, %add3A_615] : memref<128x128xf32, #tpu.memory_space<vmem>>[vector<16xi32>, vector<16xi32>], vector<16xf32>,
      %add3A_617 = arith.constant 22 : i32
      %add3A_618 = vector.broadcast %add3A_617 : i32 to vector<16xi32>
      %add3A_619 = arith.addi %mul3A_394, %add3A_618 : vector<16xi32>
      %gather3A_620 = tpu.vector_load_idx %arg10[%add3A_366, %add3A_619] : memref<128x128xf32, #tpu.memory_space<vmem>>[vector<16xi32>, vector<16xi32>], vector<16xf32>,
      %mul3A_621 = arith.mulf %gather3A_616, %gather3A_620 : vector<16xf32>
      %add3A_622 = arith.addf %add3A_612, %mul3A_621 : vector<16xf32>
      %add3A_623 = arith.constant 23 : i32
      %add3A_624 = vector.broadcast %add3A_623 : i32 to vector<16xi32>
      %add3A_625 = arith.addi %mul3A_380, %add3A_624 : vector<16xi32>
      %gather3A_626 = tpu.vector_load_idx %arg9[%add3A_366, %add3A_625] : memref<128x128xf32, #tpu.memory_space<vmem>>[vector<16xi32>, vector<16xi32>], vector<16xf32>,
      %add3A_627 = arith.constant 23 : i32
      %add3A_628 = vector.broadcast %add3A_627 : i32 to vector<16xi32>
      %add3A_629 = arith.addi %mul3A_394, %add3A_628 : vector<16xi32>
      %gather3A_630 = tpu.vector_load_idx %arg10[%add3A_366, %add3A_629] : memref<128x128xf32, #tpu.memory_space<vmem>>[vector<16xi32>, vector<16xi32>], vector<16xf32>,
      %mul3A_631 = arith.mulf %gather3A_626, %gather3A_630 : vector<16xf32>
      %add3A_632 = arith.addf %add3A_622, %mul3A_631 : vector<16xf32>
      %add3A_633 = arith.constant 24 : i32
      %add3A_634 = vector.broadcast %add3A_633 : i32 to vector<16xi32>
      %add3A_635 = arith.addi %mul3A_380, %add3A_634 : vector<16xi32>
      %gather3A_636 = tpu.vector_load_idx %arg9[%add3A_366, %add3A_635] : memref<128x128xf32, #tpu.memory_space<vmem>>[vector<16xi32>, vector<16xi32>], vector<16xf32>,
      %add3A_637 = arith.constant 24 : i32
      %add3A_638 = vector.broadcast %add3A_637 : i32 to vector<16xi32>
      %add3A_639 = arith.addi %mul3A_394, %add3A_638 : vector<16xi32>
      %gather3A_640 = tpu.vector_load_idx %arg10[%add3A_366, %add3A_639] : memref<128x128xf32, #tpu.memory_space<vmem>>[vector<16xi32>, vector<16xi32>], vector<16xf32>,
      %mul3A_641 = arith.mulf %gather3A_636, %gather3A_640 : vector<16xf32>
      %add3A_642 = arith.addf %add3A_632, %mul3A_641 : vector<16xf32>
      %add3A_643 = arith.constant 25 : i32
      %add3A_644 = vector.broadcast %add3A_643 : i32 to vector<16xi32>
      %add3A_645 = arith.addi %mul3A_380, %add3A_644 : vector<16xi32>
      %gather3A_646 = tpu.vector_load_idx %arg9[%add3A_366, %add3A_645] : memref<128x128xf32, #tpu.memory_space<vmem>>[vector<16xi32>, vector<16xi32>], vector<16xf32>,
      %add3A_647 = arith.constant 25 : i32
      %add3A_648 = vector.broadcast %add3A_647 : i32 to vector<16xi32>
      %add3A_649 = arith.addi %mul3A_394, %add3A_648 : vector<16xi32>
      %gather3A_650 = tpu.vector_load_idx %arg10[%add3A_366, %add3A_649] : memref<128x128xf32, #tpu.memory_space<vmem>>[vector<16xi32>, vector<16xi32>], vector<16xf32>,
      %mul3A_651 = arith.mulf %gather3A_646, %gather3A_650 : vector<16xf32>
      %add3A_652 = arith.addf %add3A_642, %mul3A_651 : vector<16xf32>
      %add3A_653 = arith.constant 26 : i32
      %add3A_654 = vector.broadcast %add3A_653 : i32 to vector<16xi32>
      %add3A_655 = arith.addi %mul3A_380, %add3A_654 : vector<16xi32>
      %gather3A_656 = tpu.vector_load_idx %arg9[%add3A_366, %add3A_655] : memref<128x128xf32, #tpu.memory_space<vmem>>[vector<16xi32>, vector<16xi32>], vector<16xf32>,
      %add3A_657 = arith.constant 26 : i32
      %add3A_658 = vector.broadcast %add3A_657 : i32 to vector<16xi32>
      %add3A_659 = arith.addi %mul3A_394, %add3A_658 : vector<16xi32>
      %gather3A_660 = tpu.vector_load_idx %arg10[%add3A_366, %add3A_659] : memref<128x128xf32, #tpu.memory_space<vmem>>[vector<16xi32>, vector<16xi32>], vector<16xf32>,
      %mul3A_661 = arith.mulf %gather3A_656, %gather3A_660 : vector<16xf32>
      %add3A_662 = arith.addf %add3A_652, %mul3A_661 : vector<16xf32>
      %add3A_663 = arith.constant 27 : i32
      %add3A_664 = vector.broadcast %add3A_663 : i32 to vector<16xi32>
      %add3A_665 = arith.addi %mul3A_380, %add3A_664 : vector<16xi32>
      %gather3A_666 = tpu.vector_load_idx %arg9[%add3A_366, %add3A_665] : memref<128x128xf32, #tpu.memory_space<vmem>>[vector<16xi32>, vector<16xi32>], vector<16xf32>,
      %add3A_667 = arith.constant 27 : i32
      %add3A_668 = vector.broadcast %add3A_667 : i32 to vector<16xi32>
      %add3A_669 = arith.addi %mul3A_394, %add3A_668 : vector<16xi32>
      %gather3A_670 = tpu.vector_load_idx %arg10[%add3A_366, %add3A_669] : memref<128x128xf32, #tpu.memory_space<vmem>>[vector<16xi32>, vector<16xi32>], vector<16xf32>,
      %mul3A_671 = arith.mulf %gather3A_666, %gather3A_670 : vector<16xf32>
      %add3A_672 = arith.addf %add3A_662, %mul3A_671 : vector<16xf32>
      %add3A_673 = arith.constant 28 : i32
      %add3A_674 = vector.broadcast %add3A_673 : i32 to vector<16xi32>
      %add3A_675 = arith.addi %mul3A_380, %add3A_674 : vector<16xi32>
      %gather3A_676 = tpu.vector_load_idx %arg9[%add3A_366, %add3A_675] : memref<128x128xf32, #tpu.memory_space<vmem>>[vector<16xi32>, vector<16xi32>], vector<16xf32>,
      %add3A_677 = arith.constant 28 : i32
      %add3A_678 = vector.broadcast %add3A_677 : i32 to vector<16xi32>
      %add3A_679 = arith.addi %mul3A_394, %add3A_678 : vector<16xi32>
      %gather3A_680 = tpu.vector_load_idx %arg10[%add3A_366, %add3A_679] : memref<128x128xf32, #tpu.memory_space<vmem>>[vector<16xi32>, vector<16xi32>], vector<16xf32>,
      %mul3A_681 = arith.mulf %gather3A_676, %gather3A_680 : vector<16xf32>
      %add3A_682 = arith.addf %add3A_672, %mul3A_681 : vector<16xf32>
      %add3A_683 = arith.constant 29 : i32
      %add3A_684 = vector.broadcast %add3A_683 : i32 to vector<16xi32>
      %add3A_685 = arith.addi %mul3A_380, %add3A_684 : vector<16xi32>
      %gather3A_686 = tpu.vector_load_idx %arg9[%add3A_366, %add3A_685] : memref<128x128xf32, #tpu.memory_space<vmem>>[vector<16xi32>, vector<16xi32>], vector<16xf32>,
      %add3A_687 = arith.constant 29 : i32
      %add3A_688 = vector.broadcast %add3A_687 : i32 to vector<16xi32>
      %add3A_689 = arith.addi %mul3A_394, %add3A_688 : vector<16xi32>
      %gather3A_690 = tpu.vector_load_idx %arg10[%add3A_366, %add3A_689] : memref<128x128xf32, #tpu.memory_space<vmem>>[vector<16xi32>, vector<16xi32>], vector<16xf32>,
      %mul3A_691 = arith.mulf %gather3A_686, %gather3A_690 : vector<16xf32>
      %add3A_692 = arith.addf %add3A_682, %mul3A_691 : vector<16xf32>
      %add3A_693 = arith.constant 30 : i32
      %add3A_694 = vector.broadcast %add3A_693 : i32 to vector<16xi32>
      %add3A_695 = arith.addi %mul3A_380, %add3A_694 : vector<16xi32>
      %gather3A_696 = tpu.vector_load_idx %arg9[%add3A_366, %add3A_695] : memref<128x128xf32, #tpu.memory_space<vmem>>[vector<16xi32>, vector<16xi32>], vector<16xf32>,
      %add3A_697 = arith.constant 30 : i32
      %add3A_698 = vector.broadcast %add3A_697 : i32 to vector<16xi32>
      %add3A_699 = arith.addi %mul3A_394, %add3A_698 : vector<16xi32>
      %gather3A_700 = tpu.vector_load_idx %arg10[%add3A_366, %add3A_699] : memref<128x128xf32, #tpu.memory_space<vmem>>[vector<16xi32>, vector<16xi32>], vector<16xf32>,
      %mul3A_701 = arith.mulf %gather3A_696, %gather3A_700 : vector<16xf32>
      %add3A_702 = arith.addf %add3A_692, %mul3A_701 : vector<16xf32>
      %add3A_703 = arith.constant 31 : i32
      %add3A_704 = vector.broadcast %add3A_703 : i32 to vector<16xi32>
      %add3A_705 = arith.addi %mul3A_380, %add3A_704 : vector<16xi32>
      %gather3A_706 = tpu.vector_load_idx %arg9[%add3A_366, %add3A_705] : memref<128x128xf32, #tpu.memory_space<vmem>>[vector<16xi32>, vector<16xi32>], vector<16xf32>,
      %add3A_707 = arith.constant 31 : i32
      %add3A_708 = vector.broadcast %add3A_707 : i32 to vector<16xi32>
      %add3A_709 = arith.addi %mul3A_394, %add3A_708 : vector<16xi32>
      %gather3A_710 = tpu.vector_load_idx %arg10[%add3A_366, %add3A_709] : memref<128x128xf32, #tpu.memory_space<vmem>>[vector<16xi32>, vector<16xi32>], vector<16xf32>,
      %mul3A_711 = arith.mulf %gather3A_706, %gather3A_710 : vector<16xf32>
      %add3A_712 = arith.addf %add3A_702, %mul3A_711 : vector<16xf32>
      %mul3A_713 = arith.constant 128 : i32
      %mul3A_714 = arith.muli %scan3A_39, %mul3A_713 : i32
      %add3A_715 = arith.constant 0 : i32
      %add3A_716 = arith.addi %mul3A_714, %add3A_715 : i32
      %swap3A_717 = arith.index_cast %add3A_716 : i32 to index
      %swap3A_718 = tpu.vector_load %arg11[%swap3A_717] {strides = array<i32>} : memref<512xf32, #tpu.memory_space<vmem>>, vector<16xf32>,
      tpu.vector_store %arg11[%swap3A_717], %add3A_712 {strides = array<i32>} : memref<512xf32, #tpu.memory_space<vmem>>, vector<16xf32>,
      %add3A_719 = arith.constant 16 : i32
      %add3A_720 = vector.broadcast %add3A_719 : i32 to vector<16xi32>
      %add3A_721 = arith.addi %add3A_720, %iota3A : vector<16xi32>
      %get3A_722 = arith.constant 0 : i32
      %get3A_723 = arith.index_cast %get3A_722 : i32 to index
      %get3A_724 = arith.index_cast %scan3A_39 : i32 to index
      %get3A_725 = arith.constant 16 : index
      %get3A_726 = tpu.vector_load %arg6[%get3A_723, %get3A_724, %get3A_725] {strides = array<i32>} : memref<2x4x128xi32, #tpu.memory_space<vmem>>, vector<16xi32>,
      %shift_right_arithmetic3A_727 = arith.constant 13 : i32
      %shift_right_arithmetic3A_728 = vector.broadcast %shift_right_arithmetic3A_727 : i32 to vector<16xi32>
      %shift_right_arithmetic3A_729 = arith.shrsi %get3A_726, %shift_right_arithmetic3A_728 : vector<16xi32>
      %and3A_730 = arith.constant 3 : i32
      %and3A_731 = vector.broadcast %and3A_730 : i32 to vector<16xi32>
      %and3A_732 = arith.andi %shift_right_arithmetic3A_729, %and3A_731 : vector<16xi32>
      %mul3A_733 = arith.constant 32 : i32
      %mul3A_734 = vector.broadcast %mul3A_733 : i32 to vector<16xi32>
      %mul3A_735 = arith.muli %and3A_732, %mul3A_734 : vector<16xi32>
      %get3A_736 = arith.constant 1 : i32
      %get3A_737 = arith.index_cast %get3A_736 : i32 to index
      %get3A_738 = arith.index_cast %scan3A_39 : i32 to index
      %get3A_739 = arith.constant 16 : index
      %get3A_740 = tpu.vector_load %arg6[%get3A_737, %get3A_738, %get3A_739] {strides = array<i32>} : memref<2x4x128xi32, #tpu.memory_space<vmem>>, vector<16xi32>,
      %shift_right_arithmetic3A_741 = arith.constant 13 : i32
      %shift_right_arithmetic3A_742 = vector.broadcast %shift_right_arithmetic3A_741 : i32 to vector<16xi32>
      %shift_right_arithmetic3A_743 = arith.shrsi %get3A_740, %shift_right_arithmetic3A_742 : vector<16xi32>
      %and3A_744 = arith.constant 3 : i32
      %and3A_745 = vector.broadcast %and3A_744 : i32 to vector<16xi32>
      %and3A_746 = arith.andi %shift_right_arithmetic3A_743, %and3A_745 : vector<16xi32>
      %mul3A_747 = arith.constant 32 : i32
      %mul3A_748 = vector.broadcast %mul3A_747 : i32 to vector<16xi32>
      %mul3A_749 = arith.muli %and3A_746, %mul3A_748 : vector<16xi32>
      %add3A_750 = arith.constant 0 : i32
      %add3A_751 = vector.broadcast %add3A_750 : i32 to vector<16xi32>
      %add3A_752 = arith.addi %mul3A_735, %add3A_751 : vector<16xi32>
      %gather3A_753 = tpu.vector_load_idx %arg9[%add3A_721, %add3A_752] : memref<128x128xf32, #tpu.memory_space<vmem>>[vector<16xi32>, vector<16xi32>], vector<16xf32>,
      %add3A_754 = arith.constant 0 : i32
      %add3A_755 = vector.broadcast %add3A_754 : i32 to vector<16xi32>
      %add3A_756 = arith.addi %mul3A_749, %add3A_755 : vector<16xi32>
      %gather3A_757 = tpu.vector_load_idx %arg10[%add3A_721, %add3A_756] : memref<128x128xf32, #tpu.memory_space<vmem>>[vector<16xi32>, vector<16xi32>], vector<16xf32>,
      %mul3A_758 = arith.mulf %gather3A_753, %gather3A_757 : vector<16xf32>
      %add3A_759 = arith.constant 1 : i32
      %add3A_760 = vector.broadcast %add3A_759 : i32 to vector<16xi32>
      %add3A_761 = arith.addi %mul3A_735, %add3A_760 : vector<16xi32>
      %gather3A_762 = tpu.vector_load_idx %arg9[%add3A_721, %add3A_761] : memref<128x128xf32, #tpu.memory_space<vmem>>[vector<16xi32>, vector<16xi32>], vector<16xf32>,
      %add3A_763 = arith.constant 1 : i32
      %add3A_764 = vector.broadcast %add3A_763 : i32 to vector<16xi32>
      %add3A_765 = arith.addi %mul3A_749, %add3A_764 : vector<16xi32>
      %gather3A_766 = tpu.vector_load_idx %arg10[%add3A_721, %add3A_765] : memref<128x128xf32, #tpu.memory_space<vmem>>[vector<16xi32>, vector<16xi32>], vector<16xf32>,
      %mul3A_767 = arith.mulf %gather3A_762, %gather3A_766 : vector<16xf32>
      %add3A_768 = arith.addf %mul3A_758, %mul3A_767 : vector<16xf32>
      %add3A_769 = arith.constant 2 : i32
      %add3A_770 = vector.broadcast %add3A_769 : i32 to vector<16xi32>
      %add3A_771 = arith.addi %mul3A_735, %add3A_770 : vector<16xi32>
      %gather3A_772 = tpu.vector_load_idx %arg9[%add3A_721, %add3A_771] : memref<128x128xf32, #tpu.memory_space<vmem>>[vector<16xi32>, vector<16xi32>], vector<16xf32>,
      %add3A_773 = arith.constant 2 : i32
      %add3A_774 = vector.broadcast %add3A_773 : i32 to vector<16xi32>
      %add3A_775 = arith.addi %mul3A_749, %add3A_774 : vector<16xi32>
      %gather3A_776 = tpu.vector_load_idx %arg10[%add3A_721, %add3A_775] : memref<128x128xf32, #tpu.memory_space<vmem>>[vector<16xi32>, vector<16xi32>], vector<16xf32>,
      %mul3A_777 = arith.mulf %gather3A_772, %gather3A_776 : vector<16xf32>
      %add3A_778 = arith.addf %add3A_768, %mul3A_777 : vector<16xf32>
      %add3A_779 = arith.constant 3 : i32
      %add3A_780 = vector.broadcast %add3A_779 : i32 to vector<16xi32>
      %add3A_781 = arith.addi %mul3A_735, %add3A_780 : vector<16xi32>
      %gather3A_782 = tpu.vector_load_idx %arg9[%add3A_721, %add3A_781] : memref<128x128xf32, #tpu.memory_space<vmem>>[vector<16xi32>, vector<16xi32>], vector<16xf32>,
      %add3A_783 = arith.constant 3 : i32
      %add3A_784 = vector.broadcast %add3A_783 : i32 to vector<16xi32>
      %add3A_785 = arith.addi %mul3A_749, %add3A_784 : vector<16xi32>
      %gather3A_786 = tpu.vector_load_idx %arg10[%add3A_721, %add3A_785] : memref<128x128xf32, #tpu.memory_space<vmem>>[vector<16xi32>, vector<16xi32>], vector<16xf32>,
      %mul3A_787 = arith.mulf %gather3A_782, %gather3A_786 : vector<16xf32>
      %add3A_788 = arith.addf %add3A_778, %mul3A_787 : vector<16xf32>
      %add3A_789 = arith.constant 4 : i32
      %add3A_790 = vector.broadcast %add3A_789 : i32 to vector<16xi32>
      %add3A_791 = arith.addi %mul3A_735, %add3A_790 : vector<16xi32>
      %gather3A_792 = tpu.vector_load_idx %arg9[%add3A_721, %add3A_791] : memref<128x128xf32, #tpu.memory_space<vmem>>[vector<16xi32>, vector<16xi32>], vector<16xf32>,
      %add3A_793 = arith.constant 4 : i32
      %add3A_794 = vector.broadcast %add3A_793 : i32 to vector<16xi32>
      %add3A_795 = arith.addi %mul3A_749, %add3A_794 : vector<16xi32>
      %gather3A_796 = tpu.vector_load_idx %arg10[%add3A_721, %add3A_795] : memref<128x128xf32, #tpu.memory_space<vmem>>[vector<16xi32>, vector<16xi32>], vector<16xf32>,
      %mul3A_797 = arith.mulf %gather3A_792, %gather3A_796 : vector<16xf32>
      %add3A_798 = arith.addf %add3A_788, %mul3A_797 : vector<16xf32>
      %add3A_799 = arith.constant 5 : i32
      %add3A_800 = vector.broadcast %add3A_799 : i32 to vector<16xi32>
      %add3A_801 = arith.addi %mul3A_735, %add3A_800 : vector<16xi32>
      %gather3A_802 = tpu.vector_load_idx %arg9[%add3A_721, %add3A_801] : memref<128x128xf32, #tpu.memory_space<vmem>>[vector<16xi32>, vector<16xi32>], vector<16xf32>,
      %add3A_803 = arith.constant 5 : i32
      %add3A_804 = vector.broadcast %add3A_803 : i32 to vector<16xi32>
      %add3A_805 = arith.addi %mul3A_749, %add3A_804 : vector<16xi32>
      %gather3A_806 = tpu.vector_load_idx %arg10[%add3A_721, %add3A_805] : memref<128x128xf32, #tpu.memory_space<vmem>>[vector<16xi32>, vector<16xi32>], vector<16xf32>,
      %mul3A_807 = arith.mulf %gather3A_802, %gather3A_806 : vector<16xf32>
      %add3A_808 = arith.addf %add3A_798, %mul3A_807 : vector<16xf32>
      %add3A_809 = arith.constant 6 : i32
      %add3A_810 = vector.broadcast %add3A_809 : i32 to vector<16xi32>
      %add3A_811 = arith.addi %mul3A_735, %add3A_810 : vector<16xi32>
      %gather3A_812 = tpu.vector_load_idx %arg9[%add3A_721, %add3A_811] : memref<128x128xf32, #tpu.memory_space<vmem>>[vector<16xi32>, vector<16xi32>], vector<16xf32>,
      %add3A_813 = arith.constant 6 : i32
      %add3A_814 = vector.broadcast %add3A_813 : i32 to vector<16xi32>
      %add3A_815 = arith.addi %mul3A_749, %add3A_814 : vector<16xi32>
      %gather3A_816 = tpu.vector_load_idx %arg10[%add3A_721, %add3A_815] : memref<128x128xf32, #tpu.memory_space<vmem>>[vector<16xi32>, vector<16xi32>], vector<16xf32>,
      %mul3A_817 = arith.mulf %gather3A_812, %gather3A_816 : vector<16xf32>
      %add3A_818 = arith.addf %add3A_808, %mul3A_817 : vector<16xf32>
      %add3A_819 = arith.constant 7 : i32
      %add3A_820 = vector.broadcast %add3A_819 : i32 to vector<16xi32>
      %add3A_821 = arith.addi %mul3A_735, %add3A_820 : vector<16xi32>
      %gather3A_822 = tpu.vector_load_idx %arg9[%add3A_721, %add3A_821] : memref<128x128xf32, #tpu.memory_space<vmem>>[vector<16xi32>, vector<16xi32>], vector<16xf32>,
      %add3A_823 = arith.constant 7 : i32
      %add3A_824 = vector.broadcast %add3A_823 : i32 to vector<16xi32>
      %add3A_825 = arith.addi %mul3A_749, %add3A_824 : vector<16xi32>
      %gather3A_826 = tpu.vector_load_idx %arg10[%add3A_721, %add3A_825] : memref<128x128xf32, #tpu.memory_space<vmem>>[vector<16xi32>, vector<16xi32>], vector<16xf32>,
      %mul3A_827 = arith.mulf %gather3A_822, %gather3A_826 : vector<16xf32>
      %add3A_828 = arith.addf %add3A_818, %mul3A_827 : vector<16xf32>
      %add3A_829 = arith.constant 8 : i32
      %add3A_830 = vector.broadcast %add3A_829 : i32 to vector<16xi32>
      %add3A_831 = arith.addi %mul3A_735, %add3A_830 : vector<16xi32>
      %gather3A_832 = tpu.vector_load_idx %arg9[%add3A_721, %add3A_831] : memref<128x128xf32, #tpu.memory_space<vmem>>[vector<16xi32>, vector<16xi32>], vector<16xf32>,
      %add3A_833 = arith.constant 8 : i32
      %add3A_834 = vector.broadcast %add3A_833 : i32 to vector<16xi32>
      %add3A_835 = arith.addi %mul3A_749, %add3A_834 : vector<16xi32>
      %gather3A_836 = tpu.vector_load_idx %arg10[%add3A_721, %add3A_835] : memref<128x128xf32, #tpu.memory_space<vmem>>[vector<16xi32>, vector<16xi32>], vector<16xf32>,
      %mul3A_837 = arith.mulf %gather3A_832, %gather3A_836 : vector<16xf32>
      %add3A_838 = arith.addf %add3A_828, %mul3A_837 : vector<16xf32>
      %add3A_839 = arith.constant 9 : i32
      %add3A_840 = vector.broadcast %add3A_839 : i32 to vector<16xi32>
      %add3A_841 = arith.addi %mul3A_735, %add3A_840 : vector<16xi32>
      %gather3A_842 = tpu.vector_load_idx %arg9[%add3A_721, %add3A_841] : memref<128x128xf32, #tpu.memory_space<vmem>>[vector<16xi32>, vector<16xi32>], vector<16xf32>,
      %add3A_843 = arith.constant 9 : i32
      %add3A_844 = vector.broadcast %add3A_843 : i32 to vector<16xi32>
      %add3A_845 = arith.addi %mul3A_749, %add3A_844 : vector<16xi32>
      %gather3A_846 = tpu.vector_load_idx %arg10[%add3A_721, %add3A_845] : memref<128x128xf32, #tpu.memory_space<vmem>>[vector<16xi32>, vector<16xi32>], vector<16xf32>,
      %mul3A_847 = arith.mulf %gather3A_842, %gather3A_846 : vector<16xf32>
      %add3A_848 = arith.addf %add3A_838, %mul3A_847 : vector<16xf32>
      %add3A_849 = arith.constant 10 : i32
      %add3A_850 = vector.broadcast %add3A_849 : i32 to vector<16xi32>
      %add3A_851 = arith.addi %mul3A_735, %add3A_850 : vector<16xi32>
      %gather3A_852 = tpu.vector_load_idx %arg9[%add3A_721, %add3A_851] : memref<128x128xf32, #tpu.memory_space<vmem>>[vector<16xi32>, vector<16xi32>], vector<16xf32>,
      %add3A_853 = arith.constant 10 : i32
      %add3A_854 = vector.broadcast %add3A_853 : i32 to vector<16xi32>
      %add3A_855 = arith.addi %mul3A_749, %add3A_854 : vector<16xi32>
      %gather3A_856 = tpu.vector_load_idx %arg10[%add3A_721, %add3A_855] : memref<128x128xf32, #tpu.memory_space<vmem>>[vector<16xi32>, vector<16xi32>], vector<16xf32>,
      %mul3A_857 = arith.mulf %gather3A_852, %gather3A_856 : vector<16xf32>
      %add3A_858 = arith.addf %add3A_848, %mul3A_857 : vector<16xf32>
      %add3A_859 = arith.constant 11 : i32
      %add3A_860 = vector.broadcast %add3A_859 : i32 to vector<16xi32>
      %add3A_861 = arith.addi %mul3A_735, %add3A_860 : vector<16xi32>
      %gather3A_862 = tpu.vector_load_idx %arg9[%add3A_721, %add3A_861] : memref<128x128xf32, #tpu.memory_space<vmem>>[vector<16xi32>, vector<16xi32>], vector<16xf32>,
      %add3A_863 = arith.constant 11 : i32
      %add3A_864 = vector.broadcast %add3A_863 : i32 to vector<16xi32>
      %add3A_865 = arith.addi %mul3A_749, %add3A_864 : vector<16xi32>
      %gather3A_866 = tpu.vector_load_idx %arg10[%add3A_721, %add3A_865] : memref<128x128xf32, #tpu.memory_space<vmem>>[vector<16xi32>, vector<16xi32>], vector<16xf32>,
      %mul3A_867 = arith.mulf %gather3A_862, %gather3A_866 : vector<16xf32>
      %add3A_868 = arith.addf %add3A_858, %mul3A_867 : vector<16xf32>
      %add3A_869 = arith.constant 12 : i32
      %add3A_870 = vector.broadcast %add3A_869 : i32 to vector<16xi32>
      %add3A_871 = arith.addi %mul3A_735, %add3A_870 : vector<16xi32>
      %gather3A_872 = tpu.vector_load_idx %arg9[%add3A_721, %add3A_871] : memref<128x128xf32, #tpu.memory_space<vmem>>[vector<16xi32>, vector<16xi32>], vector<16xf32>,
      %add3A_873 = arith.constant 12 : i32
      %add3A_874 = vector.broadcast %add3A_873 : i32 to vector<16xi32>
      %add3A_875 = arith.addi %mul3A_749, %add3A_874 : vector<16xi32>
      %gather3A_876 = tpu.vector_load_idx %arg10[%add3A_721, %add3A_875] : memref<128x128xf32, #tpu.memory_space<vmem>>[vector<16xi32>, vector<16xi32>], vector<16xf32>,
      %mul3A_877 = arith.mulf %gather3A_872, %gather3A_876 : vector<16xf32>
      %add3A_878 = arith.addf %add3A_868, %mul3A_877 : vector<16xf32>
      %add3A_879 = arith.constant 13 : i32
      %add3A_880 = vector.broadcast %add3A_879 : i32 to vector<16xi32>
      %add3A_881 = arith.addi %mul3A_735, %add3A_880 : vector<16xi32>
      %gather3A_882 = tpu.vector_load_idx %arg9[%add3A_721, %add3A_881] : memref<128x128xf32, #tpu.memory_space<vmem>>[vector<16xi32>, vector<16xi32>], vector<16xf32>,
      %add3A_883 = arith.constant 13 : i32
      %add3A_884 = vector.broadcast %add3A_883 : i32 to vector<16xi32>
      %add3A_885 = arith.addi %mul3A_749, %add3A_884 : vector<16xi32>
      %gather3A_886 = tpu.vector_load_idx %arg10[%add3A_721, %add3A_885] : memref<128x128xf32, #tpu.memory_space<vmem>>[vector<16xi32>, vector<16xi32>], vector<16xf32>,
      %mul3A_887 = arith.mulf %gather3A_882, %gather3A_886 : vector<16xf32>
      %add3A_888 = arith.addf %add3A_878, %mul3A_887 : vector<16xf32>
      %add3A_889 = arith.constant 14 : i32
      %add3A_890 = vector.broadcast %add3A_889 : i32 to vector<16xi32>
      %add3A_891 = arith.addi %mul3A_735, %add3A_890 : vector<16xi32>
      %gather3A_892 = tpu.vector_load_idx %arg9[%add3A_721, %add3A_891] : memref<128x128xf32, #tpu.memory_space<vmem>>[vector<16xi32>, vector<16xi32>], vector<16xf32>,
      %add3A_893 = arith.constant 14 : i32
      %add3A_894 = vector.broadcast %add3A_893 : i32 to vector<16xi32>
      %add3A_895 = arith.addi %mul3A_749, %add3A_894 : vector<16xi32>
      %gather3A_896 = tpu.vector_load_idx %arg10[%add3A_721, %add3A_895] : memref<128x128xf32, #tpu.memory_space<vmem>>[vector<16xi32>, vector<16xi32>], vector<16xf32>,
      %mul3A_897 = arith.mulf %gather3A_892, %gather3A_896 : vector<16xf32>
      %add3A_898 = arith.addf %add3A_888, %mul3A_897 : vector<16xf32>
      %add3A_899 = arith.constant 15 : i32
      %add3A_900 = vector.broadcast %add3A_899 : i32 to vector<16xi32>
      %add3A_901 = arith.addi %mul3A_735, %add3A_900 : vector<16xi32>
      %gather3A_902 = tpu.vector_load_idx %arg9[%add3A_721, %add3A_901] : memref<128x128xf32, #tpu.memory_space<vmem>>[vector<16xi32>, vector<16xi32>], vector<16xf32>,
      %add3A_903 = arith.constant 15 : i32
      %add3A_904 = vector.broadcast %add3A_903 : i32 to vector<16xi32>
      %add3A_905 = arith.addi %mul3A_749, %add3A_904 : vector<16xi32>
      %gather3A_906 = tpu.vector_load_idx %arg10[%add3A_721, %add3A_905] : memref<128x128xf32, #tpu.memory_space<vmem>>[vector<16xi32>, vector<16xi32>], vector<16xf32>,
      %mul3A_907 = arith.mulf %gather3A_902, %gather3A_906 : vector<16xf32>
      %add3A_908 = arith.addf %add3A_898, %mul3A_907 : vector<16xf32>
      %add3A_909 = arith.constant 16 : i32
      %add3A_910 = vector.broadcast %add3A_909 : i32 to vector<16xi32>
      %add3A_911 = arith.addi %mul3A_735, %add3A_910 : vector<16xi32>
      %gather3A_912 = tpu.vector_load_idx %arg9[%add3A_721, %add3A_911] : memref<128x128xf32, #tpu.memory_space<vmem>>[vector<16xi32>, vector<16xi32>], vector<16xf32>,
      %add3A_913 = arith.constant 16 : i32
      %add3A_914 = vector.broadcast %add3A_913 : i32 to vector<16xi32>
      %add3A_915 = arith.addi %mul3A_749, %add3A_914 : vector<16xi32>
      %gather3A_916 = tpu.vector_load_idx %arg10[%add3A_721, %add3A_915] : memref<128x128xf32, #tpu.memory_space<vmem>>[vector<16xi32>, vector<16xi32>], vector<16xf32>,
      %mul3A_917 = arith.mulf %gather3A_912, %gather3A_916 : vector<16xf32>
      %add3A_918 = arith.addf %add3A_908, %mul3A_917 : vector<16xf32>
      %add3A_919 = arith.constant 17 : i32
      %add3A_920 = vector.broadcast %add3A_919 : i32 to vector<16xi32>
      %add3A_921 = arith.addi %mul3A_735, %add3A_920 : vector<16xi32>
      %gather3A_922 = tpu.vector_load_idx %arg9[%add3A_721, %add3A_921] : memref<128x128xf32, #tpu.memory_space<vmem>>[vector<16xi32>, vector<16xi32>], vector<16xf32>,
      %add3A_923 = arith.constant 17 : i32
      %add3A_924 = vector.broadcast %add3A_923 : i32 to vector<16xi32>
      %add3A_925 = arith.addi %mul3A_749, %add3A_924 : vector<16xi32>
      %gather3A_926 = tpu.vector_load_idx %arg10[%add3A_721, %add3A_925] : memref<128x128xf32, #tpu.memory_space<vmem>>[vector<16xi32>, vector<16xi32>], vector<16xf32>,
      %mul3A_927 = arith.mulf %gather3A_922, %gather3A_926 : vector<16xf32>
      %add3A_928 = arith.addf %add3A_918, %mul3A_927 : vector<16xf32>
      %add3A_929 = arith.constant 18 : i32
      %add3A_930 = vector.broadcast %add3A_929 : i32 to vector<16xi32>
      %add3A_931 = arith.addi %mul3A_735, %add3A_930 : vector<16xi32>
      %gather3A_932 = tpu.vector_load_idx %arg9[%add3A_721, %add3A_931] : memref<128x128xf32, #tpu.memory_space<vmem>>[vector<16xi32>, vector<16xi32>], vector<16xf32>,
      %add3A_933 = arith.constant 18 : i32
      %add3A_934 = vector.broadcast %add3A_933 : i32 to vector<16xi32>
      %add3A_935 = arith.addi %mul3A_749, %add3A_934 : vector<16xi32>
      %gather3A_936 = tpu.vector_load_idx %arg10[%add3A_721, %add3A_935] : memref<128x128xf32, #tpu.memory_space<vmem>>[vector<16xi32>, vector<16xi32>], vector<16xf32>,
      %mul3A_937 = arith.mulf %gather3A_932, %gather3A_936 : vector<16xf32>
      %add3A_938 = arith.addf %add3A_928, %mul3A_937 : vector<16xf32>
      %add3A_939 = arith.constant 19 : i32
      %add3A_940 = vector.broadcast %add3A_939 : i32 to vector<16xi32>
      %add3A_941 = arith.addi %mul3A_735, %add3A_940 : vector<16xi32>
      %gather3A_942 = tpu.vector_load_idx %arg9[%add3A_721, %add3A_941] : memref<128x128xf32, #tpu.memory_space<vmem>>[vector<16xi32>, vector<16xi32>], vector<16xf32>,
      %add3A_943 = arith.constant 19 : i32
      %add3A_944 = vector.broadcast %add3A_943 : i32 to vector<16xi32>
      %add3A_945 = arith.addi %mul3A_749, %add3A_944 : vector<16xi32>
      %gather3A_946 = tpu.vector_load_idx %arg10[%add3A_721, %add3A_945] : memref<128x128xf32, #tpu.memory_space<vmem>>[vector<16xi32>, vector<16xi32>], vector<16xf32>,
      %mul3A_947 = arith.mulf %gather3A_942, %gather3A_946 : vector<16xf32>
      %add3A_948 = arith.addf %add3A_938, %mul3A_947 : vector<16xf32>
      %add3A_949 = arith.constant 20 : i32
      %add3A_950 = vector.broadcast %add3A_949 : i32 to vector<16xi32>
      %add3A_951 = arith.addi %mul3A_735, %add3A_950 : vector<16xi32>
      %gather3A_952 = tpu.vector_load_idx %arg9[%add3A_721, %add3A_951] : memref<128x128xf32, #tpu.memory_space<vmem>>[vector<16xi32>, vector<16xi32>], vector<16xf32>,
      %add3A_953 = arith.constant 20 : i32
      %add3A_954 = vector.broadcast %add3A_953 : i32 to vector<16xi32>
      %add3A_955 = arith.addi %mul3A_749, %add3A_954 : vector<16xi32>
      %gather3A_956 = tpu.vector_load_idx %arg10[%add3A_721, %add3A_955] : memref<128x128xf32, #tpu.memory_space<vmem>>[vector<16xi32>, vector<16xi32>], vector<16xf32>,
      %mul3A_957 = arith.mulf %gather3A_952, %gather3A_956 : vector<16xf32>
      %add3A_958 = arith.addf %add3A_948, %mul3A_957 : vector<16xf32>
      %add3A_959 = arith.constant 21 : i32
      %add3A_960 = vector.broadcast %add3A_959 : i32 to vector<16xi32>
      %add3A_961 = arith.addi %mul3A_735, %add3A_960 : vector<16xi32>
      %gather3A_962 = tpu.vector_load_idx %arg9[%add3A_721, %add3A_961] : memref<128x128xf32, #tpu.memory_space<vmem>>[vector<16xi32>, vector<16xi32>], vector<16xf32>,
      %add3A_963 = arith.constant 21 : i32
      %add3A_964 = vector.broadcast %add3A_963 : i32 to vector<16xi32>
      %add3A_965 = arith.addi %mul3A_749, %add3A_964 : vector<16xi32>
      %gather3A_966 = tpu.vector_load_idx %arg10[%add3A_721, %add3A_965] : memref<128x128xf32, #tpu.memory_space<vmem>>[vector<16xi32>, vector<16xi32>], vector<16xf32>,
      %mul3A_967 = arith.mulf %gather3A_962, %gather3A_966 : vector<16xf32>
      %add3A_968 = arith.addf %add3A_958, %mul3A_967 : vector<16xf32>
      %add3A_969 = arith.constant 22 : i32
      %add3A_970 = vector.broadcast %add3A_969 : i32 to vector<16xi32>
      %add3A_971 = arith.addi %mul3A_735, %add3A_970 : vector<16xi32>
      %gather3A_972 = tpu.vector_load_idx %arg9[%add3A_721, %add3A_971] : memref<128x128xf32, #tpu.memory_space<vmem>>[vector<16xi32>, vector<16xi32>], vector<16xf32>,
      %add3A_973 = arith.constant 22 : i32
      %add3A_974 = vector.broadcast %add3A_973 : i32 to vector<16xi32>
      %add3A_975 = arith.addi %mul3A_749, %add3A_974 : vector<16xi32>
      %gather3A_976 = tpu.vector_load_idx %arg10[%add3A_721, %add3A_975] : memref<128x128xf32, #tpu.memory_space<vmem>>[vector<16xi32>, vector<16xi32>], vector<16xf32>,
      %mul3A_977 = arith.mulf %gather3A_972, %gather3A_976 : vector<16xf32>
      %add3A_978 = arith.addf %add3A_968, %mul3A_977 : vector<16xf32>
      %add3A_979 = arith.constant 23 : i32
      %add3A_980 = vector.broadcast %add3A_979 : i32 to vector<16xi32>
      %add3A_981 = arith.addi %mul3A_735, %add3A_980 : vector<16xi32>
      %gather3A_982 = tpu.vector_load_idx %arg9[%add3A_721, %add3A_981] : memref<128x128xf32, #tpu.memory_space<vmem>>[vector<16xi32>, vector<16xi32>], vector<16xf32>,
      %add3A_983 = arith.constant 23 : i32
      %add3A_984 = vector.broadcast %add3A_983 : i32 to vector<16xi32>
      %add3A_985 = arith.addi %mul3A_749, %add3A_984 : vector<16xi32>
      %gather3A_986 = tpu.vector_load_idx %arg10[%add3A_721, %add3A_985] : memref<128x128xf32, #tpu.memory_space<vmem>>[vector<16xi32>, vector<16xi32>], vector<16xf32>,
      %mul3A_987 = arith.mulf %gather3A_982, %gather3A_986 : vector<16xf32>
      %add3A_988 = arith.addf %add3A_978, %mul3A_987 : vector<16xf32>
      %add3A_989 = arith.constant 24 : i32
      %add3A_990 = vector.broadcast %add3A_989 : i32 to vector<16xi32>
      %add3A_991 = arith.addi %mul3A_735, %add3A_990 : vector<16xi32>
      %gather3A_992 = tpu.vector_load_idx %arg9[%add3A_721, %add3A_991] : memref<128x128xf32, #tpu.memory_space<vmem>>[vector<16xi32>, vector<16xi32>], vector<16xf32>,
      %add3A_993 = arith.constant 24 : i32
      %add3A_994 = vector.broadcast %add3A_993 : i32 to vector<16xi32>
      %add3A_995 = arith.addi %mul3A_749, %add3A_994 : vector<16xi32>
      %gather3A_996 = tpu.vector_load_idx %arg10[%add3A_721, %add3A_995] : memref<128x128xf32, #tpu.memory_space<vmem>>[vector<16xi32>, vector<16xi32>], vector<16xf32>,
      %mul3A_997 = arith.mulf %gather3A_992, %gather3A_996 : vector<16xf32>
      %add3A_998 = arith.addf %add3A_988, %mul3A_997 : vector<16xf32>
      %add3A_999 = arith.constant 25 : i32
      %add3A_1000 = vector.broadcast %add3A_999 : i32 to vector<16xi32>
      %add3A_1001 = arith.addi %mul3A_735, %add3A_1000 : vector<16xi32>
      %gather3A_1002 = tpu.vector_load_idx %arg9[%add3A_721, %add3A_1001] : memref<128x128xf32, #tpu.memory_space<vmem>>[vector<16xi32>, vector<16xi32>], vector<16xf32>,
      %add3A_1003 = arith.constant 25 : i32
      %add3A_1004 = vector.broadcast %add3A_1003 : i32 to vector<16xi32>
      %add3A_1005 = arith.addi %mul3A_749, %add3A_1004 : vector<16xi32>
      %gather3A_1006 = tpu.vector_load_idx %arg10[%add3A_721, %add3A_1005] : memref<128x128xf32, #tpu.memory_space<vmem>>[vector<16xi32>, vector<16xi32>], vector<16xf32>,
      %mul3A_1007 = arith.mulf %gather3A_1002, %gather3A_1006 : vector<16xf32>
      %add3A_1008 = arith.addf %add3A_998, %mul3A_1007 : vector<16xf32>
      %add3A_1009 = arith.constant 26 : i32
      %add3A_1010 = vector.broadcast %add3A_1009 : i32 to vector<16xi32>
      %add3A_1011 = arith.addi %mul3A_735, %add3A_1010 : vector<16xi32>
      %gather3A_1012 = tpu.vector_load_idx %arg9[%add3A_721, %add3A_1011] : memref<128x128xf32, #tpu.memory_space<vmem>>[vector<16xi32>, vector<16xi32>], vector<16xf32>,
      %add3A_1013 = arith.constant 26 : i32
      %add3A_1014 = vector.broadcast %add3A_1013 : i32 to vector<16xi32>
      %add3A_1015 = arith.addi %mul3A_749, %add3A_1014 : vector<16xi32>
      %gather3A_1016 = tpu.vector_load_idx %arg10[%add3A_721, %add3A_1015] : memref<128x128xf32, #tpu.memory_space<vmem>>[vector<16xi32>, vector<16xi32>], vector<16xf32>,
      %mul3A_1017 = arith.mulf %gather3A_1012, %gather3A_1016 : vector<16xf32>
      %add3A_1018 = arith.addf %add3A_1008, %mul3A_1017 : vector<16xf32>
      %add3A_1019 = arith.constant 27 : i32
      %add3A_1020 = vector.broadcast %add3A_1019 : i32 to vector<16xi32>
      %add3A_1021 = arith.addi %mul3A_735, %add3A_1020 : vector<16xi32>
      %gather3A_1022 = tpu.vector_load_idx %arg9[%add3A_721, %add3A_1021] : memref<128x128xf32, #tpu.memory_space<vmem>>[vector<16xi32>, vector<16xi32>], vector<16xf32>,
      %add3A_1023 = arith.constant 27 : i32
      %add3A_1024 = vector.broadcast %add3A_1023 : i32 to vector<16xi32>
      %add3A_1025 = arith.addi %mul3A_749, %add3A_1024 : vector<16xi32>
      %gather3A_1026 = tpu.vector_load_idx %arg10[%add3A_721, %add3A_1025] : memref<128x128xf32, #tpu.memory_space<vmem>>[vector<16xi32>, vector<16xi32>], vector<16xf32>,
      %mul3A_1027 = arith.mulf %gather3A_1022, %gather3A_1026 : vector<16xf32>
      %add3A_1028 = arith.addf %add3A_1018, %mul3A_1027 : vector<16xf32>
      %add3A_1029 = arith.constant 28 : i32
      %add3A_1030 = vector.broadcast %add3A_1029 : i32 to vector<16xi32>
      %add3A_1031 = arith.addi %mul3A_735, %add3A_1030 : vector<16xi32>
      %gather3A_1032 = tpu.vector_load_idx %arg9[%add3A_721, %add3A_1031] : memref<128x128xf32, #tpu.memory_space<vmem>>[vector<16xi32>, vector<16xi32>], vector<16xf32>,
      %add3A_1033 = arith.constant 28 : i32
      %add3A_1034 = vector.broadcast %add3A_1033 : i32 to vector<16xi32>
      %add3A_1035 = arith.addi %mul3A_749, %add3A_1034 : vector<16xi32>
      %gather3A_1036 = tpu.vector_load_idx %arg10[%add3A_721, %add3A_1035] : memref<128x128xf32, #tpu.memory_space<vmem>>[vector<16xi32>, vector<16xi32>], vector<16xf32>,
      %mul3A_1037 = arith.mulf %gather3A_1032, %gather3A_1036 : vector<16xf32>
      %add3A_1038 = arith.addf %add3A_1028, %mul3A_1037 : vector<16xf32>
      %add3A_1039 = arith.constant 29 : i32
      %add3A_1040 = vector.broadcast %add3A_1039 : i32 to vector<16xi32>
      %add3A_1041 = arith.addi %mul3A_735, %add3A_1040 : vector<16xi32>
      %gather3A_1042 = tpu.vector_load_idx %arg9[%add3A_721, %add3A_1041] : memref<128x128xf32, #tpu.memory_space<vmem>>[vector<16xi32>, vector<16xi32>], vector<16xf32>,
      %add3A_1043 = arith.constant 29 : i32
      %add3A_1044 = vector.broadcast %add3A_1043 : i32 to vector<16xi32>
      %add3A_1045 = arith.addi %mul3A_749, %add3A_1044 : vector<16xi32>
      %gather3A_1046 = tpu.vector_load_idx %arg10[%add3A_721, %add3A_1045] : memref<128x128xf32, #tpu.memory_space<vmem>>[vector<16xi32>, vector<16xi32>], vector<16xf32>,
      %mul3A_1047 = arith.mulf %gather3A_1042, %gather3A_1046 : vector<16xf32>
      %add3A_1048 = arith.addf %add3A_1038, %mul3A_1047 : vector<16xf32>
      %add3A_1049 = arith.constant 30 : i32
      %add3A_1050 = vector.broadcast %add3A_1049 : i32 to vector<16xi32>
      %add3A_1051 = arith.addi %mul3A_735, %add3A_1050 : vector<16xi32>
      %gather3A_1052 = tpu.vector_load_idx %arg9[%add3A_721, %add3A_1051] : memref<128x128xf32, #tpu.memory_space<vmem>>[vector<16xi32>, vector<16xi32>], vector<16xf32>,
      %add3A_1053 = arith.constant 30 : i32
      %add3A_1054 = vector.broadcast %add3A_1053 : i32 to vector<16xi32>
      %add3A_1055 = arith.addi %mul3A_749, %add3A_1054 : vector<16xi32>
      %gather3A_1056 = tpu.vector_load_idx %arg10[%add3A_721, %add3A_1055] : memref<128x128xf32, #tpu.memory_space<vmem>>[vector<16xi32>, vector<16xi32>], vector<16xf32>,
      %mul3A_1057 = arith.mulf %gather3A_1052, %gather3A_1056 : vector<16xf32>
      %add3A_1058 = arith.addf %add3A_1048, %mul3A_1057 : vector<16xf32>
      %add3A_1059 = arith.constant 31 : i32
      %add3A_1060 = vector.broadcast %add3A_1059 : i32 to vector<16xi32>
      %add3A_1061 = arith.addi %mul3A_735, %add3A_1060 : vector<16xi32>
      %gather3A_1062 = tpu.vector_load_idx %arg9[%add3A_721, %add3A_1061] : memref<128x128xf32, #tpu.memory_space<vmem>>[vector<16xi32>, vector<16xi32>], vector<16xf32>,
      %add3A_1063 = arith.constant 31 : i32
      %add3A_1064 = vector.broadcast %add3A_1063 : i32 to vector<16xi32>
      %add3A_1065 = arith.addi %mul3A_749, %add3A_1064 : vector<16xi32>
      %gather3A_1066 = tpu.vector_load_idx %arg10[%add3A_721, %add3A_1065] : memref<128x128xf32, #tpu.memory_space<vmem>>[vector<16xi32>, vector<16xi32>], vector<16xf32>,
      %mul3A_1067 = arith.mulf %gather3A_1062, %gather3A_1066 : vector<16xf32>
      %add3A_1068 = arith.addf %add3A_1058, %mul3A_1067 : vector<16xf32>
      %mul3A_1069 = arith.constant 128 : i32
      %mul3A_1070 = arith.muli %scan3A_39, %mul3A_1069 : i32
      %add3A_1071 = arith.constant 16 : i32
      %add3A_1072 = arith.addi %mul3A_1070, %add3A_1071 : i32
      %swap3A_1073 = arith.index_cast %add3A_1072 : i32 to index
      %swap3A_1074 = tpu.vector_load %arg11[%swap3A_1073] {strides = array<i32>} : memref<512xf32, #tpu.memory_space<vmem>>, vector<16xf32>,
      tpu.vector_store %arg11[%swap3A_1073], %add3A_1068 {strides = array<i32>} : memref<512xf32, #tpu.memory_space<vmem>>, vector<16xf32>,
      %add3A_1075 = arith.constant 32 : i32
      %add3A_1076 = vector.broadcast %add3A_1075 : i32 to vector<16xi32>
      %add3A_1077 = arith.addi %add3A_1076, %iota3A : vector<16xi32>
      %get3A_1078 = arith.constant 0 : i32
      %get3A_1079 = arith.index_cast %get3A_1078 : i32 to index
      %get3A_1080 = arith.index_cast %scan3A_39 : i32 to index
      %get3A_1081 = arith.constant 32 : index
      %get3A_1082 = tpu.vector_load %arg6[%get3A_1079, %get3A_1080, %get3A_1081] {strides = array<i32>} : memref<2x4x128xi32, #tpu.memory_space<vmem>>, vector<16xi32>,
      %shift_right_arithmetic3A_1083 = arith.constant 13 : i32
      %shift_right_arithmetic3A_1084 = vector.broadcast %shift_right_arithmetic3A_1083 : i32 to vector<16xi32>
      %shift_right_arithmetic3A_1085 = arith.shrsi %get3A_1082, %shift_right_arithmetic3A_1084 : vector<16xi32>
      %and3A_1086 = arith.constant 3 : i32
      %and3A_1087 = vector.broadcast %and3A_1086 : i32 to vector<16xi32>
      %and3A_1088 = arith.andi %shift_right_arithmetic3A_1085, %and3A_1087 : vector<16xi32>
      %mul3A_1089 = arith.constant 32 : i32
      %mul3A_1090 = vector.broadcast %mul3A_1089 : i32 to vector<16xi32>
      %mul3A_1091 = arith.muli %and3A_1088, %mul3A_1090 : vector<16xi32>
      %get3A_1092 = arith.constant 1 : i32
      %get3A_1093 = arith.index_cast %get3A_1092 : i32 to index
      %get3A_1094 = arith.index_cast %scan3A_39 : i32 to index
      %get3A_1095 = arith.constant 32 : index
      %get3A_1096 = tpu.vector_load %arg6[%get3A_1093, %get3A_1094, %get3A_1095] {strides = array<i32>} : memref<2x4x128xi32, #tpu.memory_space<vmem>>, vector<16xi32>,
      %shift_right_arithmetic3A_1097 = arith.constant 13 : i32
      %shift_right_arithmetic3A_1098 = vector.broadcast %shift_right_arithmetic3A_1097 : i32 to vector<16xi32>
      %shift_right_arithmetic3A_1099 = arith.shrsi %get3A_1096, %shift_right_arithmetic3A_1098 : vector<16xi32>
      %and3A_1100 = arith.constant 3 : i32
      %and3A_1101 = vector.broadcast %and3A_1100 : i32 to vector<16xi32>
      %and3A_1102 = arith.andi %shift_right_arithmetic3A_1099, %and3A_1101 : vector<16xi32>
      %mul3A_1103 = arith.constant 32 : i32
      %mul3A_1104 = vector.broadcast %mul3A_1103 : i32 to vector<16xi32>
      %mul3A_1105 = arith.muli %and3A_1102, %mul3A_1104 : vector<16xi32>
      %add3A_1106 = arith.constant 0 : i32
      %add3A_1107 = vector.broadcast %add3A_1106 : i32 to vector<16xi32>
      %add3A_1108 = arith.addi %mul3A_1091, %add3A_1107 : vector<16xi32>
      %gather3A_1109 = tpu.vector_load_idx %arg9[%add3A_1077, %add3A_1108] : memref<128x128xf32, #tpu.memory_space<vmem>>[vector<16xi32>, vector<16xi32>], vector<16xf32>,
      %add3A_1110 = arith.constant 0 : i32
      %add3A_1111 = vector.broadcast %add3A_1110 : i32 to vector<16xi32>
      %add3A_1112 = arith.addi %mul3A_1105, %add3A_1111 : vector<16xi32>
      %gather3A_1113 = tpu.vector_load_idx %arg10[%add3A_1077, %add3A_1112] : memref<128x128xf32, #tpu.memory_space<vmem>>[vector<16xi32>, vector<16xi32>], vector<16xf32>,
      %mul3A_1114 = arith.mulf %gather3A_1109, %gather3A_1113 : vector<16xf32>
      %add3A_1115 = arith.constant 1 : i32
      %add3A_1116 = vector.broadcast %add3A_1115 : i32 to vector<16xi32>
      %add3A_1117 = arith.addi %mul3A_1091, %add3A_1116 : vector<16xi32>
      %gather3A_1118 = tpu.vector_load_idx %arg9[%add3A_1077, %add3A_1117] : memref<128x128xf32, #tpu.memory_space<vmem>>[vector<16xi32>, vector<16xi32>], vector<16xf32>,
      %add3A_1119 = arith.constant 1 : i32
      %add3A_1120 = vector.broadcast %add3A_1119 : i32 to vector<16xi32>
      %add3A_1121 = arith.addi %mul3A_1105, %add3A_1120 : vector<16xi32>
      %gather3A_1122 = tpu.vector_load_idx %arg10[%add3A_1077, %add3A_1121] : memref<128x128xf32, #tpu.memory_space<vmem>>[vector<16xi32>, vector<16xi32>], vector<16xf32>,
      %mul3A_1123 = arith.mulf %gather3A_1118, %gather3A_1122 : vector<16xf32>
      %add3A_1124 = arith.addf %mul3A_1114, %mul3A_1123 : vector<16xf32>
      %add3A_1125 = arith.constant 2 : i32
      %add3A_1126 = vector.broadcast %add3A_1125 : i32 to vector<16xi32>
      %add3A_1127 = arith.addi %mul3A_1091, %add3A_1126 : vector<16xi32>
      %gather3A_1128 = tpu.vector_load_idx %arg9[%add3A_1077, %add3A_1127] : memref<128x128xf32, #tpu.memory_space<vmem>>[vector<16xi32>, vector<16xi32>], vector<16xf32>,
      %add3A_1129 = arith.constant 2 : i32
      %add3A_1130 = vector.broadcast %add3A_1129 : i32 to vector<16xi32>
      %add3A_1131 = arith.addi %mul3A_1105, %add3A_1130 : vector<16xi32>
      %gather3A_1132 = tpu.vector_load_idx %arg10[%add3A_1077, %add3A_1131] : memref<128x128xf32, #tpu.memory_space<vmem>>[vector<16xi32>, vector<16xi32>], vector<16xf32>,
      %mul3A_1133 = arith.mulf %gather3A_1128, %gather3A_1132 : vector<16xf32>
      %add3A_1134 = arith.addf %add3A_1124, %mul3A_1133 : vector<16xf32>
      %add3A_1135 = arith.constant 3 : i32
      %add3A_1136 = vector.broadcast %add3A_1135 : i32 to vector<16xi32>
      %add3A_1137 = arith.addi %mul3A_1091, %add3A_1136 : vector<16xi32>
      %gather3A_1138 = tpu.vector_load_idx %arg9[%add3A_1077, %add3A_1137] : memref<128x128xf32, #tpu.memory_space<vmem>>[vector<16xi32>, vector<16xi32>], vector<16xf32>,
      %add3A_1139 = arith.constant 3 : i32
      %add3A_1140 = vector.broadcast %add3A_1139 : i32 to vector<16xi32>
      %add3A_1141 = arith.addi %mul3A_1105, %add3A_1140 : vector<16xi32>
      %gather3A_1142 = tpu.vector_load_idx %arg10[%add3A_1077, %add3A_1141] : memref<128x128xf32, #tpu.memory_space<vmem>>[vector<16xi32>, vector<16xi32>], vector<16xf32>,
      %mul3A_1143 = arith.mulf %gather3A_1138, %gather3A_1142 : vector<16xf32>
      %add3A_1144 = arith.addf %add3A_1134, %mul3A_1143 : vector<16xf32>
      %add3A_1145 = arith.constant 4 : i32
      %add3A_1146 = vector.broadcast %add3A_1145 : i32 to vector<16xi32>
      %add3A_1147 = arith.addi %mul3A_1091, %add3A_1146 : vector<16xi32>
      %gather3A_1148 = tpu.vector_load_idx %arg9[%add3A_1077, %add3A_1147] : memref<128x128xf32, #tpu.memory_space<vmem>>[vector<16xi32>, vector<16xi32>], vector<16xf32>,
      %add3A_1149 = arith.constant 4 : i32
      %add3A_1150 = vector.broadcast %add3A_1149 : i32 to vector<16xi32>
      %add3A_1151 = arith.addi %mul3A_1105, %add3A_1150 : vector<16xi32>
      %gather3A_1152 = tpu.vector_load_idx %arg10[%add3A_1077, %add3A_1151] : memref<128x128xf32, #tpu.memory_space<vmem>>[vector<16xi32>, vector<16xi32>], vector<16xf32>,
      %mul3A_1153 = arith.mulf %gather3A_1148, %gather3A_1152 : vector<16xf32>
      %add3A_1154 = arith.addf %add3A_1144, %mul3A_1153 : vector<16xf32>
      %add3A_1155 = arith.constant 5 : i32
      %add3A_1156 = vector.broadcast %add3A_1155 : i32 to vector<16xi32>
      %add3A_1157 = arith.addi %mul3A_1091, %add3A_1156 : vector<16xi32>
      %gather3A_1158 = tpu.vector_load_idx %arg9[%add3A_1077, %add3A_1157] : memref<128x128xf32, #tpu.memory_space<vmem>>[vector<16xi32>, vector<16xi32>], vector<16xf32>,
      %add3A_1159 = arith.constant 5 : i32
      %add3A_1160 = vector.broadcast %add3A_1159 : i32 to vector<16xi32>
      %add3A_1161 = arith.addi %mul3A_1105, %add3A_1160 : vector<16xi32>
      %gather3A_1162 = tpu.vector_load_idx %arg10[%add3A_1077, %add3A_1161] : memref<128x128xf32, #tpu.memory_space<vmem>>[vector<16xi32>, vector<16xi32>], vector<16xf32>,
      %mul3A_1163 = arith.mulf %gather3A_1158, %gather3A_1162 : vector<16xf32>
      %add3A_1164 = arith.addf %add3A_1154, %mul3A_1163 : vector<16xf32>
      %add3A_1165 = arith.constant 6 : i32
      %add3A_1166 = vector.broadcast %add3A_1165 : i32 to vector<16xi32>
      %add3A_1167 = arith.addi %mul3A_1091, %add3A_1166 : vector<16xi32>
      %gather3A_1168 = tpu.vector_load_idx %arg9[%add3A_1077, %add3A_1167] : memref<128x128xf32, #tpu.memory_space<vmem>>[vector<16xi32>, vector<16xi32>], vector<16xf32>,
      %add3A_1169 = arith.constant 6 : i32
      %add3A_1170 = vector.broadcast %add3A_1169 : i32 to vector<16xi32>
      %add3A_1171 = arith.addi %mul3A_1105, %add3A_1170 : vector<16xi32>
      %gather3A_1172 = tpu.vector_load_idx %arg10[%add3A_1077, %add3A_1171] : memref<128x128xf32, #tpu.memory_space<vmem>>[vector<16xi32>, vector<16xi32>], vector<16xf32>,
      %mul3A_1173 = arith.mulf %gather3A_1168, %gather3A_1172 : vector<16xf32>
      %add3A_1174 = arith.addf %add3A_1164, %mul3A_1173 : vector<16xf32>
      %add3A_1175 = arith.constant 7 : i32
      %add3A_1176 = vector.broadcast %add3A_1175 : i32 to vector<16xi32>
      %add3A_1177 = arith.addi %mul3A_1091, %add3A_1176 : vector<16xi32>
      %gather3A_1178 = tpu.vector_load_idx %arg9[%add3A_1077, %add3A_1177] : memref<128x128xf32, #tpu.memory_space<vmem>>[vector<16xi32>, vector<16xi32>], vector<16xf32>,
      %add3A_1179 = arith.constant 7 : i32
      %add3A_1180 = vector.broadcast %add3A_1179 : i32 to vector<16xi32>
      %add3A_1181 = arith.addi %mul3A_1105, %add3A_1180 : vector<16xi32>
      %gather3A_1182 = tpu.vector_load_idx %arg10[%add3A_1077, %add3A_1181] : memref<128x128xf32, #tpu.memory_space<vmem>>[vector<16xi32>, vector<16xi32>], vector<16xf32>,
      %mul3A_1183 = arith.mulf %gather3A_1178, %gather3A_1182 : vector<16xf32>
      %add3A_1184 = arith.addf %add3A_1174, %mul3A_1183 : vector<16xf32>
      %add3A_1185 = arith.constant 8 : i32
      %add3A_1186 = vector.broadcast %add3A_1185 : i32 to vector<16xi32>
      %add3A_1187 = arith.addi %mul3A_1091, %add3A_1186 : vector<16xi32>
      %gather3A_1188 = tpu.vector_load_idx %arg9[%add3A_1077, %add3A_1187] : memref<128x128xf32, #tpu.memory_space<vmem>>[vector<16xi32>, vector<16xi32>], vector<16xf32>,
      %add3A_1189 = arith.constant 8 : i32
      %add3A_1190 = vector.broadcast %add3A_1189 : i32 to vector<16xi32>
      %add3A_1191 = arith.addi %mul3A_1105, %add3A_1190 : vector<16xi32>
      %gather3A_1192 = tpu.vector_load_idx %arg10[%add3A_1077, %add3A_1191] : memref<128x128xf32, #tpu.memory_space<vmem>>[vector<16xi32>, vector<16xi32>], vector<16xf32>,
      %mul3A_1193 = arith.mulf %gather3A_1188, %gather3A_1192 : vector<16xf32>
      %add3A_1194 = arith.addf %add3A_1184, %mul3A_1193 : vector<16xf32>
      %add3A_1195 = arith.constant 9 : i32
      %add3A_1196 = vector.broadcast %add3A_1195 : i32 to vector<16xi32>
      %add3A_1197 = arith.addi %mul3A_1091, %add3A_1196 : vector<16xi32>
      %gather3A_1198 = tpu.vector_load_idx %arg9[%add3A_1077, %add3A_1197] : memref<128x128xf32, #tpu.memory_space<vmem>>[vector<16xi32>, vector<16xi32>], vector<16xf32>,
      %add3A_1199 = arith.constant 9 : i32
      %add3A_1200 = vector.broadcast %add3A_1199 : i32 to vector<16xi32>
      %add3A_1201 = arith.addi %mul3A_1105, %add3A_1200 : vector<16xi32>
      %gather3A_1202 = tpu.vector_load_idx %arg10[%add3A_1077, %add3A_1201] : memref<128x128xf32, #tpu.memory_space<vmem>>[vector<16xi32>, vector<16xi32>], vector<16xf32>,
      %mul3A_1203 = arith.mulf %gather3A_1198, %gather3A_1202 : vector<16xf32>
      %add3A_1204 = arith.addf %add3A_1194, %mul3A_1203 : vector<16xf32>
      %add3A_1205 = arith.constant 10 : i32
      %add3A_1206 = vector.broadcast %add3A_1205 : i32 to vector<16xi32>
      %add3A_1207 = arith.addi %mul3A_1091, %add3A_1206 : vector<16xi32>
      %gather3A_1208 = tpu.vector_load_idx %arg9[%add3A_1077, %add3A_1207] : memref<128x128xf32, #tpu.memory_space<vmem>>[vector<16xi32>, vector<16xi32>], vector<16xf32>,
      %add3A_1209 = arith.constant 10 : i32
      %add3A_1210 = vector.broadcast %add3A_1209 : i32 to vector<16xi32>
      %add3A_1211 = arith.addi %mul3A_1105, %add3A_1210 : vector<16xi32>
      %gather3A_1212 = tpu.vector_load_idx %arg10[%add3A_1077, %add3A_1211] : memref<128x128xf32, #tpu.memory_space<vmem>>[vector<16xi32>, vector<16xi32>], vector<16xf32>,
      %mul3A_1213 = arith.mulf %gather3A_1208, %gather3A_1212 : vector<16xf32>
      %add3A_1214 = arith.addf %add3A_1204, %mul3A_1213 : vector<16xf32>
      %add3A_1215 = arith.constant 11 : i32
      %add3A_1216 = vector.broadcast %add3A_1215 : i32 to vector<16xi32>
      %add3A_1217 = arith.addi %mul3A_1091, %add3A_1216 : vector<16xi32>
      %gather3A_1218 = tpu.vector_load_idx %arg9[%add3A_1077, %add3A_1217] : memref<128x128xf32, #tpu.memory_space<vmem>>[vector<16xi32>, vector<16xi32>], vector<16xf32>,
      %add3A_1219 = arith.constant 11 : i32
      %add3A_1220 = vector.broadcast %add3A_1219 : i32 to vector<16xi32>
      %add3A_1221 = arith.addi %mul3A_1105, %add3A_1220 : vector<16xi32>
      %gather3A_1222 = tpu.vector_load_idx %arg10[%add3A_1077, %add3A_1221] : memref<128x128xf32, #tpu.memory_space<vmem>>[vector<16xi32>, vector<16xi32>], vector<16xf32>,
      %mul3A_1223 = arith.mulf %gather3A_1218, %gather3A_1222 : vector<16xf32>
      %add3A_1224 = arith.addf %add3A_1214, %mul3A_1223 : vector<16xf32>
      %add3A_1225 = arith.constant 12 : i32
      %add3A_1226 = vector.broadcast %add3A_1225 : i32 to vector<16xi32>
      %add3A_1227 = arith.addi %mul3A_1091, %add3A_1226 : vector<16xi32>
      %gather3A_1228 = tpu.vector_load_idx %arg9[%add3A_1077, %add3A_1227] : memref<128x128xf32, #tpu.memory_space<vmem>>[vector<16xi32>, vector<16xi32>], vector<16xf32>,
      %add3A_1229 = arith.constant 12 : i32
      %add3A_1230 = vector.broadcast %add3A_1229 : i32 to vector<16xi32>
      %add3A_1231 = arith.addi %mul3A_1105, %add3A_1230 : vector<16xi32>
      %gather3A_1232 = tpu.vector_load_idx %arg10[%add3A_1077, %add3A_1231] : memref<128x128xf32, #tpu.memory_space<vmem>>[vector<16xi32>, vector<16xi32>], vector<16xf32>,
      %mul3A_1233 = arith.mulf %gather3A_1228, %gather3A_1232 : vector<16xf32>
      %add3A_1234 = arith.addf %add3A_1224, %mul3A_1233 : vector<16xf32>
      %add3A_1235 = arith.constant 13 : i32
      %add3A_1236 = vector.broadcast %add3A_1235 : i32 to vector<16xi32>
      %add3A_1237 = arith.addi %mul3A_1091, %add3A_1236 : vector<16xi32>
      %gather3A_1238 = tpu.vector_load_idx %arg9[%add3A_1077, %add3A_1237] : memref<128x128xf32, #tpu.memory_space<vmem>>[vector<16xi32>, vector<16xi32>], vector<16xf32>,
      %add3A_1239 = arith.constant 13 : i32
      %add3A_1240 = vector.broadcast %add3A_1239 : i32 to vector<16xi32>
      %add3A_1241 = arith.addi %mul3A_1105, %add3A_1240 : vector<16xi32>
      %gather3A_1242 = tpu.vector_load_idx %arg10[%add3A_1077, %add3A_1241] : memref<128x128xf32, #tpu.memory_space<vmem>>[vector<16xi32>, vector<16xi32>], vector<16xf32>,
      %mul3A_1243 = arith.mulf %gather3A_1238, %gather3A_1242 : vector<16xf32>
      %add3A_1244 = arith.addf %add3A_1234, %mul3A_1243 : vector<16xf32>
      %add3A_1245 = arith.constant 14 : i32
      %add3A_1246 = vector.broadcast %add3A_1245 : i32 to vector<16xi32>
      %add3A_1247 = arith.addi %mul3A_1091, %add3A_1246 : vector<16xi32>
      %gather3A_1248 = tpu.vector_load_idx %arg9[%add3A_1077, %add3A_1247] : memref<128x128xf32, #tpu.memory_space<vmem>>[vector<16xi32>, vector<16xi32>], vector<16xf32>,
      %add3A_1249 = arith.constant 14 : i32
      %add3A_1250 = vector.broadcast %add3A_1249 : i32 to vector<16xi32>
      %add3A_1251 = arith.addi %mul3A_1105, %add3A_1250 : vector<16xi32>
      %gather3A_1252 = tpu.vector_load_idx %arg10[%add3A_1077, %add3A_1251] : memref<128x128xf32, #tpu.memory_space<vmem>>[vector<16xi32>, vector<16xi32>], vector<16xf32>,
      %mul3A_1253 = arith.mulf %gather3A_1248, %gather3A_1252 : vector<16xf32>
      %add3A_1254 = arith.addf %add3A_1244, %mul3A_1253 : vector<16xf32>
      %add3A_1255 = arith.constant 15 : i32
      %add3A_1256 = vector.broadcast %add3A_1255 : i32 to vector<16xi32>
      %add3A_1257 = arith.addi %mul3A_1091, %add3A_1256 : vector<16xi32>
      %gather3A_1258 = tpu.vector_load_idx %arg9[%add3A_1077, %add3A_1257] : memref<128x128xf32, #tpu.memory_space<vmem>>[vector<16xi32>, vector<16xi32>], vector<16xf32>,
      %add3A_1259 = arith.constant 15 : i32
      %add3A_1260 = vector.broadcast %add3A_1259 : i32 to vector<16xi32>
      %add3A_1261 = arith.addi %mul3A_1105, %add3A_1260 : vector<16xi32>
      %gather3A_1262 = tpu.vector_load_idx %arg10[%add3A_1077, %add3A_1261] : memref<128x128xf32, #tpu.memory_space<vmem>>[vector<16xi32>, vector<16xi32>], vector<16xf32>,
      %mul3A_1263 = arith.mulf %gather3A_1258, %gather3A_1262 : vector<16xf32>
      %add3A_1264 = arith.addf %add3A_1254, %mul3A_1263 : vector<16xf32>
      %add3A_1265 = arith.constant 16 : i32
      %add3A_1266 = vector.broadcast %add3A_1265 : i32 to vector<16xi32>
      %add3A_1267 = arith.addi %mul3A_1091, %add3A_1266 : vector<16xi32>
      %gather3A_1268 = tpu.vector_load_idx %arg9[%add3A_1077, %add3A_1267] : memref<128x128xf32, #tpu.memory_space<vmem>>[vector<16xi32>, vector<16xi32>], vector<16xf32>,
      %add3A_1269 = arith.constant 16 : i32
      %add3A_1270 = vector.broadcast %add3A_1269 : i32 to vector<16xi32>
      %add3A_1271 = arith.addi %mul3A_1105, %add3A_1270 : vector<16xi32>
      %gather3A_1272 = tpu.vector_load_idx %arg10[%add3A_1077, %add3A_1271] : memref<128x128xf32, #tpu.memory_space<vmem>>[vector<16xi32>, vector<16xi32>], vector<16xf32>,
      %mul3A_1273 = arith.mulf %gather3A_1268, %gather3A_1272 : vector<16xf32>
      %add3A_1274 = arith.addf %add3A_1264, %mul3A_1273 : vector<16xf32>
      %add3A_1275 = arith.constant 17 : i32
      %add3A_1276 = vector.broadcast %add3A_1275 : i32 to vector<16xi32>
      %add3A_1277 = arith.addi %mul3A_1091, %add3A_1276 : vector<16xi32>
      %gather3A_1278 = tpu.vector_load_idx %arg9[%add3A_1077, %add3A_1277] : memref<128x128xf32, #tpu.memory_space<vmem>>[vector<16xi32>, vector<16xi32>], vector<16xf32>,
      %add3A_1279 = arith.constant 17 : i32
      %add3A_1280 = vector.broadcast %add3A_1279 : i32 to vector<16xi32>
      %add3A_1281 = arith.addi %mul3A_1105, %add3A_1280 : vector<16xi32>
      %gather3A_1282 = tpu.vector_load_idx %arg10[%add3A_1077, %add3A_1281] : memref<128x128xf32, #tpu.memory_space<vmem>>[vector<16xi32>, vector<16xi32>], vector<16xf32>,
      %mul3A_1283 = arith.mulf %gather3A_1278, %gather3A_1282 : vector<16xf32>
      %add3A_1284 = arith.addf %add3A_1274, %mul3A_1283 : vector<16xf32>
      %add3A_1285 = arith.constant 18 : i32
      %add3A_1286 = vector.broadcast %add3A_1285 : i32 to vector<16xi32>
      %add3A_1287 = arith.addi %mul3A_1091, %add3A_1286 : vector<16xi32>
      %gather3A_1288 = tpu.vector_load_idx %arg9[%add3A_1077, %add3A_1287] : memref<128x128xf32, #tpu.memory_space<vmem>>[vector<16xi32>, vector<16xi32>], vector<16xf32>,
      %add3A_1289 = arith.constant 18 : i32
      %add3A_1290 = vector.broadcast %add3A_1289 : i32 to vector<16xi32>
      %add3A_1291 = arith.addi %mul3A_1105, %add3A_1290 : vector<16xi32>
      %gather3A_1292 = tpu.vector_load_idx %arg10[%add3A_1077, %add3A_1291] : memref<128x128xf32, #tpu.memory_space<vmem>>[vector<16xi32>, vector<16xi32>], vector<16xf32>,
      %mul3A_1293 = arith.mulf %gather3A_1288, %gather3A_1292 : vector<16xf32>
      %add3A_1294 = arith.addf %add3A_1284, %mul3A_1293 : vector<16xf32>
      %add3A_1295 = arith.constant 19 : i32
      %add3A_1296 = vector.broadcast %add3A_1295 : i32 to vector<16xi32>
      %add3A_1297 = arith.addi %mul3A_1091, %add3A_1296 : vector<16xi32>
      %gather3A_1298 = tpu.vector_load_idx %arg9[%add3A_1077, %add3A_1297] : memref<128x128xf32, #tpu.memory_space<vmem>>[vector<16xi32>, vector<16xi32>], vector<16xf32>,
      %add3A_1299 = arith.constant 19 : i32
      %add3A_1300 = vector.broadcast %add3A_1299 : i32 to vector<16xi32>
      %add3A_1301 = arith.addi %mul3A_1105, %add3A_1300 : vector<16xi32>
      %gather3A_1302 = tpu.vector_load_idx %arg10[%add3A_1077, %add3A_1301] : memref<128x128xf32, #tpu.memory_space<vmem>>[vector<16xi32>, vector<16xi32>], vector<16xf32>,
      %mul3A_1303 = arith.mulf %gather3A_1298, %gather3A_1302 : vector<16xf32>
      %add3A_1304 = arith.addf %add3A_1294, %mul3A_1303 : vector<16xf32>
      %add3A_1305 = arith.constant 20 : i32
      %add3A_1306 = vector.broadcast %add3A_1305 : i32 to vector<16xi32>
      %add3A_1307 = arith.addi %mul3A_1091, %add3A_1306 : vector<16xi32>
      %gather3A_1308 = tpu.vector_load_idx %arg9[%add3A_1077, %add3A_1307] : memref<128x128xf32, #tpu.memory_space<vmem>>[vector<16xi32>, vector<16xi32>], vector<16xf32>,
      %add3A_1309 = arith.constant 20 : i32
      %add3A_1310 = vector.broadcast %add3A_1309 : i32 to vector<16xi32>
      %add3A_1311 = arith.addi %mul3A_1105, %add3A_1310 : vector<16xi32>
      %gather3A_1312 = tpu.vector_load_idx %arg10[%add3A_1077, %add3A_1311] : memref<128x128xf32, #tpu.memory_space<vmem>>[vector<16xi32>, vector<16xi32>], vector<16xf32>,
      %mul3A_1313 = arith.mulf %gather3A_1308, %gather3A_1312 : vector<16xf32>
      %add3A_1314 = arith.addf %add3A_1304, %mul3A_1313 : vector<16xf32>
      %add3A_1315 = arith.constant 21 : i32
      %add3A_1316 = vector.broadcast %add3A_1315 : i32 to vector<16xi32>
      %add3A_1317 = arith.addi %mul3A_1091, %add3A_1316 : vector<16xi32>
      %gather3A_1318 = tpu.vector_load_idx %arg9[%add3A_1077, %add3A_1317] : memref<128x128xf32, #tpu.memory_space<vmem>>[vector<16xi32>, vector<16xi32>], vector<16xf32>,
      %add3A_1319 = arith.constant 21 : i32
      %add3A_1320 = vector.broadcast %add3A_1319 : i32 to vector<16xi32>
      %add3A_1321 = arith.addi %mul3A_1105, %add3A_1320 : vector<16xi32>
      %gather3A_1322 = tpu.vector_load_idx %arg10[%add3A_1077, %add3A_1321] : memref<128x128xf32, #tpu.memory_space<vmem>>[vector<16xi32>, vector<16xi32>], vector<16xf32>,
      %mul3A_1323 = arith.mulf %gather3A_1318, %gather3A_1322 : vector<16xf32>
      %add3A_1324 = arith.addf %add3A_1314, %mul3A_1323 : vector<16xf32>
      %add3A_1325 = arith.constant 22 : i32
      %add3A_1326 = vector.broadcast %add3A_1325 : i32 to vector<16xi32>
      %add3A_1327 = arith.addi %mul3A_1091, %add3A_1326 : vector<16xi32>
      %gather3A_1328 = tpu.vector_load_idx %arg9[%add3A_1077, %add3A_1327] : memref<128x128xf32, #tpu.memory_space<vmem>>[vector<16xi32>, vector<16xi32>], vector<16xf32>,
      %add3A_1329 = arith.constant 22 : i32
      %add3A_1330 = vector.broadcast %add3A_1329 : i32 to vector<16xi32>
      %add3A_1331 = arith.addi %mul3A_1105, %add3A_1330 : vector<16xi32>
      %gather3A_1332 = tpu.vector_load_idx %arg10[%add3A_1077, %add3A_1331] : memref<128x128xf32, #tpu.memory_space<vmem>>[vector<16xi32>, vector<16xi32>], vector<16xf32>,
      %mul3A_1333 = arith.mulf %gather3A_1328, %gather3A_1332 : vector<16xf32>
      %add3A_1334 = arith.addf %add3A_1324, %mul3A_1333 : vector<16xf32>
      %add3A_1335 = arith.constant 23 : i32
      %add3A_1336 = vector.broadcast %add3A_1335 : i32 to vector<16xi32>
      %add3A_1337 = arith.addi %mul3A_1091, %add3A_1336 : vector<16xi32>
      %gather3A_1338 = tpu.vector_load_idx %arg9[%add3A_1077, %add3A_1337] : memref<128x128xf32, #tpu.memory_space<vmem>>[vector<16xi32>, vector<16xi32>], vector<16xf32>,
      %add3A_1339 = arith.constant 23 : i32
      %add3A_1340 = vector.broadcast %add3A_1339 : i32 to vector<16xi32>
      %add3A_1341 = arith.addi %mul3A_1105, %add3A_1340 : vector<16xi32>
      %gather3A_1342 = tpu.vector_load_idx %arg10[%add3A_1077, %add3A_1341] : memref<128x128xf32, #tpu.memory_space<vmem>>[vector<16xi32>, vector<16xi32>], vector<16xf32>,
      %mul3A_1343 = arith.mulf %gather3A_1338, %gather3A_1342 : vector<16xf32>
      %add3A_1344 = arith.addf %add3A_1334, %mul3A_1343 : vector<16xf32>
      %add3A_1345 = arith.constant 24 : i32
      %add3A_1346 = vector.broadcast %add3A_1345 : i32 to vector<16xi32>
      %add3A_1347 = arith.addi %mul3A_1091, %add3A_1346 : vector<16xi32>
      %gather3A_1348 = tpu.vector_load_idx %arg9[%add3A_1077, %add3A_1347] : memref<128x128xf32, #tpu.memory_space<vmem>>[vector<16xi32>, vector<16xi32>], vector<16xf32>,
      %add3A_1349 = arith.constant 24 : i32
      %add3A_1350 = vector.broadcast %add3A_1349 : i32 to vector<16xi32>
      %add3A_1351 = arith.addi %mul3A_1105, %add3A_1350 : vector<16xi32>
      %gather3A_1352 = tpu.vector_load_idx %arg10[%add3A_1077, %add3A_1351] : memref<128x128xf32, #tpu.memory_space<vmem>>[vector<16xi32>, vector<16xi32>], vector<16xf32>,
      %mul3A_1353 = arith.mulf %gather3A_1348, %gather3A_1352 : vector<16xf32>
      %add3A_1354 = arith.addf %add3A_1344, %mul3A_1353 : vector<16xf32>
      %add3A_1355 = arith.constant 25 : i32
      %add3A_1356 = vector.broadcast %add3A_1355 : i32 to vector<16xi32>
      %add3A_1357 = arith.addi %mul3A_1091, %add3A_1356 : vector<16xi32>
      %gather3A_1358 = tpu.vector_load_idx %arg9[%add3A_1077, %add3A_1357] : memref<128x128xf32, #tpu.memory_space<vmem>>[vector<16xi32>, vector<16xi32>], vector<16xf32>,
      %add3A_1359 = arith.constant 25 : i32
      %add3A_1360 = vector.broadcast %add3A_1359 : i32 to vector<16xi32>
      %add3A_1361 = arith.addi %mul3A_1105, %add3A_1360 : vector<16xi32>
      %gather3A_1362 = tpu.vector_load_idx %arg10[%add3A_1077, %add3A_1361] : memref<128x128xf32, #tpu.memory_space<vmem>>[vector<16xi32>, vector<16xi32>], vector<16xf32>,
      %mul3A_1363 = arith.mulf %gather3A_1358, %gather3A_1362 : vector<16xf32>
      %add3A_1364 = arith.addf %add3A_1354, %mul3A_1363 : vector<16xf32>
      %add3A_1365 = arith.constant 26 : i32
      %add3A_1366 = vector.broadcast %add3A_1365 : i32 to vector<16xi32>
      %add3A_1367 = arith.addi %mul3A_1091, %add3A_1366 : vector<16xi32>
      %gather3A_1368 = tpu.vector_load_idx %arg9[%add3A_1077, %add3A_1367] : memref<128x128xf32, #tpu.memory_space<vmem>>[vector<16xi32>, vector<16xi32>], vector<16xf32>,
      %add3A_1369 = arith.constant 26 : i32
      %add3A_1370 = vector.broadcast %add3A_1369 : i32 to vector<16xi32>
      %add3A_1371 = arith.addi %mul3A_1105, %add3A_1370 : vector<16xi32>
      %gather3A_1372 = tpu.vector_load_idx %arg10[%add3A_1077, %add3A_1371] : memref<128x128xf32, #tpu.memory_space<vmem>>[vector<16xi32>, vector<16xi32>], vector<16xf32>,
      %mul3A_1373 = arith.mulf %gather3A_1368, %gather3A_1372 : vector<16xf32>
      %add3A_1374 = arith.addf %add3A_1364, %mul3A_1373 : vector<16xf32>
      %add3A_1375 = arith.constant 27 : i32
      %add3A_1376 = vector.broadcast %add3A_1375 : i32 to vector<16xi32>
      %add3A_1377 = arith.addi %mul3A_1091, %add3A_1376 : vector<16xi32>
      %gather3A_1378 = tpu.vector_load_idx %arg9[%add3A_1077, %add3A_1377] : memref<128x128xf32, #tpu.memory_space<vmem>>[vector<16xi32>, vector<16xi32>], vector<16xf32>,
      %add3A_1379 = arith.constant 27 : i32
      %add3A_1380 = vector.broadcast %add3A_1379 : i32 to vector<16xi32>
      %add3A_1381 = arith.addi %mul3A_1105, %add3A_1380 : vector<16xi32>
      %gather3A_1382 = tpu.vector_load_idx %arg10[%add3A_1077, %add3A_1381] : memref<128x128xf32, #tpu.memory_space<vmem>>[vector<16xi32>, vector<16xi32>], vector<16xf32>,
      %mul3A_1383 = arith.mulf %gather3A_1378, %gather3A_1382 : vector<16xf32>
      %add3A_1384 = arith.addf %add3A_1374, %mul3A_1383 : vector<16xf32>
      %add3A_1385 = arith.constant 28 : i32
      %add3A_1386 = vector.broadcast %add3A_1385 : i32 to vector<16xi32>
      %add3A_1387 = arith.addi %mul3A_1091, %add3A_1386 : vector<16xi32>
      %gather3A_1388 = tpu.vector_load_idx %arg9[%add3A_1077, %add3A_1387] : memref<128x128xf32, #tpu.memory_space<vmem>>[vector<16xi32>, vector<16xi32>], vector<16xf32>,
      %add3A_1389 = arith.constant 28 : i32
      %add3A_1390 = vector.broadcast %add3A_1389 : i32 to vector<16xi32>
      %add3A_1391 = arith.addi %mul3A_1105, %add3A_1390 : vector<16xi32>
      %gather3A_1392 = tpu.vector_load_idx %arg10[%add3A_1077, %add3A_1391] : memref<128x128xf32, #tpu.memory_space<vmem>>[vector<16xi32>, vector<16xi32>], vector<16xf32>,
      %mul3A_1393 = arith.mulf %gather3A_1388, %gather3A_1392 : vector<16xf32>
      %add3A_1394 = arith.addf %add3A_1384, %mul3A_1393 : vector<16xf32>
      %add3A_1395 = arith.constant 29 : i32
      %add3A_1396 = vector.broadcast %add3A_1395 : i32 to vector<16xi32>
      %add3A_1397 = arith.addi %mul3A_1091, %add3A_1396 : vector<16xi32>
      %gather3A_1398 = tpu.vector_load_idx %arg9[%add3A_1077, %add3A_1397] : memref<128x128xf32, #tpu.memory_space<vmem>>[vector<16xi32>, vector<16xi32>], vector<16xf32>,
      %add3A_1399 = arith.constant 29 : i32
      %add3A_1400 = vector.broadcast %add3A_1399 : i32 to vector<16xi32>
      %add3A_1401 = arith.addi %mul3A_1105, %add3A_1400 : vector<16xi32>
      %gather3A_1402 = tpu.vector_load_idx %arg10[%add3A_1077, %add3A_1401] : memref<128x128xf32, #tpu.memory_space<vmem>>[vector<16xi32>, vector<16xi32>], vector<16xf32>,
      %mul3A_1403 = arith.mulf %gather3A_1398, %gather3A_1402 : vector<16xf32>
      %add3A_1404 = arith.addf %add3A_1394, %mul3A_1403 : vector<16xf32>
      %add3A_1405 = arith.constant 30 : i32
      %add3A_1406 = vector.broadcast %add3A_1405 : i32 to vector<16xi32>
      %add3A_1407 = arith.addi %mul3A_1091, %add3A_1406 : vector<16xi32>
      %gather3A_1408 = tpu.vector_load_idx %arg9[%add3A_1077, %add3A_1407] : memref<128x128xf32, #tpu.memory_space<vmem>>[vector<16xi32>, vector<16xi32>], vector<16xf32>,
      %add3A_1409 = arith.constant 30 : i32
      %add3A_1410 = vector.broadcast %add3A_1409 : i32 to vector<16xi32>
      %add3A_1411 = arith.addi %mul3A_1105, %add3A_1410 : vector<16xi32>
      %gather3A_1412 = tpu.vector_load_idx %arg10[%add3A_1077, %add3A_1411] : memref<128x128xf32, #tpu.memory_space<vmem>>[vector<16xi32>, vector<16xi32>], vector<16xf32>,
      %mul3A_1413 = arith.mulf %gather3A_1408, %gather3A_1412 : vector<16xf32>
      %add3A_1414 = arith.addf %add3A_1404, %mul3A_1413 : vector<16xf32>
      %add3A_1415 = arith.constant 31 : i32
      %add3A_1416 = vector.broadcast %add3A_1415 : i32 to vector<16xi32>
      %add3A_1417 = arith.addi %mul3A_1091, %add3A_1416 : vector<16xi32>
      %gather3A_1418 = tpu.vector_load_idx %arg9[%add3A_1077, %add3A_1417] : memref<128x128xf32, #tpu.memory_space<vmem>>[vector<16xi32>, vector<16xi32>], vector<16xf32>,
      %add3A_1419 = arith.constant 31 : i32
      %add3A_1420 = vector.broadcast %add3A_1419 : i32 to vector<16xi32>
      %add3A_1421 = arith.addi %mul3A_1105, %add3A_1420 : vector<16xi32>
      %gather3A_1422 = tpu.vector_load_idx %arg10[%add3A_1077, %add3A_1421] : memref<128x128xf32, #tpu.memory_space<vmem>>[vector<16xi32>, vector<16xi32>], vector<16xf32>,
      %mul3A_1423 = arith.mulf %gather3A_1418, %gather3A_1422 : vector<16xf32>
      %add3A_1424 = arith.addf %add3A_1414, %mul3A_1423 : vector<16xf32>
      %mul3A_1425 = arith.constant 128 : i32
      %mul3A_1426 = arith.muli %scan3A_39, %mul3A_1425 : i32
      %add3A_1427 = arith.constant 32 : i32
      %add3A_1428 = arith.addi %mul3A_1426, %add3A_1427 : i32
      %swap3A_1429 = arith.index_cast %add3A_1428 : i32 to index
      %swap3A_1430 = tpu.vector_load %arg11[%swap3A_1429] {strides = array<i32>} : memref<512xf32, #tpu.memory_space<vmem>>, vector<16xf32>,
      tpu.vector_store %arg11[%swap3A_1429], %add3A_1424 {strides = array<i32>} : memref<512xf32, #tpu.memory_space<vmem>>, vector<16xf32>,
      %add3A_1431 = arith.constant 48 : i32
      %add3A_1432 = vector.broadcast %add3A_1431 : i32 to vector<16xi32>
      %add3A_1433 = arith.addi %add3A_1432, %iota3A : vector<16xi32>
      %get3A_1434 = arith.constant 0 : i32
      %get3A_1435 = arith.index_cast %get3A_1434 : i32 to index
      %get3A_1436 = arith.index_cast %scan3A_39 : i32 to index
      %get3A_1437 = arith.constant 48 : index
      %get3A_1438 = tpu.vector_load %arg6[%get3A_1435, %get3A_1436, %get3A_1437] {strides = array<i32>} : memref<2x4x128xi32, #tpu.memory_space<vmem>>, vector<16xi32>,
      %shift_right_arithmetic3A_1439 = arith.constant 13 : i32
      %shift_right_arithmetic3A_1440 = vector.broadcast %shift_right_arithmetic3A_1439 : i32 to vector<16xi32>
      %shift_right_arithmetic3A_1441 = arith.shrsi %get3A_1438, %shift_right_arithmetic3A_1440 : vector<16xi32>
      %and3A_1442 = arith.constant 3 : i32
      %and3A_1443 = vector.broadcast %and3A_1442 : i32 to vector<16xi32>
      %and3A_1444 = arith.andi %shift_right_arithmetic3A_1441, %and3A_1443 : vector<16xi32>
      %mul3A_1445 = arith.constant 32 : i32
      %mul3A_1446 = vector.broadcast %mul3A_1445 : i32 to vector<16xi32>
      %mul3A_1447 = arith.muli %and3A_1444, %mul3A_1446 : vector<16xi32>
      %get3A_1448 = arith.constant 1 : i32
      %get3A_1449 = arith.index_cast %get3A_1448 : i32 to index
      %get3A_1450 = arith.index_cast %scan3A_39 : i32 to index
      %get3A_1451 = arith.constant 48 : index
      %get3A_1452 = tpu.vector_load %arg6[%get3A_1449, %get3A_1450, %get3A_1451] {strides = array<i32>} : memref<2x4x128xi32, #tpu.memory_space<vmem>>, vector<16xi32>,
      %shift_right_arithmetic3A_1453 = arith.constant 13 : i32
      %shift_right_arithmetic3A_1454 = vector.broadcast %shift_right_arithmetic3A_1453 : i32 to vector<16xi32>
      %shift_right_arithmetic3A_1455 = arith.shrsi %get3A_1452, %shift_right_arithmetic3A_1454 : vector<16xi32>
      %and3A_1456 = arith.constant 3 : i32
      %and3A_1457 = vector.broadcast %and3A_1456 : i32 to vector<16xi32>
      %and3A_1458 = arith.andi %shift_right_arithmetic3A_1455, %and3A_1457 : vector<16xi32>
      %mul3A_1459 = arith.constant 32 : i32
      %mul3A_1460 = vector.broadcast %mul3A_1459 : i32 to vector<16xi32>
      %mul3A_1461 = arith.muli %and3A_1458, %mul3A_1460 : vector<16xi32>
      %add3A_1462 = arith.constant 0 : i32
      %add3A_1463 = vector.broadcast %add3A_1462 : i32 to vector<16xi32>
      %add3A_1464 = arith.addi %mul3A_1447, %add3A_1463 : vector<16xi32>
      %gather3A_1465 = tpu.vector_load_idx %arg9[%add3A_1433, %add3A_1464] : memref<128x128xf32, #tpu.memory_space<vmem>>[vector<16xi32>, vector<16xi32>], vector<16xf32>,
      %add3A_1466 = arith.constant 0 : i32
      %add3A_1467 = vector.broadcast %add3A_1466 : i32 to vector<16xi32>
      %add3A_1468 = arith.addi %mul3A_1461, %add3A_1467 : vector<16xi32>
      %gather3A_1469 = tpu.vector_load_idx %arg10[%add3A_1433, %add3A_1468] : memref<128x128xf32, #tpu.memory_space<vmem>>[vector<16xi32>, vector<16xi32>], vector<16xf32>,
      %mul3A_1470 = arith.mulf %gather3A_1465, %gather3A_1469 : vector<16xf32>
      %add3A_1471 = arith.constant 1 : i32
      %add3A_1472 = vector.broadcast %add3A_1471 : i32 to vector<16xi32>
      %add3A_1473 = arith.addi %mul3A_1447, %add3A_1472 : vector<16xi32>
      %gather3A_1474 = tpu.vector_load_idx %arg9[%add3A_1433, %add3A_1473] : memref<128x128xf32, #tpu.memory_space<vmem>>[vector<16xi32>, vector<16xi32>], vector<16xf32>,
      %add3A_1475 = arith.constant 1 : i32
      %add3A_1476 = vector.broadcast %add3A_1475 : i32 to vector<16xi32>
      %add3A_1477 = arith.addi %mul3A_1461, %add3A_1476 : vector<16xi32>
      %gather3A_1478 = tpu.vector_load_idx %arg10[%add3A_1433, %add3A_1477] : memref<128x128xf32, #tpu.memory_space<vmem>>[vector<16xi32>, vector<16xi32>], vector<16xf32>,
      %mul3A_1479 = arith.mulf %gather3A_1474, %gather3A_1478 : vector<16xf32>
      %add3A_1480 = arith.addf %mul3A_1470, %mul3A_1479 : vector<16xf32>
      %add3A_1481 = arith.constant 2 : i32
      %add3A_1482 = vector.broadcast %add3A_1481 : i32 to vector<16xi32>
      %add3A_1483 = arith.addi %mul3A_1447, %add3A_1482 : vector<16xi32>
      %gather3A_1484 = tpu.vector_load_idx %arg9[%add3A_1433, %add3A_1483] : memref<128x128xf32, #tpu.memory_space<vmem>>[vector<16xi32>, vector<16xi32>], vector<16xf32>,
      %add3A_1485 = arith.constant 2 : i32
      %add3A_1486 = vector.broadcast %add3A_1485 : i32 to vector<16xi32>
      %add3A_1487 = arith.addi %mul3A_1461, %add3A_1486 : vector<16xi32>
      %gather3A_1488 = tpu.vector_load_idx %arg10[%add3A_1433, %add3A_1487] : memref<128x128xf32, #tpu.memory_space<vmem>>[vector<16xi32>, vector<16xi32>], vector<16xf32>,
      %mul3A_1489 = arith.mulf %gather3A_1484, %gather3A_1488 : vector<16xf32>
      %add3A_1490 = arith.addf %add3A_1480, %mul3A_1489 : vector<16xf32>
      %add3A_1491 = arith.constant 3 : i32
      %add3A_1492 = vector.broadcast %add3A_1491 : i32 to vector<16xi32>
      %add3A_1493 = arith.addi %mul3A_1447, %add3A_1492 : vector<16xi32>
      %gather3A_1494 = tpu.vector_load_idx %arg9[%add3A_1433, %add3A_1493] : memref<128x128xf32, #tpu.memory_space<vmem>>[vector<16xi32>, vector<16xi32>], vector<16xf32>,
      %add3A_1495 = arith.constant 3 : i32
      %add3A_1496 = vector.broadcast %add3A_1495 : i32 to vector<16xi32>
      %add3A_1497 = arith.addi %mul3A_1461, %add3A_1496 : vector<16xi32>
      %gather3A_1498 = tpu.vector_load_idx %arg10[%add3A_1433, %add3A_1497] : memref<128x128xf32, #tpu.memory_space<vmem>>[vector<16xi32>, vector<16xi32>], vector<16xf32>,
      %mul3A_1499 = arith.mulf %gather3A_1494, %gather3A_1498 : vector<16xf32>
      %add3A_1500 = arith.addf %add3A_1490, %mul3A_1499 : vector<16xf32>
      %add3A_1501 = arith.constant 4 : i32
      %add3A_1502 = vector.broadcast %add3A_1501 : i32 to vector<16xi32>
      %add3A_1503 = arith.addi %mul3A_1447, %add3A_1502 : vector<16xi32>
      %gather3A_1504 = tpu.vector_load_idx %arg9[%add3A_1433, %add3A_1503] : memref<128x128xf32, #tpu.memory_space<vmem>>[vector<16xi32>, vector<16xi32>], vector<16xf32>,
      %add3A_1505 = arith.constant 4 : i32
      %add3A_1506 = vector.broadcast %add3A_1505 : i32 to vector<16xi32>
      %add3A_1507 = arith.addi %mul3A_1461, %add3A_1506 : vector<16xi32>
      %gather3A_1508 = tpu.vector_load_idx %arg10[%add3A_1433, %add3A_1507] : memref<128x128xf32, #tpu.memory_space<vmem>>[vector<16xi32>, vector<16xi32>], vector<16xf32>,
      %mul3A_1509 = arith.mulf %gather3A_1504, %gather3A_1508 : vector<16xf32>
      %add3A_1510 = arith.addf %add3A_1500, %mul3A_1509 : vector<16xf32>
      %add3A_1511 = arith.constant 5 : i32
      %add3A_1512 = vector.broadcast %add3A_1511 : i32 to vector<16xi32>
      %add3A_1513 = arith.addi %mul3A_1447, %add3A_1512 : vector<16xi32>
      %gather3A_1514 = tpu.vector_load_idx %arg9[%add3A_1433, %add3A_1513] : memref<128x128xf32, #tpu.memory_space<vmem>>[vector<16xi32>, vector<16xi32>], vector<16xf32>,
      %add3A_1515 = arith.constant 5 : i32
      %add3A_1516 = vector.broadcast %add3A_1515 : i32 to vector<16xi32>
      %add3A_1517 = arith.addi %mul3A_1461, %add3A_1516 : vector<16xi32>
      %gather3A_1518 = tpu.vector_load_idx %arg10[%add3A_1433, %add3A_1517] : memref<128x128xf32, #tpu.memory_space<vmem>>[vector<16xi32>, vector<16xi32>], vector<16xf32>,
      %mul3A_1519 = arith.mulf %gather3A_1514, %gather3A_1518 : vector<16xf32>
      %add3A_1520 = arith.addf %add3A_1510, %mul3A_1519 : vector<16xf32>
      %add3A_1521 = arith.constant 6 : i32
      %add3A_1522 = vector.broadcast %add3A_1521 : i32 to vector<16xi32>
      %add3A_1523 = arith.addi %mul3A_1447, %add3A_1522 : vector<16xi32>
      %gather3A_1524 = tpu.vector_load_idx %arg9[%add3A_1433, %add3A_1523] : memref<128x128xf32, #tpu.memory_space<vmem>>[vector<16xi32>, vector<16xi32>], vector<16xf32>,
      %add3A_1525 = arith.constant 6 : i32
      %add3A_1526 = vector.broadcast %add3A_1525 : i32 to vector<16xi32>
      %add3A_1527 = arith.addi %mul3A_1461, %add3A_1526 : vector<16xi32>
      %gather3A_1528 = tpu.vector_load_idx %arg10[%add3A_1433, %add3A_1527] : memref<128x128xf32, #tpu.memory_space<vmem>>[vector<16xi32>, vector<16xi32>], vector<16xf32>,
      %mul3A_1529 = arith.mulf %gather3A_1524, %gather3A_1528 : vector<16xf32>
      %add3A_1530 = arith.addf %add3A_1520, %mul3A_1529 : vector<16xf32>
      %add3A_1531 = arith.constant 7 : i32
      %add3A_1532 = vector.broadcast %add3A_1531 : i32 to vector<16xi32>
      %add3A_1533 = arith.addi %mul3A_1447, %add3A_1532 : vector<16xi32>
      %gather3A_1534 = tpu.vector_load_idx %arg9[%add3A_1433, %add3A_1533] : memref<128x128xf32, #tpu.memory_space<vmem>>[vector<16xi32>, vector<16xi32>], vector<16xf32>,
      %add3A_1535 = arith.constant 7 : i32
      %add3A_1536 = vector.broadcast %add3A_1535 : i32 to vector<16xi32>
      %add3A_1537 = arith.addi %mul3A_1461, %add3A_1536 : vector<16xi32>
      %gather3A_1538 = tpu.vector_load_idx %arg10[%add3A_1433, %add3A_1537] : memref<128x128xf32, #tpu.memory_space<vmem>>[vector<16xi32>, vector<16xi32>], vector<16xf32>,
      %mul3A_1539 = arith.mulf %gather3A_1534, %gather3A_1538 : vector<16xf32>
      %add3A_1540 = arith.addf %add3A_1530, %mul3A_1539 : vector<16xf32>
      %add3A_1541 = arith.constant 8 : i32
      %add3A_1542 = vector.broadcast %add3A_1541 : i32 to vector<16xi32>
      %add3A_1543 = arith.addi %mul3A_1447, %add3A_1542 : vector<16xi32>
      %gather3A_1544 = tpu.vector_load_idx %arg9[%add3A_1433, %add3A_1543] : memref<128x128xf32, #tpu.memory_space<vmem>>[vector<16xi32>, vector<16xi32>], vector<16xf32>,
      %add3A_1545 = arith.constant 8 : i32
      %add3A_1546 = vector.broadcast %add3A_1545 : i32 to vector<16xi32>
      %add3A_1547 = arith.addi %mul3A_1461, %add3A_1546 : vector<16xi32>
      %gather3A_1548 = tpu.vector_load_idx %arg10[%add3A_1433, %add3A_1547] : memref<128x128xf32, #tpu.memory_space<vmem>>[vector<16xi32>, vector<16xi32>], vector<16xf32>,
      %mul3A_1549 = arith.mulf %gather3A_1544, %gather3A_1548 : vector<16xf32>
      %add3A_1550 = arith.addf %add3A_1540, %mul3A_1549 : vector<16xf32>
      %add3A_1551 = arith.constant 9 : i32
      %add3A_1552 = vector.broadcast %add3A_1551 : i32 to vector<16xi32>
      %add3A_1553 = arith.addi %mul3A_1447, %add3A_1552 : vector<16xi32>
      %gather3A_1554 = tpu.vector_load_idx %arg9[%add3A_1433, %add3A_1553] : memref<128x128xf32, #tpu.memory_space<vmem>>[vector<16xi32>, vector<16xi32>], vector<16xf32>,
      %add3A_1555 = arith.constant 9 : i32
      %add3A_1556 = vector.broadcast %add3A_1555 : i32 to vector<16xi32>
      %add3A_1557 = arith.addi %mul3A_1461, %add3A_1556 : vector<16xi32>
      %gather3A_1558 = tpu.vector_load_idx %arg10[%add3A_1433, %add3A_1557] : memref<128x128xf32, #tpu.memory_space<vmem>>[vector<16xi32>, vector<16xi32>], vector<16xf32>,
      %mul3A_1559 = arith.mulf %gather3A_1554, %gather3A_1558 : vector<16xf32>
      %add3A_1560 = arith.addf %add3A_1550, %mul3A_1559 : vector<16xf32>
      %add3A_1561 = arith.constant 10 : i32
      %add3A_1562 = vector.broadcast %add3A_1561 : i32 to vector<16xi32>
      %add3A_1563 = arith.addi %mul3A_1447, %add3A_1562 : vector<16xi32>
      %gather3A_1564 = tpu.vector_load_idx %arg9[%add3A_1433, %add3A_1563] : memref<128x128xf32, #tpu.memory_space<vmem>>[vector<16xi32>, vector<16xi32>], vector<16xf32>,
      %add3A_1565 = arith.constant 10 : i32
      %add3A_1566 = vector.broadcast %add3A_1565 : i32 to vector<16xi32>
      %add3A_1567 = arith.addi %mul3A_1461, %add3A_1566 : vector<16xi32>
      %gather3A_1568 = tpu.vector_load_idx %arg10[%add3A_1433, %add3A_1567] : memref<128x128xf32, #tpu.memory_space<vmem>>[vector<16xi32>, vector<16xi32>], vector<16xf32>,
      %mul3A_1569 = arith.mulf %gather3A_1564, %gather3A_1568 : vector<16xf32>
      %add3A_1570 = arith.addf %add3A_1560, %mul3A_1569 : vector<16xf32>
      %add3A_1571 = arith.constant 11 : i32
      %add3A_1572 = vector.broadcast %add3A_1571 : i32 to vector<16xi32>
      %add3A_1573 = arith.addi %mul3A_1447, %add3A_1572 : vector<16xi32>
      %gather3A_1574 = tpu.vector_load_idx %arg9[%add3A_1433, %add3A_1573] : memref<128x128xf32, #tpu.memory_space<vmem>>[vector<16xi32>, vector<16xi32>], vector<16xf32>,
      %add3A_1575 = arith.constant 11 : i32
      %add3A_1576 = vector.broadcast %add3A_1575 : i32 to vector<16xi32>
      %add3A_1577 = arith.addi %mul3A_1461, %add3A_1576 : vector<16xi32>
      %gather3A_1578 = tpu.vector_load_idx %arg10[%add3A_1433, %add3A_1577] : memref<128x128xf32, #tpu.memory_space<vmem>>[vector<16xi32>, vector<16xi32>], vector<16xf32>,
      %mul3A_1579 = arith.mulf %gather3A_1574, %gather3A_1578 : vector<16xf32>
      %add3A_1580 = arith.addf %add3A_1570, %mul3A_1579 : vector<16xf32>
      %add3A_1581 = arith.constant 12 : i32
      %add3A_1582 = vector.broadcast %add3A_1581 : i32 to vector<16xi32>
      %add3A_1583 = arith.addi %mul3A_1447, %add3A_1582 : vector<16xi32>
      %gather3A_1584 = tpu.vector_load_idx %arg9[%add3A_1433, %add3A_1583] : memref<128x128xf32, #tpu.memory_space<vmem>>[vector<16xi32>, vector<16xi32>], vector<16xf32>,
      %add3A_1585 = arith.constant 12 : i32
      %add3A_1586 = vector.broadcast %add3A_1585 : i32 to vector<16xi32>
      %add3A_1587 = arith.addi %mul3A_1461, %add3A_1586 : vector<16xi32>
      %gather3A_1588 = tpu.vector_load_idx %arg10[%add3A_1433, %add3A_1587] : memref<128x128xf32, #tpu.memory_space<vmem>>[vector<16xi32>, vector<16xi32>], vector<16xf32>,
      %mul3A_1589 = arith.mulf %gather3A_1584, %gather3A_1588 : vector<16xf32>
      %add3A_1590 = arith.addf %add3A_1580, %mul3A_1589 : vector<16xf32>
      %add3A_1591 = arith.constant 13 : i32
      %add3A_1592 = vector.broadcast %add3A_1591 : i32 to vector<16xi32>
      %add3A_1593 = arith.addi %mul3A_1447, %add3A_1592 : vector<16xi32>
      %gather3A_1594 = tpu.vector_load_idx %arg9[%add3A_1433, %add3A_1593] : memref<128x128xf32, #tpu.memory_space<vmem>>[vector<16xi32>, vector<16xi32>], vector<16xf32>,
      %add3A_1595 = arith.constant 13 : i32
      %add3A_1596 = vector.broadcast %add3A_1595 : i32 to vector<16xi32>
      %add3A_1597 = arith.addi %mul3A_1461, %add3A_1596 : vector<16xi32>
      %gather3A_1598 = tpu.vector_load_idx %arg10[%add3A_1433, %add3A_1597] : memref<128x128xf32, #tpu.memory_space<vmem>>[vector<16xi32>, vector<16xi32>], vector<16xf32>,
      %mul3A_1599 = arith.mulf %gather3A_1594, %gather3A_1598 : vector<16xf32>
      %add3A_1600 = arith.addf %add3A_1590, %mul3A_1599 : vector<16xf32>
      %add3A_1601 = arith.constant 14 : i32
      %add3A_1602 = vector.broadcast %add3A_1601 : i32 to vector<16xi32>
      %add3A_1603 = arith.addi %mul3A_1447, %add3A_1602 : vector<16xi32>
      %gather3A_1604 = tpu.vector_load_idx %arg9[%add3A_1433, %add3A_1603] : memref<128x128xf32, #tpu.memory_space<vmem>>[vector<16xi32>, vector<16xi32>], vector<16xf32>,
      %add3A_1605 = arith.constant 14 : i32
      %add3A_1606 = vector.broadcast %add3A_1605 : i32 to vector<16xi32>
      %add3A_1607 = arith.addi %mul3A_1461, %add3A_1606 : vector<16xi32>
      %gather3A_1608 = tpu.vector_load_idx %arg10[%add3A_1433, %add3A_1607] : memref<128x128xf32, #tpu.memory_space<vmem>>[vector<16xi32>, vector<16xi32>], vector<16xf32>,
      %mul3A_1609 = arith.mulf %gather3A_1604, %gather3A_1608 : vector<16xf32>
      %add3A_1610 = arith.addf %add3A_1600, %mul3A_1609 : vector<16xf32>
      %add3A_1611 = arith.constant 15 : i32
      %add3A_1612 = vector.broadcast %add3A_1611 : i32 to vector<16xi32>
      %add3A_1613 = arith.addi %mul3A_1447, %add3A_1612 : vector<16xi32>
      %gather3A_1614 = tpu.vector_load_idx %arg9[%add3A_1433, %add3A_1613] : memref<128x128xf32, #tpu.memory_space<vmem>>[vector<16xi32>, vector<16xi32>], vector<16xf32>,
      %add3A_1615 = arith.constant 15 : i32
      %add3A_1616 = vector.broadcast %add3A_1615 : i32 to vector<16xi32>
      %add3A_1617 = arith.addi %mul3A_1461, %add3A_1616 : vector<16xi32>
      %gather3A_1618 = tpu.vector_load_idx %arg10[%add3A_1433, %add3A_1617] : memref<128x128xf32, #tpu.memory_space<vmem>>[vector<16xi32>, vector<16xi32>], vector<16xf32>,
      %mul3A_1619 = arith.mulf %gather3A_1614, %gather3A_1618 : vector<16xf32>
      %add3A_1620 = arith.addf %add3A_1610, %mul3A_1619 : vector<16xf32>
      %add3A_1621 = arith.constant 16 : i32
      %add3A_1622 = vector.broadcast %add3A_1621 : i32 to vector<16xi32>
      %add3A_1623 = arith.addi %mul3A_1447, %add3A_1622 : vector<16xi32>
      %gather3A_1624 = tpu.vector_load_idx %arg9[%add3A_1433, %add3A_1623] : memref<128x128xf32, #tpu.memory_space<vmem>>[vector<16xi32>, vector<16xi32>], vector<16xf32>,
      %add3A_1625 = arith.constant 16 : i32
      %add3A_1626 = vector.broadcast %add3A_1625 : i32 to vector<16xi32>
      %add3A_1627 = arith.addi %mul3A_1461, %add3A_1626 : vector<16xi32>
      %gather3A_1628 = tpu.vector_load_idx %arg10[%add3A_1433, %add3A_1627] : memref<128x128xf32, #tpu.memory_space<vmem>>[vector<16xi32>, vector<16xi32>], vector<16xf32>,
      %mul3A_1629 = arith.mulf %gather3A_1624, %gather3A_1628 : vector<16xf32>
      %add3A_1630 = arith.addf %add3A_1620, %mul3A_1629 : vector<16xf32>
      %add3A_1631 = arith.constant 17 : i32
      %add3A_1632 = vector.broadcast %add3A_1631 : i32 to vector<16xi32>
      %add3A_1633 = arith.addi %mul3A_1447, %add3A_1632 : vector<16xi32>
      %gather3A_1634 = tpu.vector_load_idx %arg9[%add3A_1433, %add3A_1633] : memref<128x128xf32, #tpu.memory_space<vmem>>[vector<16xi32>, vector<16xi32>], vector<16xf32>,
      %add3A_1635 = arith.constant 17 : i32
      %add3A_1636 = vector.broadcast %add3A_1635 : i32 to vector<16xi32>
      %add3A_1637 = arith.addi %mul3A_1461, %add3A_1636 : vector<16xi32>
      %gather3A_1638 = tpu.vector_load_idx %arg10[%add3A_1433, %add3A_1637] : memref<128x128xf32, #tpu.memory_space<vmem>>[vector<16xi32>, vector<16xi32>], vector<16xf32>,
      %mul3A_1639 = arith.mulf %gather3A_1634, %gather3A_1638 : vector<16xf32>
      %add3A_1640 = arith.addf %add3A_1630, %mul3A_1639 : vector<16xf32>
      %add3A_1641 = arith.constant 18 : i32
      %add3A_1642 = vector.broadcast %add3A_1641 : i32 to vector<16xi32>
      %add3A_1643 = arith.addi %mul3A_1447, %add3A_1642 : vector<16xi32>
      %gather3A_1644 = tpu.vector_load_idx %arg9[%add3A_1433, %add3A_1643] : memref<128x128xf32, #tpu.memory_space<vmem>>[vector<16xi32>, vector<16xi32>], vector<16xf32>,
      %add3A_1645 = arith.constant 18 : i32
      %add3A_1646 = vector.broadcast %add3A_1645 : i32 to vector<16xi32>
      %add3A_1647 = arith.addi %mul3A_1461, %add3A_1646 : vector<16xi32>
      %gather3A_1648 = tpu.vector_load_idx %arg10[%add3A_1433, %add3A_1647] : memref<128x128xf32, #tpu.memory_space<vmem>>[vector<16xi32>, vector<16xi32>], vector<16xf32>,
      %mul3A_1649 = arith.mulf %gather3A_1644, %gather3A_1648 : vector<16xf32>
      %add3A_1650 = arith.addf %add3A_1640, %mul3A_1649 : vector<16xf32>
      %add3A_1651 = arith.constant 19 : i32
      %add3A_1652 = vector.broadcast %add3A_1651 : i32 to vector<16xi32>
      %add3A_1653 = arith.addi %mul3A_1447, %add3A_1652 : vector<16xi32>
      %gather3A_1654 = tpu.vector_load_idx %arg9[%add3A_1433, %add3A_1653] : memref<128x128xf32, #tpu.memory_space<vmem>>[vector<16xi32>, vector<16xi32>], vector<16xf32>,
      %add3A_1655 = arith.constant 19 : i32
      %add3A_1656 = vector.broadcast %add3A_1655 : i32 to vector<16xi32>
      %add3A_1657 = arith.addi %mul3A_1461, %add3A_1656 : vector<16xi32>
      %gather3A_1658 = tpu.vector_load_idx %arg10[%add3A_1433, %add3A_1657] : memref<128x128xf32, #tpu.memory_space<vmem>>[vector<16xi32>, vector<16xi32>], vector<16xf32>,
      %mul3A_1659 = arith.mulf %gather3A_1654, %gather3A_1658 : vector<16xf32>
      %add3A_1660 = arith.addf %add3A_1650, %mul3A_1659 : vector<16xf32>
      %add3A_1661 = arith.constant 20 : i32
      %add3A_1662 = vector.broadcast %add3A_1661 : i32 to vector<16xi32>
      %add3A_1663 = arith.addi %mul3A_1447, %add3A_1662 : vector<16xi32>
      %gather3A_1664 = tpu.vector_load_idx %arg9[%add3A_1433, %add3A_1663] : memref<128x128xf32, #tpu.memory_space<vmem>>[vector<16xi32>, vector<16xi32>], vector<16xf32>,
      %add3A_1665 = arith.constant 20 : i32
      %add3A_1666 = vector.broadcast %add3A_1665 : i32 to vector<16xi32>
      %add3A_1667 = arith.addi %mul3A_1461, %add3A_1666 : vector<16xi32>
      %gather3A_1668 = tpu.vector_load_idx %arg10[%add3A_1433, %add3A_1667] : memref<128x128xf32, #tpu.memory_space<vmem>>[vector<16xi32>, vector<16xi32>], vector<16xf32>,
      %mul3A_1669 = arith.mulf %gather3A_1664, %gather3A_1668 : vector<16xf32>
      %add3A_1670 = arith.addf %add3A_1660, %mul3A_1669 : vector<16xf32>
      %add3A_1671 = arith.constant 21 : i32
      %add3A_1672 = vector.broadcast %add3A_1671 : i32 to vector<16xi32>
      %add3A_1673 = arith.addi %mul3A_1447, %add3A_1672 : vector<16xi32>
      %gather3A_1674 = tpu.vector_load_idx %arg9[%add3A_1433, %add3A_1673] : memref<128x128xf32, #tpu.memory_space<vmem>>[vector<16xi32>, vector<16xi32>], vector<16xf32>,
      %add3A_1675 = arith.constant 21 : i32
      %add3A_1676 = vector.broadcast %add3A_1675 : i32 to vector<16xi32>
      %add3A_1677 = arith.addi %mul3A_1461, %add3A_1676 : vector<16xi32>
      %gather3A_1678 = tpu.vector_load_idx %arg10[%add3A_1433, %add3A_1677] : memref<128x128xf32, #tpu.memory_space<vmem>>[vector<16xi32>, vector<16xi32>], vector<16xf32>,
      %mul3A_1679 = arith.mulf %gather3A_1674, %gather3A_1678 : vector<16xf32>
      %add3A_1680 = arith.addf %add3A_1670, %mul3A_1679 : vector<16xf32>
      %add3A_1681 = arith.constant 22 : i32
      %add3A_1682 = vector.broadcast %add3A_1681 : i32 to vector<16xi32>
      %add3A_1683 = arith.addi %mul3A_1447, %add3A_1682 : vector<16xi32>
      %gather3A_1684 = tpu.vector_load_idx %arg9[%add3A_1433, %add3A_1683] : memref<128x128xf32, #tpu.memory_space<vmem>>[vector<16xi32>, vector<16xi32>], vector<16xf32>,
      %add3A_1685 = arith.constant 22 : i32
      %add3A_1686 = vector.broadcast %add3A_1685 : i32 to vector<16xi32>
      %add3A_1687 = arith.addi %mul3A_1461, %add3A_1686 : vector<16xi32>
      %gather3A_1688 = tpu.vector_load_idx %arg10[%add3A_1433, %add3A_1687] : memref<128x128xf32, #tpu.memory_space<vmem>>[vector<16xi32>, vector<16xi32>], vector<16xf32>,
      %mul3A_1689 = arith.mulf %gather3A_1684, %gather3A_1688 : vector<16xf32>
      %add3A_1690 = arith.addf %add3A_1680, %mul3A_1689 : vector<16xf32>
      %add3A_1691 = arith.constant 23 : i32
      %add3A_1692 = vector.broadcast %add3A_1691 : i32 to vector<16xi32>
      %add3A_1693 = arith.addi %mul3A_1447, %add3A_1692 : vector<16xi32>
      %gather3A_1694 = tpu.vector_load_idx %arg9[%add3A_1433, %add3A_1693] : memref<128x128xf32, #tpu.memory_space<vmem>>[vector<16xi32>, vector<16xi32>], vector<16xf32>,
      %add3A_1695 = arith.constant 23 : i32
      %add3A_1696 = vector.broadcast %add3A_1695 : i32 to vector<16xi32>
      %add3A_1697 = arith.addi %mul3A_1461, %add3A_1696 : vector<16xi32>
      %gather3A_1698 = tpu.vector_load_idx %arg10[%add3A_1433, %add3A_1697] : memref<128x128xf32, #tpu.memory_space<vmem>>[vector<16xi32>, vector<16xi32>], vector<16xf32>,
      %mul3A_1699 = arith.mulf %gather3A_1694, %gather3A_1698 : vector<16xf32>
      %add3A_1700 = arith.addf %add3A_1690, %mul3A_1699 : vector<16xf32>
      %add3A_1701 = arith.constant 24 : i32
      %add3A_1702 = vector.broadcast %add3A_1701 : i32 to vector<16xi32>
      %add3A_1703 = arith.addi %mul3A_1447, %add3A_1702 : vector<16xi32>
      %gather3A_1704 = tpu.vector_load_idx %arg9[%add3A_1433, %add3A_1703] : memref<128x128xf32, #tpu.memory_space<vmem>>[vector<16xi32>, vector<16xi32>], vector<16xf32>,
      %add3A_1705 = arith.constant 24 : i32
      %add3A_1706 = vector.broadcast %add3A_1705 : i32 to vector<16xi32>
      %add3A_1707 = arith.addi %mul3A_1461, %add3A_1706 : vector<16xi32>
      %gather3A_1708 = tpu.vector_load_idx %arg10[%add3A_1433, %add3A_1707] : memref<128x128xf32, #tpu.memory_space<vmem>>[vector<16xi32>, vector<16xi32>], vector<16xf32>,
      %mul3A_1709 = arith.mulf %gather3A_1704, %gather3A_1708 : vector<16xf32>
      %add3A_1710 = arith.addf %add3A_1700, %mul3A_1709 : vector<16xf32>
      %add3A_1711 = arith.constant 25 : i32
      %add3A_1712 = vector.broadcast %add3A_1711 : i32 to vector<16xi32>
      %add3A_1713 = arith.addi %mul3A_1447, %add3A_1712 : vector<16xi32>
      %gather3A_1714 = tpu.vector_load_idx %arg9[%add3A_1433, %add3A_1713] : memref<128x128xf32, #tpu.memory_space<vmem>>[vector<16xi32>, vector<16xi32>], vector<16xf32>,
      %add3A_1715 = arith.constant 25 : i32
      %add3A_1716 = vector.broadcast %add3A_1715 : i32 to vector<16xi32>
      %add3A_1717 = arith.addi %mul3A_1461, %add3A_1716 : vector<16xi32>
      %gather3A_1718 = tpu.vector_load_idx %arg10[%add3A_1433, %add3A_1717] : memref<128x128xf32, #tpu.memory_space<vmem>>[vector<16xi32>, vector<16xi32>], vector<16xf32>,
      %mul3A_1719 = arith.mulf %gather3A_1714, %gather3A_1718 : vector<16xf32>
      %add3A_1720 = arith.addf %add3A_1710, %mul3A_1719 : vector<16xf32>
      %add3A_1721 = arith.constant 26 : i32
      %add3A_1722 = vector.broadcast %add3A_1721 : i32 to vector<16xi32>
      %add3A_1723 = arith.addi %mul3A_1447, %add3A_1722 : vector<16xi32>
      %gather3A_1724 = tpu.vector_load_idx %arg9[%add3A_1433, %add3A_1723] : memref<128x128xf32, #tpu.memory_space<vmem>>[vector<16xi32>, vector<16xi32>], vector<16xf32>,
      %add3A_1725 = arith.constant 26 : i32
      %add3A_1726 = vector.broadcast %add3A_1725 : i32 to vector<16xi32>
      %add3A_1727 = arith.addi %mul3A_1461, %add3A_1726 : vector<16xi32>
      %gather3A_1728 = tpu.vector_load_idx %arg10[%add3A_1433, %add3A_1727] : memref<128x128xf32, #tpu.memory_space<vmem>>[vector<16xi32>, vector<16xi32>], vector<16xf32>,
      %mul3A_1729 = arith.mulf %gather3A_1724, %gather3A_1728 : vector<16xf32>
      %add3A_1730 = arith.addf %add3A_1720, %mul3A_1729 : vector<16xf32>
      %add3A_1731 = arith.constant 27 : i32
      %add3A_1732 = vector.broadcast %add3A_1731 : i32 to vector<16xi32>
      %add3A_1733 = arith.addi %mul3A_1447, %add3A_1732 : vector<16xi32>
      %gather3A_1734 = tpu.vector_load_idx %arg9[%add3A_1433, %add3A_1733] : memref<128x128xf32, #tpu.memory_space<vmem>>[vector<16xi32>, vector<16xi32>], vector<16xf32>,
      %add3A_1735 = arith.constant 27 : i32
      %add3A_1736 = vector.broadcast %add3A_1735 : i32 to vector<16xi32>
      %add3A_1737 = arith.addi %mul3A_1461, %add3A_1736 : vector<16xi32>
      %gather3A_1738 = tpu.vector_load_idx %arg10[%add3A_1433, %add3A_1737] : memref<128x128xf32, #tpu.memory_space<vmem>>[vector<16xi32>, vector<16xi32>], vector<16xf32>,
      %mul3A_1739 = arith.mulf %gather3A_1734, %gather3A_1738 : vector<16xf32>
      %add3A_1740 = arith.addf %add3A_1730, %mul3A_1739 : vector<16xf32>
      %add3A_1741 = arith.constant 28 : i32
      %add3A_1742 = vector.broadcast %add3A_1741 : i32 to vector<16xi32>
      %add3A_1743 = arith.addi %mul3A_1447, %add3A_1742 : vector<16xi32>
      %gather3A_1744 = tpu.vector_load_idx %arg9[%add3A_1433, %add3A_1743] : memref<128x128xf32, #tpu.memory_space<vmem>>[vector<16xi32>, vector<16xi32>], vector<16xf32>,
      %add3A_1745 = arith.constant 28 : i32
      %add3A_1746 = vector.broadcast %add3A_1745 : i32 to vector<16xi32>
      %add3A_1747 = arith.addi %mul3A_1461, %add3A_1746 : vector<16xi32>
      %gather3A_1748 = tpu.vector_load_idx %arg10[%add3A_1433, %add3A_1747] : memref<128x128xf32, #tpu.memory_space<vmem>>[vector<16xi32>, vector<16xi32>], vector<16xf32>,
      %mul3A_1749 = arith.mulf %gather3A_1744, %gather3A_1748 : vector<16xf32>
      %add3A_1750 = arith.addf %add3A_1740, %mul3A_1749 : vector<16xf32>
      %add3A_1751 = arith.constant 29 : i32
      %add3A_1752 = vector.broadcast %add3A_1751 : i32 to vector<16xi32>
      %add3A_1753 = arith.addi %mul3A_1447, %add3A_1752 : vector<16xi32>
      %gather3A_1754 = tpu.vector_load_idx %arg9[%add3A_1433, %add3A_1753] : memref<128x128xf32, #tpu.memory_space<vmem>>[vector<16xi32>, vector<16xi32>], vector<16xf32>,
      %add3A_1755 = arith.constant 29 : i32
      %add3A_1756 = vector.broadcast %add3A_1755 : i32 to vector<16xi32>
      %add3A_1757 = arith.addi %mul3A_1461, %add3A_1756 : vector<16xi32>
      %gather3A_1758 = tpu.vector_load_idx %arg10[%add3A_1433, %add3A_1757] : memref<128x128xf32, #tpu.memory_space<vmem>>[vector<16xi32>, vector<16xi32>], vector<16xf32>,
      %mul3A_1759 = arith.mulf %gather3A_1754, %gather3A_1758 : vector<16xf32>
      %add3A_1760 = arith.addf %add3A_1750, %mul3A_1759 : vector<16xf32>
      %add3A_1761 = arith.constant 30 : i32
      %add3A_1762 = vector.broadcast %add3A_1761 : i32 to vector<16xi32>
      %add3A_1763 = arith.addi %mul3A_1447, %add3A_1762 : vector<16xi32>
      %gather3A_1764 = tpu.vector_load_idx %arg9[%add3A_1433, %add3A_1763] : memref<128x128xf32, #tpu.memory_space<vmem>>[vector<16xi32>, vector<16xi32>], vector<16xf32>,
      %add3A_1765 = arith.constant 30 : i32
      %add3A_1766 = vector.broadcast %add3A_1765 : i32 to vector<16xi32>
      %add3A_1767 = arith.addi %mul3A_1461, %add3A_1766 : vector<16xi32>
      %gather3A_1768 = tpu.vector_load_idx %arg10[%add3A_1433, %add3A_1767] : memref<128x128xf32, #tpu.memory_space<vmem>>[vector<16xi32>, vector<16xi32>], vector<16xf32>,
      %mul3A_1769 = arith.mulf %gather3A_1764, %gather3A_1768 : vector<16xf32>
      %add3A_1770 = arith.addf %add3A_1760, %mul3A_1769 : vector<16xf32>
      %add3A_1771 = arith.constant 31 : i32
      %add3A_1772 = vector.broadcast %add3A_1771 : i32 to vector<16xi32>
      %add3A_1773 = arith.addi %mul3A_1447, %add3A_1772 : vector<16xi32>
      %gather3A_1774 = tpu.vector_load_idx %arg9[%add3A_1433, %add3A_1773] : memref<128x128xf32, #tpu.memory_space<vmem>>[vector<16xi32>, vector<16xi32>], vector<16xf32>,
      %add3A_1775 = arith.constant 31 : i32
      %add3A_1776 = vector.broadcast %add3A_1775 : i32 to vector<16xi32>
      %add3A_1777 = arith.addi %mul3A_1461, %add3A_1776 : vector<16xi32>
      %gather3A_1778 = tpu.vector_load_idx %arg10[%add3A_1433, %add3A_1777] : memref<128x128xf32, #tpu.memory_space<vmem>>[vector<16xi32>, vector<16xi32>], vector<16xf32>,
      %mul3A_1779 = arith.mulf %gather3A_1774, %gather3A_1778 : vector<16xf32>
      %add3A_1780 = arith.addf %add3A_1770, %mul3A_1779 : vector<16xf32>
      %mul3A_1781 = arith.constant 128 : i32
      %mul3A_1782 = arith.muli %scan3A_39, %mul3A_1781 : i32
      %add3A_1783 = arith.constant 48 : i32
      %add3A_1784 = arith.addi %mul3A_1782, %add3A_1783 : i32
      %swap3A_1785 = arith.index_cast %add3A_1784 : i32 to index
      %swap3A_1786 = tpu.vector_load %arg11[%swap3A_1785] {strides = array<i32>} : memref<512xf32, #tpu.memory_space<vmem>>, vector<16xf32>,
      tpu.vector_store %arg11[%swap3A_1785], %add3A_1780 {strides = array<i32>} : memref<512xf32, #tpu.memory_space<vmem>>, vector<16xf32>,
      %add3A_1787 = arith.constant 64 : i32
      %add3A_1788 = vector.broadcast %add3A_1787 : i32 to vector<16xi32>
      %add3A_1789 = arith.addi %add3A_1788, %iota3A : vector<16xi32>
      %get3A_1790 = arith.constant 0 : i32
      %get3A_1791 = arith.index_cast %get3A_1790 : i32 to index
      %get3A_1792 = arith.index_cast %scan3A_39 : i32 to index
      %get3A_1793 = arith.constant 64 : index
      %get3A_1794 = tpu.vector_load %arg6[%get3A_1791, %get3A_1792, %get3A_1793] {strides = array<i32>} : memref<2x4x128xi32, #tpu.memory_space<vmem>>, vector<16xi32>,
      %shift_right_arithmetic3A_1795 = arith.constant 13 : i32
      %shift_right_arithmetic3A_1796 = vector.broadcast %shift_right_arithmetic3A_1795 : i32 to vector<16xi32>
      %shift_right_arithmetic3A_1797 = arith.shrsi %get3A_1794, %shift_right_arithmetic3A_1796 : vector<16xi32>
      %and3A_1798 = arith.constant 3 : i32
      %and3A_1799 = vector.broadcast %and3A_1798 : i32 to vector<16xi32>
      %and3A_1800 = arith.andi %shift_right_arithmetic3A_1797, %and3A_1799 : vector<16xi32>
      %mul3A_1801 = arith.constant 32 : i32
      %mul3A_1802 = vector.broadcast %mul3A_1801 : i32 to vector<16xi32>
      %mul3A_1803 = arith.muli %and3A_1800, %mul3A_1802 : vector<16xi32>
      %get3A_1804 = arith.constant 1 : i32
      %get3A_1805 = arith.index_cast %get3A_1804 : i32 to index
      %get3A_1806 = arith.index_cast %scan3A_39 : i32 to index
      %get3A_1807 = arith.constant 64 : index
      %get3A_1808 = tpu.vector_load %arg6[%get3A_1805, %get3A_1806, %get3A_1807] {strides = array<i32>} : memref<2x4x128xi32, #tpu.memory_space<vmem>>, vector<16xi32>,
      %shift_right_arithmetic3A_1809 = arith.constant 13 : i32
      %shift_right_arithmetic3A_1810 = vector.broadcast %shift_right_arithmetic3A_1809 : i32 to vector<16xi32>
      %shift_right_arithmetic3A_1811 = arith.shrsi %get3A_1808, %shift_right_arithmetic3A_1810 : vector<16xi32>
      %and3A_1812 = arith.constant 3 : i32
      %and3A_1813 = vector.broadcast %and3A_1812 : i32 to vector<16xi32>
      %and3A_1814 = arith.andi %shift_right_arithmetic3A_1811, %and3A_1813 : vector<16xi32>
      %mul3A_1815 = arith.constant 32 : i32
      %mul3A_1816 = vector.broadcast %mul3A_1815 : i32 to vector<16xi32>
      %mul3A_1817 = arith.muli %and3A_1814, %mul3A_1816 : vector<16xi32>
      %add3A_1818 = arith.constant 0 : i32
      %add3A_1819 = vector.broadcast %add3A_1818 : i32 to vector<16xi32>
      %add3A_1820 = arith.addi %mul3A_1803, %add3A_1819 : vector<16xi32>
      %gather3A_1821 = tpu.vector_load_idx %arg9[%add3A_1789, %add3A_1820] : memref<128x128xf32, #tpu.memory_space<vmem>>[vector<16xi32>, vector<16xi32>], vector<16xf32>,
      %add3A_1822 = arith.constant 0 : i32
      %add3A_1823 = vector.broadcast %add3A_1822 : i32 to vector<16xi32>
      %add3A_1824 = arith.addi %mul3A_1817, %add3A_1823 : vector<16xi32>
      %gather3A_1825 = tpu.vector_load_idx %arg10[%add3A_1789, %add3A_1824] : memref<128x128xf32, #tpu.memory_space<vmem>>[vector<16xi32>, vector<16xi32>], vector<16xf32>,
      %mul3A_1826 = arith.mulf %gather3A_1821, %gather3A_1825 : vector<16xf32>
      %add3A_1827 = arith.constant 1 : i32
      %add3A_1828 = vector.broadcast %add3A_1827 : i32 to vector<16xi32>
      %add3A_1829 = arith.addi %mul3A_1803, %add3A_1828 : vector<16xi32>
      %gather3A_1830 = tpu.vector_load_idx %arg9[%add3A_1789, %add3A_1829] : memref<128x128xf32, #tpu.memory_space<vmem>>[vector<16xi32>, vector<16xi32>], vector<16xf32>,
      %add3A_1831 = arith.constant 1 : i32
      %add3A_1832 = vector.broadcast %add3A_1831 : i32 to vector<16xi32>
      %add3A_1833 = arith.addi %mul3A_1817, %add3A_1832 : vector<16xi32>
      %gather3A_1834 = tpu.vector_load_idx %arg10[%add3A_1789, %add3A_1833] : memref<128x128xf32, #tpu.memory_space<vmem>>[vector<16xi32>, vector<16xi32>], vector<16xf32>,
      %mul3A_1835 = arith.mulf %gather3A_1830, %gather3A_1834 : vector<16xf32>
      %add3A_1836 = arith.addf %mul3A_1826, %mul3A_1835 : vector<16xf32>
      %add3A_1837 = arith.constant 2 : i32
      %add3A_1838 = vector.broadcast %add3A_1837 : i32 to vector<16xi32>
      %add3A_1839 = arith.addi %mul3A_1803, %add3A_1838 : vector<16xi32>
      %gather3A_1840 = tpu.vector_load_idx %arg9[%add3A_1789, %add3A_1839] : memref<128x128xf32, #tpu.memory_space<vmem>>[vector<16xi32>, vector<16xi32>], vector<16xf32>,
      %add3A_1841 = arith.constant 2 : i32
      %add3A_1842 = vector.broadcast %add3A_1841 : i32 to vector<16xi32>
      %add3A_1843 = arith.addi %mul3A_1817, %add3A_1842 : vector<16xi32>
      %gather3A_1844 = tpu.vector_load_idx %arg10[%add3A_1789, %add3A_1843] : memref<128x128xf32, #tpu.memory_space<vmem>>[vector<16xi32>, vector<16xi32>], vector<16xf32>,
      %mul3A_1845 = arith.mulf %gather3A_1840, %gather3A_1844 : vector<16xf32>
      %add3A_1846 = arith.addf %add3A_1836, %mul3A_1845 : vector<16xf32>
      %add3A_1847 = arith.constant 3 : i32
      %add3A_1848 = vector.broadcast %add3A_1847 : i32 to vector<16xi32>
      %add3A_1849 = arith.addi %mul3A_1803, %add3A_1848 : vector<16xi32>
      %gather3A_1850 = tpu.vector_load_idx %arg9[%add3A_1789, %add3A_1849] : memref<128x128xf32, #tpu.memory_space<vmem>>[vector<16xi32>, vector<16xi32>], vector<16xf32>,
      %add3A_1851 = arith.constant 3 : i32
      %add3A_1852 = vector.broadcast %add3A_1851 : i32 to vector<16xi32>
      %add3A_1853 = arith.addi %mul3A_1817, %add3A_1852 : vector<16xi32>
      %gather3A_1854 = tpu.vector_load_idx %arg10[%add3A_1789, %add3A_1853] : memref<128x128xf32, #tpu.memory_space<vmem>>[vector<16xi32>, vector<16xi32>], vector<16xf32>,
      %mul3A_1855 = arith.mulf %gather3A_1850, %gather3A_1854 : vector<16xf32>
      %add3A_1856 = arith.addf %add3A_1846, %mul3A_1855 : vector<16xf32>
      %add3A_1857 = arith.constant 4 : i32
      %add3A_1858 = vector.broadcast %add3A_1857 : i32 to vector<16xi32>
      %add3A_1859 = arith.addi %mul3A_1803, %add3A_1858 : vector<16xi32>
      %gather3A_1860 = tpu.vector_load_idx %arg9[%add3A_1789, %add3A_1859] : memref<128x128xf32, #tpu.memory_space<vmem>>[vector<16xi32>, vector<16xi32>], vector<16xf32>,
      %add3A_1861 = arith.constant 4 : i32
      %add3A_1862 = vector.broadcast %add3A_1861 : i32 to vector<16xi32>
      %add3A_1863 = arith.addi %mul3A_1817, %add3A_1862 : vector<16xi32>
      %gather3A_1864 = tpu.vector_load_idx %arg10[%add3A_1789, %add3A_1863] : memref<128x128xf32, #tpu.memory_space<vmem>>[vector<16xi32>, vector<16xi32>], vector<16xf32>,
      %mul3A_1865 = arith.mulf %gather3A_1860, %gather3A_1864 : vector<16xf32>
      %add3A_1866 = arith.addf %add3A_1856, %mul3A_1865 : vector<16xf32>
      %add3A_1867 = arith.constant 5 : i32
      %add3A_1868 = vector.broadcast %add3A_1867 : i32 to vector<16xi32>
      %add3A_1869 = arith.addi %mul3A_1803, %add3A_1868 : vector<16xi32>
      %gather3A_1870 = tpu.vector_load_idx %arg9[%add3A_1789, %add3A_1869] : memref<128x128xf32, #tpu.memory_space<vmem>>[vector<16xi32>, vector<16xi32>], vector<16xf32>,
      %add3A_1871 = arith.constant 5 : i32
      %add3A_1872 = vector.broadcast %add3A_1871 : i32 to vector<16xi32>
      %add3A_1873 = arith.addi %mul3A_1817, %add3A_1872 : vector<16xi32>
      %gather3A_1874 = tpu.vector_load_idx %arg10[%add3A_1789, %add3A_1873] : memref<128x128xf32, #tpu.memory_space<vmem>>[vector<16xi32>, vector<16xi32>], vector<16xf32>,
      %mul3A_1875 = arith.mulf %gather3A_1870, %gather3A_1874 : vector<16xf32>
      %add3A_1876 = arith.addf %add3A_1866, %mul3A_1875 : vector<16xf32>
      %add3A_1877 = arith.constant 6 : i32
      %add3A_1878 = vector.broadcast %add3A_1877 : i32 to vector<16xi32>
      %add3A_1879 = arith.addi %mul3A_1803, %add3A_1878 : vector<16xi32>
      %gather3A_1880 = tpu.vector_load_idx %arg9[%add3A_1789, %add3A_1879] : memref<128x128xf32, #tpu.memory_space<vmem>>[vector<16xi32>, vector<16xi32>], vector<16xf32>,
      %add3A_1881 = arith.constant 6 : i32
      %add3A_1882 = vector.broadcast %add3A_1881 : i32 to vector<16xi32>
      %add3A_1883 = arith.addi %mul3A_1817, %add3A_1882 : vector<16xi32>
      %gather3A_1884 = tpu.vector_load_idx %arg10[%add3A_1789, %add3A_1883] : memref<128x128xf32, #tpu.memory_space<vmem>>[vector<16xi32>, vector<16xi32>], vector<16xf32>,
      %mul3A_1885 = arith.mulf %gather3A_1880, %gather3A_1884 : vector<16xf32>
      %add3A_1886 = arith.addf %add3A_1876, %mul3A_1885 : vector<16xf32>
      %add3A_1887 = arith.constant 7 : i32
      %add3A_1888 = vector.broadcast %add3A_1887 : i32 to vector<16xi32>
      %add3A_1889 = arith.addi %mul3A_1803, %add3A_1888 : vector<16xi32>
      %gather3A_1890 = tpu.vector_load_idx %arg9[%add3A_1789, %add3A_1889] : memref<128x128xf32, #tpu.memory_space<vmem>>[vector<16xi32>, vector<16xi32>], vector<16xf32>,
      %add3A_1891 = arith.constant 7 : i32
      %add3A_1892 = vector.broadcast %add3A_1891 : i32 to vector<16xi32>
      %add3A_1893 = arith.addi %mul3A_1817, %add3A_1892 : vector<16xi32>
      %gather3A_1894 = tpu.vector_load_idx %arg10[%add3A_1789, %add3A_1893] : memref<128x128xf32, #tpu.memory_space<vmem>>[vector<16xi32>, vector<16xi32>], vector<16xf32>,
      %mul3A_1895 = arith.mulf %gather3A_1890, %gather3A_1894 : vector<16xf32>
      %add3A_1896 = arith.addf %add3A_1886, %mul3A_1895 : vector<16xf32>
      %add3A_1897 = arith.constant 8 : i32
      %add3A_1898 = vector.broadcast %add3A_1897 : i32 to vector<16xi32>
      %add3A_1899 = arith.addi %mul3A_1803, %add3A_1898 : vector<16xi32>
      %gather3A_1900 = tpu.vector_load_idx %arg9[%add3A_1789, %add3A_1899] : memref<128x128xf32, #tpu.memory_space<vmem>>[vector<16xi32>, vector<16xi32>], vector<16xf32>,
      %add3A_1901 = arith.constant 8 : i32
      %add3A_1902 = vector.broadcast %add3A_1901 : i32 to vector<16xi32>
      %add3A_1903 = arith.addi %mul3A_1817, %add3A_1902 : vector<16xi32>
      %gather3A_1904 = tpu.vector_load_idx %arg10[%add3A_1789, %add3A_1903] : memref<128x128xf32, #tpu.memory_space<vmem>>[vector<16xi32>, vector<16xi32>], vector<16xf32>,
      %mul3A_1905 = arith.mulf %gather3A_1900, %gather3A_1904 : vector<16xf32>
      %add3A_1906 = arith.addf %add3A_1896, %mul3A_1905 : vector<16xf32>
      %add3A_1907 = arith.constant 9 : i32
      %add3A_1908 = vector.broadcast %add3A_1907 : i32 to vector<16xi32>
      %add3A_1909 = arith.addi %mul3A_1803, %add3A_1908 : vector<16xi32>
      %gather3A_1910 = tpu.vector_load_idx %arg9[%add3A_1789, %add3A_1909] : memref<128x128xf32, #tpu.memory_space<vmem>>[vector<16xi32>, vector<16xi32>], vector<16xf32>,
      %add3A_1911 = arith.constant 9 : i32
      %add3A_1912 = vector.broadcast %add3A_1911 : i32 to vector<16xi32>
      %add3A_1913 = arith.addi %mul3A_1817, %add3A_1912 : vector<16xi32>
      %gather3A_1914 = tpu.vector_load_idx %arg10[%add3A_1789, %add3A_1913] : memref<128x128xf32, #tpu.memory_space<vmem>>[vector<16xi32>, vector<16xi32>], vector<16xf32>,
      %mul3A_1915 = arith.mulf %gather3A_1910, %gather3A_1914 : vector<16xf32>
      %add3A_1916 = arith.addf %add3A_1906, %mul3A_1915 : vector<16xf32>
      %add3A_1917 = arith.constant 10 : i32
      %add3A_1918 = vector.broadcast %add3A_1917 : i32 to vector<16xi32>
      %add3A_1919 = arith.addi %mul3A_1803, %add3A_1918 : vector<16xi32>
      %gather3A_1920 = tpu.vector_load_idx %arg9[%add3A_1789, %add3A_1919] : memref<128x128xf32, #tpu.memory_space<vmem>>[vector<16xi32>, vector<16xi32>], vector<16xf32>,
      %add3A_1921 = arith.constant 10 : i32
      %add3A_1922 = vector.broadcast %add3A_1921 : i32 to vector<16xi32>
      %add3A_1923 = arith.addi %mul3A_1817, %add3A_1922 : vector<16xi32>
      %gather3A_1924 = tpu.vector_load_idx %arg10[%add3A_1789, %add3A_1923] : memref<128x128xf32, #tpu.memory_space<vmem>>[vector<16xi32>, vector<16xi32>], vector<16xf32>,
      %mul3A_1925 = arith.mulf %gather3A_1920, %gather3A_1924 : vector<16xf32>
      %add3A_1926 = arith.addf %add3A_1916, %mul3A_1925 : vector<16xf32>
      %add3A_1927 = arith.constant 11 : i32
      %add3A_1928 = vector.broadcast %add3A_1927 : i32 to vector<16xi32>
      %add3A_1929 = arith.addi %mul3A_1803, %add3A_1928 : vector<16xi32>
      %gather3A_1930 = tpu.vector_load_idx %arg9[%add3A_1789, %add3A_1929] : memref<128x128xf32, #tpu.memory_space<vmem>>[vector<16xi32>, vector<16xi32>], vector<16xf32>,
      %add3A_1931 = arith.constant 11 : i32
      %add3A_1932 = vector.broadcast %add3A_1931 : i32 to vector<16xi32>
      %add3A_1933 = arith.addi %mul3A_1817, %add3A_1932 : vector<16xi32>
      %gather3A_1934 = tpu.vector_load_idx %arg10[%add3A_1789, %add3A_1933] : memref<128x128xf32, #tpu.memory_space<vmem>>[vector<16xi32>, vector<16xi32>], vector<16xf32>,
      %mul3A_1935 = arith.mulf %gather3A_1930, %gather3A_1934 : vector<16xf32>
      %add3A_1936 = arith.addf %add3A_1926, %mul3A_1935 : vector<16xf32>
      %add3A_1937 = arith.constant 12 : i32
      %add3A_1938 = vector.broadcast %add3A_1937 : i32 to vector<16xi32>
      %add3A_1939 = arith.addi %mul3A_1803, %add3A_1938 : vector<16xi32>
      %gather3A_1940 = tpu.vector_load_idx %arg9[%add3A_1789, %add3A_1939] : memref<128x128xf32, #tpu.memory_space<vmem>>[vector<16xi32>, vector<16xi32>], vector<16xf32>,
      %add3A_1941 = arith.constant 12 : i32
      %add3A_1942 = vector.broadcast %add3A_1941 : i32 to vector<16xi32>
      %add3A_1943 = arith.addi %mul3A_1817, %add3A_1942 : vector<16xi32>
      %gather3A_1944 = tpu.vector_load_idx %arg10[%add3A_1789, %add3A_1943] : memref<128x128xf32, #tpu.memory_space<vmem>>[vector<16xi32>, vector<16xi32>], vector<16xf32>,
      %mul3A_1945 = arith.mulf %gather3A_1940, %gather3A_1944 : vector<16xf32>
      %add3A_1946 = arith.addf %add3A_1936, %mul3A_1945 : vector<16xf32>
      %add3A_1947 = arith.constant 13 : i32
      %add3A_1948 = vector.broadcast %add3A_1947 : i32 to vector<16xi32>
      %add3A_1949 = arith.addi %mul3A_1803, %add3A_1948 : vector<16xi32>
      %gather3A_1950 = tpu.vector_load_idx %arg9[%add3A_1789, %add3A_1949] : memref<128x128xf32, #tpu.memory_space<vmem>>[vector<16xi32>, vector<16xi32>], vector<16xf32>,
      %add3A_1951 = arith.constant 13 : i32
      %add3A_1952 = vector.broadcast %add3A_1951 : i32 to vector<16xi32>
      %add3A_1953 = arith.addi %mul3A_1817, %add3A_1952 : vector<16xi32>
      %gather3A_1954 = tpu.vector_load_idx %arg10[%add3A_1789, %add3A_1953] : memref<128x128xf32, #tpu.memory_space<vmem>>[vector<16xi32>, vector<16xi32>], vector<16xf32>,
      %mul3A_1955 = arith.mulf %gather3A_1950, %gather3A_1954 : vector<16xf32>
      %add3A_1956 = arith.addf %add3A_1946, %mul3A_1955 : vector<16xf32>
      %add3A_1957 = arith.constant 14 : i32
      %add3A_1958 = vector.broadcast %add3A_1957 : i32 to vector<16xi32>
      %add3A_1959 = arith.addi %mul3A_1803, %add3A_1958 : vector<16xi32>
      %gather3A_1960 = tpu.vector_load_idx %arg9[%add3A_1789, %add3A_1959] : memref<128x128xf32, #tpu.memory_space<vmem>>[vector<16xi32>, vector<16xi32>], vector<16xf32>,
      %add3A_1961 = arith.constant 14 : i32
      %add3A_1962 = vector.broadcast %add3A_1961 : i32 to vector<16xi32>
      %add3A_1963 = arith.addi %mul3A_1817, %add3A_1962 : vector<16xi32>
      %gather3A_1964 = tpu.vector_load_idx %arg10[%add3A_1789, %add3A_1963] : memref<128x128xf32, #tpu.memory_space<vmem>>[vector<16xi32>, vector<16xi32>], vector<16xf32>,
      %mul3A_1965 = arith.mulf %gather3A_1960, %gather3A_1964 : vector<16xf32>
      %add3A_1966 = arith.addf %add3A_1956, %mul3A_1965 : vector<16xf32>
      %add3A_1967 = arith.constant 15 : i32
      %add3A_1968 = vector.broadcast %add3A_1967 : i32 to vector<16xi32>
      %add3A_1969 = arith.addi %mul3A_1803, %add3A_1968 : vector<16xi32>
      %gather3A_1970 = tpu.vector_load_idx %arg9[%add3A_1789, %add3A_1969] : memref<128x128xf32, #tpu.memory_space<vmem>>[vector<16xi32>, vector<16xi32>], vector<16xf32>,
      %add3A_1971 = arith.constant 15 : i32
      %add3A_1972 = vector.broadcast %add3A_1971 : i32 to vector<16xi32>
      %add3A_1973 = arith.addi %mul3A_1817, %add3A_1972 : vector<16xi32>
      %gather3A_1974 = tpu.vector_load_idx %arg10[%add3A_1789, %add3A_1973] : memref<128x128xf32, #tpu.memory_space<vmem>>[vector<16xi32>, vector<16xi32>], vector<16xf32>,
      %mul3A_1975 = arith.mulf %gather3A_1970, %gather3A_1974 : vector<16xf32>
      %add3A_1976 = arith.addf %add3A_1966, %mul3A_1975 : vector<16xf32>
      %add3A_1977 = arith.constant 16 : i32
      %add3A_1978 = vector.broadcast %add3A_1977 : i32 to vector<16xi32>
      %add3A_1979 = arith.addi %mul3A_1803, %add3A_1978 : vector<16xi32>
      %gather3A_1980 = tpu.vector_load_idx %arg9[%add3A_1789, %add3A_1979] : memref<128x128xf32, #tpu.memory_space<vmem>>[vector<16xi32>, vector<16xi32>], vector<16xf32>,
      %add3A_1981 = arith.constant 16 : i32
      %add3A_1982 = vector.broadcast %add3A_1981 : i32 to vector<16xi32>
      %add3A_1983 = arith.addi %mul3A_1817, %add3A_1982 : vector<16xi32>
      %gather3A_1984 = tpu.vector_load_idx %arg10[%add3A_1789, %add3A_1983] : memref<128x128xf32, #tpu.memory_space<vmem>>[vector<16xi32>, vector<16xi32>], vector<16xf32>,
      %mul3A_1985 = arith.mulf %gather3A_1980, %gather3A_1984 : vector<16xf32>
      %add3A_1986 = arith.addf %add3A_1976, %mul3A_1985 : vector<16xf32>
      %add3A_1987 = arith.constant 17 : i32
      %add3A_1988 = vector.broadcast %add3A_1987 : i32 to vector<16xi32>
      %add3A_1989 = arith.addi %mul3A_1803, %add3A_1988 : vector<16xi32>
      %gather3A_1990 = tpu.vector_load_idx %arg9[%add3A_1789, %add3A_1989] : memref<128x128xf32, #tpu.memory_space<vmem>>[vector<16xi32>, vector<16xi32>], vector<16xf32>,
      %add3A_1991 = arith.constant 17 : i32
      %add3A_1992 = vector.broadcast %add3A_1991 : i32 to vector<16xi32>
      %add3A_1993 = arith.addi %mul3A_1817, %add3A_1992 : vector<16xi32>
      %gather3A_1994 = tpu.vector_load_idx %arg10[%add3A_1789, %add3A_1993] : memref<128x128xf32, #tpu.memory_space<vmem>>[vector<16xi32>, vector<16xi32>], vector<16xf32>,
      %mul3A_1995 = arith.mulf %gather3A_1990, %gather3A_1994 : vector<16xf32>
      %add3A_1996 = arith.addf %add3A_1986, %mul3A_1995 : vector<16xf32>
      %add3A_1997 = arith.constant 18 : i32
      %add3A_1998 = vector.broadcast %add3A_1997 : i32 to vector<16xi32>
      %add3A_1999 = arith.addi %mul3A_1803, %add3A_1998 : vector<16xi32>
      %gather3A_2000 = tpu.vector_load_idx %arg9[%add3A_1789, %add3A_1999] : memref<128x128xf32, #tpu.memory_space<vmem>>[vector<16xi32>, vector<16xi32>], vector<16xf32>,
      %add3A_2001 = arith.constant 18 : i32
      %add3A_2002 = vector.broadcast %add3A_2001 : i32 to vector<16xi32>
      %add3A_2003 = arith.addi %mul3A_1817, %add3A_2002 : vector<16xi32>
      %gather3A_2004 = tpu.vector_load_idx %arg10[%add3A_1789, %add3A_2003] : memref<128x128xf32, #tpu.memory_space<vmem>>[vector<16xi32>, vector<16xi32>], vector<16xf32>,
      %mul3A_2005 = arith.mulf %gather3A_2000, %gather3A_2004 : vector<16xf32>
      %add3A_2006 = arith.addf %add3A_1996, %mul3A_2005 : vector<16xf32>
      %add3A_2007 = arith.constant 19 : i32
      %add3A_2008 = vector.broadcast %add3A_2007 : i32 to vector<16xi32>
      %add3A_2009 = arith.addi %mul3A_1803, %add3A_2008 : vector<16xi32>
      %gather3A_2010 = tpu.vector_load_idx %arg9[%add3A_1789, %add3A_2009] : memref<128x128xf32, #tpu.memory_space<vmem>>[vector<16xi32>, vector<16xi32>], vector<16xf32>,
      %add3A_2011 = arith.constant 19 : i32
      %add3A_2012 = vector.broadcast %add3A_2011 : i32 to vector<16xi32>
      %add3A_2013 = arith.addi %mul3A_1817, %add3A_2012 : vector<16xi32>
      %gather3A_2014 = tpu.vector_load_idx %arg10[%add3A_1789, %add3A_2013] : memref<128x128xf32, #tpu.memory_space<vmem>>[vector<16xi32>, vector<16xi32>], vector<16xf32>,
      %mul3A_2015 = arith.mulf %gather3A_2010, %gather3A_2014 : vector<16xf32>
      %add3A_2016 = arith.addf %add3A_2006, %mul3A_2015 : vector<16xf32>
      %add3A_2017 = arith.constant 20 : i32
      %add3A_2018 = vector.broadcast %add3A_2017 : i32 to vector<16xi32>
      %add3A_2019 = arith.addi %mul3A_1803, %add3A_2018 : vector<16xi32>
      %gather3A_2020 = tpu.vector_load_idx %arg9[%add3A_1789, %add3A_2019] : memref<128x128xf32, #tpu.memory_space<vmem>>[vector<16xi32>, vector<16xi32>], vector<16xf32>,
      %add3A_2021 = arith.constant 20 : i32
      %add3A_2022 = vector.broadcast %add3A_2021 : i32 to vector<16xi32>
      %add3A_2023 = arith.addi %mul3A_1817, %add3A_2022 : vector<16xi32>
      %gather3A_2024 = tpu.vector_load_idx %arg10[%add3A_1789, %add3A_2023] : memref<128x128xf32, #tpu.memory_space<vmem>>[vector<16xi32>, vector<16xi32>], vector<16xf32>,
      %mul3A_2025 = arith.mulf %gather3A_2020, %gather3A_2024 : vector<16xf32>
      %add3A_2026 = arith.addf %add3A_2016, %mul3A_2025 : vector<16xf32>
      %add3A_2027 = arith.constant 21 : i32
      %add3A_2028 = vector.broadcast %add3A_2027 : i32 to vector<16xi32>
      %add3A_2029 = arith.addi %mul3A_1803, %add3A_2028 : vector<16xi32>
      %gather3A_2030 = tpu.vector_load_idx %arg9[%add3A_1789, %add3A_2029] : memref<128x128xf32, #tpu.memory_space<vmem>>[vector<16xi32>, vector<16xi32>], vector<16xf32>,
      %add3A_2031 = arith.constant 21 : i32
      %add3A_2032 = vector.broadcast %add3A_2031 : i32 to vector<16xi32>
      %add3A_2033 = arith.addi %mul3A_1817, %add3A_2032 : vector<16xi32>
      %gather3A_2034 = tpu.vector_load_idx %arg10[%add3A_1789, %add3A_2033] : memref<128x128xf32, #tpu.memory_space<vmem>>[vector<16xi32>, vector<16xi32>], vector<16xf32>,
      %mul3A_2035 = arith.mulf %gather3A_2030, %gather3A_2034 : vector<16xf32>
      %add3A_2036 = arith.addf %add3A_2026, %mul3A_2035 : vector<16xf32>
      %add3A_2037 = arith.constant 22 : i32
      %add3A_2038 = vector.broadcast %add3A_2037 : i32 to vector<16xi32>
      %add3A_2039 = arith.addi %mul3A_1803, %add3A_2038 : vector<16xi32>
      %gather3A_2040 = tpu.vector_load_idx %arg9[%add3A_1789, %add3A_2039] : memref<128x128xf32, #tpu.memory_space<vmem>>[vector<16xi32>, vector<16xi32>], vector<16xf32>,
      %add3A_2041 = arith.constant 22 : i32
      %add3A_2042 = vector.broadcast %add3A_2041 : i32 to vector<16xi32>
      %add3A_2043 = arith.addi %mul3A_1817, %add3A_2042 : vector<16xi32>
      %gather3A_2044 = tpu.vector_load_idx %arg10[%add3A_1789, %add3A_2043] : memref<128x128xf32, #tpu.memory_space<vmem>>[vector<16xi32>, vector<16xi32>], vector<16xf32>,
      %mul3A_2045 = arith.mulf %gather3A_2040, %gather3A_2044 : vector<16xf32>
      %add3A_2046 = arith.addf %add3A_2036, %mul3A_2045 : vector<16xf32>
      %add3A_2047 = arith.constant 23 : i32
      %add3A_2048 = vector.broadcast %add3A_2047 : i32 to vector<16xi32>
      %add3A_2049 = arith.addi %mul3A_1803, %add3A_2048 : vector<16xi32>
      %gather3A_2050 = tpu.vector_load_idx %arg9[%add3A_1789, %add3A_2049] : memref<128x128xf32, #tpu.memory_space<vmem>>[vector<16xi32>, vector<16xi32>], vector<16xf32>,
      %add3A_2051 = arith.constant 23 : i32
      %add3A_2052 = vector.broadcast %add3A_2051 : i32 to vector<16xi32>
      %add3A_2053 = arith.addi %mul3A_1817, %add3A_2052 : vector<16xi32>
      %gather3A_2054 = tpu.vector_load_idx %arg10[%add3A_1789, %add3A_2053] : memref<128x128xf32, #tpu.memory_space<vmem>>[vector<16xi32>, vector<16xi32>], vector<16xf32>,
      %mul3A_2055 = arith.mulf %gather3A_2050, %gather3A_2054 : vector<16xf32>
      %add3A_2056 = arith.addf %add3A_2046, %mul3A_2055 : vector<16xf32>
      %add3A_2057 = arith.constant 24 : i32
      %add3A_2058 = vector.broadcast %add3A_2057 : i32 to vector<16xi32>
      %add3A_2059 = arith.addi %mul3A_1803, %add3A_2058 : vector<16xi32>
      %gather3A_2060 = tpu.vector_load_idx %arg9[%add3A_1789, %add3A_2059] : memref<128x128xf32, #tpu.memory_space<vmem>>[vector<16xi32>, vector<16xi32>], vector<16xf32>,
      %add3A_2061 = arith.constant 24 : i32
      %add3A_2062 = vector.broadcast %add3A_2061 : i32 to vector<16xi32>
      %add3A_2063 = arith.addi %mul3A_1817, %add3A_2062 : vector<16xi32>
      %gather3A_2064 = tpu.vector_load_idx %arg10[%add3A_1789, %add3A_2063] : memref<128x128xf32, #tpu.memory_space<vmem>>[vector<16xi32>, vector<16xi32>], vector<16xf32>,
      %mul3A_2065 = arith.mulf %gather3A_2060, %gather3A_2064 : vector<16xf32>
      %add3A_2066 = arith.addf %add3A_2056, %mul3A_2065 : vector<16xf32>
      %add3A_2067 = arith.constant 25 : i32
      %add3A_2068 = vector.broadcast %add3A_2067 : i32 to vector<16xi32>
      %add3A_2069 = arith.addi %mul3A_1803, %add3A_2068 : vector<16xi32>
      %gather3A_2070 = tpu.vector_load_idx %arg9[%add3A_1789, %add3A_2069] : memref<128x128xf32, #tpu.memory_space<vmem>>[vector<16xi32>, vector<16xi32>], vector<16xf32>,
      %add3A_2071 = arith.constant 25 : i32
      %add3A_2072 = vector.broadcast %add3A_2071 : i32 to vector<16xi32>
      %add3A_2073 = arith.addi %mul3A_1817, %add3A_2072 : vector<16xi32>
      %gather3A_2074 = tpu.vector_load_idx %arg10[%add3A_1789, %add3A_2073] : memref<128x128xf32, #tpu.memory_space<vmem>>[vector<16xi32>, vector<16xi32>], vector<16xf32>,
      %mul3A_2075 = arith.mulf %gather3A_2070, %gather3A_2074 : vector<16xf32>
      %add3A_2076 = arith.addf %add3A_2066, %mul3A_2075 : vector<16xf32>
      %add3A_2077 = arith.constant 26 : i32
      %add3A_2078 = vector.broadcast %add3A_2077 : i32 to vector<16xi32>
      %add3A_2079 = arith.addi %mul3A_1803, %add3A_2078 : vector<16xi32>
      %gather3A_2080 = tpu.vector_load_idx %arg9[%add3A_1789, %add3A_2079] : memref<128x128xf32, #tpu.memory_space<vmem>>[vector<16xi32>, vector<16xi32>], vector<16xf32>,
      %add3A_2081 = arith.constant 26 : i32
      %add3A_2082 = vector.broadcast %add3A_2081 : i32 to vector<16xi32>
      %add3A_2083 = arith.addi %mul3A_1817, %add3A_2082 : vector<16xi32>
      %gather3A_2084 = tpu.vector_load_idx %arg10[%add3A_1789, %add3A_2083] : memref<128x128xf32, #tpu.memory_space<vmem>>[vector<16xi32>, vector<16xi32>], vector<16xf32>,
      %mul3A_2085 = arith.mulf %gather3A_2080, %gather3A_2084 : vector<16xf32>
      %add3A_2086 = arith.addf %add3A_2076, %mul3A_2085 : vector<16xf32>
      %add3A_2087 = arith.constant 27 : i32
      %add3A_2088 = vector.broadcast %add3A_2087 : i32 to vector<16xi32>
      %add3A_2089 = arith.addi %mul3A_1803, %add3A_2088 : vector<16xi32>
      %gather3A_2090 = tpu.vector_load_idx %arg9[%add3A_1789, %add3A_2089] : memref<128x128xf32, #tpu.memory_space<vmem>>[vector<16xi32>, vector<16xi32>], vector<16xf32>,
      %add3A_2091 = arith.constant 27 : i32
      %add3A_2092 = vector.broadcast %add3A_2091 : i32 to vector<16xi32>
      %add3A_2093 = arith.addi %mul3A_1817, %add3A_2092 : vector<16xi32>
      %gather3A_2094 = tpu.vector_load_idx %arg10[%add3A_1789, %add3A_2093] : memref<128x128xf32, #tpu.memory_space<vmem>>[vector<16xi32>, vector<16xi32>], vector<16xf32>,
      %mul3A_2095 = arith.mulf %gather3A_2090, %gather3A_2094 : vector<16xf32>
      %add3A_2096 = arith.addf %add3A_2086, %mul3A_2095 : vector<16xf32>
      %add3A_2097 = arith.constant 28 : i32
      %add3A_2098 = vector.broadcast %add3A_2097 : i32 to vector<16xi32>
      %add3A_2099 = arith.addi %mul3A_1803, %add3A_2098 : vector<16xi32>
      %gather3A_2100 = tpu.vector_load_idx %arg9[%add3A_1789, %add3A_2099] : memref<128x128xf32, #tpu.memory_space<vmem>>[vector<16xi32>, vector<16xi32>], vector<16xf32>,
      %add3A_2101 = arith.constant 28 : i32
      %add3A_2102 = vector.broadcast %add3A_2101 : i32 to vector<16xi32>
      %add3A_2103 = arith.addi %mul3A_1817, %add3A_2102 : vector<16xi32>
      %gather3A_2104 = tpu.vector_load_idx %arg10[%add3A_1789, %add3A_2103] : memref<128x128xf32, #tpu.memory_space<vmem>>[vector<16xi32>, vector<16xi32>], vector<16xf32>,
      %mul3A_2105 = arith.mulf %gather3A_2100, %gather3A_2104 : vector<16xf32>
      %add3A_2106 = arith.addf %add3A_2096, %mul3A_2105 : vector<16xf32>
      %add3A_2107 = arith.constant 29 : i32
      %add3A_2108 = vector.broadcast %add3A_2107 : i32 to vector<16xi32>
      %add3A_2109 = arith.addi %mul3A_1803, %add3A_2108 : vector<16xi32>
      %gather3A_2110 = tpu.vector_load_idx %arg9[%add3A_1789, %add3A_2109] : memref<128x128xf32, #tpu.memory_space<vmem>>[vector<16xi32>, vector<16xi32>], vector<16xf32>,
      %add3A_2111 = arith.constant 29 : i32
      %add3A_2112 = vector.broadcast %add3A_2111 : i32 to vector<16xi32>
      %add3A_2113 = arith.addi %mul3A_1817, %add3A_2112 : vector<16xi32>
      %gather3A_2114 = tpu.vector_load_idx %arg10[%add3A_1789, %add3A_2113] : memref<128x128xf32, #tpu.memory_space<vmem>>[vector<16xi32>, vector<16xi32>], vector<16xf32>,
      %mul3A_2115 = arith.mulf %gather3A_2110, %gather3A_2114 : vector<16xf32>
      %add3A_2116 = arith.addf %add3A_2106, %mul3A_2115 : vector<16xf32>
      %add3A_2117 = arith.constant 30 : i32
      %add3A_2118 = vector.broadcast %add3A_2117 : i32 to vector<16xi32>
      %add3A_2119 = arith.addi %mul3A_1803, %add3A_2118 : vector<16xi32>
      %gather3A_2120 = tpu.vector_load_idx %arg9[%add3A_1789, %add3A_2119] : memref<128x128xf32, #tpu.memory_space<vmem>>[vector<16xi32>, vector<16xi32>], vector<16xf32>,
      %add3A_2121 = arith.constant 30 : i32
      %add3A_2122 = vector.broadcast %add3A_2121 : i32 to vector<16xi32>
      %add3A_2123 = arith.addi %mul3A_1817, %add3A_2122 : vector<16xi32>
      %gather3A_2124 = tpu.vector_load_idx %arg10[%add3A_1789, %add3A_2123] : memref<128x128xf32, #tpu.memory_space<vmem>>[vector<16xi32>, vector<16xi32>], vector<16xf32>,
      %mul3A_2125 = arith.mulf %gather3A_2120, %gather3A_2124 : vector<16xf32>
      %add3A_2126 = arith.addf %add3A_2116, %mul3A_2125 : vector<16xf32>
      %add3A_2127 = arith.constant 31 : i32
      %add3A_2128 = vector.broadcast %add3A_2127 : i32 to vector<16xi32>
      %add3A_2129 = arith.addi %mul3A_1803, %add3A_2128 : vector<16xi32>
      %gather3A_2130 = tpu.vector_load_idx %arg9[%add3A_1789, %add3A_2129] : memref<128x128xf32, #tpu.memory_space<vmem>>[vector<16xi32>, vector<16xi32>], vector<16xf32>,
      %add3A_2131 = arith.constant 31 : i32
      %add3A_2132 = vector.broadcast %add3A_2131 : i32 to vector<16xi32>
      %add3A_2133 = arith.addi %mul3A_1817, %add3A_2132 : vector<16xi32>
      %gather3A_2134 = tpu.vector_load_idx %arg10[%add3A_1789, %add3A_2133] : memref<128x128xf32, #tpu.memory_space<vmem>>[vector<16xi32>, vector<16xi32>], vector<16xf32>,
      %mul3A_2135 = arith.mulf %gather3A_2130, %gather3A_2134 : vector<16xf32>
      %add3A_2136 = arith.addf %add3A_2126, %mul3A_2135 : vector<16xf32>
      %mul3A_2137 = arith.constant 128 : i32
      %mul3A_2138 = arith.muli %scan3A_39, %mul3A_2137 : i32
      %add3A_2139 = arith.constant 64 : i32
      %add3A_2140 = arith.addi %mul3A_2138, %add3A_2139 : i32
      %swap3A_2141 = arith.index_cast %add3A_2140 : i32 to index
      %swap3A_2142 = tpu.vector_load %arg11[%swap3A_2141] {strides = array<i32>} : memref<512xf32, #tpu.memory_space<vmem>>, vector<16xf32>,
      tpu.vector_store %arg11[%swap3A_2141], %add3A_2136 {strides = array<i32>} : memref<512xf32, #tpu.memory_space<vmem>>, vector<16xf32>,
      %add3A_2143 = arith.constant 80 : i32
      %add3A_2144 = vector.broadcast %add3A_2143 : i32 to vector<16xi32>
      %add3A_2145 = arith.addi %add3A_2144, %iota3A : vector<16xi32>
      %get3A_2146 = arith.constant 0 : i32
      %get3A_2147 = arith.index_cast %get3A_2146 : i32 to index
      %get3A_2148 = arith.index_cast %scan3A_39 : i32 to index
      %get3A_2149 = arith.constant 80 : index
      %get3A_2150 = tpu.vector_load %arg6[%get3A_2147, %get3A_2148, %get3A_2149] {strides = array<i32>} : memref<2x4x128xi32, #tpu.memory_space<vmem>>, vector<16xi32>,
      %shift_right_arithmetic3A_2151 = arith.constant 13 : i32
      %shift_right_arithmetic3A_2152 = vector.broadcast %shift_right_arithmetic3A_2151 : i32 to vector<16xi32>
      %shift_right_arithmetic3A_2153 = arith.shrsi %get3A_2150, %shift_right_arithmetic3A_2152 : vector<16xi32>
      %and3A_2154 = arith.constant 3 : i32
      %and3A_2155 = vector.broadcast %and3A_2154 : i32 to vector<16xi32>
      %and3A_2156 = arith.andi %shift_right_arithmetic3A_2153, %and3A_2155 : vector<16xi32>
      %mul3A_2157 = arith.constant 32 : i32
      %mul3A_2158 = vector.broadcast %mul3A_2157 : i32 to vector<16xi32>
      %mul3A_2159 = arith.muli %and3A_2156, %mul3A_2158 : vector<16xi32>
      %get3A_2160 = arith.constant 1 : i32
      %get3A_2161 = arith.index_cast %get3A_2160 : i32 to index
      %get3A_2162 = arith.index_cast %scan3A_39 : i32 to index
      %get3A_2163 = arith.constant 80 : index
      %get3A_2164 = tpu.vector_load %arg6[%get3A_2161, %get3A_2162, %get3A_2163] {strides = array<i32>} : memref<2x4x128xi32, #tpu.memory_space<vmem>>, vector<16xi32>,
      %shift_right_arithmetic3A_2165 = arith.constant 13 : i32
      %shift_right_arithmetic3A_2166 = vector.broadcast %shift_right_arithmetic3A_2165 : i32 to vector<16xi32>
      %shift_right_arithmetic3A_2167 = arith.shrsi %get3A_2164, %shift_right_arithmetic3A_2166 : vector<16xi32>
      %and3A_2168 = arith.constant 3 : i32
      %and3A_2169 = vector.broadcast %and3A_2168 : i32 to vector<16xi32>
      %and3A_2170 = arith.andi %shift_right_arithmetic3A_2167, %and3A_2169 : vector<16xi32>
      %mul3A_2171 = arith.constant 32 : i32
      %mul3A_2172 = vector.broadcast %mul3A_2171 : i32 to vector<16xi32>
      %mul3A_2173 = arith.muli %and3A_2170, %mul3A_2172 : vector<16xi32>
      %add3A_2174 = arith.constant 0 : i32
      %add3A_2175 = vector.broadcast %add3A_2174 : i32 to vector<16xi32>
      %add3A_2176 = arith.addi %mul3A_2159, %add3A_2175 : vector<16xi32>
      %gather3A_2177 = tpu.vector_load_idx %arg9[%add3A_2145, %add3A_2176] : memref<128x128xf32, #tpu.memory_space<vmem>>[vector<16xi32>, vector<16xi32>], vector<16xf32>,
      %add3A_2178 = arith.constant 0 : i32
      %add3A_2179 = vector.broadcast %add3A_2178 : i32 to vector<16xi32>
      %add3A_2180 = arith.addi %mul3A_2173, %add3A_2179 : vector<16xi32>
      %gather3A_2181 = tpu.vector_load_idx %arg10[%add3A_2145, %add3A_2180] : memref<128x128xf32, #tpu.memory_space<vmem>>[vector<16xi32>, vector<16xi32>], vector<16xf32>,
      %mul3A_2182 = arith.mulf %gather3A_2177, %gather3A_2181 : vector<16xf32>
      %add3A_2183 = arith.constant 1 : i32
      %add3A_2184 = vector.broadcast %add3A_2183 : i32 to vector<16xi32>
      %add3A_2185 = arith.addi %mul3A_2159, %add3A_2184 : vector<16xi32>
      %gather3A_2186 = tpu.vector_load_idx %arg9[%add3A_2145, %add3A_2185] : memref<128x128xf32, #tpu.memory_space<vmem>>[vector<16xi32>, vector<16xi32>], vector<16xf32>,
      %add3A_2187 = arith.constant 1 : i32
      %add3A_2188 = vector.broadcast %add3A_2187 : i32 to vector<16xi32>
      %add3A_2189 = arith.addi %mul3A_2173, %add3A_2188 : vector<16xi32>
      %gather3A_2190 = tpu.vector_load_idx %arg10[%add3A_2145, %add3A_2189] : memref<128x128xf32, #tpu.memory_space<vmem>>[vector<16xi32>, vector<16xi32>], vector<16xf32>,
      %mul3A_2191 = arith.mulf %gather3A_2186, %gather3A_2190 : vector<16xf32>
      %add3A_2192 = arith.addf %mul3A_2182, %mul3A_2191 : vector<16xf32>
      %add3A_2193 = arith.constant 2 : i32
      %add3A_2194 = vector.broadcast %add3A_2193 : i32 to vector<16xi32>
      %add3A_2195 = arith.addi %mul3A_2159, %add3A_2194 : vector<16xi32>
      %gather3A_2196 = tpu.vector_load_idx %arg9[%add3A_2145, %add3A_2195] : memref<128x128xf32, #tpu.memory_space<vmem>>[vector<16xi32>, vector<16xi32>], vector<16xf32>,
      %add3A_2197 = arith.constant 2 : i32
      %add3A_2198 = vector.broadcast %add3A_2197 : i32 to vector<16xi32>
      %add3A_2199 = arith.addi %mul3A_2173, %add3A_2198 : vector<16xi32>
      %gather3A_2200 = tpu.vector_load_idx %arg10[%add3A_2145, %add3A_2199] : memref<128x128xf32, #tpu.memory_space<vmem>>[vector<16xi32>, vector<16xi32>], vector<16xf32>,
      %mul3A_2201 = arith.mulf %gather3A_2196, %gather3A_2200 : vector<16xf32>
      %add3A_2202 = arith.addf %add3A_2192, %mul3A_2201 : vector<16xf32>
      %add3A_2203 = arith.constant 3 : i32
      %add3A_2204 = vector.broadcast %add3A_2203 : i32 to vector<16xi32>
      %add3A_2205 = arith.addi %mul3A_2159, %add3A_2204 : vector<16xi32>
      %gather3A_2206 = tpu.vector_load_idx %arg9[%add3A_2145, %add3A_2205] : memref<128x128xf32, #tpu.memory_space<vmem>>[vector<16xi32>, vector<16xi32>], vector<16xf32>,
      %add3A_2207 = arith.constant 3 : i32
      %add3A_2208 = vector.broadcast %add3A_2207 : i32 to vector<16xi32>
      %add3A_2209 = arith.addi %mul3A_2173, %add3A_2208 : vector<16xi32>
      %gather3A_2210 = tpu.vector_load_idx %arg10[%add3A_2145, %add3A_2209] : memref<128x128xf32, #tpu.memory_space<vmem>>[vector<16xi32>, vector<16xi32>], vector<16xf32>,
      %mul3A_2211 = arith.mulf %gather3A_2206, %gather3A_2210 : vector<16xf32>
      %add3A_2212 = arith.addf %add3A_2202, %mul3A_2211 : vector<16xf32>
      %add3A_2213 = arith.constant 4 : i32
      %add3A_2214 = vector.broadcast %add3A_2213 : i32 to vector<16xi32>
      %add3A_2215 = arith.addi %mul3A_2159, %add3A_2214 : vector<16xi32>
      %gather3A_2216 = tpu.vector_load_idx %arg9[%add3A_2145, %add3A_2215] : memref<128x128xf32, #tpu.memory_space<vmem>>[vector<16xi32>, vector<16xi32>], vector<16xf32>,
      %add3A_2217 = arith.constant 4 : i32
      %add3A_2218 = vector.broadcast %add3A_2217 : i32 to vector<16xi32>
      %add3A_2219 = arith.addi %mul3A_2173, %add3A_2218 : vector<16xi32>
      %gather3A_2220 = tpu.vector_load_idx %arg10[%add3A_2145, %add3A_2219] : memref<128x128xf32, #tpu.memory_space<vmem>>[vector<16xi32>, vector<16xi32>], vector<16xf32>,
      %mul3A_2221 = arith.mulf %gather3A_2216, %gather3A_2220 : vector<16xf32>
      %add3A_2222 = arith.addf %add3A_2212, %mul3A_2221 : vector<16xf32>
      %add3A_2223 = arith.constant 5 : i32
      %add3A_2224 = vector.broadcast %add3A_2223 : i32 to vector<16xi32>
      %add3A_2225 = arith.addi %mul3A_2159, %add3A_2224 : vector<16xi32>
      %gather3A_2226 = tpu.vector_load_idx %arg9[%add3A_2145, %add3A_2225] : memref<128x128xf32, #tpu.memory_space<vmem>>[vector<16xi32>, vector<16xi32>], vector<16xf32>,
      %add3A_2227 = arith.constant 5 : i32
      %add3A_2228 = vector.broadcast %add3A_2227 : i32 to vector<16xi32>
      %add3A_2229 = arith.addi %mul3A_2173, %add3A_2228 : vector<16xi32>
      %gather3A_2230 = tpu.vector_load_idx %arg10[%add3A_2145, %add3A_2229] : memref<128x128xf32, #tpu.memory_space<vmem>>[vector<16xi32>, vector<16xi32>], vector<16xf32>,
      %mul3A_2231 = arith.mulf %gather3A_2226, %gather3A_2230 : vector<16xf32>
      %add3A_2232 = arith.addf %add3A_2222, %mul3A_2231 : vector<16xf32>
      %add3A_2233 = arith.constant 6 : i32
      %add3A_2234 = vector.broadcast %add3A_2233 : i32 to vector<16xi32>
      %add3A_2235 = arith.addi %mul3A_2159, %add3A_2234 : vector<16xi32>
      %gather3A_2236 = tpu.vector_load_idx %arg9[%add3A_2145, %add3A_2235] : memref<128x128xf32, #tpu.memory_space<vmem>>[vector<16xi32>, vector<16xi32>], vector<16xf32>,
      %add3A_2237 = arith.constant 6 : i32
      %add3A_2238 = vector.broadcast %add3A_2237 : i32 to vector<16xi32>
      %add3A_2239 = arith.addi %mul3A_2173, %add3A_2238 : vector<16xi32>
      %gather3A_2240 = tpu.vector_load_idx %arg10[%add3A_2145, %add3A_2239] : memref<128x128xf32, #tpu.memory_space<vmem>>[vector<16xi32>, vector<16xi32>], vector<16xf32>,
      %mul3A_2241 = arith.mulf %gather3A_2236, %gather3A_2240 : vector<16xf32>
      %add3A_2242 = arith.addf %add3A_2232, %mul3A_2241 : vector<16xf32>
      %add3A_2243 = arith.constant 7 : i32
      %add3A_2244 = vector.broadcast %add3A_2243 : i32 to vector<16xi32>
      %add3A_2245 = arith.addi %mul3A_2159, %add3A_2244 : vector<16xi32>
      %gather3A_2246 = tpu.vector_load_idx %arg9[%add3A_2145, %add3A_2245] : memref<128x128xf32, #tpu.memory_space<vmem>>[vector<16xi32>, vector<16xi32>], vector<16xf32>,
      %add3A_2247 = arith.constant 7 : i32
      %add3A_2248 = vector.broadcast %add3A_2247 : i32 to vector<16xi32>
      %add3A_2249 = arith.addi %mul3A_2173, %add3A_2248 : vector<16xi32>
      %gather3A_2250 = tpu.vector_load_idx %arg10[%add3A_2145, %add3A_2249] : memref<128x128xf32, #tpu.memory_space<vmem>>[vector<16xi32>, vector<16xi32>], vector<16xf32>,
      %mul3A_2251 = arith.mulf %gather3A_2246, %gather3A_2250 : vector<16xf32>
      %add3A_2252 = arith.addf %add3A_2242, %mul3A_2251 : vector<16xf32>
      %add3A_2253 = arith.constant 8 : i32
      %add3A_2254 = vector.broadcast %add3A_2253 : i32 to vector<16xi32>
      %add3A_2255 = arith.addi %mul3A_2159, %add3A_2254 : vector<16xi32>
      %gather3A_2256 = tpu.vector_load_idx %arg9[%add3A_2145, %add3A_2255] : memref<128x128xf32, #tpu.memory_space<vmem>>[vector<16xi32>, vector<16xi32>], vector<16xf32>,
      %add3A_2257 = arith.constant 8 : i32
      %add3A_2258 = vector.broadcast %add3A_2257 : i32 to vector<16xi32>
      %add3A_2259 = arith.addi %mul3A_2173, %add3A_2258 : vector<16xi32>
      %gather3A_2260 = tpu.vector_load_idx %arg10[%add3A_2145, %add3A_2259] : memref<128x128xf32, #tpu.memory_space<vmem>>[vector<16xi32>, vector<16xi32>], vector<16xf32>,
      %mul3A_2261 = arith.mulf %gather3A_2256, %gather3A_2260 : vector<16xf32>
      %add3A_2262 = arith.addf %add3A_2252, %mul3A_2261 : vector<16xf32>
      %add3A_2263 = arith.constant 9 : i32
      %add3A_2264 = vector.broadcast %add3A_2263 : i32 to vector<16xi32>
      %add3A_2265 = arith.addi %mul3A_2159, %add3A_2264 : vector<16xi32>
      %gather3A_2266 = tpu.vector_load_idx %arg9[%add3A_2145, %add3A_2265] : memref<128x128xf32, #tpu.memory_space<vmem>>[vector<16xi32>, vector<16xi32>], vector<16xf32>,
      %add3A_2267 = arith.constant 9 : i32
      %add3A_2268 = vector.broadcast %add3A_2267 : i32 to vector<16xi32>
      %add3A_2269 = arith.addi %mul3A_2173, %add3A_2268 : vector<16xi32>
      %gather3A_2270 = tpu.vector_load_idx %arg10[%add3A_2145, %add3A_2269] : memref<128x128xf32, #tpu.memory_space<vmem>>[vector<16xi32>, vector<16xi32>], vector<16xf32>,
      %mul3A_2271 = arith.mulf %gather3A_2266, %gather3A_2270 : vector<16xf32>
      %add3A_2272 = arith.addf %add3A_2262, %mul3A_2271 : vector<16xf32>
      %add3A_2273 = arith.constant 10 : i32
      %add3A_2274 = vector.broadcast %add3A_2273 : i32 to vector<16xi32>
      %add3A_2275 = arith.addi %mul3A_2159, %add3A_2274 : vector<16xi32>
      %gather3A_2276 = tpu.vector_load_idx %arg9[%add3A_2145, %add3A_2275] : memref<128x128xf32, #tpu.memory_space<vmem>>[vector<16xi32>, vector<16xi32>], vector<16xf32>,
      %add3A_2277 = arith.constant 10 : i32
      %add3A_2278 = vector.broadcast %add3A_2277 : i32 to vector<16xi32>
      %add3A_2279 = arith.addi %mul3A_2173, %add3A_2278 : vector<16xi32>
      %gather3A_2280 = tpu.vector_load_idx %arg10[%add3A_2145, %add3A_2279] : memref<128x128xf32, #tpu.memory_space<vmem>>[vector<16xi32>, vector<16xi32>], vector<16xf32>,
      %mul3A_2281 = arith.mulf %gather3A_2276, %gather3A_2280 : vector<16xf32>
      %add3A_2282 = arith.addf %add3A_2272, %mul3A_2281 : vector<16xf32>
      %add3A_2283 = arith.constant 11 : i32
      %add3A_2284 = vector.broadcast %add3A_2283 : i32 to vector<16xi32>
      %add3A_2285 = arith.addi %mul3A_2159, %add3A_2284 : vector<16xi32>
      %gather3A_2286 = tpu.vector_load_idx %arg9[%add3A_2145, %add3A_2285] : memref<128x128xf32, #tpu.memory_space<vmem>>[vector<16xi32>, vector<16xi32>], vector<16xf32>,
      %add3A_2287 = arith.constant 11 : i32
      %add3A_2288 = vector.broadcast %add3A_2287 : i32 to vector<16xi32>
      %add3A_2289 = arith.addi %mul3A_2173, %add3A_2288 : vector<16xi32>
      %gather3A_2290 = tpu.vector_load_idx %arg10[%add3A_2145, %add3A_2289] : memref<128x128xf32, #tpu.memory_space<vmem>>[vector<16xi32>, vector<16xi32>], vector<16xf32>,
      %mul3A_2291 = arith.mulf %gather3A_2286, %gather3A_2290 : vector<16xf32>
      %add3A_2292 = arith.addf %add3A_2282, %mul3A_2291 : vector<16xf32>
      %add3A_2293 = arith.constant 12 : i32
      %add3A_2294 = vector.broadcast %add3A_2293 : i32 to vector<16xi32>
      %add3A_2295 = arith.addi %mul3A_2159, %add3A_2294 : vector<16xi32>
      %gather3A_2296 = tpu.vector_load_idx %arg9[%add3A_2145, %add3A_2295] : memref<128x128xf32, #tpu.memory_space<vmem>>[vector<16xi32>, vector<16xi32>], vector<16xf32>,
      %add3A_2297 = arith.constant 12 : i32
      %add3A_2298 = vector.broadcast %add3A_2297 : i32 to vector<16xi32>
      %add3A_2299 = arith.addi %mul3A_2173, %add3A_2298 : vector<16xi32>
      %gather3A_2300 = tpu.vector_load_idx %arg10[%add3A_2145, %add3A_2299] : memref<128x128xf32, #tpu.memory_space<vmem>>[vector<16xi32>, vector<16xi32>], vector<16xf32>,
      %mul3A_2301 = arith.mulf %gather3A_2296, %gather3A_2300 : vector<16xf32>
      %add3A_2302 = arith.addf %add3A_2292, %mul3A_2301 : vector<16xf32>
      %add3A_2303 = arith.constant 13 : i32
      %add3A_2304 = vector.broadcast %add3A_2303 : i32 to vector<16xi32>
      %add3A_2305 = arith.addi %mul3A_2159, %add3A_2304 : vector<16xi32>
      %gather3A_2306 = tpu.vector_load_idx %arg9[%add3A_2145, %add3A_2305] : memref<128x128xf32, #tpu.memory_space<vmem>>[vector<16xi32>, vector<16xi32>], vector<16xf32>,
      %add3A_2307 = arith.constant 13 : i32
      %add3A_2308 = vector.broadcast %add3A_2307 : i32 to vector<16xi32>
      %add3A_2309 = arith.addi %mul3A_2173, %add3A_2308 : vector<16xi32>
      %gather3A_2310 = tpu.vector_load_idx %arg10[%add3A_2145, %add3A_2309] : memref<128x128xf32, #tpu.memory_space<vmem>>[vector<16xi32>, vector<16xi32>], vector<16xf32>,
      %mul3A_2311 = arith.mulf %gather3A_2306, %gather3A_2310 : vector<16xf32>
      %add3A_2312 = arith.addf %add3A_2302, %mul3A_2311 : vector<16xf32>
      %add3A_2313 = arith.constant 14 : i32
      %add3A_2314 = vector.broadcast %add3A_2313 : i32 to vector<16xi32>
      %add3A_2315 = arith.addi %mul3A_2159, %add3A_2314 : vector<16xi32>
      %gather3A_2316 = tpu.vector_load_idx %arg9[%add3A_2145, %add3A_2315] : memref<128x128xf32, #tpu.memory_space<vmem>>[vector<16xi32>, vector<16xi32>], vector<16xf32>,
      %add3A_2317 = arith.constant 14 : i32
      %add3A_2318 = vector.broadcast %add3A_2317 : i32 to vector<16xi32>
      %add3A_2319 = arith.addi %mul3A_2173, %add3A_2318 : vector<16xi32>
      %gather3A_2320 = tpu.vector_load_idx %arg10[%add3A_2145, %add3A_2319] : memref<128x128xf32, #tpu.memory_space<vmem>>[vector<16xi32>, vector<16xi32>], vector<16xf32>,
      %mul3A_2321 = arith.mulf %gather3A_2316, %gather3A_2320 : vector<16xf32>
      %add3A_2322 = arith.addf %add3A_2312, %mul3A_2321 : vector<16xf32>
      %add3A_2323 = arith.constant 15 : i32
      %add3A_2324 = vector.broadcast %add3A_2323 : i32 to vector<16xi32>
      %add3A_2325 = arith.addi %mul3A_2159, %add3A_2324 : vector<16xi32>
      %gather3A_2326 = tpu.vector_load_idx %arg9[%add3A_2145, %add3A_2325] : memref<128x128xf32, #tpu.memory_space<vmem>>[vector<16xi32>, vector<16xi32>], vector<16xf32>,
      %add3A_2327 = arith.constant 15 : i32
      %add3A_2328 = vector.broadcast %add3A_2327 : i32 to vector<16xi32>
      %add3A_2329 = arith.addi %mul3A_2173, %add3A_2328 : vector<16xi32>
      %gather3A_2330 = tpu.vector_load_idx %arg10[%add3A_2145, %add3A_2329] : memref<128x128xf32, #tpu.memory_space<vmem>>[vector<16xi32>, vector<16xi32>], vector<16xf32>,
      %mul3A_2331 = arith.mulf %gather3A_2326, %gather3A_2330 : vector<16xf32>
      %add3A_2332 = arith.addf %add3A_2322, %mul3A_2331 : vector<16xf32>
      %add3A_2333 = arith.constant 16 : i32
      %add3A_2334 = vector.broadcast %add3A_2333 : i32 to vector<16xi32>
      %add3A_2335 = arith.addi %mul3A_2159, %add3A_2334 : vector<16xi32>
      %gather3A_2336 = tpu.vector_load_idx %arg9[%add3A_2145, %add3A_2335] : memref<128x128xf32, #tpu.memory_space<vmem>>[vector<16xi32>, vector<16xi32>], vector<16xf32>,
      %add3A_2337 = arith.constant 16 : i32
      %add3A_2338 = vector.broadcast %add3A_2337 : i32 to vector<16xi32>
      %add3A_2339 = arith.addi %mul3A_2173, %add3A_2338 : vector<16xi32>
      %gather3A_2340 = tpu.vector_load_idx %arg10[%add3A_2145, %add3A_2339] : memref<128x128xf32, #tpu.memory_space<vmem>>[vector<16xi32>, vector<16xi32>], vector<16xf32>,
      %mul3A_2341 = arith.mulf %gather3A_2336, %gather3A_2340 : vector<16xf32>
      %add3A_2342 = arith.addf %add3A_2332, %mul3A_2341 : vector<16xf32>
      %add3A_2343 = arith.constant 17 : i32
      %add3A_2344 = vector.broadcast %add3A_2343 : i32 to vector<16xi32>
      %add3A_2345 = arith.addi %mul3A_2159, %add3A_2344 : vector<16xi32>
      %gather3A_2346 = tpu.vector_load_idx %arg9[%add3A_2145, %add3A_2345] : memref<128x128xf32, #tpu.memory_space<vmem>>[vector<16xi32>, vector<16xi32>], vector<16xf32>,
      %add3A_2347 = arith.constant 17 : i32
      %add3A_2348 = vector.broadcast %add3A_2347 : i32 to vector<16xi32>
      %add3A_2349 = arith.addi %mul3A_2173, %add3A_2348 : vector<16xi32>
      %gather3A_2350 = tpu.vector_load_idx %arg10[%add3A_2145, %add3A_2349] : memref<128x128xf32, #tpu.memory_space<vmem>>[vector<16xi32>, vector<16xi32>], vector<16xf32>,
      %mul3A_2351 = arith.mulf %gather3A_2346, %gather3A_2350 : vector<16xf32>
      %add3A_2352 = arith.addf %add3A_2342, %mul3A_2351 : vector<16xf32>
      %add3A_2353 = arith.constant 18 : i32
      %add3A_2354 = vector.broadcast %add3A_2353 : i32 to vector<16xi32>
      %add3A_2355 = arith.addi %mul3A_2159, %add3A_2354 : vector<16xi32>
      %gather3A_2356 = tpu.vector_load_idx %arg9[%add3A_2145, %add3A_2355] : memref<128x128xf32, #tpu.memory_space<vmem>>[vector<16xi32>, vector<16xi32>], vector<16xf32>,
      %add3A_2357 = arith.constant 18 : i32
      %add3A_2358 = vector.broadcast %add3A_2357 : i32 to vector<16xi32>
      %add3A_2359 = arith.addi %mul3A_2173, %add3A_2358 : vector<16xi32>
      %gather3A_2360 = tpu.vector_load_idx %arg10[%add3A_2145, %add3A_2359] : memref<128x128xf32, #tpu.memory_space<vmem>>[vector<16xi32>, vector<16xi32>], vector<16xf32>,
      %mul3A_2361 = arith.mulf %gather3A_2356, %gather3A_2360 : vector<16xf32>
      %add3A_2362 = arith.addf %add3A_2352, %mul3A_2361 : vector<16xf32>
      %add3A_2363 = arith.constant 19 : i32
      %add3A_2364 = vector.broadcast %add3A_2363 : i32 to vector<16xi32>
      %add3A_2365 = arith.addi %mul3A_2159, %add3A_2364 : vector<16xi32>
      %gather3A_2366 = tpu.vector_load_idx %arg9[%add3A_2145, %add3A_2365] : memref<128x128xf32, #tpu.memory_space<vmem>>[vector<16xi32>, vector<16xi32>], vector<16xf32>,
      %add3A_2367 = arith.constant 19 : i32
      %add3A_2368 = vector.broadcast %add3A_2367 : i32 to vector<16xi32>
      %add3A_2369 = arith.addi %mul3A_2173, %add3A_2368 : vector<16xi32>
      %gather3A_2370 = tpu.vector_load_idx %arg10[%add3A_2145, %add3A_2369] : memref<128x128xf32, #tpu.memory_space<vmem>>[vector<16xi32>, vector<16xi32>], vector<16xf32>,
      %mul3A_2371 = arith.mulf %gather3A_2366, %gather3A_2370 : vector<16xf32>
      %add3A_2372 = arith.addf %add3A_2362, %mul3A_2371 : vector<16xf32>
      %add3A_2373 = arith.constant 20 : i32
      %add3A_2374 = vector.broadcast %add3A_2373 : i32 to vector<16xi32>
      %add3A_2375 = arith.addi %mul3A_2159, %add3A_2374 : vector<16xi32>
      %gather3A_2376 = tpu.vector_load_idx %arg9[%add3A_2145, %add3A_2375] : memref<128x128xf32, #tpu.memory_space<vmem>>[vector<16xi32>, vector<16xi32>], vector<16xf32>,
      %add3A_2377 = arith.constant 20 : i32
      %add3A_2378 = vector.broadcast %add3A_2377 : i32 to vector<16xi32>
      %add3A_2379 = arith.addi %mul3A_2173, %add3A_2378 : vector<16xi32>
      %gather3A_2380 = tpu.vector_load_idx %arg10[%add3A_2145, %add3A_2379] : memref<128x128xf32, #tpu.memory_space<vmem>>[vector<16xi32>, vector<16xi32>], vector<16xf32>,
      %mul3A_2381 = arith.mulf %gather3A_2376, %gather3A_2380 : vector<16xf32>
      %add3A_2382 = arith.addf %add3A_2372, %mul3A_2381 : vector<16xf32>
      %add3A_2383 = arith.constant 21 : i32
      %add3A_2384 = vector.broadcast %add3A_2383 : i32 to vector<16xi32>
      %add3A_2385 = arith.addi %mul3A_2159, %add3A_2384 : vector<16xi32>
      %gather3A_2386 = tpu.vector_load_idx %arg9[%add3A_2145, %add3A_2385] : memref<128x128xf32, #tpu.memory_space<vmem>>[vector<16xi32>, vector<16xi32>], vector<16xf32>,
      %add3A_2387 = arith.constant 21 : i32
      %add3A_2388 = vector.broadcast %add3A_2387 : i32 to vector<16xi32>
      %add3A_2389 = arith.addi %mul3A_2173, %add3A_2388 : vector<16xi32>
      %gather3A_2390 = tpu.vector_load_idx %arg10[%add3A_2145, %add3A_2389] : memref<128x128xf32, #tpu.memory_space<vmem>>[vector<16xi32>, vector<16xi32>], vector<16xf32>,
      %mul3A_2391 = arith.mulf %gather3A_2386, %gather3A_2390 : vector<16xf32>
      %add3A_2392 = arith.addf %add3A_2382, %mul3A_2391 : vector<16xf32>
      %add3A_2393 = arith.constant 22 : i32
      %add3A_2394 = vector.broadcast %add3A_2393 : i32 to vector<16xi32>
      %add3A_2395 = arith.addi %mul3A_2159, %add3A_2394 : vector<16xi32>
      %gather3A_2396 = tpu.vector_load_idx %arg9[%add3A_2145, %add3A_2395] : memref<128x128xf32, #tpu.memory_space<vmem>>[vector<16xi32>, vector<16xi32>], vector<16xf32>,
      %add3A_2397 = arith.constant 22 : i32
      %add3A_2398 = vector.broadcast %add3A_2397 : i32 to vector<16xi32>
      %add3A_2399 = arith.addi %mul3A_2173, %add3A_2398 : vector<16xi32>
      %gather3A_2400 = tpu.vector_load_idx %arg10[%add3A_2145, %add3A_2399] : memref<128x128xf32, #tpu.memory_space<vmem>>[vector<16xi32>, vector<16xi32>], vector<16xf32>,
      %mul3A_2401 = arith.mulf %gather3A_2396, %gather3A_2400 : vector<16xf32>
      %add3A_2402 = arith.addf %add3A_2392, %mul3A_2401 : vector<16xf32>
      %add3A_2403 = arith.constant 23 : i32
      %add3A_2404 = vector.broadcast %add3A_2403 : i32 to vector<16xi32>
      %add3A_2405 = arith.addi %mul3A_2159, %add3A_2404 : vector<16xi32>
      %gather3A_2406 = tpu.vector_load_idx %arg9[%add3A_2145, %add3A_2405] : memref<128x128xf32, #tpu.memory_space<vmem>>[vector<16xi32>, vector<16xi32>], vector<16xf32>,
      %add3A_2407 = arith.constant 23 : i32
      %add3A_2408 = vector.broadcast %add3A_2407 : i32 to vector<16xi32>
      %add3A_2409 = arith.addi %mul3A_2173, %add3A_2408 : vector<16xi32>
      %gather3A_2410 = tpu.vector_load_idx %arg10[%add3A_2145, %add3A_2409] : memref<128x128xf32, #tpu.memory_space<vmem>>[vector<16xi32>, vector<16xi32>], vector<16xf32>,
      %mul3A_2411 = arith.mulf %gather3A_2406, %gather3A_2410 : vector<16xf32>
      %add3A_2412 = arith.addf %add3A_2402, %mul3A_2411 : vector<16xf32>
      %add3A_2413 = arith.constant 24 : i32
      %add3A_2414 = vector.broadcast %add3A_2413 : i32 to vector<16xi32>
      %add3A_2415 = arith.addi %mul3A_2159, %add3A_2414 : vector<16xi32>
      %gather3A_2416 = tpu.vector_load_idx %arg9[%add3A_2145, %add3A_2415] : memref<128x128xf32, #tpu.memory_space<vmem>>[vector<16xi32>, vector<16xi32>], vector<16xf32>,
      %add3A_2417 = arith.constant 24 : i32
      %add3A_2418 = vector.broadcast %add3A_2417 : i32 to vector<16xi32>
      %add3A_2419 = arith.addi %mul3A_2173, %add3A_2418 : vector<16xi32>
      %gather3A_2420 = tpu.vector_load_idx %arg10[%add3A_2145, %add3A_2419] : memref<128x128xf32, #tpu.memory_space<vmem>>[vector<16xi32>, vector<16xi32>], vector<16xf32>,
      %mul3A_2421 = arith.mulf %gather3A_2416, %gather3A_2420 : vector<16xf32>
      %add3A_2422 = arith.addf %add3A_2412, %mul3A_2421 : vector<16xf32>
      %add3A_2423 = arith.constant 25 : i32
      %add3A_2424 = vector.broadcast %add3A_2423 : i32 to vector<16xi32>
      %add3A_2425 = arith.addi %mul3A_2159, %add3A_2424 : vector<16xi32>
      %gather3A_2426 = tpu.vector_load_idx %arg9[%add3A_2145, %add3A_2425] : memref<128x128xf32, #tpu.memory_space<vmem>>[vector<16xi32>, vector<16xi32>], vector<16xf32>,
      %add3A_2427 = arith.constant 25 : i32
      %add3A_2428 = vector.broadcast %add3A_2427 : i32 to vector<16xi32>
      %add3A_2429 = arith.addi %mul3A_2173, %add3A_2428 : vector<16xi32>
      %gather3A_2430 = tpu.vector_load_idx %arg10[%add3A_2145, %add3A_2429] : memref<128x128xf32, #tpu.memory_space<vmem>>[vector<16xi32>, vector<16xi32>], vector<16xf32>,
      %mul3A_2431 = arith.mulf %gather3A_2426, %gather3A_2430 : vector<16xf32>
      %add3A_2432 = arith.addf %add3A_2422, %mul3A_2431 : vector<16xf32>
      %add3A_2433 = arith.constant 26 : i32
      %add3A_2434 = vector.broadcast %add3A_2433 : i32 to vector<16xi32>
      %add3A_2435 = arith.addi %mul3A_2159, %add3A_2434 : vector<16xi32>
      %gather3A_2436 = tpu.vector_load_idx %arg9[%add3A_2145, %add3A_2435] : memref<128x128xf32, #tpu.memory_space<vmem>>[vector<16xi32>, vector<16xi32>], vector<16xf32>,
      %add3A_2437 = arith.constant 26 : i32
      %add3A_2438 = vector.broadcast %add3A_2437 : i32 to vector<16xi32>
      %add3A_2439 = arith.addi %mul3A_2173, %add3A_2438 : vector<16xi32>
      %gather3A_2440 = tpu.vector_load_idx %arg10[%add3A_2145, %add3A_2439] : memref<128x128xf32, #tpu.memory_space<vmem>>[vector<16xi32>, vector<16xi32>], vector<16xf32>,
      %mul3A_2441 = arith.mulf %gather3A_2436, %gather3A_2440 : vector<16xf32>
      %add3A_2442 = arith.addf %add3A_2432, %mul3A_2441 : vector<16xf32>
      %add3A_2443 = arith.constant 27 : i32
      %add3A_2444 = vector.broadcast %add3A_2443 : i32 to vector<16xi32>
      %add3A_2445 = arith.addi %mul3A_2159, %add3A_2444 : vector<16xi32>
      %gather3A_2446 = tpu.vector_load_idx %arg9[%add3A_2145, %add3A_2445] : memref<128x128xf32, #tpu.memory_space<vmem>>[vector<16xi32>, vector<16xi32>], vector<16xf32>,
      %add3A_2447 = arith.constant 27 : i32
      %add3A_2448 = vector.broadcast %add3A_2447 : i32 to vector<16xi32>
      %add3A_2449 = arith.addi %mul3A_2173, %add3A_2448 : vector<16xi32>
      %gather3A_2450 = tpu.vector_load_idx %arg10[%add3A_2145, %add3A_2449] : memref<128x128xf32, #tpu.memory_space<vmem>>[vector<16xi32>, vector<16xi32>], vector<16xf32>,
      %mul3A_2451 = arith.mulf %gather3A_2446, %gather3A_2450 : vector<16xf32>
      %add3A_2452 = arith.addf %add3A_2442, %mul3A_2451 : vector<16xf32>
      %add3A_2453 = arith.constant 28 : i32
      %add3A_2454 = vector.broadcast %add3A_2453 : i32 to vector<16xi32>
      %add3A_2455 = arith.addi %mul3A_2159, %add3A_2454 : vector<16xi32>
      %gather3A_2456 = tpu.vector_load_idx %arg9[%add3A_2145, %add3A_2455] : memref<128x128xf32, #tpu.memory_space<vmem>>[vector<16xi32>, vector<16xi32>], vector<16xf32>,
      %add3A_2457 = arith.constant 28 : i32
      %add3A_2458 = vector.broadcast %add3A_2457 : i32 to vector<16xi32>
      %add3A_2459 = arith.addi %mul3A_2173, %add3A_2458 : vector<16xi32>
      %gather3A_2460 = tpu.vector_load_idx %arg10[%add3A_2145, %add3A_2459] : memref<128x128xf32, #tpu.memory_space<vmem>>[vector<16xi32>, vector<16xi32>], vector<16xf32>,
      %mul3A_2461 = arith.mulf %gather3A_2456, %gather3A_2460 : vector<16xf32>
      %add3A_2462 = arith.addf %add3A_2452, %mul3A_2461 : vector<16xf32>
      %add3A_2463 = arith.constant 29 : i32
      %add3A_2464 = vector.broadcast %add3A_2463 : i32 to vector<16xi32>
      %add3A_2465 = arith.addi %mul3A_2159, %add3A_2464 : vector<16xi32>
      %gather3A_2466 = tpu.vector_load_idx %arg9[%add3A_2145, %add3A_2465] : memref<128x128xf32, #tpu.memory_space<vmem>>[vector<16xi32>, vector<16xi32>], vector<16xf32>,
      %add3A_2467 = arith.constant 29 : i32
      %add3A_2468 = vector.broadcast %add3A_2467 : i32 to vector<16xi32>
      %add3A_2469 = arith.addi %mul3A_2173, %add3A_2468 : vector<16xi32>
      %gather3A_2470 = tpu.vector_load_idx %arg10[%add3A_2145, %add3A_2469] : memref<128x128xf32, #tpu.memory_space<vmem>>[vector<16xi32>, vector<16xi32>], vector<16xf32>,
      %mul3A_2471 = arith.mulf %gather3A_2466, %gather3A_2470 : vector<16xf32>
      %add3A_2472 = arith.addf %add3A_2462, %mul3A_2471 : vector<16xf32>
      %add3A_2473 = arith.constant 30 : i32
      %add3A_2474 = vector.broadcast %add3A_2473 : i32 to vector<16xi32>
      %add3A_2475 = arith.addi %mul3A_2159, %add3A_2474 : vector<16xi32>
      %gather3A_2476 = tpu.vector_load_idx %arg9[%add3A_2145, %add3A_2475] : memref<128x128xf32, #tpu.memory_space<vmem>>[vector<16xi32>, vector<16xi32>], vector<16xf32>,
      %add3A_2477 = arith.constant 30 : i32
      %add3A_2478 = vector.broadcast %add3A_2477 : i32 to vector<16xi32>
      %add3A_2479 = arith.addi %mul3A_2173, %add3A_2478 : vector<16xi32>
      %gather3A_2480 = tpu.vector_load_idx %arg10[%add3A_2145, %add3A_2479] : memref<128x128xf32, #tpu.memory_space<vmem>>[vector<16xi32>, vector<16xi32>], vector<16xf32>,
      %mul3A_2481 = arith.mulf %gather3A_2476, %gather3A_2480 : vector<16xf32>
      %add3A_2482 = arith.addf %add3A_2472, %mul3A_2481 : vector<16xf32>
      %add3A_2483 = arith.constant 31 : i32
      %add3A_2484 = vector.broadcast %add3A_2483 : i32 to vector<16xi32>
      %add3A_2485 = arith.addi %mul3A_2159, %add3A_2484 : vector<16xi32>
      %gather3A_2486 = tpu.vector_load_idx %arg9[%add3A_2145, %add3A_2485] : memref<128x128xf32, #tpu.memory_space<vmem>>[vector<16xi32>, vector<16xi32>], vector<16xf32>,
      %add3A_2487 = arith.constant 31 : i32
      %add3A_2488 = vector.broadcast %add3A_2487 : i32 to vector<16xi32>
      %add3A_2489 = arith.addi %mul3A_2173, %add3A_2488 : vector<16xi32>
      %gather3A_2490 = tpu.vector_load_idx %arg10[%add3A_2145, %add3A_2489] : memref<128x128xf32, #tpu.memory_space<vmem>>[vector<16xi32>, vector<16xi32>], vector<16xf32>,
      %mul3A_2491 = arith.mulf %gather3A_2486, %gather3A_2490 : vector<16xf32>
      %add3A_2492 = arith.addf %add3A_2482, %mul3A_2491 : vector<16xf32>
      %mul3A_2493 = arith.constant 128 : i32
      %mul3A_2494 = arith.muli %scan3A_39, %mul3A_2493 : i32
      %add3A_2495 = arith.constant 80 : i32
      %add3A_2496 = arith.addi %mul3A_2494, %add3A_2495 : i32
      %swap3A_2497 = arith.index_cast %add3A_2496 : i32 to index
      %swap3A_2498 = tpu.vector_load %arg11[%swap3A_2497] {strides = array<i32>} : memref<512xf32, #tpu.memory_space<vmem>>, vector<16xf32>,
      tpu.vector_store %arg11[%swap3A_2497], %add3A_2492 {strides = array<i32>} : memref<512xf32, #tpu.memory_space<vmem>>, vector<16xf32>,
      %add3A_2499 = arith.constant 96 : i32
      %add3A_2500 = vector.broadcast %add3A_2499 : i32 to vector<16xi32>
      %add3A_2501 = arith.addi %add3A_2500, %iota3A : vector<16xi32>
      %get3A_2502 = arith.constant 0 : i32
      %get3A_2503 = arith.index_cast %get3A_2502 : i32 to index
      %get3A_2504 = arith.index_cast %scan3A_39 : i32 to index
      %get3A_2505 = arith.constant 96 : index
      %get3A_2506 = tpu.vector_load %arg6[%get3A_2503, %get3A_2504, %get3A_2505] {strides = array<i32>} : memref<2x4x128xi32, #tpu.memory_space<vmem>>, vector<16xi32>,
      %shift_right_arithmetic3A_2507 = arith.constant 13 : i32
      %shift_right_arithmetic3A_2508 = vector.broadcast %shift_right_arithmetic3A_2507 : i32 to vector<16xi32>
      %shift_right_arithmetic3A_2509 = arith.shrsi %get3A_2506, %shift_right_arithmetic3A_2508 : vector<16xi32>
      %and3A_2510 = arith.constant 3 : i32
      %and3A_2511 = vector.broadcast %and3A_2510 : i32 to vector<16xi32>
      %and3A_2512 = arith.andi %shift_right_arithmetic3A_2509, %and3A_2511 : vector<16xi32>
      %mul3A_2513 = arith.constant 32 : i32
      %mul3A_2514 = vector.broadcast %mul3A_2513 : i32 to vector<16xi32>
      %mul3A_2515 = arith.muli %and3A_2512, %mul3A_2514 : vector<16xi32>
      %get3A_2516 = arith.constant 1 : i32
      %get3A_2517 = arith.index_cast %get3A_2516 : i32 to index
      %get3A_2518 = arith.index_cast %scan3A_39 : i32 to index
      %get3A_2519 = arith.constant 96 : index
      %get3A_2520 = tpu.vector_load %arg6[%get3A_2517, %get3A_2518, %get3A_2519] {strides = array<i32>} : memref<2x4x128xi32, #tpu.memory_space<vmem>>, vector<16xi32>,
      %shift_right_arithmetic3A_2521 = arith.constant 13 : i32
      %shift_right_arithmetic3A_2522 = vector.broadcast %shift_right_arithmetic3A_2521 : i32 to vector<16xi32>
      %shift_right_arithmetic3A_2523 = arith.shrsi %get3A_2520, %shift_right_arithmetic3A_2522 : vector<16xi32>
      %and3A_2524 = arith.constant 3 : i32
      %and3A_2525 = vector.broadcast %and3A_2524 : i32 to vector<16xi32>
      %and3A_2526 = arith.andi %shift_right_arithmetic3A_2523, %and3A_2525 : vector<16xi32>
      %mul3A_2527 = arith.constant 32 : i32
      %mul3A_2528 = vector.broadcast %mul3A_2527 : i32 to vector<16xi32>
      %mul3A_2529 = arith.muli %and3A_2526, %mul3A_2528 : vector<16xi32>
      %add3A_2530 = arith.constant 0 : i32
      %add3A_2531 = vector.broadcast %add3A_2530 : i32 to vector<16xi32>
      %add3A_2532 = arith.addi %mul3A_2515, %add3A_2531 : vector<16xi32>
      %gather3A_2533 = tpu.vector_load_idx %arg9[%add3A_2501, %add3A_2532] : memref<128x128xf32, #tpu.memory_space<vmem>>[vector<16xi32>, vector<16xi32>], vector<16xf32>,
      %add3A_2534 = arith.constant 0 : i32
      %add3A_2535 = vector.broadcast %add3A_2534 : i32 to vector<16xi32>
      %add3A_2536 = arith.addi %mul3A_2529, %add3A_2535 : vector<16xi32>
      %gather3A_2537 = tpu.vector_load_idx %arg10[%add3A_2501, %add3A_2536] : memref<128x128xf32, #tpu.memory_space<vmem>>[vector<16xi32>, vector<16xi32>], vector<16xf32>,
      %mul3A_2538 = arith.mulf %gather3A_2533, %gather3A_2537 : vector<16xf32>
      %add3A_2539 = arith.constant 1 : i32
      %add3A_2540 = vector.broadcast %add3A_2539 : i32 to vector<16xi32>
      %add3A_2541 = arith.addi %mul3A_2515, %add3A_2540 : vector<16xi32>
      %gather3A_2542 = tpu.vector_load_idx %arg9[%add3A_2501, %add3A_2541] : memref<128x128xf32, #tpu.memory_space<vmem>>[vector<16xi32>, vector<16xi32>], vector<16xf32>,
      %add3A_2543 = arith.constant 1 : i32
      %add3A_2544 = vector.broadcast %add3A_2543 : i32 to vector<16xi32>
      %add3A_2545 = arith.addi %mul3A_2529, %add3A_2544 : vector<16xi32>
      %gather3A_2546 = tpu.vector_load_idx %arg10[%add3A_2501, %add3A_2545] : memref<128x128xf32, #tpu.memory_space<vmem>>[vector<16xi32>, vector<16xi32>], vector<16xf32>,
      %mul3A_2547 = arith.mulf %gather3A_2542, %gather3A_2546 : vector<16xf32>
      %add3A_2548 = arith.addf %mul3A_2538, %mul3A_2547 : vector<16xf32>
      %add3A_2549 = arith.constant 2 : i32
      %add3A_2550 = vector.broadcast %add3A_2549 : i32 to vector<16xi32>
      %add3A_2551 = arith.addi %mul3A_2515, %add3A_2550 : vector<16xi32>
      %gather3A_2552 = tpu.vector_load_idx %arg9[%add3A_2501, %add3A_2551] : memref<128x128xf32, #tpu.memory_space<vmem>>[vector<16xi32>, vector<16xi32>], vector<16xf32>,
      %add3A_2553 = arith.constant 2 : i32
      %add3A_2554 = vector.broadcast %add3A_2553 : i32 to vector<16xi32>
      %add3A_2555 = arith.addi %mul3A_2529, %add3A_2554 : vector<16xi32>
      %gather3A_2556 = tpu.vector_load_idx %arg10[%add3A_2501, %add3A_2555] : memref<128x128xf32, #tpu.memory_space<vmem>>[vector<16xi32>, vector<16xi32>], vector<16xf32>,
      %mul3A_2557 = arith.mulf %gather3A_2552, %gather3A_2556 : vector<16xf32>
      %add3A_2558 = arith.addf %add3A_2548, %mul3A_2557 : vector<16xf32>
      %add3A_2559 = arith.constant 3 : i32
      %add3A_2560 = vector.broadcast %add3A_2559 : i32 to vector<16xi32>
      %add3A_2561 = arith.addi %mul3A_2515, %add3A_2560 : vector<16xi32>
      %gather3A_2562 = tpu.vector_load_idx %arg9[%add3A_2501, %add3A_2561] : memref<128x128xf32, #tpu.memory_space<vmem>>[vector<16xi32>, vector<16xi32>], vector<16xf32>,
      %add3A_2563 = arith.constant 3 : i32
      %add3A_2564 = vector.broadcast %add3A_2563 : i32 to vector<16xi32>
      %add3A_2565 = arith.addi %mul3A_2529, %add3A_2564 : vector<16xi32>
      %gather3A_2566 = tpu.vector_load_idx %arg10[%add3A_2501, %add3A_2565] : memref<128x128xf32, #tpu.memory_space<vmem>>[vector<16xi32>, vector<16xi32>], vector<16xf32>,
      %mul3A_2567 = arith.mulf %gather3A_2562, %gather3A_2566 : vector<16xf32>
      %add3A_2568 = arith.addf %add3A_2558, %mul3A_2567 : vector<16xf32>
      %add3A_2569 = arith.constant 4 : i32
      %add3A_2570 = vector.broadcast %add3A_2569 : i32 to vector<16xi32>
      %add3A_2571 = arith.addi %mul3A_2515, %add3A_2570 : vector<16xi32>
      %gather3A_2572 = tpu.vector_load_idx %arg9[%add3A_2501, %add3A_2571] : memref<128x128xf32, #tpu.memory_space<vmem>>[vector<16xi32>, vector<16xi32>], vector<16xf32>,
      %add3A_2573 = arith.constant 4 : i32
      %add3A_2574 = vector.broadcast %add3A_2573 : i32 to vector<16xi32>
      %add3A_2575 = arith.addi %mul3A_2529, %add3A_2574 : vector<16xi32>
      %gather3A_2576 = tpu.vector_load_idx %arg10[%add3A_2501, %add3A_2575] : memref<128x128xf32, #tpu.memory_space<vmem>>[vector<16xi32>, vector<16xi32>], vector<16xf32>,
      %mul3A_2577 = arith.mulf %gather3A_2572, %gather3A_2576 : vector<16xf32>
      %add3A_2578 = arith.addf %add3A_2568, %mul3A_2577 : vector<16xf32>
      %add3A_2579 = arith.constant 5 : i32
      %add3A_2580 = vector.broadcast %add3A_2579 : i32 to vector<16xi32>
      %add3A_2581 = arith.addi %mul3A_2515, %add3A_2580 : vector<16xi32>
      %gather3A_2582 = tpu.vector_load_idx %arg9[%add3A_2501, %add3A_2581] : memref<128x128xf32, #tpu.memory_space<vmem>>[vector<16xi32>, vector<16xi32>], vector<16xf32>,
      %add3A_2583 = arith.constant 5 : i32
      %add3A_2584 = vector.broadcast %add3A_2583 : i32 to vector<16xi32>
      %add3A_2585 = arith.addi %mul3A_2529, %add3A_2584 : vector<16xi32>
      %gather3A_2586 = tpu.vector_load_idx %arg10[%add3A_2501, %add3A_2585] : memref<128x128xf32, #tpu.memory_space<vmem>>[vector<16xi32>, vector<16xi32>], vector<16xf32>,
      %mul3A_2587 = arith.mulf %gather3A_2582, %gather3A_2586 : vector<16xf32>
      %add3A_2588 = arith.addf %add3A_2578, %mul3A_2587 : vector<16xf32>
      %add3A_2589 = arith.constant 6 : i32
      %add3A_2590 = vector.broadcast %add3A_2589 : i32 to vector<16xi32>
      %add3A_2591 = arith.addi %mul3A_2515, %add3A_2590 : vector<16xi32>
      %gather3A_2592 = tpu.vector_load_idx %arg9[%add3A_2501, %add3A_2591] : memref<128x128xf32, #tpu.memory_space<vmem>>[vector<16xi32>, vector<16xi32>], vector<16xf32>,
      %add3A_2593 = arith.constant 6 : i32
      %add3A_2594 = vector.broadcast %add3A_2593 : i32 to vector<16xi32>
      %add3A_2595 = arith.addi %mul3A_2529, %add3A_2594 : vector<16xi32>
      %gather3A_2596 = tpu.vector_load_idx %arg10[%add3A_2501, %add3A_2595] : memref<128x128xf32, #tpu.memory_space<vmem>>[vector<16xi32>, vector<16xi32>], vector<16xf32>,
      %mul3A_2597 = arith.mulf %gather3A_2592, %gather3A_2596 : vector<16xf32>
      %add3A_2598 = arith.addf %add3A_2588, %mul3A_2597 : vector<16xf32>
      %add3A_2599 = arith.constant 7 : i32
      %add3A_2600 = vector.broadcast %add3A_2599 : i32 to vector<16xi32>
      %add3A_2601 = arith.addi %mul3A_2515, %add3A_2600 : vector<16xi32>
      %gather3A_2602 = tpu.vector_load_idx %arg9[%add3A_2501, %add3A_2601] : memref<128x128xf32, #tpu.memory_space<vmem>>[vector<16xi32>, vector<16xi32>], vector<16xf32>,
      %add3A_2603 = arith.constant 7 : i32
      %add3A_2604 = vector.broadcast %add3A_2603 : i32 to vector<16xi32>
      %add3A_2605 = arith.addi %mul3A_2529, %add3A_2604 : vector<16xi32>
      %gather3A_2606 = tpu.vector_load_idx %arg10[%add3A_2501, %add3A_2605] : memref<128x128xf32, #tpu.memory_space<vmem>>[vector<16xi32>, vector<16xi32>], vector<16xf32>,
      %mul3A_2607 = arith.mulf %gather3A_2602, %gather3A_2606 : vector<16xf32>
      %add3A_2608 = arith.addf %add3A_2598, %mul3A_2607 : vector<16xf32>
      %add3A_2609 = arith.constant 8 : i32
      %add3A_2610 = vector.broadcast %add3A_2609 : i32 to vector<16xi32>
      %add3A_2611 = arith.addi %mul3A_2515, %add3A_2610 : vector<16xi32>
      %gather3A_2612 = tpu.vector_load_idx %arg9[%add3A_2501, %add3A_2611] : memref<128x128xf32, #tpu.memory_space<vmem>>[vector<16xi32>, vector<16xi32>], vector<16xf32>,
      %add3A_2613 = arith.constant 8 : i32
      %add3A_2614 = vector.broadcast %add3A_2613 : i32 to vector<16xi32>
      %add3A_2615 = arith.addi %mul3A_2529, %add3A_2614 : vector<16xi32>
      %gather3A_2616 = tpu.vector_load_idx %arg10[%add3A_2501, %add3A_2615] : memref<128x128xf32, #tpu.memory_space<vmem>>[vector<16xi32>, vector<16xi32>], vector<16xf32>,
      %mul3A_2617 = arith.mulf %gather3A_2612, %gather3A_2616 : vector<16xf32>
      %add3A_2618 = arith.addf %add3A_2608, %mul3A_2617 : vector<16xf32>
      %add3A_2619 = arith.constant 9 : i32
      %add3A_2620 = vector.broadcast %add3A_2619 : i32 to vector<16xi32>
      %add3A_2621 = arith.addi %mul3A_2515, %add3A_2620 : vector<16xi32>
      %gather3A_2622 = tpu.vector_load_idx %arg9[%add3A_2501, %add3A_2621] : memref<128x128xf32, #tpu.memory_space<vmem>>[vector<16xi32>, vector<16xi32>], vector<16xf32>,
      %add3A_2623 = arith.constant 9 : i32
      %add3A_2624 = vector.broadcast %add3A_2623 : i32 to vector<16xi32>
      %add3A_2625 = arith.addi %mul3A_2529, %add3A_2624 : vector<16xi32>
      %gather3A_2626 = tpu.vector_load_idx %arg10[%add3A_2501, %add3A_2625] : memref<128x128xf32, #tpu.memory_space<vmem>>[vector<16xi32>, vector<16xi32>], vector<16xf32>,
      %mul3A_2627 = arith.mulf %gather3A_2622, %gather3A_2626 : vector<16xf32>
      %add3A_2628 = arith.addf %add3A_2618, %mul3A_2627 : vector<16xf32>
      %add3A_2629 = arith.constant 10 : i32
      %add3A_2630 = vector.broadcast %add3A_2629 : i32 to vector<16xi32>
      %add3A_2631 = arith.addi %mul3A_2515, %add3A_2630 : vector<16xi32>
      %gather3A_2632 = tpu.vector_load_idx %arg9[%add3A_2501, %add3A_2631] : memref<128x128xf32, #tpu.memory_space<vmem>>[vector<16xi32>, vector<16xi32>], vector<16xf32>,
      %add3A_2633 = arith.constant 10 : i32
      %add3A_2634 = vector.broadcast %add3A_2633 : i32 to vector<16xi32>
      %add3A_2635 = arith.addi %mul3A_2529, %add3A_2634 : vector<16xi32>
      %gather3A_2636 = tpu.vector_load_idx %arg10[%add3A_2501, %add3A_2635] : memref<128x128xf32, #tpu.memory_space<vmem>>[vector<16xi32>, vector<16xi32>], vector<16xf32>,
      %mul3A_2637 = arith.mulf %gather3A_2632, %gather3A_2636 : vector<16xf32>
      %add3A_2638 = arith.addf %add3A_2628, %mul3A_2637 : vector<16xf32>
      %add3A_2639 = arith.constant 11 : i32
      %add3A_2640 = vector.broadcast %add3A_2639 : i32 to vector<16xi32>
      %add3A_2641 = arith.addi %mul3A_2515, %add3A_2640 : vector<16xi32>
      %gather3A_2642 = tpu.vector_load_idx %arg9[%add3A_2501, %add3A_2641] : memref<128x128xf32, #tpu.memory_space<vmem>>[vector<16xi32>, vector<16xi32>], vector<16xf32>,
      %add3A_2643 = arith.constant 11 : i32
      %add3A_2644 = vector.broadcast %add3A_2643 : i32 to vector<16xi32>
      %add3A_2645 = arith.addi %mul3A_2529, %add3A_2644 : vector<16xi32>
      %gather3A_2646 = tpu.vector_load_idx %arg10[%add3A_2501, %add3A_2645] : memref<128x128xf32, #tpu.memory_space<vmem>>[vector<16xi32>, vector<16xi32>], vector<16xf32>,
      %mul3A_2647 = arith.mulf %gather3A_2642, %gather3A_2646 : vector<16xf32>
      %add3A_2648 = arith.addf %add3A_2638, %mul3A_2647 : vector<16xf32>
      %add3A_2649 = arith.constant 12 : i32
      %add3A_2650 = vector.broadcast %add3A_2649 : i32 to vector<16xi32>
      %add3A_2651 = arith.addi %mul3A_2515, %add3A_2650 : vector<16xi32>
      %gather3A_2652 = tpu.vector_load_idx %arg9[%add3A_2501, %add3A_2651] : memref<128x128xf32, #tpu.memory_space<vmem>>[vector<16xi32>, vector<16xi32>], vector<16xf32>,
      %add3A_2653 = arith.constant 12 : i32
      %add3A_2654 = vector.broadcast %add3A_2653 : i32 to vector<16xi32>
      %add3A_2655 = arith.addi %mul3A_2529, %add3A_2654 : vector<16xi32>
      %gather3A_2656 = tpu.vector_load_idx %arg10[%add3A_2501, %add3A_2655] : memref<128x128xf32, #tpu.memory_space<vmem>>[vector<16xi32>, vector<16xi32>], vector<16xf32>,
      %mul3A_2657 = arith.mulf %gather3A_2652, %gather3A_2656 : vector<16xf32>
      %add3A_2658 = arith.addf %add3A_2648, %mul3A_2657 : vector<16xf32>
      %add3A_2659 = arith.constant 13 : i32
      %add3A_2660 = vector.broadcast %add3A_2659 : i32 to vector<16xi32>
      %add3A_2661 = arith.addi %mul3A_2515, %add3A_2660 : vector<16xi32>
      %gather3A_2662 = tpu.vector_load_idx %arg9[%add3A_2501, %add3A_2661] : memref<128x128xf32, #tpu.memory_space<vmem>>[vector<16xi32>, vector<16xi32>], vector<16xf32>,
      %add3A_2663 = arith.constant 13 : i32
      %add3A_2664 = vector.broadcast %add3A_2663 : i32 to vector<16xi32>
      %add3A_2665 = arith.addi %mul3A_2529, %add3A_2664 : vector<16xi32>
      %gather3A_2666 = tpu.vector_load_idx %arg10[%add3A_2501, %add3A_2665] : memref<128x128xf32, #tpu.memory_space<vmem>>[vector<16xi32>, vector<16xi32>], vector<16xf32>,
      %mul3A_2667 = arith.mulf %gather3A_2662, %gather3A_2666 : vector<16xf32>
      %add3A_2668 = arith.addf %add3A_2658, %mul3A_2667 : vector<16xf32>
      %add3A_2669 = arith.constant 14 : i32
      %add3A_2670 = vector.broadcast %add3A_2669 : i32 to vector<16xi32>
      %add3A_2671 = arith.addi %mul3A_2515, %add3A_2670 : vector<16xi32>
      %gather3A_2672 = tpu.vector_load_idx %arg9[%add3A_2501, %add3A_2671] : memref<128x128xf32, #tpu.memory_space<vmem>>[vector<16xi32>, vector<16xi32>], vector<16xf32>,
      %add3A_2673 = arith.constant 14 : i32
      %add3A_2674 = vector.broadcast %add3A_2673 : i32 to vector<16xi32>
      %add3A_2675 = arith.addi %mul3A_2529, %add3A_2674 : vector<16xi32>
      %gather3A_2676 = tpu.vector_load_idx %arg10[%add3A_2501, %add3A_2675] : memref<128x128xf32, #tpu.memory_space<vmem>>[vector<16xi32>, vector<16xi32>], vector<16xf32>,
      %mul3A_2677 = arith.mulf %gather3A_2672, %gather3A_2676 : vector<16xf32>
      %add3A_2678 = arith.addf %add3A_2668, %mul3A_2677 : vector<16xf32>
      %add3A_2679 = arith.constant 15 : i32
      %add3A_2680 = vector.broadcast %add3A_2679 : i32 to vector<16xi32>
      %add3A_2681 = arith.addi %mul3A_2515, %add3A_2680 : vector<16xi32>
      %gather3A_2682 = tpu.vector_load_idx %arg9[%add3A_2501, %add3A_2681] : memref<128x128xf32, #tpu.memory_space<vmem>>[vector<16xi32>, vector<16xi32>], vector<16xf32>,
      %add3A_2683 = arith.constant 15 : i32
      %add3A_2684 = vector.broadcast %add3A_2683 : i32 to vector<16xi32>
      %add3A_2685 = arith.addi %mul3A_2529, %add3A_2684 : vector<16xi32>
      %gather3A_2686 = tpu.vector_load_idx %arg10[%add3A_2501, %add3A_2685] : memref<128x128xf32, #tpu.memory_space<vmem>>[vector<16xi32>, vector<16xi32>], vector<16xf32>,
      %mul3A_2687 = arith.mulf %gather3A_2682, %gather3A_2686 : vector<16xf32>
      %add3A_2688 = arith.addf %add3A_2678, %mul3A_2687 : vector<16xf32>
      %add3A_2689 = arith.constant 16 : i32
      %add3A_2690 = vector.broadcast %add3A_2689 : i32 to vector<16xi32>
      %add3A_2691 = arith.addi %mul3A_2515, %add3A_2690 : vector<16xi32>
      %gather3A_2692 = tpu.vector_load_idx %arg9[%add3A_2501, %add3A_2691] : memref<128x128xf32, #tpu.memory_space<vmem>>[vector<16xi32>, vector<16xi32>], vector<16xf32>,
      %add3A_2693 = arith.constant 16 : i32
      %add3A_2694 = vector.broadcast %add3A_2693 : i32 to vector<16xi32>
      %add3A_2695 = arith.addi %mul3A_2529, %add3A_2694 : vector<16xi32>
      %gather3A_2696 = tpu.vector_load_idx %arg10[%add3A_2501, %add3A_2695] : memref<128x128xf32, #tpu.memory_space<vmem>>[vector<16xi32>, vector<16xi32>], vector<16xf32>,
      %mul3A_2697 = arith.mulf %gather3A_2692, %gather3A_2696 : vector<16xf32>
      %add3A_2698 = arith.addf %add3A_2688, %mul3A_2697 : vector<16xf32>
      %add3A_2699 = arith.constant 17 : i32
      %add3A_2700 = vector.broadcast %add3A_2699 : i32 to vector<16xi32>
      %add3A_2701 = arith.addi %mul3A_2515, %add3A_2700 : vector<16xi32>
      %gather3A_2702 = tpu.vector_load_idx %arg9[%add3A_2501, %add3A_2701] : memref<128x128xf32, #tpu.memory_space<vmem>>[vector<16xi32>, vector<16xi32>], vector<16xf32>,
      %add3A_2703 = arith.constant 17 : i32
      %add3A_2704 = vector.broadcast %add3A_2703 : i32 to vector<16xi32>
      %add3A_2705 = arith.addi %mul3A_2529, %add3A_2704 : vector<16xi32>
      %gather3A_2706 = tpu.vector_load_idx %arg10[%add3A_2501, %add3A_2705] : memref<128x128xf32, #tpu.memory_space<vmem>>[vector<16xi32>, vector<16xi32>], vector<16xf32>,
      %mul3A_2707 = arith.mulf %gather3A_2702, %gather3A_2706 : vector<16xf32>
      %add3A_2708 = arith.addf %add3A_2698, %mul3A_2707 : vector<16xf32>
      %add3A_2709 = arith.constant 18 : i32
      %add3A_2710 = vector.broadcast %add3A_2709 : i32 to vector<16xi32>
      %add3A_2711 = arith.addi %mul3A_2515, %add3A_2710 : vector<16xi32>
      %gather3A_2712 = tpu.vector_load_idx %arg9[%add3A_2501, %add3A_2711] : memref<128x128xf32, #tpu.memory_space<vmem>>[vector<16xi32>, vector<16xi32>], vector<16xf32>,
      %add3A_2713 = arith.constant 18 : i32
      %add3A_2714 = vector.broadcast %add3A_2713 : i32 to vector<16xi32>
      %add3A_2715 = arith.addi %mul3A_2529, %add3A_2714 : vector<16xi32>
      %gather3A_2716 = tpu.vector_load_idx %arg10[%add3A_2501, %add3A_2715] : memref<128x128xf32, #tpu.memory_space<vmem>>[vector<16xi32>, vector<16xi32>], vector<16xf32>,
      %mul3A_2717 = arith.mulf %gather3A_2712, %gather3A_2716 : vector<16xf32>
      %add3A_2718 = arith.addf %add3A_2708, %mul3A_2717 : vector<16xf32>
      %add3A_2719 = arith.constant 19 : i32
      %add3A_2720 = vector.broadcast %add3A_2719 : i32 to vector<16xi32>
      %add3A_2721 = arith.addi %mul3A_2515, %add3A_2720 : vector<16xi32>
      %gather3A_2722 = tpu.vector_load_idx %arg9[%add3A_2501, %add3A_2721] : memref<128x128xf32, #tpu.memory_space<vmem>>[vector<16xi32>, vector<16xi32>], vector<16xf32>,
      %add3A_2723 = arith.constant 19 : i32
      %add3A_2724 = vector.broadcast %add3A_2723 : i32 to vector<16xi32>
      %add3A_2725 = arith.addi %mul3A_2529, %add3A_2724 : vector<16xi32>
      %gather3A_2726 = tpu.vector_load_idx %arg10[%add3A_2501, %add3A_2725] : memref<128x128xf32, #tpu.memory_space<vmem>>[vector<16xi32>, vector<16xi32>], vector<16xf32>,
      %mul3A_2727 = arith.mulf %gather3A_2722, %gather3A_2726 : vector<16xf32>
      %add3A_2728 = arith.addf %add3A_2718, %mul3A_2727 : vector<16xf32>
      %add3A_2729 = arith.constant 20 : i32
      %add3A_2730 = vector.broadcast %add3A_2729 : i32 to vector<16xi32>
      %add3A_2731 = arith.addi %mul3A_2515, %add3A_2730 : vector<16xi32>
      %gather3A_2732 = tpu.vector_load_idx %arg9[%add3A_2501, %add3A_2731] : memref<128x128xf32, #tpu.memory_space<vmem>>[vector<16xi32>, vector<16xi32>], vector<16xf32>,
      %add3A_2733 = arith.constant 20 : i32
      %add3A_2734 = vector.broadcast %add3A_2733 : i32 to vector<16xi32>
      %add3A_2735 = arith.addi %mul3A_2529, %add3A_2734 : vector<16xi32>
      %gather3A_2736 = tpu.vector_load_idx %arg10[%add3A_2501, %add3A_2735] : memref<128x128xf32, #tpu.memory_space<vmem>>[vector<16xi32>, vector<16xi32>], vector<16xf32>,
      %mul3A_2737 = arith.mulf %gather3A_2732, %gather3A_2736 : vector<16xf32>
      %add3A_2738 = arith.addf %add3A_2728, %mul3A_2737 : vector<16xf32>
      %add3A_2739 = arith.constant 21 : i32
      %add3A_2740 = vector.broadcast %add3A_2739 : i32 to vector<16xi32>
      %add3A_2741 = arith.addi %mul3A_2515, %add3A_2740 : vector<16xi32>
      %gather3A_2742 = tpu.vector_load_idx %arg9[%add3A_2501, %add3A_2741] : memref<128x128xf32, #tpu.memory_space<vmem>>[vector<16xi32>, vector<16xi32>], vector<16xf32>,
      %add3A_2743 = arith.constant 21 : i32
      %add3A_2744 = vector.broadcast %add3A_2743 : i32 to vector<16xi32>
      %add3A_2745 = arith.addi %mul3A_2529, %add3A_2744 : vector<16xi32>
      %gather3A_2746 = tpu.vector_load_idx %arg10[%add3A_2501, %add3A_2745] : memref<128x128xf32, #tpu.memory_space<vmem>>[vector<16xi32>, vector<16xi32>], vector<16xf32>,
      %mul3A_2747 = arith.mulf %gather3A_2742, %gather3A_2746 : vector<16xf32>
      %add3A_2748 = arith.addf %add3A_2738, %mul3A_2747 : vector<16xf32>
      %add3A_2749 = arith.constant 22 : i32
      %add3A_2750 = vector.broadcast %add3A_2749 : i32 to vector<16xi32>
      %add3A_2751 = arith.addi %mul3A_2515, %add3A_2750 : vector<16xi32>
      %gather3A_2752 = tpu.vector_load_idx %arg9[%add3A_2501, %add3A_2751] : memref<128x128xf32, #tpu.memory_space<vmem>>[vector<16xi32>, vector<16xi32>], vector<16xf32>,
      %add3A_2753 = arith.constant 22 : i32
      %add3A_2754 = vector.broadcast %add3A_2753 : i32 to vector<16xi32>
      %add3A_2755 = arith.addi %mul3A_2529, %add3A_2754 : vector<16xi32>
      %gather3A_2756 = tpu.vector_load_idx %arg10[%add3A_2501, %add3A_2755] : memref<128x128xf32, #tpu.memory_space<vmem>>[vector<16xi32>, vector<16xi32>], vector<16xf32>,
      %mul3A_2757 = arith.mulf %gather3A_2752, %gather3A_2756 : vector<16xf32>
      %add3A_2758 = arith.addf %add3A_2748, %mul3A_2757 : vector<16xf32>
      %add3A_2759 = arith.constant 23 : i32
      %add3A_2760 = vector.broadcast %add3A_2759 : i32 to vector<16xi32>
      %add3A_2761 = arith.addi %mul3A_2515, %add3A_2760 : vector<16xi32>
      %gather3A_2762 = tpu.vector_load_idx %arg9[%add3A_2501, %add3A_2761] : memref<128x128xf32, #tpu.memory_space<vmem>>[vector<16xi32>, vector<16xi32>], vector<16xf32>,
      %add3A_2763 = arith.constant 23 : i32
      %add3A_2764 = vector.broadcast %add3A_2763 : i32 to vector<16xi32>
      %add3A_2765 = arith.addi %mul3A_2529, %add3A_2764 : vector<16xi32>
      %gather3A_2766 = tpu.vector_load_idx %arg10[%add3A_2501, %add3A_2765] : memref<128x128xf32, #tpu.memory_space<vmem>>[vector<16xi32>, vector<16xi32>], vector<16xf32>,
      %mul3A_2767 = arith.mulf %gather3A_2762, %gather3A_2766 : vector<16xf32>
      %add3A_2768 = arith.addf %add3A_2758, %mul3A_2767 : vector<16xf32>
      %add3A_2769 = arith.constant 24 : i32
      %add3A_2770 = vector.broadcast %add3A_2769 : i32 to vector<16xi32>
      %add3A_2771 = arith.addi %mul3A_2515, %add3A_2770 : vector<16xi32>
      %gather3A_2772 = tpu.vector_load_idx %arg9[%add3A_2501, %add3A_2771] : memref<128x128xf32, #tpu.memory_space<vmem>>[vector<16xi32>, vector<16xi32>], vector<16xf32>,
      %add3A_2773 = arith.constant 24 : i32
      %add3A_2774 = vector.broadcast %add3A_2773 : i32 to vector<16xi32>
      %add3A_2775 = arith.addi %mul3A_2529, %add3A_2774 : vector<16xi32>
      %gather3A_2776 = tpu.vector_load_idx %arg10[%add3A_2501, %add3A_2775] : memref<128x128xf32, #tpu.memory_space<vmem>>[vector<16xi32>, vector<16xi32>], vector<16xf32>,
      %mul3A_2777 = arith.mulf %gather3A_2772, %gather3A_2776 : vector<16xf32>
      %add3A_2778 = arith.addf %add3A_2768, %mul3A_2777 : vector<16xf32>
      %add3A_2779 = arith.constant 25 : i32
      %add3A_2780 = vector.broadcast %add3A_2779 : i32 to vector<16xi32>
      %add3A_2781 = arith.addi %mul3A_2515, %add3A_2780 : vector<16xi32>
      %gather3A_2782 = tpu.vector_load_idx %arg9[%add3A_2501, %add3A_2781] : memref<128x128xf32, #tpu.memory_space<vmem>>[vector<16xi32>, vector<16xi32>], vector<16xf32>,
      %add3A_2783 = arith.constant 25 : i32
      %add3A_2784 = vector.broadcast %add3A_2783 : i32 to vector<16xi32>
      %add3A_2785 = arith.addi %mul3A_2529, %add3A_2784 : vector<16xi32>
      %gather3A_2786 = tpu.vector_load_idx %arg10[%add3A_2501, %add3A_2785] : memref<128x128xf32, #tpu.memory_space<vmem>>[vector<16xi32>, vector<16xi32>], vector<16xf32>,
      %mul3A_2787 = arith.mulf %gather3A_2782, %gather3A_2786 : vector<16xf32>
      %add3A_2788 = arith.addf %add3A_2778, %mul3A_2787 : vector<16xf32>
      %add3A_2789 = arith.constant 26 : i32
      %add3A_2790 = vector.broadcast %add3A_2789 : i32 to vector<16xi32>
      %add3A_2791 = arith.addi %mul3A_2515, %add3A_2790 : vector<16xi32>
      %gather3A_2792 = tpu.vector_load_idx %arg9[%add3A_2501, %add3A_2791] : memref<128x128xf32, #tpu.memory_space<vmem>>[vector<16xi32>, vector<16xi32>], vector<16xf32>,
      %add3A_2793 = arith.constant 26 : i32
      %add3A_2794 = vector.broadcast %add3A_2793 : i32 to vector<16xi32>
      %add3A_2795 = arith.addi %mul3A_2529, %add3A_2794 : vector<16xi32>
      %gather3A_2796 = tpu.vector_load_idx %arg10[%add3A_2501, %add3A_2795] : memref<128x128xf32, #tpu.memory_space<vmem>>[vector<16xi32>, vector<16xi32>], vector<16xf32>,
      %mul3A_2797 = arith.mulf %gather3A_2792, %gather3A_2796 : vector<16xf32>
      %add3A_2798 = arith.addf %add3A_2788, %mul3A_2797 : vector<16xf32>
      %add3A_2799 = arith.constant 27 : i32
      %add3A_2800 = vector.broadcast %add3A_2799 : i32 to vector<16xi32>
      %add3A_2801 = arith.addi %mul3A_2515, %add3A_2800 : vector<16xi32>
      %gather3A_2802 = tpu.vector_load_idx %arg9[%add3A_2501, %add3A_2801] : memref<128x128xf32, #tpu.memory_space<vmem>>[vector<16xi32>, vector<16xi32>], vector<16xf32>,
      %add3A_2803 = arith.constant 27 : i32
      %add3A_2804 = vector.broadcast %add3A_2803 : i32 to vector<16xi32>
      %add3A_2805 = arith.addi %mul3A_2529, %add3A_2804 : vector<16xi32>
      %gather3A_2806 = tpu.vector_load_idx %arg10[%add3A_2501, %add3A_2805] : memref<128x128xf32, #tpu.memory_space<vmem>>[vector<16xi32>, vector<16xi32>], vector<16xf32>,
      %mul3A_2807 = arith.mulf %gather3A_2802, %gather3A_2806 : vector<16xf32>
      %add3A_2808 = arith.addf %add3A_2798, %mul3A_2807 : vector<16xf32>
      %add3A_2809 = arith.constant 28 : i32
      %add3A_2810 = vector.broadcast %add3A_2809 : i32 to vector<16xi32>
      %add3A_2811 = arith.addi %mul3A_2515, %add3A_2810 : vector<16xi32>
      %gather3A_2812 = tpu.vector_load_idx %arg9[%add3A_2501, %add3A_2811] : memref<128x128xf32, #tpu.memory_space<vmem>>[vector<16xi32>, vector<16xi32>], vector<16xf32>,
      %add3A_2813 = arith.constant 28 : i32
      %add3A_2814 = vector.broadcast %add3A_2813 : i32 to vector<16xi32>
      %add3A_2815 = arith.addi %mul3A_2529, %add3A_2814 : vector<16xi32>
      %gather3A_2816 = tpu.vector_load_idx %arg10[%add3A_2501, %add3A_2815] : memref<128x128xf32, #tpu.memory_space<vmem>>[vector<16xi32>, vector<16xi32>], vector<16xf32>,
      %mul3A_2817 = arith.mulf %gather3A_2812, %gather3A_2816 : vector<16xf32>
      %add3A_2818 = arith.addf %add3A_2808, %mul3A_2817 : vector<16xf32>
      %add3A_2819 = arith.constant 29 : i32
      %add3A_2820 = vector.broadcast %add3A_2819 : i32 to vector<16xi32>
      %add3A_2821 = arith.addi %mul3A_2515, %add3A_2820 : vector<16xi32>
      %gather3A_2822 = tpu.vector_load_idx %arg9[%add3A_2501, %add3A_2821] : memref<128x128xf32, #tpu.memory_space<vmem>>[vector<16xi32>, vector<16xi32>], vector<16xf32>,
      %add3A_2823 = arith.constant 29 : i32
      %add3A_2824 = vector.broadcast %add3A_2823 : i32 to vector<16xi32>
      %add3A_2825 = arith.addi %mul3A_2529, %add3A_2824 : vector<16xi32>
      %gather3A_2826 = tpu.vector_load_idx %arg10[%add3A_2501, %add3A_2825] : memref<128x128xf32, #tpu.memory_space<vmem>>[vector<16xi32>, vector<16xi32>], vector<16xf32>,
      %mul3A_2827 = arith.mulf %gather3A_2822, %gather3A_2826 : vector<16xf32>
      %add3A_2828 = arith.addf %add3A_2818, %mul3A_2827 : vector<16xf32>
      %add3A_2829 = arith.constant 30 : i32
      %add3A_2830 = vector.broadcast %add3A_2829 : i32 to vector<16xi32>
      %add3A_2831 = arith.addi %mul3A_2515, %add3A_2830 : vector<16xi32>
      %gather3A_2832 = tpu.vector_load_idx %arg9[%add3A_2501, %add3A_2831] : memref<128x128xf32, #tpu.memory_space<vmem>>[vector<16xi32>, vector<16xi32>], vector<16xf32>,
      %add3A_2833 = arith.constant 30 : i32
      %add3A_2834 = vector.broadcast %add3A_2833 : i32 to vector<16xi32>
      %add3A_2835 = arith.addi %mul3A_2529, %add3A_2834 : vector<16xi32>
      %gather3A_2836 = tpu.vector_load_idx %arg10[%add3A_2501, %add3A_2835] : memref<128x128xf32, #tpu.memory_space<vmem>>[vector<16xi32>, vector<16xi32>], vector<16xf32>,
      %mul3A_2837 = arith.mulf %gather3A_2832, %gather3A_2836 : vector<16xf32>
      %add3A_2838 = arith.addf %add3A_2828, %mul3A_2837 : vector<16xf32>
      %add3A_2839 = arith.constant 31 : i32
      %add3A_2840 = vector.broadcast %add3A_2839 : i32 to vector<16xi32>
      %add3A_2841 = arith.addi %mul3A_2515, %add3A_2840 : vector<16xi32>
      %gather3A_2842 = tpu.vector_load_idx %arg9[%add3A_2501, %add3A_2841] : memref<128x128xf32, #tpu.memory_space<vmem>>[vector<16xi32>, vector<16xi32>], vector<16xf32>,
      %add3A_2843 = arith.constant 31 : i32
      %add3A_2844 = vector.broadcast %add3A_2843 : i32 to vector<16xi32>
      %add3A_2845 = arith.addi %mul3A_2529, %add3A_2844 : vector<16xi32>
      %gather3A_2846 = tpu.vector_load_idx %arg10[%add3A_2501, %add3A_2845] : memref<128x128xf32, #tpu.memory_space<vmem>>[vector<16xi32>, vector<16xi32>], vector<16xf32>,
      %mul3A_2847 = arith.mulf %gather3A_2842, %gather3A_2846 : vector<16xf32>
      %add3A_2848 = arith.addf %add3A_2838, %mul3A_2847 : vector<16xf32>
      %mul3A_2849 = arith.constant 128 : i32
      %mul3A_2850 = arith.muli %scan3A_39, %mul3A_2849 : i32
      %add3A_2851 = arith.constant 96 : i32
      %add3A_2852 = arith.addi %mul3A_2850, %add3A_2851 : i32
      %swap3A_2853 = arith.index_cast %add3A_2852 : i32 to index
      %swap3A_2854 = tpu.vector_load %arg11[%swap3A_2853] {strides = array<i32>} : memref<512xf32, #tpu.memory_space<vmem>>, vector<16xf32>,
      tpu.vector_store %arg11[%swap3A_2853], %add3A_2848 {strides = array<i32>} : memref<512xf32, #tpu.memory_space<vmem>>, vector<16xf32>,
      %add3A_2855 = arith.constant 112 : i32
      %add3A_2856 = vector.broadcast %add3A_2855 : i32 to vector<16xi32>
      %add3A_2857 = arith.addi %add3A_2856, %iota3A : vector<16xi32>
      %get3A_2858 = arith.constant 0 : i32
      %get3A_2859 = arith.index_cast %get3A_2858 : i32 to index
      %get3A_2860 = arith.index_cast %scan3A_39 : i32 to index
      %get3A_2861 = arith.constant 112 : index
      %get3A_2862 = tpu.vector_load %arg6[%get3A_2859, %get3A_2860, %get3A_2861] {strides = array<i32>} : memref<2x4x128xi32, #tpu.memory_space<vmem>>, vector<16xi32>,
      %shift_right_arithmetic3A_2863 = arith.constant 13 : i32
      %shift_right_arithmetic3A_2864 = vector.broadcast %shift_right_arithmetic3A_2863 : i32 to vector<16xi32>
      %shift_right_arithmetic3A_2865 = arith.shrsi %get3A_2862, %shift_right_arithmetic3A_2864 : vector<16xi32>
      %and3A_2866 = arith.constant 3 : i32
      %and3A_2867 = vector.broadcast %and3A_2866 : i32 to vector<16xi32>
      %and3A_2868 = arith.andi %shift_right_arithmetic3A_2865, %and3A_2867 : vector<16xi32>
      %mul3A_2869 = arith.constant 32 : i32
      %mul3A_2870 = vector.broadcast %mul3A_2869 : i32 to vector<16xi32>
      %mul3A_2871 = arith.muli %and3A_2868, %mul3A_2870 : vector<16xi32>
      %get3A_2872 = arith.constant 1 : i32
      %get3A_2873 = arith.index_cast %get3A_2872 : i32 to index
      %get3A_2874 = arith.index_cast %scan3A_39 : i32 to index
      %get3A_2875 = arith.constant 112 : index
      %get3A_2876 = tpu.vector_load %arg6[%get3A_2873, %get3A_2874, %get3A_2875] {strides = array<i32>} : memref<2x4x128xi32, #tpu.memory_space<vmem>>, vector<16xi32>,
      %shift_right_arithmetic3A_2877 = arith.constant 13 : i32
      %shift_right_arithmetic3A_2878 = vector.broadcast %shift_right_arithmetic3A_2877 : i32 to vector<16xi32>
      %shift_right_arithmetic3A_2879 = arith.shrsi %get3A_2876, %shift_right_arithmetic3A_2878 : vector<16xi32>
      %and3A_2880 = arith.constant 3 : i32
      %and3A_2881 = vector.broadcast %and3A_2880 : i32 to vector<16xi32>
      %and3A_2882 = arith.andi %shift_right_arithmetic3A_2879, %and3A_2881 : vector<16xi32>
      %mul3A_2883 = arith.constant 32 : i32
      %mul3A_2884 = vector.broadcast %mul3A_2883 : i32 to vector<16xi32>
      %mul3A_2885 = arith.muli %and3A_2882, %mul3A_2884 : vector<16xi32>
      %add3A_2886 = arith.constant 0 : i32
      %add3A_2887 = vector.broadcast %add3A_2886 : i32 to vector<16xi32>
      %add3A_2888 = arith.addi %mul3A_2871, %add3A_2887 : vector<16xi32>
      %gather3A_2889 = tpu.vector_load_idx %arg9[%add3A_2857, %add3A_2888] : memref<128x128xf32, #tpu.memory_space<vmem>>[vector<16xi32>, vector<16xi32>], vector<16xf32>,
      %add3A_2890 = arith.constant 0 : i32
      %add3A_2891 = vector.broadcast %add3A_2890 : i32 to vector<16xi32>
      %add3A_2892 = arith.addi %mul3A_2885, %add3A_2891 : vector<16xi32>
      %gather3A_2893 = tpu.vector_load_idx %arg10[%add3A_2857, %add3A_2892] : memref<128x128xf32, #tpu.memory_space<vmem>>[vector<16xi32>, vector<16xi32>], vector<16xf32>,
      %mul3A_2894 = arith.mulf %gather3A_2889, %gather3A_2893 : vector<16xf32>
      %add3A_2895 = arith.constant 1 : i32
      %add3A_2896 = vector.broadcast %add3A_2895 : i32 to vector<16xi32>
      %add3A_2897 = arith.addi %mul3A_2871, %add3A_2896 : vector<16xi32>
      %gather3A_2898 = tpu.vector_load_idx %arg9[%add3A_2857, %add3A_2897] : memref<128x128xf32, #tpu.memory_space<vmem>>[vector<16xi32>, vector<16xi32>], vector<16xf32>,
      %add3A_2899 = arith.constant 1 : i32
      %add3A_2900 = vector.broadcast %add3A_2899 : i32 to vector<16xi32>
      %add3A_2901 = arith.addi %mul3A_2885, %add3A_2900 : vector<16xi32>
      %gather3A_2902 = tpu.vector_load_idx %arg10[%add3A_2857, %add3A_2901] : memref<128x128xf32, #tpu.memory_space<vmem>>[vector<16xi32>, vector<16xi32>], vector<16xf32>,
      %mul3A_2903 = arith.mulf %gather3A_2898, %gather3A_2902 : vector<16xf32>
      %add3A_2904 = arith.addf %mul3A_2894, %mul3A_2903 : vector<16xf32>
      %add3A_2905 = arith.constant 2 : i32
      %add3A_2906 = vector.broadcast %add3A_2905 : i32 to vector<16xi32>
      %add3A_2907 = arith.addi %mul3A_2871, %add3A_2906 : vector<16xi32>
      %gather3A_2908 = tpu.vector_load_idx %arg9[%add3A_2857, %add3A_2907] : memref<128x128xf32, #tpu.memory_space<vmem>>[vector<16xi32>, vector<16xi32>], vector<16xf32>,
      %add3A_2909 = arith.constant 2 : i32
      %add3A_2910 = vector.broadcast %add3A_2909 : i32 to vector<16xi32>
      %add3A_2911 = arith.addi %mul3A_2885, %add3A_2910 : vector<16xi32>
      %gather3A_2912 = tpu.vector_load_idx %arg10[%add3A_2857, %add3A_2911] : memref<128x128xf32, #tpu.memory_space<vmem>>[vector<16xi32>, vector<16xi32>], vector<16xf32>,
      %mul3A_2913 = arith.mulf %gather3A_2908, %gather3A_2912 : vector<16xf32>
      %add3A_2914 = arith.addf %add3A_2904, %mul3A_2913 : vector<16xf32>
      %add3A_2915 = arith.constant 3 : i32
      %add3A_2916 = vector.broadcast %add3A_2915 : i32 to vector<16xi32>
      %add3A_2917 = arith.addi %mul3A_2871, %add3A_2916 : vector<16xi32>
      %gather3A_2918 = tpu.vector_load_idx %arg9[%add3A_2857, %add3A_2917] : memref<128x128xf32, #tpu.memory_space<vmem>>[vector<16xi32>, vector<16xi32>], vector<16xf32>,
      %add3A_2919 = arith.constant 3 : i32
      %add3A_2920 = vector.broadcast %add3A_2919 : i32 to vector<16xi32>
      %add3A_2921 = arith.addi %mul3A_2885, %add3A_2920 : vector<16xi32>
      %gather3A_2922 = tpu.vector_load_idx %arg10[%add3A_2857, %add3A_2921] : memref<128x128xf32, #tpu.memory_space<vmem>>[vector<16xi32>, vector<16xi32>], vector<16xf32>,
      %mul3A_2923 = arith.mulf %gather3A_2918, %gather3A_2922 : vector<16xf32>
      %add3A_2924 = arith.addf %add3A_2914, %mul3A_2923 : vector<16xf32>
      %add3A_2925 = arith.constant 4 : i32
      %add3A_2926 = vector.broadcast %add3A_2925 : i32 to vector<16xi32>
      %add3A_2927 = arith.addi %mul3A_2871, %add3A_2926 : vector<16xi32>
      %gather3A_2928 = tpu.vector_load_idx %arg9[%add3A_2857, %add3A_2927] : memref<128x128xf32, #tpu.memory_space<vmem>>[vector<16xi32>, vector<16xi32>], vector<16xf32>,
      %add3A_2929 = arith.constant 4 : i32
      %add3A_2930 = vector.broadcast %add3A_2929 : i32 to vector<16xi32>
      %add3A_2931 = arith.addi %mul3A_2885, %add3A_2930 : vector<16xi32>
      %gather3A_2932 = tpu.vector_load_idx %arg10[%add3A_2857, %add3A_2931] : memref<128x128xf32, #tpu.memory_space<vmem>>[vector<16xi32>, vector<16xi32>], vector<16xf32>,
      %mul3A_2933 = arith.mulf %gather3A_2928, %gather3A_2932 : vector<16xf32>
      %add3A_2934 = arith.addf %add3A_2924, %mul3A_2933 : vector<16xf32>
      %add3A_2935 = arith.constant 5 : i32
      %add3A_2936 = vector.broadcast %add3A_2935 : i32 to vector<16xi32>
      %add3A_2937 = arith.addi %mul3A_2871, %add3A_2936 : vector<16xi32>
      %gather3A_2938 = tpu.vector_load_idx %arg9[%add3A_2857, %add3A_2937] : memref<128x128xf32, #tpu.memory_space<vmem>>[vector<16xi32>, vector<16xi32>], vector<16xf32>,
      %add3A_2939 = arith.constant 5 : i32
      %add3A_2940 = vector.broadcast %add3A_2939 : i32 to vector<16xi32>
      %add3A_2941 = arith.addi %mul3A_2885, %add3A_2940 : vector<16xi32>
      %gather3A_2942 = tpu.vector_load_idx %arg10[%add3A_2857, %add3A_2941] : memref<128x128xf32, #tpu.memory_space<vmem>>[vector<16xi32>, vector<16xi32>], vector<16xf32>,
      %mul3A_2943 = arith.mulf %gather3A_2938, %gather3A_2942 : vector<16xf32>
      %add3A_2944 = arith.addf %add3A_2934, %mul3A_2943 : vector<16xf32>
      %add3A_2945 = arith.constant 6 : i32
      %add3A_2946 = vector.broadcast %add3A_2945 : i32 to vector<16xi32>
      %add3A_2947 = arith.addi %mul3A_2871, %add3A_2946 : vector<16xi32>
      %gather3A_2948 = tpu.vector_load_idx %arg9[%add3A_2857, %add3A_2947] : memref<128x128xf32, #tpu.memory_space<vmem>>[vector<16xi32>, vector<16xi32>], vector<16xf32>,
      %add3A_2949 = arith.constant 6 : i32
      %add3A_2950 = vector.broadcast %add3A_2949 : i32 to vector<16xi32>
      %add3A_2951 = arith.addi %mul3A_2885, %add3A_2950 : vector<16xi32>
      %gather3A_2952 = tpu.vector_load_idx %arg10[%add3A_2857, %add3A_2951] : memref<128x128xf32, #tpu.memory_space<vmem>>[vector<16xi32>, vector<16xi32>], vector<16xf32>,
      %mul3A_2953 = arith.mulf %gather3A_2948, %gather3A_2952 : vector<16xf32>
      %add3A_2954 = arith.addf %add3A_2944, %mul3A_2953 : vector<16xf32>
      %add3A_2955 = arith.constant 7 : i32
      %add3A_2956 = vector.broadcast %add3A_2955 : i32 to vector<16xi32>
      %add3A_2957 = arith.addi %mul3A_2871, %add3A_2956 : vector<16xi32>
      %gather3A_2958 = tpu.vector_load_idx %arg9[%add3A_2857, %add3A_2957] : memref<128x128xf32, #tpu.memory_space<vmem>>[vector<16xi32>, vector<16xi32>], vector<16xf32>,
      %add3A_2959 = arith.constant 7 : i32
      %add3A_2960 = vector.broadcast %add3A_2959 : i32 to vector<16xi32>
      %add3A_2961 = arith.addi %mul3A_2885, %add3A_2960 : vector<16xi32>
      %gather3A_2962 = tpu.vector_load_idx %arg10[%add3A_2857, %add3A_2961] : memref<128x128xf32, #tpu.memory_space<vmem>>[vector<16xi32>, vector<16xi32>], vector<16xf32>,
      %mul3A_2963 = arith.mulf %gather3A_2958, %gather3A_2962 : vector<16xf32>
      %add3A_2964 = arith.addf %add3A_2954, %mul3A_2963 : vector<16xf32>
      %add3A_2965 = arith.constant 8 : i32
      %add3A_2966 = vector.broadcast %add3A_2965 : i32 to vector<16xi32>
      %add3A_2967 = arith.addi %mul3A_2871, %add3A_2966 : vector<16xi32>
      %gather3A_2968 = tpu.vector_load_idx %arg9[%add3A_2857, %add3A_2967] : memref<128x128xf32, #tpu.memory_space<vmem>>[vector<16xi32>, vector<16xi32>], vector<16xf32>,
      %add3A_2969 = arith.constant 8 : i32
      %add3A_2970 = vector.broadcast %add3A_2969 : i32 to vector<16xi32>
      %add3A_2971 = arith.addi %mul3A_2885, %add3A_2970 : vector<16xi32>
      %gather3A_2972 = tpu.vector_load_idx %arg10[%add3A_2857, %add3A_2971] : memref<128x128xf32, #tpu.memory_space<vmem>>[vector<16xi32>, vector<16xi32>], vector<16xf32>,
      %mul3A_2973 = arith.mulf %gather3A_2968, %gather3A_2972 : vector<16xf32>
      %add3A_2974 = arith.addf %add3A_2964, %mul3A_2973 : vector<16xf32>
      %add3A_2975 = arith.constant 9 : i32
      %add3A_2976 = vector.broadcast %add3A_2975 : i32 to vector<16xi32>
      %add3A_2977 = arith.addi %mul3A_2871, %add3A_2976 : vector<16xi32>
      %gather3A_2978 = tpu.vector_load_idx %arg9[%add3A_2857, %add3A_2977] : memref<128x128xf32, #tpu.memory_space<vmem>>[vector<16xi32>, vector<16xi32>], vector<16xf32>,
      %add3A_2979 = arith.constant 9 : i32
      %add3A_2980 = vector.broadcast %add3A_2979 : i32 to vector<16xi32>
      %add3A_2981 = arith.addi %mul3A_2885, %add3A_2980 : vector<16xi32>
      %gather3A_2982 = tpu.vector_load_idx %arg10[%add3A_2857, %add3A_2981] : memref<128x128xf32, #tpu.memory_space<vmem>>[vector<16xi32>, vector<16xi32>], vector<16xf32>,
      %mul3A_2983 = arith.mulf %gather3A_2978, %gather3A_2982 : vector<16xf32>
      %add3A_2984 = arith.addf %add3A_2974, %mul3A_2983 : vector<16xf32>
      %add3A_2985 = arith.constant 10 : i32
      %add3A_2986 = vector.broadcast %add3A_2985 : i32 to vector<16xi32>
      %add3A_2987 = arith.addi %mul3A_2871, %add3A_2986 : vector<16xi32>
      %gather3A_2988 = tpu.vector_load_idx %arg9[%add3A_2857, %add3A_2987] : memref<128x128xf32, #tpu.memory_space<vmem>>[vector<16xi32>, vector<16xi32>], vector<16xf32>,
      %add3A_2989 = arith.constant 10 : i32
      %add3A_2990 = vector.broadcast %add3A_2989 : i32 to vector<16xi32>
      %add3A_2991 = arith.addi %mul3A_2885, %add3A_2990 : vector<16xi32>
      %gather3A_2992 = tpu.vector_load_idx %arg10[%add3A_2857, %add3A_2991] : memref<128x128xf32, #tpu.memory_space<vmem>>[vector<16xi32>, vector<16xi32>], vector<16xf32>,
      %mul3A_2993 = arith.mulf %gather3A_2988, %gather3A_2992 : vector<16xf32>
      %add3A_2994 = arith.addf %add3A_2984, %mul3A_2993 : vector<16xf32>
      %add3A_2995 = arith.constant 11 : i32
      %add3A_2996 = vector.broadcast %add3A_2995 : i32 to vector<16xi32>
      %add3A_2997 = arith.addi %mul3A_2871, %add3A_2996 : vector<16xi32>
      %gather3A_2998 = tpu.vector_load_idx %arg9[%add3A_2857, %add3A_2997] : memref<128x128xf32, #tpu.memory_space<vmem>>[vector<16xi32>, vector<16xi32>], vector<16xf32>,
      %add3A_2999 = arith.constant 11 : i32
      %add3A_3000 = vector.broadcast %add3A_2999 : i32 to vector<16xi32>
      %add3A_3001 = arith.addi %mul3A_2885, %add3A_3000 : vector<16xi32>
      %gather3A_3002 = tpu.vector_load_idx %arg10[%add3A_2857, %add3A_3001] : memref<128x128xf32, #tpu.memory_space<vmem>>[vector<16xi32>, vector<16xi32>], vector<16xf32>,
      %mul3A_3003 = arith.mulf %gather3A_2998, %gather3A_3002 : vector<16xf32>
      %add3A_3004 = arith.addf %add3A_2994, %mul3A_3003 : vector<16xf32>
      %add3A_3005 = arith.constant 12 : i32
      %add3A_3006 = vector.broadcast %add3A_3005 : i32 to vector<16xi32>
      %add3A_3007 = arith.addi %mul3A_2871, %add3A_3006 : vector<16xi32>
      %gather3A_3008 = tpu.vector_load_idx %arg9[%add3A_2857, %add3A_3007] : memref<128x128xf32, #tpu.memory_space<vmem>>[vector<16xi32>, vector<16xi32>], vector<16xf32>,
      %add3A_3009 = arith.constant 12 : i32
      %add3A_3010 = vector.broadcast %add3A_3009 : i32 to vector<16xi32>
      %add3A_3011 = arith.addi %mul3A_2885, %add3A_3010 : vector<16xi32>
      %gather3A_3012 = tpu.vector_load_idx %arg10[%add3A_2857, %add3A_3011] : memref<128x128xf32, #tpu.memory_space<vmem>>[vector<16xi32>, vector<16xi32>], vector<16xf32>,
      %mul3A_3013 = arith.mulf %gather3A_3008, %gather3A_3012 : vector<16xf32>
      %add3A_3014 = arith.addf %add3A_3004, %mul3A_3013 : vector<16xf32>
      %add3A_3015 = arith.constant 13 : i32
      %add3A_3016 = vector.broadcast %add3A_3015 : i32 to vector<16xi32>
      %add3A_3017 = arith.addi %mul3A_2871, %add3A_3016 : vector<16xi32>
      %gather3A_3018 = tpu.vector_load_idx %arg9[%add3A_2857, %add3A_3017] : memref<128x128xf32, #tpu.memory_space<vmem>>[vector<16xi32>, vector<16xi32>], vector<16xf32>,
      %add3A_3019 = arith.constant 13 : i32
      %add3A_3020 = vector.broadcast %add3A_3019 : i32 to vector<16xi32>
      %add3A_3021 = arith.addi %mul3A_2885, %add3A_3020 : vector<16xi32>
      %gather3A_3022 = tpu.vector_load_idx %arg10[%add3A_2857, %add3A_3021] : memref<128x128xf32, #tpu.memory_space<vmem>>[vector<16xi32>, vector<16xi32>], vector<16xf32>,
      %mul3A_3023 = arith.mulf %gather3A_3018, %gather3A_3022 : vector<16xf32>
      %add3A_3024 = arith.addf %add3A_3014, %mul3A_3023 : vector<16xf32>
      %add3A_3025 = arith.constant 14 : i32
      %add3A_3026 = vector.broadcast %add3A_3025 : i32 to vector<16xi32>
      %add3A_3027 = arith.addi %mul3A_2871, %add3A_3026 : vector<16xi32>
      %gather3A_3028 = tpu.vector_load_idx %arg9[%add3A_2857, %add3A_3027] : memref<128x128xf32, #tpu.memory_space<vmem>>[vector<16xi32>, vector<16xi32>], vector<16xf32>,
      %add3A_3029 = arith.constant 14 : i32
      %add3A_3030 = vector.broadcast %add3A_3029 : i32 to vector<16xi32>
      %add3A_3031 = arith.addi %mul3A_2885, %add3A_3030 : vector<16xi32>
      %gather3A_3032 = tpu.vector_load_idx %arg10[%add3A_2857, %add3A_3031] : memref<128x128xf32, #tpu.memory_space<vmem>>[vector<16xi32>, vector<16xi32>], vector<16xf32>,
      %mul3A_3033 = arith.mulf %gather3A_3028, %gather3A_3032 : vector<16xf32>
      %add3A_3034 = arith.addf %add3A_3024, %mul3A_3033 : vector<16xf32>
      %add3A_3035 = arith.constant 15 : i32
      %add3A_3036 = vector.broadcast %add3A_3035 : i32 to vector<16xi32>
      %add3A_3037 = arith.addi %mul3A_2871, %add3A_3036 : vector<16xi32>
      %gather3A_3038 = tpu.vector_load_idx %arg9[%add3A_2857, %add3A_3037] : memref<128x128xf32, #tpu.memory_space<vmem>>[vector<16xi32>, vector<16xi32>], vector<16xf32>,
      %add3A_3039 = arith.constant 15 : i32
      %add3A_3040 = vector.broadcast %add3A_3039 : i32 to vector<16xi32>
      %add3A_3041 = arith.addi %mul3A_2885, %add3A_3040 : vector<16xi32>
      %gather3A_3042 = tpu.vector_load_idx %arg10[%add3A_2857, %add3A_3041] : memref<128x128xf32, #tpu.memory_space<vmem>>[vector<16xi32>, vector<16xi32>], vector<16xf32>,
      %mul3A_3043 = arith.mulf %gather3A_3038, %gather3A_3042 : vector<16xf32>
      %add3A_3044 = arith.addf %add3A_3034, %mul3A_3043 : vector<16xf32>
      %add3A_3045 = arith.constant 16 : i32
      %add3A_3046 = vector.broadcast %add3A_3045 : i32 to vector<16xi32>
      %add3A_3047 = arith.addi %mul3A_2871, %add3A_3046 : vector<16xi32>
      %gather3A_3048 = tpu.vector_load_idx %arg9[%add3A_2857, %add3A_3047] : memref<128x128xf32, #tpu.memory_space<vmem>>[vector<16xi32>, vector<16xi32>], vector<16xf32>,
      %add3A_3049 = arith.constant 16 : i32
      %add3A_3050 = vector.broadcast %add3A_3049 : i32 to vector<16xi32>
      %add3A_3051 = arith.addi %mul3A_2885, %add3A_3050 : vector<16xi32>
      %gather3A_3052 = tpu.vector_load_idx %arg10[%add3A_2857, %add3A_3051] : memref<128x128xf32, #tpu.memory_space<vmem>>[vector<16xi32>, vector<16xi32>], vector<16xf32>,
      %mul3A_3053 = arith.mulf %gather3A_3048, %gather3A_3052 : vector<16xf32>
      %add3A_3054 = arith.addf %add3A_3044, %mul3A_3053 : vector<16xf32>
      %add3A_3055 = arith.constant 17 : i32
      %add3A_3056 = vector.broadcast %add3A_3055 : i32 to vector<16xi32>
      %add3A_3057 = arith.addi %mul3A_2871, %add3A_3056 : vector<16xi32>
      %gather3A_3058 = tpu.vector_load_idx %arg9[%add3A_2857, %add3A_3057] : memref<128x128xf32, #tpu.memory_space<vmem>>[vector<16xi32>, vector<16xi32>], vector<16xf32>,
      %add3A_3059 = arith.constant 17 : i32
      %add3A_3060 = vector.broadcast %add3A_3059 : i32 to vector<16xi32>
      %add3A_3061 = arith.addi %mul3A_2885, %add3A_3060 : vector<16xi32>
      %gather3A_3062 = tpu.vector_load_idx %arg10[%add3A_2857, %add3A_3061] : memref<128x128xf32, #tpu.memory_space<vmem>>[vector<16xi32>, vector<16xi32>], vector<16xf32>,
      %mul3A_3063 = arith.mulf %gather3A_3058, %gather3A_3062 : vector<16xf32>
      %add3A_3064 = arith.addf %add3A_3054, %mul3A_3063 : vector<16xf32>
      %add3A_3065 = arith.constant 18 : i32
      %add3A_3066 = vector.broadcast %add3A_3065 : i32 to vector<16xi32>
      %add3A_3067 = arith.addi %mul3A_2871, %add3A_3066 : vector<16xi32>
      %gather3A_3068 = tpu.vector_load_idx %arg9[%add3A_2857, %add3A_3067] : memref<128x128xf32, #tpu.memory_space<vmem>>[vector<16xi32>, vector<16xi32>], vector<16xf32>,
      %add3A_3069 = arith.constant 18 : i32
      %add3A_3070 = vector.broadcast %add3A_3069 : i32 to vector<16xi32>
      %add3A_3071 = arith.addi %mul3A_2885, %add3A_3070 : vector<16xi32>
      %gather3A_3072 = tpu.vector_load_idx %arg10[%add3A_2857, %add3A_3071] : memref<128x128xf32, #tpu.memory_space<vmem>>[vector<16xi32>, vector<16xi32>], vector<16xf32>,
      %mul3A_3073 = arith.mulf %gather3A_3068, %gather3A_3072 : vector<16xf32>
      %add3A_3074 = arith.addf %add3A_3064, %mul3A_3073 : vector<16xf32>
      %add3A_3075 = arith.constant 19 : i32
      %add3A_3076 = vector.broadcast %add3A_3075 : i32 to vector<16xi32>
      %add3A_3077 = arith.addi %mul3A_2871, %add3A_3076 : vector<16xi32>
      %gather3A_3078 = tpu.vector_load_idx %arg9[%add3A_2857, %add3A_3077] : memref<128x128xf32, #tpu.memory_space<vmem>>[vector<16xi32>, vector<16xi32>], vector<16xf32>,
      %add3A_3079 = arith.constant 19 : i32
      %add3A_3080 = vector.broadcast %add3A_3079 : i32 to vector<16xi32>
      %add3A_3081 = arith.addi %mul3A_2885, %add3A_3080 : vector<16xi32>
      %gather3A_3082 = tpu.vector_load_idx %arg10[%add3A_2857, %add3A_3081] : memref<128x128xf32, #tpu.memory_space<vmem>>[vector<16xi32>, vector<16xi32>], vector<16xf32>,
      %mul3A_3083 = arith.mulf %gather3A_3078, %gather3A_3082 : vector<16xf32>
      %add3A_3084 = arith.addf %add3A_3074, %mul3A_3083 : vector<16xf32>
      %add3A_3085 = arith.constant 20 : i32
      %add3A_3086 = vector.broadcast %add3A_3085 : i32 to vector<16xi32>
      %add3A_3087 = arith.addi %mul3A_2871, %add3A_3086 : vector<16xi32>
      %gather3A_3088 = tpu.vector_load_idx %arg9[%add3A_2857, %add3A_3087] : memref<128x128xf32, #tpu.memory_space<vmem>>[vector<16xi32>, vector<16xi32>], vector<16xf32>,
      %add3A_3089 = arith.constant 20 : i32
      %add3A_3090 = vector.broadcast %add3A_3089 : i32 to vector<16xi32>
      %add3A_3091 = arith.addi %mul3A_2885, %add3A_3090 : vector<16xi32>
      %gather3A_3092 = tpu.vector_load_idx %arg10[%add3A_2857, %add3A_3091] : memref<128x128xf32, #tpu.memory_space<vmem>>[vector<16xi32>, vector<16xi32>], vector<16xf32>,
      %mul3A_3093 = arith.mulf %gather3A_3088, %gather3A_3092 : vector<16xf32>
      %add3A_3094 = arith.addf %add3A_3084, %mul3A_3093 : vector<16xf32>
      %add3A_3095 = arith.constant 21 : i32
      %add3A_3096 = vector.broadcast %add3A_3095 : i32 to vector<16xi32>
      %add3A_3097 = arith.addi %mul3A_2871, %add3A_3096 : vector<16xi32>
      %gather3A_3098 = tpu.vector_load_idx %arg9[%add3A_2857, %add3A_3097] : memref<128x128xf32, #tpu.memory_space<vmem>>[vector<16xi32>, vector<16xi32>], vector<16xf32>,
      %add3A_3099 = arith.constant 21 : i32
      %add3A_3100 = vector.broadcast %add3A_3099 : i32 to vector<16xi32>
      %add3A_3101 = arith.addi %mul3A_2885, %add3A_3100 : vector<16xi32>
      %gather3A_3102 = tpu.vector_load_idx %arg10[%add3A_2857, %add3A_3101] : memref<128x128xf32, #tpu.memory_space<vmem>>[vector<16xi32>, vector<16xi32>], vector<16xf32>,
      %mul3A_3103 = arith.mulf %gather3A_3098, %gather3A_3102 : vector<16xf32>
      %add3A_3104 = arith.addf %add3A_3094, %mul3A_3103 : vector<16xf32>
      %add3A_3105 = arith.constant 22 : i32
      %add3A_3106 = vector.broadcast %add3A_3105 : i32 to vector<16xi32>
      %add3A_3107 = arith.addi %mul3A_2871, %add3A_3106 : vector<16xi32>
      %gather3A_3108 = tpu.vector_load_idx %arg9[%add3A_2857, %add3A_3107] : memref<128x128xf32, #tpu.memory_space<vmem>>[vector<16xi32>, vector<16xi32>], vector<16xf32>,
      %add3A_3109 = arith.constant 22 : i32
      %add3A_3110 = vector.broadcast %add3A_3109 : i32 to vector<16xi32>
      %add3A_3111 = arith.addi %mul3A_2885, %add3A_3110 : vector<16xi32>
      %gather3A_3112 = tpu.vector_load_idx %arg10[%add3A_2857, %add3A_3111] : memref<128x128xf32, #tpu.memory_space<vmem>>[vector<16xi32>, vector<16xi32>], vector<16xf32>,
      %mul3A_3113 = arith.mulf %gather3A_3108, %gather3A_3112 : vector<16xf32>
      %add3A_3114 = arith.addf %add3A_3104, %mul3A_3113 : vector<16xf32>
      %add3A_3115 = arith.constant 23 : i32
      %add3A_3116 = vector.broadcast %add3A_3115 : i32 to vector<16xi32>
      %add3A_3117 = arith.addi %mul3A_2871, %add3A_3116 : vector<16xi32>
      %gather3A_3118 = tpu.vector_load_idx %arg9[%add3A_2857, %add3A_3117] : memref<128x128xf32, #tpu.memory_space<vmem>>[vector<16xi32>, vector<16xi32>], vector<16xf32>,
      %add3A_3119 = arith.constant 23 : i32
      %add3A_3120 = vector.broadcast %add3A_3119 : i32 to vector<16xi32>
      %add3A_3121 = arith.addi %mul3A_2885, %add3A_3120 : vector<16xi32>
      %gather3A_3122 = tpu.vector_load_idx %arg10[%add3A_2857, %add3A_3121] : memref<128x128xf32, #tpu.memory_space<vmem>>[vector<16xi32>, vector<16xi32>], vector<16xf32>,
      %mul3A_3123 = arith.mulf %gather3A_3118, %gather3A_3122 : vector<16xf32>
      %add3A_3124 = arith.addf %add3A_3114, %mul3A_3123 : vector<16xf32>
      %add3A_3125 = arith.constant 24 : i32
      %add3A_3126 = vector.broadcast %add3A_3125 : i32 to vector<16xi32>
      %add3A_3127 = arith.addi %mul3A_2871, %add3A_3126 : vector<16xi32>
      %gather3A_3128 = tpu.vector_load_idx %arg9[%add3A_2857, %add3A_3127] : memref<128x128xf32, #tpu.memory_space<vmem>>[vector<16xi32>, vector<16xi32>], vector<16xf32>,
      %add3A_3129 = arith.constant 24 : i32
      %add3A_3130 = vector.broadcast %add3A_3129 : i32 to vector<16xi32>
      %add3A_3131 = arith.addi %mul3A_2885, %add3A_3130 : vector<16xi32>
      %gather3A_3132 = tpu.vector_load_idx %arg10[%add3A_2857, %add3A_3131] : memref<128x128xf32, #tpu.memory_space<vmem>>[vector<16xi32>, vector<16xi32>], vector<16xf32>,
      %mul3A_3133 = arith.mulf %gather3A_3128, %gather3A_3132 : vector<16xf32>
      %add3A_3134 = arith.addf %add3A_3124, %mul3A_3133 : vector<16xf32>
      %add3A_3135 = arith.constant 25 : i32
      %add3A_3136 = vector.broadcast %add3A_3135 : i32 to vector<16xi32>
      %add3A_3137 = arith.addi %mul3A_2871, %add3A_3136 : vector<16xi32>
      %gather3A_3138 = tpu.vector_load_idx %arg9[%add3A_2857, %add3A_3137] : memref<128x128xf32, #tpu.memory_space<vmem>>[vector<16xi32>, vector<16xi32>], vector<16xf32>,
      %add3A_3139 = arith.constant 25 : i32
      %add3A_3140 = vector.broadcast %add3A_3139 : i32 to vector<16xi32>
      %add3A_3141 = arith.addi %mul3A_2885, %add3A_3140 : vector<16xi32>
      %gather3A_3142 = tpu.vector_load_idx %arg10[%add3A_2857, %add3A_3141] : memref<128x128xf32, #tpu.memory_space<vmem>>[vector<16xi32>, vector<16xi32>], vector<16xf32>,
      %mul3A_3143 = arith.mulf %gather3A_3138, %gather3A_3142 : vector<16xf32>
      %add3A_3144 = arith.addf %add3A_3134, %mul3A_3143 : vector<16xf32>
      %add3A_3145 = arith.constant 26 : i32
      %add3A_3146 = vector.broadcast %add3A_3145 : i32 to vector<16xi32>
      %add3A_3147 = arith.addi %mul3A_2871, %add3A_3146 : vector<16xi32>
      %gather3A_3148 = tpu.vector_load_idx %arg9[%add3A_2857, %add3A_3147] : memref<128x128xf32, #tpu.memory_space<vmem>>[vector<16xi32>, vector<16xi32>], vector<16xf32>,
      %add3A_3149 = arith.constant 26 : i32
      %add3A_3150 = vector.broadcast %add3A_3149 : i32 to vector<16xi32>
      %add3A_3151 = arith.addi %mul3A_2885, %add3A_3150 : vector<16xi32>
      %gather3A_3152 = tpu.vector_load_idx %arg10[%add3A_2857, %add3A_3151] : memref<128x128xf32, #tpu.memory_space<vmem>>[vector<16xi32>, vector<16xi32>], vector<16xf32>,
      %mul3A_3153 = arith.mulf %gather3A_3148, %gather3A_3152 : vector<16xf32>
      %add3A_3154 = arith.addf %add3A_3144, %mul3A_3153 : vector<16xf32>
      %add3A_3155 = arith.constant 27 : i32
      %add3A_3156 = vector.broadcast %add3A_3155 : i32 to vector<16xi32>
      %add3A_3157 = arith.addi %mul3A_2871, %add3A_3156 : vector<16xi32>
      %gather3A_3158 = tpu.vector_load_idx %arg9[%add3A_2857, %add3A_3157] : memref<128x128xf32, #tpu.memory_space<vmem>>[vector<16xi32>, vector<16xi32>], vector<16xf32>,
      %add3A_3159 = arith.constant 27 : i32
      %add3A_3160 = vector.broadcast %add3A_3159 : i32 to vector<16xi32>
      %add3A_3161 = arith.addi %mul3A_2885, %add3A_3160 : vector<16xi32>
      %gather3A_3162 = tpu.vector_load_idx %arg10[%add3A_2857, %add3A_3161] : memref<128x128xf32, #tpu.memory_space<vmem>>[vector<16xi32>, vector<16xi32>], vector<16xf32>,
      %mul3A_3163 = arith.mulf %gather3A_3158, %gather3A_3162 : vector<16xf32>
      %add3A_3164 = arith.addf %add3A_3154, %mul3A_3163 : vector<16xf32>
      %add3A_3165 = arith.constant 28 : i32
      %add3A_3166 = vector.broadcast %add3A_3165 : i32 to vector<16xi32>
      %add3A_3167 = arith.addi %mul3A_2871, %add3A_3166 : vector<16xi32>
      %gather3A_3168 = tpu.vector_load_idx %arg9[%add3A_2857, %add3A_3167] : memref<128x128xf32, #tpu.memory_space<vmem>>[vector<16xi32>, vector<16xi32>], vector<16xf32>,
      %add3A_3169 = arith.constant 28 : i32
      %add3A_3170 = vector.broadcast %add3A_3169 : i32 to vector<16xi32>
      %add3A_3171 = arith.addi %mul3A_2885, %add3A_3170 : vector<16xi32>
      %gather3A_3172 = tpu.vector_load_idx %arg10[%add3A_2857, %add3A_3171] : memref<128x128xf32, #tpu.memory_space<vmem>>[vector<16xi32>, vector<16xi32>], vector<16xf32>,
      %mul3A_3173 = arith.mulf %gather3A_3168, %gather3A_3172 : vector<16xf32>
      %add3A_3174 = arith.addf %add3A_3164, %mul3A_3173 : vector<16xf32>
      %add3A_3175 = arith.constant 29 : i32
      %add3A_3176 = vector.broadcast %add3A_3175 : i32 to vector<16xi32>
      %add3A_3177 = arith.addi %mul3A_2871, %add3A_3176 : vector<16xi32>
      %gather3A_3178 = tpu.vector_load_idx %arg9[%add3A_2857, %add3A_3177] : memref<128x128xf32, #tpu.memory_space<vmem>>[vector<16xi32>, vector<16xi32>], vector<16xf32>,
      %add3A_3179 = arith.constant 29 : i32
      %add3A_3180 = vector.broadcast %add3A_3179 : i32 to vector<16xi32>
      %add3A_3181 = arith.addi %mul3A_2885, %add3A_3180 : vector<16xi32>
      %gather3A_3182 = tpu.vector_load_idx %arg10[%add3A_2857, %add3A_3181] : memref<128x128xf32, #tpu.memory_space<vmem>>[vector<16xi32>, vector<16xi32>], vector<16xf32>,
      %mul3A_3183 = arith.mulf %gather3A_3178, %gather3A_3182 : vector<16xf32>
      %add3A_3184 = arith.addf %add3A_3174, %mul3A_3183 : vector<16xf32>
      %add3A_3185 = arith.constant 30 : i32
      %add3A_3186 = vector.broadcast %add3A_3185 : i32 to vector<16xi32>
      %add3A_3187 = arith.addi %mul3A_2871, %add3A_3186 : vector<16xi32>
      %gather3A_3188 = tpu.vector_load_idx %arg9[%add3A_2857, %add3A_3187] : memref<128x128xf32, #tpu.memory_space<vmem>>[vector<16xi32>, vector<16xi32>], vector<16xf32>,
      %add3A_3189 = arith.constant 30 : i32
      %add3A_3190 = vector.broadcast %add3A_3189 : i32 to vector<16xi32>
      %add3A_3191 = arith.addi %mul3A_2885, %add3A_3190 : vector<16xi32>
      %gather3A_3192 = tpu.vector_load_idx %arg10[%add3A_2857, %add3A_3191] : memref<128x128xf32, #tpu.memory_space<vmem>>[vector<16xi32>, vector<16xi32>], vector<16xf32>,
      %mul3A_3193 = arith.mulf %gather3A_3188, %gather3A_3192 : vector<16xf32>
      %add3A_3194 = arith.addf %add3A_3184, %mul3A_3193 : vector<16xf32>
      %add3A_3195 = arith.constant 31 : i32
      %add3A_3196 = vector.broadcast %add3A_3195 : i32 to vector<16xi32>
      %add3A_3197 = arith.addi %mul3A_2871, %add3A_3196 : vector<16xi32>
      %gather3A_3198 = tpu.vector_load_idx %arg9[%add3A_2857, %add3A_3197] : memref<128x128xf32, #tpu.memory_space<vmem>>[vector<16xi32>, vector<16xi32>], vector<16xf32>,
      %add3A_3199 = arith.constant 31 : i32
      %add3A_3200 = vector.broadcast %add3A_3199 : i32 to vector<16xi32>
      %add3A_3201 = arith.addi %mul3A_2885, %add3A_3200 : vector<16xi32>
      %gather3A_3202 = tpu.vector_load_idx %arg10[%add3A_2857, %add3A_3201] : memref<128x128xf32, #tpu.memory_space<vmem>>[vector<16xi32>, vector<16xi32>], vector<16xf32>,
      %mul3A_3203 = arith.mulf %gather3A_3198, %gather3A_3202 : vector<16xf32>
      %add3A_3204 = arith.addf %add3A_3194, %mul3A_3203 : vector<16xf32>
      %mul3A_3205 = arith.constant 128 : i32
      %mul3A_3206 = arith.muli %scan3A_39, %mul3A_3205 : i32
      %add3A_3207 = arith.constant 112 : i32
      %add3A_3208 = arith.addi %mul3A_3206, %add3A_3207 : i32
      %swap3A_3209 = arith.index_cast %add3A_3208 : i32 to index
      %swap3A_3210 = tpu.vector_load %arg11[%swap3A_3209] {strides = array<i32>} : memref<512xf32, #tpu.memory_space<vmem>>, vector<16xf32>,
      tpu.vector_store %arg11[%swap3A_3209], %add3A_3204 {strides = array<i32>} : memref<512xf32, #tpu.memory_space<vmem>>, vector<16xf32>,
    }
    %scan3A_38 = arith.constant 4 : i32
    "tpu.region"() ({
      %run_scoped3A_39 = tpu.sem_alloc : memref<!tpu.dma_semaphore, #tpu.memory_space<semaphore_mem>>
      %dma_start3A = tpu.memref_slice %arg5[%mul3A_2] : memref<16384xf32, #tpu.memory_space<hbm>> -> memref<512xf32, #tpu.memory_space<hbm>>
      %dma_start3A_40 = tpu.memref_slice %arg5[%mul3A_2] : memref<16384xf32, #tpu.memory_space<hbm>> -> memref<512xf32, #tpu.memory_space<hbm>>
      tpu.enqueue_dma source(%arg11 : memref<512xf32, #tpu.memory_space<vmem>>) target(%dma_start3A_40 : memref<512xf32, #tpu.memory_space<hbm>>) target_semaphore(%run_scoped3A_39 : memref<!tpu.dma_semaphore, #tpu.memory_space<semaphore_mem>>)
      %dma_wait3A = tpu.memref_slice %arg5[%mul3A_2] : memref<16384xf32, #tpu.memory_space<hbm>> -> memref<512xf32, #tpu.memory_space<hbm>>
      %dma_wait3A_41 = tpu.memref_slice %arg5[%mul3A_2] : memref<16384xf32, #tpu.memory_space<hbm>> -> memref<512xf32, #tpu.memory_space<hbm>>
      tpu.wait_dma2 semaphore(%run_scoped3A_39 : memref<!tpu.dma_semaphore, #tpu.memory_space<semaphore_mem>>) src(%arg11 : memref<512xf32, #tpu.memory_space<vmem>>) dst(%dma_wait3A_41 : memref<512xf32, #tpu.memory_space<hbm>>)
      tpu.yield
    }) : () -> ()
    return
  }
}

module attributes {stable_mosaic.version = 14 : i64} {
  func.func @_repack_body(%arg0: i32, %arg1: memref<32x32768xf32, #tpu.memory_space<vmem>>, %arg2: memref<8192x128xf32, #tpu.memory_space<vmem>>) attributes {dimension_semantics = [#tpu.dimension_semantics<arbitrary>], iteration_bounds = array<i64: 31>, scalar_prefetch = 0 : i64, scratch_operands = 0 : i64, tpu.core_type = #tpu.core_type<tc>, window_params = [{transform_indices = @transform_0, window_bounds = array<i64: 32, 32768>}, {transform_indices = @transform_1, window_bounds = array<i64: 8192, 128>}]} {
    %get3A = arith.constant 0 : index
    %get3A_0 = arith.constant 0 : index
    %get3A_1 = vector.load %arg1[%get3A, %get3A_0] : memref<32x32768xf32, #tpu.memory_space<vmem>>, vector<32x32768xf32>
    %transpose3A = tpu.transpose %get3A_1, [1, 0] : vector<32x32768xf32> -> vector<32768x32xf32>
    %slice3A = vector.extract_strided_slice %transpose3A {offsets = [0, 0], sizes = [8192, 32], strides = [1, 1]} : vector<32768x32xf32> to vector<8192x32xf32>
    %slice3A_2 = vector.extract_strided_slice %transpose3A {offsets = [8192, 0], sizes = [8192, 32], strides = [1, 1]} : vector<32768x32xf32> to vector<8192x32xf32>
    %slice3A_3 = vector.extract_strided_slice %transpose3A {offsets = [16384, 0], sizes = [8192, 32], strides = [1, 1]} : vector<32768x32xf32> to vector<8192x32xf32>
    %slice3A_4 = vector.extract_strided_slice %transpose3A {offsets = [24576, 0], sizes = [8192, 32], strides = [1, 1]} : vector<32768x32xf32> to vector<8192x32xf32>
    %concatenate3A = tpu.concatenate %slice3A, %slice3A_2, %slice3A_3, %slice3A_4 in 1 : vector<8192x32xf32>, vector<8192x32xf32>, vector<8192x32xf32>, vector<8192x32xf32> -> vector<8192x128xf32>
    %swap3A = arith.constant 0 : index
    %swap3A_5 = arith.constant 0 : index
    %swap3A_6 = vector.load %arg2[%swap3A, %swap3A_5] : memref<8192x128xf32, #tpu.memory_space<vmem>>, vector<8192x128xf32>
    tpu.vector_store %arg2[%swap3A, %swap3A_5], %concatenate3A {strides = array<i32>} : memref<8192x128xf32, #tpu.memory_space<vmem>>, vector<8192x128xf32>,
    return
  }
  func.func @transform_0(%arg0: i32) -> (i32, i32) {
    %c0_i32 = arith.constant 0 : i32
    %c0_i32_0 = arith.constant 0 : i32
    return %c0_i32, %arg0 : i32, i32
  }
  func.func @transform_1(%arg0: i32) -> (i32, i32) {
    %c0_i32 = arith.constant 0 : i32
    %c0_i32_0 = arith.constant 0 : i32
    return %arg0, %c0_i32 : i32, i32
  }
}

</mosaic_0001>

<sc_bundles>
// kernel: kernel.4.cloned.1.call-start
scs
__scs_entry_jumppad:
0x0: {  	(pc) =	sbr.rel $0x88, $3  }
0x1: {  	(tag) =	ssettag $0x0;
	lr =	simm.s32 $0x1  }
0x2: {  	[smem:$0x3F9F] =	sst lr;
	_ =	strace $0xD0000000  }
0x3: {  	_ = 	snop  }
0x4: {  	_ = 	snop  }
0x5: {  	_ = 	snop  }
0x6: {  	_ = 	snop  }
0x7: {  	_ = 	snop  }
__scs_overlays_trampoline_lowered:
0x8: {  	[smem:$0x3FAE] =	sst s0  }
0x9: {  	[smem:$0x3FAF] =	sst s1  }
0xa: {  	[smem:$0x3FB0] =	sst s2  }
0xb: {  	[smem:$0x3FB1] =	sst s3  }
0xc: {  	[smem:$0x3FB2] =	sst s4  }
0xd: {  	[smem:$0x3FB3] =	sst s5  }
0xe: {  	[smem:$0x3FB4] =	sst s6  }
0xf: {  	[smem:$0x3FB5] =	sst s7  }
0x10: {  	[smem:$0x3FB6] =	sst s8  }
0x11: {  	[smem:$0x3FB7] =	sst s9;
	s0 =	simm.s32 @!p0 $0x0  }
0x12: {  	s1 =	sld [smem:$0x3F9D];
	s0 =	simm.s32 @p0 $0x1  }
0x13: {  	[smem:$0x3FB8] =	sst s0;
	s0 =	simm.s32 @!p1 $0x0  }
0x14: {  	s2 =	sld [smem:$0x3F9C];
	s0 =	simm.s32 @p1 $0x1  }
0x15: {  	[smem:$0x3FB9] =	sst s0;
	s0 =	simm.s32 @!p2 $0x0  }
0x16: {  	s3 =	sld [smem:$0x3FDB];
	s0 =	simm.s32 @p2 $0x1  }
0x17: {  	s4 =	simm.s32 $0x1BF5;
	[smem:$0x3FBB] =	sst s0  }
0x18: {  	s0 =	sld [smem:$0x3F9E];
	_ =	swait.ge [sflag:s4], $0x0  }
0x19: {  	s7 =	sld [smem:$0x3F9F]  }
0x1a: {  	s8 =	sadd.s32 $0xFFFFE003, lr  }
0x1b: {  	s9 =	sadd.s32 $0xFFFFFEF7, lr;
	s5 =	simm.s32 $0xFFFFFFFF;
	p2 =	slt.u32 s8, $0xFFFFF086  }
0x1c: {  	p1 =	slt.u32 s9, $0xF7A;
	s5 =	simm.s32 @!p2 $0x0  }
0x1d: {  	s5 =	simm.s32 @p1 $0x1;
	p0 =	seq.s32 s7, s2  }
0x1e: {  	s7 =	smul.u32 @!p0 $0xF7A, s2;
	p2 =	seq.s32 @!p0 s5, $0x0  }
0x1f: {  	s9 =	smul.u32 $0xF7A, s1;
	s8 =	simm.s32 @!p0 $0x1BF5;
	p2 =	por !p2, p0  }
0x20: {  	[sflag:s8] =	ssyncset.s32 @!p0 $0xFFFFF086;
	s6 =	sadd.s32 @!p0 s3, s7;
	s7 =	simm.s32 @!p0 $0x108  }
0x21: {  	s3 =	sadd.s32 s3, s9;
	s6 =	sadd.s32 @!p0 $0x88, s6;
	s7 =	simm.s32 @p2 $0x1082  }
0x22: {  	[simem:s7], [sflag:s8] =	dma.local @!p0 [hbm:s6], $0xF7A  }
0x23: {  	s9 =	sor.u32 $0xD0000000, s2;
	s6 =	simm.s32 $0x108;
	_ =	swait.ge @!p0 [sflag:s8], $0x0  }
0x24: {  	s3 =	sadd.s32 $0x88, s3;
	s6 =	simm.s32 @!p1 $0x1082;
	[sflag:s4] =	ssyncset.s32 $0xFFFFF086  }
0x25: {  	[simem:s6], [sflag:s4] =	dma.local [hbm:s3], $0xF7A  }
0x26: {  	[smem:$0x3F9F] =	sst s1;
	(tag) =	ssettag s2;
	_ =	strace s9  }
0x27: {  	s1 =	sld [smem:$0x3FAF]  }
0x28: {  	s2 =	sld [smem:$0x3FB0]  }
0x29: {  	s4 =	sld [smem:$0x3FB2]  }
0x2a: {  	p0 =	seq.s32 s5, $0x0;
	s5 =	sld [smem:$0x3FB3]  }
0x2b: {  	s6 =	sld [smem:$0x3FB4]  }
0x2c: {  	s7 =	sld [smem:$0x3FB5]  }
0x2d: {  	s3 =	simm.s32 $0x108;
	s8 =	sld [smem:$0x3FB6]  }
0x2e: {  	s3 =	simm.s32 @!p0 $0x1082;
	s9 =	sld [smem:$0x3FB7]  }
0x2f: {  	lr =	sadd.s32 s0, s3;
	s0 =	sld [smem:$0x3FAE]  }
0x30: {  	s3 =	sld [smem:$0x3FB1]  }
0x31: {  	[smem:$0x3FBA] =	sst s10  }
0x32: {  	s10 =	sld [smem:$0x3FB8];
	_ =	sdelay $0x3  }
0x33: {  	p0 =	seq.s32 s10, $0x1;
	s10 =	sld [smem:$0x3FBA];
	_ =	sdelay $0x3  }
0x34: {  	[smem:$0x3FBA] =	sst s10  }
0x35: {  	s10 =	sld [smem:$0x3FB9];
	_ =	sdelay $0x3  }
0x36: {  	p1 =	seq.s32 s10, $0x1;
	s10 =	sld [smem:$0x3FBA];
	_ =	sdelay $0x3  }
0x37: {  	[smem:$0x3FBA] =	sst s10  }
0x38: {  	s10 =	sld [smem:$0x3FBB]  }
0x39: {  	_ = 	snop;
	(pc) =	sbr.ind lr, $3  }
0x3a: {  	_ = 	snop  }
0x3b: {  	_ = 	snop  }
0x3c: {  	p2 =	seq.s32 s10, $0x1;
	s10 =	sld [smem:$0x3FBA]  }
0x3d: {  	_ =	shalt  }
0x3e: {  	_ =	shalt  }
0x3f: {  	_ =	shalt  }
0x40: {  	_ =	shalt  }
0x41: {  	_ =	shalt  }
0x42: {  	_ =	shalt  }
0x43: {  	_ =	shalt  }
0x44: {  	_ =	shalt  }
0x45: {  	_ =	shalt  }
0x46: {  	_ =	shalt  }
0x47: {  	_ =	shalt  }
0x48: {  	_ =	shalt  }
0x49: {  	_ =	shalt  }
0x4a: {  	_ =	shalt  }
0x4b: {  	_ =	shalt  }
0x4c: {  	_ =	shalt  }
0x4d: {  	_ =	shalt  }
0x4e: {  	_ =	shalt  }
0x4f: {  	_ =	shalt  }
0x50: {  	_ =	shalt  }
0x51: {  	_ =	shalt  }
0x52: {  	_ =	shalt  }
0x53: {  	_ =	shalt  }
0x54: {  	_ =	shalt  }
0x55: {  	_ =	shalt  }
0x56: {  	_ =	shalt  }
0x57: {  	_ =	shalt  }
0x58: {  	_ =	shalt  }
0x59: {  	_ =	shalt  }
0x5a: {  	_ =	shalt  }
0x5b: {  	_ =	shalt  }
0x5c: {  	_ =	shalt  }
0x5d: {  	_ =	shalt  }
0x5e: {  	_ =	shalt  }
0x5f: {  	_ =	shalt  }
0x60: {  	_ =	shalt  }
0x61: {  	_ =	shalt  }
0x62: {  	_ =	shalt  }
0x63: {  	_ =	shalt  }
0x64: {  	_ =	shalt  }
0x65: {  	_ =	shalt  }
0x66: {  	_ =	shalt  }
0x67: {  	_ =	shalt  }
0x68: {  	_ =	shalt  }
0x69: {  	_ =	shalt  }
0x6a: {  	_ =	shalt  }
0x6b: {  	_ =	shalt  }
0x6c: {  	_ =	shalt  }
0x6d: {  	_ =	shalt  }
0x6e: {  	_ =	shalt  }
0x6f: {  	_ =	shalt  }
0x70: {  	_ =	shalt  }
0x71: {  	_ =	shalt  }
0x72: {  	_ =	shalt  }
0x73: {  	_ =	shalt  }
0x74: {  	_ =	shalt  }
0x75: {  	_ =	shalt  }
0x76: {  	_ =	shalt  }
0x77: {  	_ =	shalt  }
0x78: {  	_ =	shalt  }
0x79: {  	_ =	shalt  }
0x7a: {  	_ =	shalt  }
0x7b: {  	_ =	shalt  }
0x7c: {  	_ =	shalt  }
0x7d: {  	_ =	shalt  }
0x7e: {  	_ =	shalt  }
0x7f: {  	_ =	shalt  }
0x80: {  	_ =	shalt  }
0x81: {  	_ =	shalt  }
0x82: {  	_ =	shalt  }
0x83: {  	_ =	shalt  }
0x84: {  	_ =	shalt  }
0x85: {  	_ =	shalt  }
0x86: {  	_ =	shalt  }
0x87: {  	_ =	shalt  }
.Lfunc_end0:
.L_simem_size_0:
called_computation_lowered:
.L_overlay_start_0:
0x88: {  	s2 =	sld [smem:$0x3FD9]  }
0x89: {  	s3 =	sld [smem:$0x3FFE];
	_ =	sdelay $0x1  }
0x8a: {  	s1 =	srdreg.scid  }
0x8b: {  	s0 =	sand.u32 $0x1, s1  }
0x8c: {  	s17 =	sshll.u32 s0, $0xA;
	s2 =	sadd.s32 s3, s2  }
0x8d: {  	s2 =	sadd.s32 s2, s17  }
0x8e: {  	[smem:$0x3FC6] =	sst s2  }
0x8f: {  	_ = 	snop  }
0x90: {  	s2 =	sld [smem:$0x3FD0];
	(tm) =	ssettm $0x1  }
0x91: {  	s18 =	sld [smem:$0x3FFB];
	_ =	sdelay $0x3  }
0x92: {  	_ =	strace s18  }
0x93: {  	s3 =	sld [smem:$0x3FFC];
	_ =	sdelay $0x3  }
0x94: {  	_ =	strace s3  }
0x95: {  	s3 =	sld [smem:$0x3FFD];
	_ =	sdelay $0x3  }
0x96: {  	_ =	strace s3  }
0x97: {  	_ =	strace $0x8FFFFFFF  }
0x98: {  	s19 =	sld [smem:$0x3FDB];
	_ =	sdelay $0x1  }
0x99: {  	s4 =	simm.s32 $_scs_section_size  }
0x9a: {  	s5 =	simm.s32 $_size__tile_overlayer_lowered;
	s6 =	simm.s32 $_tile_overlayer_lowered  }
0x9b: {  	s22 =	simm.s32 $0x1BFF;
	s21 =	sshll.u32 s6, $0x1;
	s3 =	sadd.s32 s4, s19  }
0x9c: {  	s7 =	simm.s32 $0x0;
	s20 =	sshll.u32 s5, $0x1;
	s5 =	sadd.s32 s21, s3  }
0x9d: {  	[timem:s7], [sflag:s22] =	dma.local [hbm:s5], s20  }
0x9e: {  	_ =	swait.ge [sflag:s22], s20  }
0x9f: {  	s4 =	ssub.s32 $0x0, s20;
	[sflag:s22] =	ssyncset.done $0x0  }
0xa0: {  	[sflag:s22] =	ssyncadd.s32 s4;
	_ =	sdelay $0x1  }
0xa1: {  	s23 =	simm.s32 $0x1B8B  }
0xa2: {  	_ =	swait.ge [sflag:s23], $0x1  }
0xa3: {  	[sflag:s23] =	ssyncset.done $0x0  }
0xa4: {  	s25 =	simm.s32 $0x1B8E;
	s24 =	sld [smem:$0x3FFE];
	[sflag:s23] =	ssyncadd.s32 $0xFFFFFFFF  }
0xa5: {  	s26 =	simm.s32 $execute0_lowered;
	[smem:$0x3FD2] =	sst s25  }
0xa6: {  	s5 =	sshll.u32 s26, $0x1;
	_ =	strace $0x80000046;
	[dreg:$0x1] =	wrdreg $0xFFFFFFFF  }
0xa7: {  	s28 =	simm.s32 $_size_execute0_lowered;
	s3 =	sadd.s32 s3, s5;
	[dreg:$0x0] =	wrdreg $0x0  }
0xa8: {  	s5 =	sshll.u32 s28, $0x1;
	[dreg:$0x2] =	wrdreg s3  }
0xa9: {  	[dreg:$0x3] =	wrdreg s5  }
0xaa: {  	[dreg:$0x4] =	wrdreg $0xC0  }
0xab: {  	_ =	task [dreg:s7], $0x5FFFF  }
0xac: {  	[dreg:$0x1] =	wrdreg $0xFFFFFFFF  }
0xad: {  	[dreg:$0x0] =	wrdreg $0x60  }
0xae: {  	[dreg:$0x2] =	wrdreg s24  }
0xaf: {  	[dreg:$0x3] =	wrdreg s2  }
0xb0: {  	[dreg:$0x4] =	wrdreg $0x9  }
0xb1: {  	_ =	task.clear_ibuf [dreg:s7], $0x5FFFF;
	_ =	strace $0x90000046  }
0xb2: {  	s29 =	simm.s32 $0x9;
	_ =	strace $0x80000048  }
0xb3: {  	_ =	swait.ge [sflag:s29], $0x1  }
0xb4: {  	[sflag:s29] =	ssyncadd.s32 $0xFFFFFFFF  }
0xb5: {  	_ =	strace $0x90000048  }
0xb6: {  	_ =	sfence  }
0xb7: {  	s30 =	sld [smem:$0x0];
	_ =	sdelay $0x2  }
0xb8: {  	s31 =	sshll.u32 s1, $0xD;
	s1 =	sshrl.u32 s1, $0x2  }
0xb9: {  	s3 =	sand.u32 $0x4000, s31;
	s1 =	sadd.s32 s1, s30  }
0xba: {  	s0 =	sor.u32 s3, s0;
	s1 =	sshll.u32 s1, $0x11  }
0xbb: {  	s0 =	sor.u32 s1, s0  }
0xbc: {  	s0 =	sadd.s32 $0x8F2B, s0  }
0xbd: {  	[sflag:s0] =	ssyncadd.remote.s32 $0x1  }
0xbe: {  	_ =	sfence.sel $0xFFFF  }
0xbf: {  	[dreg:$0x0] =	wrdreg $0xFFFFFFFF;
	(pc) =	sbr.abs _section_cstart, $3  }
0xc0: {  	[dreg:$0x1] =	wrdreg $0xFFFFFFFF  }
0xc1: {  	_ =	task.clear_ibuf [dreg:s7], $0x2FFFF;
	_ =	strace $0x9FFFFFFF  }
0xc2: {  	(tm) =	ssettm $0x7FFFFFFF  }
0xc3: {  	_ =	shalt  }
tec
execute0_lowered:
.L_overlay_start_1:
0x0: {  	(tag) =	ssettag $0x1  }
0x1: {  	v0 =	vlaneseq.u32  }
0x2: {  	v0 =	vmul.u32 $0x80, v0;
	_ =	sdelay $0x1  }
0x3: {  	v1 =	vor.u32 $0x7, v0  }
0x4: {  	[tilespmem:$0x1FC70] =	vst v1;
	v1 =	vor.u32 $0x8, v0  }
0x5: {  	[tilespmem:$0x1FC80] =	vst v1;
	v1 =	vor.u32 $0x9, v0  }
0x6: {  	[tilespmem:$0x1FC90] =	vst v1;
	v1 =	vor.u32 $0xA, v0  }
0x7: {  	[tilespmem:$0x1FCA0] =	vst v1;
	v1 =	vor.u32 $0xB, v0  }
0x8: {  	[tilespmem:$0x1FCB0] =	vst v1;
	v1 =	vor.u32 $0xC, v0  }
0x9: {  	[tilespmem:$0x1FCC0] =	vst v1;
	v1 =	vor.u32 $0xD, v0  }
0xa: {  	[tilespmem:$0x1FCD0] =	vst v1;
	v1 =	vor.u32 $0xE, v0  }
0xb: {  	[tilespmem:$0x1FCE0] =	vst v1;
	v1 =	vor.u32 $0xF, v0  }
0xc: {  	[tilespmem:$0x1FCF0] =	vst v1;
	v1 =	vor.u32 $0x10, v0  }
0xd: {  	[tilespmem:$0x1FD00] =	vst v1;
	v1 =	vor.u32 $0x11, v0  }
0xe: {  	[tilespmem:$0x1FD10] =	vst v1;
	v1 =	vor.u32 $0x12, v0  }
0xf: {  	[tilespmem:$0x1FD20] =	vst v1;
	v1 =	vor.u32 $0x13, v0  }
0x10: {  	[tilespmem:$0x1FD30] =	vst v1;
	v1 =	vor.u32 $0x14, v0  }
0x11: {  	[tilespmem:$0x1FD40] =	vst v1;
	v1 =	vor.u32 $0x15, v0  }
0x12: {  	[tilespmem:$0x1FD50] =	vst v1;
	v1 =	vor.u32 $0x16, v0  }
0x13: {  	s4 =	rddreg [dreg:$0x0];
	[tilespmem:$0x1FD60] =	vst v1;
	v1 =	vor.u32 $0x17, v0  }
0x14: {  	s12 =	rddreg [dreg:$0x1];
	s1 =	simm.s32 $0x0;
	[tilespmem:$0x1FD70] =	vst v1;
	v1 =	vor.u32 $0x18, v0  }
0x15: {  	[smem:$0x7FF] =	sst s1;
	[tilespmem:$0x1FD80] =	vst v1;
	v1 =	vor.u32 $0x19, v0  }
0x16: {  	s0 =	rddreg [dreg:$0x2];
	_ =	strace $0x80000047;
	[tilespmem:$0x1FD90] =	vst v1;
	v1 =	vor.u32 $0x1A, v0  }
0x17: {  	[tilespmem:$0x1FDA0] =	vst v1;
	v1 =	vor.u32 $0x1B, v0  }
0x18: {  	[tilespmem:$0x1FDB0] =	vst v1;
	v1 =	vor.u32 $0x1C, v0  }
0x19: {  	[tilespmem:$0x1FDC0] =	vst v1;
	v1 =	vor.u32 $0x1D, v0  }
0x1a: {  	[tilespmem:$0x1FDD0] =	vst v1;
	v1 =	vor.u32 $0x1E, v0  }
0x1b: {  	[tilespmem:$0x1FDE0] =	vst v1;
	v1 =	vor.u32 $0x1F, v0  }
0x1c: {  	[tilespmem:$0x1FDF0] =	vst v1;
	v1 =	vor.u32 $0x800, v0  }
0x1d: {  	[tilespmem:$0x1FE00] =	vst v1;
	v1 =	vor.u32 $0x801, v0  }
0x1e: {  	[tilespmem:$0x1FE10] =	vst v1;
	v1 =	vor.u32 $0x802, v0  }
0x1f: {  	[tilespmem:$0x1FE20] =	vst v1;
	v1 =	vor.u32 $0x803, v0  }
0x20: {  	[tilespmem:$0x1FE30] =	vst v1;
	v1 =	vor.u32 $0x804, v0  }
0x21: {  	[tilespmem:$0x1FE40] =	vst v1;
	v1 =	vor.u32 $0x805, v0  }
0x22: {  	[tilespmem:$0x1FE50] =	vst v1;
	v1 =	vor.u32 $0x806, v0  }
0x23: {  	[tilespmem:$0x1FE60] =	vst v1;
	v1 =	vor.u32 $0x807, v0  }
0x24: {  	[tilespmem:$0x1FE70] =	vst v1;
	v1 =	vor.u32 $0x808, v0  }
0x25: {  	[tilespmem:$0x1FE80] =	vst v1;
	v1 =	vor.u32 $0x809, v0  }
0x26: {  	[tilespmem:$0x1FE90] =	vst v1;
	v1 =	vor.u32 $0x80A, v0  }
0x27: {  	[tilespmem:$0x1FEA0] =	vst v1;
	v1 =	vor.u32 $0x80B, v0  }
0x28: {  	[tilespmem:$0x1FEB0] =	vst v1;
	v1 =	vor.u32 $0x80C, v0  }
0x29: {  	[tilespmem:$0x1FEC0] =	vst v1;
	v1 =	vor.u32 $0x80D, v0  }
0x2a: {  	[tilespmem:$0x1FED0] =	vst v1;
	v1 =	vor.u32 $0x80E, v0  }
0x2b: {  	[tilespmem:$0x1FEE0] =	vst v1;
	v1 =	vor.u32 $0x80F, v0  }
0x2c: {  	[tilespmem:$0x1FEF0] =	vst v1;
	v1 =	vor.u32 $0x810, v0  }
0x2d: {  	[tilespmem:$0x1FF00] =	vst v1;
	v1 =	vor.u32 $0x811, v0  }
0x2e: {  	[tilespmem:$0x1FF10] =	vst v1;
	v1 =	vor.u32 $0x812, v0  }
0x2f: {  	[tilespmem:$0x1FF20] =	vst v1;
	v1 =	vor.u32 $0x813, v0  }
0x30: {  	s3 =	srdreg.scid;
	s16 =	simm.s32 $0x180;
	s17 =	simm.s32 $0x200;
	[tilespmem:$0x1FF30] =	vst v1;
	v1 =	vor.u32 $0x814, v0  }
0x31: {  	s18 =	simm.s32 $0x280;
	s19 =	simm.s32 $0x300;
	s20 =	simm.s32 $0x380;
	[tilespmem:$0x1FF40] =	vst v1;
	v1 =	vor.u32 $0x815, v0  }
0x32: {  	s21 =	simm.s32 $0x400;
	s22 =	simm.s32 $0x500;
	s23 =	simm.s32 $0x480;
	[tilespmem:$0x1FF50] =	vst v1;
	v1 =	vor.u32 $0x816, v0  }
0x33: {  	s24 =	simm.s32 $0x4500;
	s25 =	simm.s32 $0x1;
	s26 =	simm.s32 $0x8500;
	[tilespmem:$0x1FF60] =	vst v1;
	v1 =	vor.u32 $0x817, v0  }
0x34: {  	s28 =	simm.s32 $0x0;
	s2 =	sadd.s32 $0x1600, s4;
	s5 =	sand.u32 $0x1, s3;
	[tilespmem:$0x1FF70] =	vst v1;
	v1 =	vor.u32 $0x818, v0  }
0x35: {  	s7 =	sadd.s32 $0xE00, s4;
	s3 =	stileid.u32;
	s6 =	ssub.s32 $0x2, s5;
	[tilespmem:$0x1FF80] =	vst v1;
	v1 =	vor.u32 $0x819, v0  }
0x36: {  	s9 =	sshll.u32 s3, $0x7;
	s5 =	sshll.u32 s5, $0x6;
	s8 =	sshrl.u32 s6, $0x1;
	[tilespmem:$0x1FF90] =	vst v1;
	v1 =	vor.u32 $0x81A, v0  }
0x37: {  	s11 =	sadd.s32 $0x600, s4;
	s14 =	sor.u32 s5, s9;
	s13 =	ssub.s32 s6, s8;
	[tilespmem:$0x1FFA0] =	vst v1;
	v1 =	vor.u32 $0x81B, v0  }
0x38: {  	s4 =	sadd.s32 s7, s14;
	s9 =	sor.u32 $0x10, s14;
	s10 =	sor.u32 $0x20, s14;
	[tilespmem:$0x1FFB0] =	vst v1;
	v1 =	vor.u32 $0x81C, v0  }
0x39: {  	s15 =	sor.u32 $0x30, s14;
	s8 =	sadd.s32 s11, s14;
	s12 =	sadd.s32 s12, s14;
	[tilespmem:$0x1FFC0] =	vst v1;
	v1 =	vor.u32 $0x81D, v0  }
0x3a: {  	v17 =	vor.u32 $0x1, v0;
	s14 =	simm.s32 $0x2;
	s5 =	sadd.s32 s7, s9;
	s6 =	sadd.s32 s7, s10;
	[tilespmem:$0x1FFD0] =	vst v1;
	v1 =	vor.u32 $0x81E, v0  }
0x3b: {  	v18 =	vor.u32 $0x2, v0;
	v19 =	vor.u32 $0x3, v0;
	s7 =	sadd.s32 s7, s15;
	s9 =	sadd.s32 s11, s9;
	s10 =	sadd.s32 s11, s10;
	[tilespmem:$0x1FFE0] =	vst v1;
	v1 =	vor.u32 $0x81F, v0  }
0x3c: {  	v20 =	vor.u32 $0x4, v0;
	v21 =	vor.u32 $0x5, v0;
	v22 =	vor.u32 $0x6, v0;
	s11 =	sadd.s32 s11, s15;
	s13 =	smax.u32 s13, $0x1;
	s15 =	simm.s32 $0x80;
	[tilespmem:$0x1FFF0] =	vst v1  }
.LBB2_1:
0x3d: {  	[tilespmem:s1], [sflag:$0x2] =	stream.linear.gather [hbm4b:s4+s1], $0x80, $0x38;
	[tilespmem:$0x8700] =	vst v63  }
0x3e: {  	_ =	swait.ge [sflag:s14], $0x80  }
0x3f: {  	[sflag:s14] =	ssyncset.done $0x0  }
0x40: {  	[sflag:s14] =	ssyncadd.s32 $0xFFFFFF80  }
0x41: {  	[tilespmem:s15], [sflag:$0x2] =	stream.linear.gather [hbm4b:s5+s1], $0x80, $0x38;
	[tilespmem:$0x8700] =	vst v63  }
0x42: {  	_ =	swait.ge [sflag:s14], $0x80  }
0x43: {  	[sflag:s14] =	ssyncset.done $0x0  }
0x44: {  	s29 =	simm.s32 $0x100;
	[sflag:s14] =	ssyncadd.s32 $0xFFFFFF80  }
0x45: {  	[tilespmem:s29], [sflag:$0x2] =	stream.linear.gather [hbm4b:s6+s1], $0x80, $0x38;
	[tilespmem:$0x8700] =	vst v63  }
0x46: {  	_ =	swait.ge [sflag:s14], $0x80  }
0x47: {  	[sflag:s14] =	ssyncset.done $0x0  }
0x48: {  	[sflag:s14] =	ssyncadd.s32 $0xFFFFFF80  }
0x49: {  	[tilespmem:s16], [sflag:$0x2] =	stream.linear.gather [hbm4b:s7+s1], $0x80, $0x38;
	[tilespmem:$0x8700] =	vst v63  }
0x4a: {  	_ =	swait.ge [sflag:s14], $0x80  }
0x4b: {  	[sflag:s14] =	ssyncset.done $0x0  }
0x4c: {  	[sflag:s14] =	ssyncadd.s32 $0xFFFFFF80  }
0x4d: {  	[tilespmem:s17], [sflag:$0x2] =	stream.linear.gather [hbm4b:s8+s1], $0x80, $0x38;
	[tilespmem:$0x8700] =	vst v63  }
0x4e: {  	_ =	swait.ge [sflag:s14], $0x80  }
0x4f: {  	[sflag:s14] =	ssyncset.done $0x0  }
0x50: {  	[sflag:s14] =	ssyncadd.s32 $0xFFFFFF80  }
0x51: {  	[tilespmem:s18], [sflag:$0x2] =	stream.linear.gather [hbm4b:s9+s1], $0x80, $0x38;
	[tilespmem:$0x8700] =	vst v63  }
0x52: {  	_ =	swait.ge [sflag:s14], $0x80  }
0x53: {  	[sflag:s14] =	ssyncset.done $0x0  }
0x54: {  	[sflag:s14] =	ssyncadd.s32 $0xFFFFFF80  }
0x55: {  	[tilespmem:s19], [sflag:$0x2] =	stream.linear.gather [hbm4b:s10+s1], $0x80, $0x38;
	[tilespmem:$0x8700] =	vst v63  }
0x56: {  	_ =	swait.ge [sflag:s14], $0x80  }
0x57: {  	[sflag:s14] =	ssyncset.done $0x0  }
0x58: {  	[sflag:s14] =	ssyncadd.s32 $0xFFFFFF80  }
0x59: {  	[tilespmem:s20], [sflag:$0x2] =	stream.linear.gather [hbm4b:s11+s1], $0x80, $0x38;
	[tilespmem:$0x8700] =	vst v63  }
0x5a: {  	_ =	swait.ge [sflag:s14], $0x80  }
0x5b: {  	v40 =	vld [tilespmem:$0x1FD80]  }
0x5c: {  	v41 =	vld [tilespmem:$0x1FD90]  }
0x5d: {  	v42 =	vld [tilespmem:$0x1FDA0]  }
0x5e: {  	v43 =	vld [tilespmem:$0x1FDB0]  }
0x5f: {  	v44 =	vld [tilespmem:$0x1FDC0]  }
0x60: {  	v45 =	vld [tilespmem:$0x1FDD0]  }
0x61: {  	v46 =	vld [tilespmem:$0x1FDE0]  }
0x62: {  	v47 =	vld [tilespmem:$0x1FDF0]  }
0x63: {  	v48 =	vld [tilespmem:$0x1FE00]  }
0x64: {  	v49 =	vld [tilespmem:$0x1FE10]  }
0x65: {  	v50 =	vld [tilespmem:$0x1FE20]  }
0x66: {  	v51 =	vld [tilespmem:$0x1FE30]  }
0x67: {  	v52 =	vld [tilespmem:$0x1FE40]  }
0x68: {  	v53 =	vld [tilespmem:$0x1FE50]  }
0x69: {  	v54 =	vld [tilespmem:$0x1FE60]  }
0x6a: {  	v55 =	vld [tilespmem:$0x1FE70]  }
0x6b: {  	v56 =	vld [tilespmem:$0x1FE80]  }
0x6c: {  	v57 =	vld [tilespmem:$0x1FE90]  }
0x6d: {  	v58 =	vld [tilespmem:$0x1FEA0]  }
0x6e: {  	v59 =	vld [tilespmem:$0x1FEB0]  }
0x6f: {  	v60 =	vld [tilespmem:$0x1FEC0]  }
0x70: {  	v61 =	vld [tilespmem:$0x1FED0]  }
0x71: {  	v62 =	vld [tilespmem:$0x1FEE0]  }
0x72: {  	v63 =	vld [tilespmem:$0x1FEF0]  }
0x73: {  	v23 =	vld [tilespmem:$0x1FF00]  }
0x74: {  	v24 =	vld [tilespmem:$0x1FF10]  }
0x75: {  	v25 =	vld [tilespmem:$0x1FF20]  }
0x76: {  	v26 =	vld [tilespmem:$0x1FF30]  }
0x77: {  	v27 =	vld [tilespmem:$0x1FF40]  }
0x78: {  	v28 =	vld [tilespmem:$0x1FF50]  }
0x79: {  	v29 =	vld [tilespmem:$0x1FF60]  }
0x7a: {  	v30 =	vld [tilespmem:$0x1FF70]  }
0x7b: {  	v31 =	vld [tilespmem:$0x1FF80]  }
0x7c: {  	v32 =	vld [tilespmem:$0x1FF90]  }
0x7d: {  	v33 =	vld [tilespmem:$0x1FFA0]  }
0x7e: {  	v34 =	vld [tilespmem:$0x1FFB0]  }
0x7f: {  	v35 =	vld [tilespmem:$0x1FFC0]  }
0x80: {  	v36 =	vld [tilespmem:$0x1FFD0]  }
0x81: {  	[sflag:s14] =	ssyncset.done $0x0;
	v37 =	vld [tilespmem:$0x1FFE0]  }
0x82: {  	v38 =	vld [tilespmem:$0x1FFF0];
	[sflag:s14] =	ssyncadd.s32 $0xFFFFFF80  }
.LBB2_2:
0x83: {  	s30 =	sshra.s32 s29, $0x2  }
0x84: {  	v1 =	vld [tilespmem:s30+$0xFFFFFFC0];
	_ =	sdelay $0x4  }
0x85: {  	v2 =	vshra.s32 v1, $0x2  }
0x86: {  	v1 =	vand.u32 $0x1FFF, v1;
	v2 =	vand.u32 $0xFFFFE000, v2  }
0x87: {  	v1 =	vor.u32 v1, v2  }
0x88: {  	[tilespmem:$0x400] =	vst v1  }
0x89: {  	v1 =	vld [tilespmem:s30+$0x1C0];
	_ =	sdelay $0x4  }
0x8a: {  	v2 =	vshra.s32 v1, $0x2  }
0x8b: {  	v1 =	vand.u32 $0x1FFF, v1;
	v2 =	vand.u32 $0xFFFFE000, v2  }
0x8c: {  	v1 =	vor.u32 v1, v2  }
0x8d: {  	[tilespmem:$0x480] =	vst v1  }
0x8e: {  	v1 =	vld [tilespmem:s30+$0xFFFFFFD0];
	_ =	sdelay $0x4  }
0x8f: {  	v2 =	vshra.s32 v1, $0x2  }
0x90: {  	v1 =	vand.u32 $0x1FFF, v1;
	v2 =	vand.u32 $0xFFFFE000, v2  }
0x91: {  	v1 =	vor.u32 v1, v2  }
0x92: {  	[tilespmem:$0x410] =	vst v1  }
0x93: {  	v1 =	vld [tilespmem:s30+$0x1D0];
	_ =	sdelay $0x4  }
0x94: {  	v2 =	vshra.s32 v1, $0x2  }
0x95: {  	v1 =	vand.u32 $0x1FFF, v1;
	v2 =	vand.u32 $0xFFFFE000, v2  }
0x96: {  	v1 =	vor.u32 v1, v2  }
0x97: {  	[tilespmem:$0x490] =	vst v1  }
0x98: {  	v1 =	vld [tilespmem:s30+$0xFFFFFFE0];
	_ =	sdelay $0x4  }
0x99: {  	v2 =	vshra.s32 v1, $0x2  }
0x9a: {  	v1 =	vand.u32 $0x1FFF, v1;
	v2 =	vand.u32 $0xFFFFE000, v2  }
0x9b: {  	v1 =	vor.u32 v1, v2  }
0x9c: {  	[tilespmem:$0x420] =	vst v1  }
0x9d: {  	v1 =	vld [tilespmem:s30+$0x1E0];
	_ =	sdelay $0x4  }
0x9e: {  	v2 =	vshra.s32 v1, $0x2  }
0x9f: {  	v1 =	vand.u32 $0x1FFF, v1;
	v2 =	vand.u32 $0xFFFFE000, v2  }
0xa0: {  	v1 =	vor.u32 v1, v2  }
0xa1: {  	[tilespmem:$0x4A0] =	vst v1  }
0xa2: {  	v1 =	vld [tilespmem:s30+$0xFFFFFFF0];
	_ =	sdelay $0x4  }
0xa3: {  	v2 =	vshra.s32 v1, $0x2  }
0xa4: {  	v1 =	vand.u32 $0x1FFF, v1;
	v2 =	vand.u32 $0xFFFFE000, v2  }
0xa5: {  	v1 =	vor.u32 v1, v2  }
0xa6: {  	[tilespmem:$0x430] =	vst v1  }
0xa7: {  	v1 =	vld [tilespmem:s30+$0x1F0];
	_ =	sdelay $0x4  }
0xa8: {  	v2 =	vshra.s32 v1, $0x2  }
0xa9: {  	v1 =	vand.u32 $0x1FFF, v1;
	v2 =	vand.u32 $0xFFFFE000, v2  }
0xaa: {  	v1 =	vor.u32 v1, v2  }
0xab: {  	[tilespmem:$0x4B0] =	vst v1  }
0xac: {  	v1 =	vld [tilespmem:s30+$0x0];
	_ =	sdelay $0x4  }
0xad: {  	v2 =	vshra.s32 v1, $0x2  }
0xae: {  	v1 =	vand.u32 $0x1FFF, v1;
	v2 =	vand.u32 $0xFFFFE000, v2  }
0xaf: {  	v1 =	vor.u32 v1, v2  }
0xb0: {  	[tilespmem:$0x440] =	vst v1  }
0xb1: {  	v1 =	vld [tilespmem:s30+$0x200];
	_ =	sdelay $0x4  }
0xb2: {  	v2 =	vshra.s32 v1, $0x2  }
0xb3: {  	v1 =	vand.u32 $0x1FFF, v1;
	v2 =	vand.u32 $0xFFFFE000, v2  }
0xb4: {  	v1 =	vor.u32 v1, v2  }
0xb5: {  	[tilespmem:$0x4C0] =	vst v1  }
0xb6: {  	v1 =	vld [tilespmem:s30+$0x10];
	_ =	sdelay $0x4  }
0xb7: {  	v2 =	vshra.s32 v1, $0x2  }
0xb8: {  	v1 =	vand.u32 $0x1FFF, v1;
	v2 =	vand.u32 $0xFFFFE000, v2  }
0xb9: {  	v1 =	vor.u32 v1, v2  }
0xba: {  	[tilespmem:$0x450] =	vst v1  }
0xbb: {  	v1 =	vld [tilespmem:s30+$0x210];
	_ =	sdelay $0x4  }
0xbc: {  	v2 =	vshra.s32 v1, $0x2  }
0xbd: {  	v1 =	vand.u32 $0x1FFF, v1;
	v2 =	vand.u32 $0xFFFFE000, v2  }
0xbe: {  	v1 =	vor.u32 v1, v2  }
0xbf: {  	[tilespmem:$0x4D0] =	vst v1  }
0xc0: {  	v1 =	vld [tilespmem:s30+$0x20];
	_ =	sdelay $0x4  }
0xc1: {  	v2 =	vshra.s32 v1, $0x2  }
0xc2: {  	v1 =	vand.u32 $0x1FFF, v1;
	v2 =	vand.u32 $0xFFFFE000, v2  }
0xc3: {  	v1 =	vor.u32 v1, v2  }
0xc4: {  	[tilespmem:$0x460] =	vst v1  }
0xc5: {  	v1 =	vld [tilespmem:s30+$0x220];
	_ =	sdelay $0x4  }
0xc6: {  	v2 =	vshra.s32 v1, $0x2  }
0xc7: {  	v1 =	vand.u32 $0x1FFF, v1;
	v2 =	vand.u32 $0xFFFFE000, v2  }
0xc8: {  	v1 =	vor.u32 v1, v2  }
0xc9: {  	[tilespmem:$0x4E0] =	vst v1  }
0xca: {  	v1 =	vld [tilespmem:s30+$0x30];
	_ =	sdelay $0x4  }
0xcb: {  	v2 =	vshra.s32 v1, $0x2  }
0xcc: {  	v1 =	vand.u32 $0x1FFF, v1;
	v2 =	vand.u32 $0xFFFFE000, v2  }
0xcd: {  	v1 =	vor.u32 v1, v2  }
0xce: {  	[tilespmem:$0x470] =	vst v1  }
0xcf: {  	v1 =	vld [tilespmem:s30+$0x230];
	_ =	sdelay $0x4  }
0xd0: {  	v2 =	vshra.s32 v1, $0x2  }
0xd1: {  	v1 =	vand.u32 $0x1FFF, v1;
	v2 =	vand.u32 $0xFFFFE000, v2  }
0xd2: {  	v1 =	vor.u32 v1, v2  }
0xd3: {  	[tilespmem:$0x4F0] =	vst v1  }
0xd4: {  	[tilespmem:s22], [sflag:$0x1] =	stream.indirect.gather [hbm4b:s2+s15], $0x80, s21, s15, $0xb8;
	[tilespmem:$0x8700] =	vst v63  }
0xd5: {  	_ = 	snop  }
0xd6: {  	[tilespmem:s24], [sflag:$0x1] =	stream.indirect.gather [hbm4b:s2+s15], $0x80, s23, s15, $0xb8;
	[tilespmem:$0x8700] =	vst v63  }
0xd7: {  	_ =	swait.ge [sflag:s25], $0x4000  }
0xd8: {  	[sflag:s25] =	ssyncset.done $0x0  }
0xd9: {  	[sflag:s25] =	ssyncadd.s32 $0xFFFFC000  }
0xda: {  	_ =	swait.ge [sflag:s25], $0x4000  }
0xdb: {  	[sflag:s25] =	ssyncset.done $0x0  }
0xdc: {  	[sflag:s25] =	ssyncadd.s32 $0xFFFFC000  }
0xdd: {  	v1 =	vld [tilespmem:s30+$0xFFFFFFC0];
	_ =	sdelay $0x1  }
0xde: {  	v3 =	vld [tilespmem:s30+$0x1C0];
	_ =	sdelay $0x2  }
0xdf: {  	v1 =	vshrl.u32 v1, $0x8  }
0xe0: {  	v2 =	vand.u32 $0x60, v1  }
0xe1: {  	v1 =	vshrl.u32 v3, $0x8;
	v3 =	vor.u32 v0, v2  }
0xe2: {  	v1 =	vand.u32 $0x60, v1;
	v5 =	vor.u32 v17, v2  }
0xe3: {  	v4 =	vor.u32 v0, v1  }
0xe4: {  	v6 =	vor.u32 v17, v1  }
0xe5: {  	v39 =	vld [tilespmem:$0x1FC70];
	v7 =	vor.u32 v18, v2  }
0xe6: {  	v9 =	vor.u32 v19, v2;
	v3 =	vld.idx.msk [tilespmem:v3+s22+$0x0], $0xffff  }
0xe7: {  	v8 =	vor.u32 v18, v1;
	v5 =	vld.idx.msk [tilespmem:v5+s22+$0x0], $0xffff  }
0xe8: {  	v10 =	vor.u32 v19, v1;
	v4 =	vld.idx.msk [tilespmem:v4+s24+$0x0], $0xffff  }
0xe9: {  	v12 =	vor.u32 v20, v1;
	v6 =	vld.idx.msk [tilespmem:v6+s24+$0x0], $0xffff  }
0xea: {  	v13 =	vor.u32 v21, v2;
	v7 =	vld.idx.msk [tilespmem:v7+s22+$0x0], $0xffff  }
0xeb: {  	v9 =	vld.idx.msk [tilespmem:v9+s22+$0x0], $0xffff  }
0xec: {  	v8 =	vld.idx.msk [tilespmem:v8+s24+$0x0], $0xffff  }
0xed: {  	v10 =	vld.idx.msk [tilespmem:v10+s24+$0x0], $0xffff  }
0xee: {  	v14 =	vor.u32 v21, v1;
	v3 =	vmul.f32 v4, v3;
	v4 =	vmul.f32 v6, v5;
	v5 =	vld.idx.msk [tilespmem:v12+s24+$0x0], $0xffff  }
0xef: {  	v15 =	vor.u32 v22, v2;
	v12 =	vld.idx.msk [tilespmem:v13+s22+$0x0], $0xffff  }
0xf0: {  	v16 =	vor.u32 v22, v1;
	v6 =	vor.u32 v39, v2;
	v13 =	vor.u32 v39, v1;
	v39 =	vld [tilespmem:$0x1FC80];
	_ =	sdelay $0x1  }
0xf1: {  	v11 =	vor.u32 v20, v2  }
0xf2: {  	v3 =	vadd.f32 v4, v3;
	v4 =	vmul.f32 v8, v7;
	v7 =	vld.idx.msk [tilespmem:v14+s24+$0x0], $0xffff  }
0xf3: {  	v14 =	vld.idx.msk [tilespmem:v15+s22+$0x0], $0xffff  }
0xf4: {  	v8 =	vor.u32 v39, v2;
	v15 =	vor.u32 v39, v1;
	v39 =	vmul.f32 v10, v9;
	v9 =	vld.idx.msk [tilespmem:v16+s24+$0x0], $0xffff  }
0xf5: {  	v3 =	vadd.f32 v4, v3;
	v16 =	vld [tilespmem:$0x1FC90]  }
0xf6: {  	v11 =	vld.idx.msk [tilespmem:v11+s22+$0x0], $0xffff  }
0xf7: {  	v3 =	vadd.f32 v39, v3;
	v39 =	vld [tilespmem:$0x1FCA0];
	_ =	sdelay $0x2  }
0xf8: {  	v10 =	vor.u32 v16, v2;
	v16 =	vor.u32 v16, v1  }
0xf9: {  	v4 =	vmul.f32 v5, v11;
	v5 =	vld.idx.msk [tilespmem:v13+s24+$0x0], $0xffff  }
0xfa: {  	v11 =	vor.u32 v39, v2;
	v13 =	vor.u32 v39, v1;
	v39 =	vmul.f32 v7, v12;
	v7 =	vld.idx.msk [tilespmem:v15+s24+$0x0], $0xffff  }
0xfb: {  	v3 =	vadd.f32 v4, v3;
	v15 =	vld [tilespmem:$0x1FCB0]  }
0xfc: {  	v6 =	vld.idx.msk [tilespmem:v6+s22+$0x0], $0xffff  }
0xfd: {  	v3 =	vadd.f32 v39, v3;
	v39 =	vmul.f32 v9, v14;
	v9 =	vld.idx.msk [tilespmem:v16+s24+$0x0], $0xffff  }
0xfe: {  	v16 =	vld [tilespmem:$0x1FCC0]  }
0xff: {  	v8 =	vld.idx.msk [tilespmem:v8+s22+$0x0], $0xffff  }
0x100: {  	v3 =	vadd.f32 v39, v3;
	v39 =	vld [tilespmem:$0x1FCD0];
	v12 =	vor.u32 v15, v2;
	v15 =	vor.u32 v15, v1;
	_ =	sdelay $0x1  }
0x101: {  	v10 =	vld.idx.msk [tilespmem:v10+s22+$0x0], $0xffff  }
0x102: {  	v11 =	vld.idx.msk [tilespmem:v11+s22+$0x0], $0xffff;
	v14 =	vor.u32 v16, v2;
	v16 =	vor.u32 v16, v1  }
0x103: {  	v4 =	vmul.f32 v5, v6;
	v5 =	vld.idx.msk [tilespmem:v13+s24+$0x0], $0xffff  }
0x104: {  	v6 =	vor.u32 v39, v2;
	v13 =	vor.u32 v39, v1;
	v39 =	vmul.f32 v7, v8;
	v7 =	vld.idx.msk [tilespmem:v15+s24+$0x0], $0xffff  }
0x105: {  	v3 =	vadd.f32 v4, v3;
	v15 =	vld [tilespmem:$0x1FCE0]  }
0x106: {  	v12 =	vld.idx.msk [tilespmem:v12+s22+$0x0], $0xffff  }
0x107: {  	v3 =	vadd.f32 v39, v3;
	v39 =	vmul.f32 v9, v10;
	v9 =	vld.idx.msk [tilespmem:v16+s24+$0x0], $0xffff  }
0x108: {  	v16 =	vld [tilespmem:$0x1FCF0]  }
0x109: {  	v3 =	vadd.f32 v39, v3;
	v39 =	vld [tilespmem:$0x1FD00]  }
0x10a: {  	v8 =	vor.u32 v15, v2;
	v15 =	vor.u32 v15, v1  }
0x10b: {  	v4 =	vmul.f32 v5, v11;
	v14 =	vld.idx.msk [tilespmem:v14+s22+$0x0], $0xffff;
	_ =	sdelay $0x1  }
0x10c: {  	v3 =	vadd.f32 v4, v3;
	v10 =	vor.u32 v16, v2;
	v16 =	vor.u32 v16, v1  }
0x10d: {  	v5 =	vld.idx.msk [tilespmem:v13+s24+$0x0], $0xffff;
	v11 =	vor.u32 v39, v2;
	v13 =	vor.u32 v39, v1;
	v39 =	vmul.f32 v7, v12  }
0x10e: {  	v7 =	vld.idx.msk [tilespmem:v15+s24+$0x0], $0xffff  }
0x10f: {  	v15 =	vld [tilespmem:$0x1FD10];
	v3 =	vadd.f32 v39, v3;
	v39 =	vmul.f32 v9, v14  }
0x110: {  	v6 =	vld.idx.msk [tilespmem:v6+s22+$0x0], $0xffff  }
0x111: {  	v3 =	vadd.f32 v39, v3;
	v39 =	vld [tilespmem:$0x1FD30]  }
0x112: {  	v9 =	vld.idx.msk [tilespmem:v16+s24+$0x0], $0xffff  }
0x113: {  	v16 =	vld [tilespmem:$0x1FD20]  }
0x114: {  	v8 =	vld.idx.msk [tilespmem:v8+s22+$0x0], $0xffff;
	v12 =	vor.u32 v15, v2;
	v15 =	vor.u32 v15, v1;
	_ =	sdelay $0x2  }
0x115: {  	v10 =	vld.idx.msk [tilespmem:v10+s22+$0x0], $0xffff  }
0x116: {  	v4 =	vmul.f32 v5, v6;
	v5 =	vld.idx.msk [tilespmem:v13+s24+$0x0], $0xffff;
	v6 =	vor.u32 v39, v2;
	v14 =	vor.u32 v16, v2  }
0x117: {  	v13 =	vor.u32 v39, v1;
	v39 =	vmul.f32 v7, v8;
	v16 =	vor.u32 v16, v1;
	v7 =	vld.idx.msk [tilespmem:v15+s24+$0x0], $0xffff  }
0x118: {  	v15 =	vld [tilespmem:$0x1FD40]  }
0x119: {  	v11 =	vld.idx.msk [tilespmem:v11+s22+$0x0], $0xffff;
	v3 =	vadd.f32 v4, v3  }
0x11a: {  	v12 =	vld.idx.msk [tilespmem:v12+s22+$0x0], $0xffff  }
0x11b: {  	v3 =	vadd.f32 v39, v3;
	v39 =	vmul.f32 v9, v10;
	v14 =	vld.idx.msk [tilespmem:v14+s22+$0x0], $0xffff  }
0x11c: {  	v9 =	vld.idx.msk [tilespmem:v16+s24+$0x0], $0xffff  }
0x11d: {  	v3 =	vadd.f32 v39, v3;
	v39 =	vld [tilespmem:$0x1FD60];
	v8 =	vor.u32 v15, v2;
	v15 =	vor.u32 v15, v1  }
0x11e: {  	v16 =	vld [tilespmem:$0x1FD50];
	_ =	sdelay $0x2  }
0x11f: {  	v4 =	vmul.f32 v5, v11;
	v5 =	vld.idx.msk [tilespmem:v13+s24+$0x0], $0xffff  }
0x120: {  	v11 =	vor.u32 v39, v2;
	v13 =	vor.u32 v39, v1;
	v39 =	vmul.f32 v7, v12;
	v7 =	vld.idx.msk [tilespmem:v15+s24+$0x0], $0xffff  }
0x121: {  	v10 =	vor.u32 v16, v2;
	v15 =	vld [tilespmem:$0x1FD70]  }
0x122: {  	v16 =	vor.u32 v16, v1  }
0x123: {  	v6 =	vld.idx.msk [tilespmem:v6+s22+$0x0], $0xffff;
	v3 =	vadd.f32 v4, v3;
	_ =	sdelay $0x1  }
0x124: {  	v8 =	vld.idx.msk [tilespmem:v8+s22+$0x0], $0xffff;
	v3 =	vadd.f32 v39, v3;
	v39 =	vmul.f32 v9, v14;
	v14 =	vor.u32 v40, v2  }
0x125: {  	v10 =	vld.idx.msk [tilespmem:v10+s22+$0x0], $0xffff;
	v12 =	vor.u32 v15, v2  }
0x126: {  	v9 =	vld.idx.msk [tilespmem:v16+s24+$0x0], $0xffff;
	v15 =	vor.u32 v15, v1  }
0x127: {  	v3 =	vadd.f32 v39, v3;
	v39 =	vmul.f32 v5, v6;
	v6 =	vor.u32 v41, v2;
	v11 =	vld.idx.msk [tilespmem:v11+s22+$0x0], $0xffff  }
0x128: {  	v16 =	vor.u32 v40, v1;
	v5 =	vld.idx.msk [tilespmem:v13+s24+$0x0], $0xffff  }
0x129: {  	v13 =	vor.u32 v41, v1;
	v3 =	vadd.f32 v39, v3;
	v39 =	vmul.f32 v7, v8;
	v14 =	vld.idx.msk [tilespmem:v14+s22+$0x0], $0xffff  }
0x12a: {  	v8 =	vor.u32 v42, v2;
	v12 =	vld.idx.msk [tilespmem:v12+s22+$0x0], $0xffff  }
0x12b: {  	v3 =	vadd.f32 v39, v3;
	v39 =	vmul.f32 v9, v10;
	v10 =	vor.u32 v43, v2;
	v7 =	vld.idx.msk [tilespmem:v15+s24+$0x0], $0xffff  }
0x12c: {  	v6 =	vld.idx.msk [tilespmem:v6+s22+$0x0], $0xffff;
	v15 =	vor.u32 v42, v1  }
0x12d: {  	v9 =	vld.idx.msk [tilespmem:v16+s24+$0x0], $0xffff;
	v3 =	vadd.f32 v39, v3;
	v39 =	vmul.f32 v5, v11;
	v11 =	vor.u32 v44, v2  }
0x12e: {  	v16 =	vor.u32 v43, v1;
	v5 =	vld.idx.msk [tilespmem:v13+s24+$0x0], $0xffff  }
0x12f: {  	v8 =	vld.idx.msk [tilespmem:v8+s22+$0x0], $0xffff;
	v13 =	vor.u32 v44, v1  }
0x130: {  	v3 =	vadd.f32 v39, v3;
	v10 =	vld.idx.msk [tilespmem:v10+s22+$0x0], $0xffff;
	v39 =	vmul.f32 v7, v12;
	v12 =	vor.u32 v45, v2  }
0x131: {  	v7 =	vld.idx.msk [tilespmem:v15+s24+$0x0], $0xffff;
	v15 =	vor.u32 v45, v1  }
0x132: {  	v11 =	vld.idx.msk [tilespmem:v11+s22+$0x0], $0xffff;
	v3 =	vadd.f32 v39, v3;
	v39 =	vmul.f32 v9, v14;
	v14 =	vor.u32 v46, v2  }
0x133: {  	v9 =	vld.idx.msk [tilespmem:v16+s24+$0x0], $0xffff;
	v16 =	vor.u32 v46, v1  }
0x134: {  	v3 =	vadd.f32 v39, v3;
	v39 =	vmul.f32 v5, v6;
	v5 =	vld.idx.msk [tilespmem:v13+s24+$0x0], $0xffff  }
0x135: {  	v2 =	vor.u32 v47, v2;
	v6 =	vld.idx.msk [tilespmem:v12+s22+$0x0], $0xffff  }
0x136: {  	v13 =	vmul.f32 v7, v8;
	v7 =	vld.idx.msk [tilespmem:v15+s24+$0x0], $0xffff;
	v3 =	vadd.f32 v39, v3  }
0x137: {  	v1 =	vor.u32 v47, v1;
	v8 =	vld.idx.msk [tilespmem:v14+s22+$0x0], $0xffff  }
0x138: {  	v39 =	vmul.f32 v9, v10;
	v12 =	vld.idx.msk [tilespmem:v16+s24+$0x0], $0xffff;
	v3 =	vadd.f32 v13, v3  }
0x139: {  	v14 =	vld [tilespmem:s30+$0xFFFFFFD0]  }
0x13a: {  	v13 =	vld.idx.msk [tilespmem:v2+s22+$0x0], $0xffff;
	v2 =	vadd.f32 v39, v3;
	v3 =	vmul.f32 v5, v11  }
0x13b: {  	v39 =	vld [tilespmem:s30+$0x1D0]  }
0x13c: {  	v1 =	vld.idx.msk [tilespmem:v1+s24+$0x0], $0xffff;
	v2 =	vadd.f32 v3, v2;
	v3 =	vmul.f32 v7, v6;
	_ =	sdelay $0x1  }
0x13d: {  	v2 =	vadd.f32 v3, v2;
	v3 =	vmul.f32 v12, v8  }
0x13e: {  	v4 =	vshrl.u32 v14, $0x8  }
0x13f: {  	v9 =	vshrl.u32 v39, $0x8;
	v3 =	vadd.f32 v3, v2;
	v2 =	vand.u32 $0x60, v4  }
0x140: {  	v10 =	vmul.f32 v1, v13;
	v1 =	vand.u32 $0x60, v9;
	v11 =	vor.u32 v48, v2  }
0x141: {  	v12 =	vor.u32 v48, v1  }
0x142: {  	v13 =	vor.u32 v49, v2;
	v3 =	vadd.f32 v10, v3  }
0x143: {  	v14 =	vor.u32 v49, v1  }
0x144: {  	v8 =	vor.u32 v50, v1;
	[tilespmem:s30+$0x84C0] =	vst v3  }
0x145: {  	v39 =	vor.u32 v51, v2;
	v4 =	vld.idx.msk [tilespmem:v11+s22+$0x0], $0xffff  }
0x146: {  	v3 =	vor.u32 v50, v2;
	v6 =	vld.idx.msk [tilespmem:v12+s24+$0x0], $0xffff  }
0x147: {  	v10 =	vor.u32 v51, v1;
	v5 =	vld.idx.msk [tilespmem:v13+s22+$0x0], $0xffff  }
0x148: {  	v7 =	vld.idx.msk [tilespmem:v14+s24+$0x0], $0xffff  }
0x149: {  	v11 =	vor.u32 v52, v2;
	v8 =	vld.idx.msk [tilespmem:v8+s24+$0x0], $0xffff  }
0x14a: {  	v12 =	vor.u32 v52, v1;
	v9 =	vld.idx.msk [tilespmem:v39+s22+$0x0], $0xffff  }
0x14b: {  	v13 =	vor.u32 v53, v2;
	v3 =	vld.idx.msk [tilespmem:v3+s22+$0x0], $0xffff  }
0x14c: {  	v39 =	vor.u32 v53, v1;
	v10 =	vld.idx.msk [tilespmem:v10+s24+$0x0], $0xffff  }
0x14d: {  	v15 =	vor.u32 v54, v2  }
0x14e: {  	v4 =	vmul.f32 v6, v4;
	v5 =	vmul.f32 v7, v5;
	v6 =	vld.idx.msk [tilespmem:v11+s22+$0x0], $0xffff;
	v7 =	vor.u32 v54, v1  }
0x14f: {  	v11 =	vld.idx.msk [tilespmem:v12+s24+$0x0], $0xffff;
	v12 =	vor.u32 v55, v2  }
0x150: {  	v4 =	vadd.f32 v5, v4;
	v5 =	vld.idx.msk [tilespmem:v13+s22+$0x0], $0xffff;
	v3 =	vmul.f32 v8, v3;
	v8 =	vor.u32 v55, v1  }
0x151: {  	v13 =	vld.idx.msk [tilespmem:v39+s24+$0x0], $0xffff;
	v39 =	vmul.f32 v10, v9;
	v10 =	vor.u32 v56, v1  }
0x152: {  	v14 =	vor.u32 v56, v2;
	v9 =	vld.idx.msk [tilespmem:v15+s22+$0x0], $0xffff;
	v3 =	vadd.f32 v3, v4  }
0x153: {  	v15 =	vor.u32 v57, v2;
	v7 =	vld.idx.msk [tilespmem:v7+s24+$0x0], $0xffff  }
0x154: {  	v3 =	vadd.f32 v39, v3;
	v39 =	vmul.f32 v11, v6;
	v6 =	vld.idx.msk [tilespmem:v12+s22+$0x0], $0xffff;
	v11 =	vor.u32 v57, v1  }
0x155: {  	v12 =	vor.u32 v58, v2;
	v8 =	vld.idx.msk [tilespmem:v8+s24+$0x0], $0xffff  }
0x156: {  	v10 =	vld.idx.msk [tilespmem:v10+s24+$0x0], $0xffff;
	v3 =	vadd.f32 v39, v3;
	v39 =	vmul.f32 v13, v5;
	v13 =	vor.u32 v58, v1  }
0x157: {  	v5 =	vld.idx.msk [tilespmem:v14+s22+$0x0], $0xffff;
	v14 =	vor.u32 v59, v2  }
0x158: {  	v3 =	vadd.f32 v39, v3;
	v39 =	vmul.f32 v7, v9;
	v7 =	vld.idx.msk [tilespmem:v15+s22+$0x0], $0xffff;
	v9 =	vor.u32 v59, v1  }
0x159: {  	v15 =	vor.u32 v60, v2;
	v11 =	vld.idx.msk [tilespmem:v11+s24+$0x0], $0xffff  }
0x15a: {  	v3 =	vadd.f32 v39, v3;
	v39 =	vmul.f32 v8, v6;
	v6 =	vld.idx.msk [tilespmem:v12+s22+$0x0], $0xffff;
	v8 =	vor.u32 v60, v1  }
0x15b: {  	v12 =	vld.idx.msk [tilespmem:v13+s24+$0x0], $0xffff;
	v13 =	vor.u32 v61, v2  }
0x15c: {  	v3 =	vadd.f32 v39, v3;
	v39 =	vmul.f32 v10, v5;
	v5 =	vld.idx.msk [tilespmem:v14+s22+$0x0], $0xffff;
	v10 =	vor.u32 v61, v1  }
0x15d: {  	v14 =	vor.u32 v62, v2;
	v9 =	vld.idx.msk [tilespmem:v9+s24+$0x0], $0xffff  }
0x15e: {  	v3 =	vadd.f32 v39, v3;
	v39 =	vmul.f32 v11, v7;
	v7 =	vld.idx.msk [tilespmem:v15+s22+$0x0], $0xffff;
	v11 =	vor.u32 v62, v1  }
0x15f: {  	v15 =	vor.u32 v63, v2;
	v8 =	vld.idx.msk [tilespmem:v8+s24+$0x0], $0xffff  }
0x160: {  	v3 =	vadd.f32 v39, v3;
	v39 =	vmul.f32 v12, v6;
	v6 =	vld.idx.msk [tilespmem:v13+s22+$0x0], $0xffff;
	v12 =	vor.u32 v63, v1  }
0x161: {  	v13 =	vor.u32 v23, v2;
	v10 =	vld.idx.msk [tilespmem:v10+s24+$0x0], $0xffff  }
0x162: {  	v3 =	vadd.f32 v39, v3;
	v39 =	vmul.f32 v9, v5;
	v5 =	vld.idx.msk [tilespmem:v14+s22+$0x0], $0xffff;
	v9 =	vor.u32 v23, v1  }
0x163: {  	v14 =	vor.u32 v24, v2;
	v11 =	vld.idx.msk [tilespmem:v11+s24+$0x0], $0xffff  }
0x164: {  	v3 =	vadd.f32 v39, v3;
	v39 =	vmul.f32 v8, v7;
	v7 =	vld.idx.msk [tilespmem:v15+s22+$0x0], $0xffff;
	v8 =	vor.u32 v24, v1  }
0x165: {  	v15 =	vor.u32 v25, v2;
	v12 =	vld.idx.msk [tilespmem:v12+s24+$0x0], $0xffff  }
0x166: {  	v3 =	vadd.f32 v39, v3;
	v39 =	vmul.f32 v10, v6;
	v6 =	vld.idx.msk [tilespmem:v13+s22+$0x0], $0xffff;
	v10 =	vor.u32 v25, v1  }
0x167: {  	v13 =	vor.u32 v26, v2;
	v9 =	vld.idx.msk [tilespmem:v9+s24+$0x0], $0xffff  }
0x168: {  	v3 =	vadd.f32 v39, v3;
	v39 =	vmul.f32 v11, v5;
	v5 =	vld.idx.msk [tilespmem:v14+s22+$0x0], $0xffff;
	v11 =	vor.u32 v26, v1  }
0x169: {  	v14 =	vor.u32 v27, v2;
	v8 =	vld.idx.msk [tilespmem:v8+s24+$0x0], $0xffff  }
0x16a: {  	v3 =	vadd.f32 v39, v3;
	v39 =	vmul.f32 v12, v7;
	v7 =	vld.idx.msk [tilespmem:v15+s22+$0x0], $0xffff;
	v12 =	vor.u32 v27, v1  }
0x16b: {  	v15 =	vor.u32 v28, v2;
	v10 =	vld.idx.msk [tilespmem:v10+s24+$0x0], $0xffff  }
0x16c: {  	v3 =	vadd.f32 v39, v3;
	v39 =	vmul.f32 v9, v6;
	v6 =	vld.idx.msk [tilespmem:v13+s22+$0x0], $0xffff;
	v9 =	vor.u32 v28, v1  }
0x16d: {  	v13 =	vor.u32 v29, v2;
	v11 =	vld.idx.msk [tilespmem:v11+s24+$0x0], $0xffff  }
0x16e: {  	v3 =	vadd.f32 v39, v3;
	v39 =	vmul.f32 v8, v5;
	v5 =	vld.idx.msk [tilespmem:v14+s22+$0x0], $0xffff;
	v8 =	vor.u32 v29, v1  }
0x16f: {  	v14 =	vor.u32 v30, v2;
	v12 =	vld.idx.msk [tilespmem:v12+s24+$0x0], $0xffff  }
0x170: {  	v3 =	vadd.f32 v39, v3;
	v39 =	vmul.f32 v10, v7;
	v7 =	vld.idx.msk [tilespmem:v15+s22+$0x0], $0xffff;
	v10 =	vor.u32 v30, v1  }
0x171: {  	v15 =	vor.u32 v31, v2;
	v9 =	vld.idx.msk [tilespmem:v9+s24+$0x0], $0xffff  }
0x172: {  	v3 =	vadd.f32 v39, v3;
	v39 =	vmul.f32 v11, v6;
	v6 =	vld.idx.msk [tilespmem:v13+s22+$0x0], $0xffff;
	v11 =	vor.u32 v31, v1  }
0x173: {  	v13 =	vor.u32 v32, v2;
	v8 =	vld.idx.msk [tilespmem:v8+s24+$0x0], $0xffff  }
0x174: {  	v3 =	vadd.f32 v39, v3;
	v39 =	vmul.f32 v12, v5;
	v5 =	vld.idx.msk [tilespmem:v14+s22+$0x0], $0xffff;
	v12 =	vor.u32 v32, v1  }
0x175: {  	v14 =	vor.u32 v33, v2;
	v10 =	vld.idx.msk [tilespmem:v10+s24+$0x0], $0xffff  }
0x176: {  	v3 =	vadd.f32 v39, v3;
	v39 =	vmul.f32 v9, v7;
	v7 =	vld.idx.msk [tilespmem:v15+s22+$0x0], $0xffff;
	v9 =	vor.u32 v33, v1  }
0x177: {  	v15 =	vor.u32 v34, v2;
	v11 =	vld.idx.msk [tilespmem:v11+s24+$0x0], $0xffff  }
0x178: {  	v3 =	vadd.f32 v39, v3;
	v39 =	vmul.f32 v8, v6;
	v6 =	vld.idx.msk [tilespmem:v13+s22+$0x0], $0xffff;
	v8 =	vor.u32 v34, v1  }
0x179: {  	v13 =	vor.u32 v35, v2;
	v12 =	vld.idx.msk [tilespmem:v12+s24+$0x0], $0xffff  }
0x17a: {  	v3 =	vadd.f32 v39, v3;
	v39 =	vmul.f32 v10, v5;
	v5 =	vld.idx.msk [tilespmem:v14+s22+$0x0], $0xffff;
	v10 =	vor.u32 v35, v1  }
0x17b: {  	v14 =	vor.u32 v36, v2;
	v9 =	vld.idx.msk [tilespmem:v9+s24+$0x0], $0xffff  }
0x17c: {  	v3 =	vadd.f32 v39, v3;
	v39 =	vmul.f32 v11, v7;
	v7 =	vld.idx.msk [tilespmem:v15+s22+$0x0], $0xffff;
	v11 =	vor.u32 v36, v1  }
0x17d: {  	v8 =	vld.idx.msk [tilespmem:v8+s24+$0x0], $0xffff  }
0x17e: {  	v15 =	vor.u32 v37, v2;
	v3 =	vadd.f32 v39, v3;
	v39 =	vmul.f32 v12, v6;
	v6 =	vld.idx.msk [tilespmem:v13+s22+$0x0], $0xffff  }
0x17f: {  	v12 =	vor.u32 v37, v1;
	v10 =	vld.idx.msk [tilespmem:v10+s24+$0x0], $0xffff  }
0x180: {  	v1 =	vor.u32 v38, v1;
	v13 =	vmul.f32 v9, v5;
	v5 =	vld.idx.msk [tilespmem:v14+s22+$0x0], $0xffff  }
0x181: {  	v2 =	vor.u32 v38, v2;
	v9 =	vld.idx.msk [tilespmem:v11+s24+$0x0], $0xffff  }
0x182: {  	v3 =	vadd.f32 v39, v3;
	v11 =	vld [tilespmem:s30+$0x1E0]  }
0x183: {  	v39 =	vmul.f32 v8, v7;
	v7 =	vld.idx.msk [tilespmem:v15+s22+$0x0], $0xffff  }
0x184: {  	v3 =	vadd.f32 v13, v3;
	v13 =	vld.idx.msk [tilespmem:v12+s24+$0x0], $0xffff  }
0x185: {  	v1 =	vld.idx.msk [tilespmem:v1+s24+$0x0], $0xffff  }
0x186: {  	v3 =	vadd.f32 v39, v3;
	v14 =	vmul.f32 v10, v6;
	v39 =	vld.idx.msk [tilespmem:v2+s22+$0x0], $0xffff  }
0x187: {  	v2 =	vld [tilespmem:s30+$0xFFFFFFE0]  }
0x188: {  	v3 =	vadd.f32 v14, v3;
	v10 =	vmul.f32 v9, v5  }
0x189: {  	v14 =	vor.u32 $0x1000, v0  }
0x18a: {  	v3 =	vadd.f32 v10, v3;
	v12 =	vmul.f32 v13, v7;
	v13 =	vshrl.u32 v11, $0x8  }
0x18b: {  	v11 =	vor.u32 $0x1001, v0;
	v6 =	vmul.f32 v1, v39;
	v1 =	vand.u32 $0x60, v13  }
0x18c: {  	v2 =	vshrl.u32 v2, $0x8;
	v3 =	vadd.f32 v12, v3;
	v5 =	vor.u32 v14, v1  }
0x18d: {  	v2 =	vand.u32 $0x60, v2;
	v7 =	vor.u32 v11, v1  }
0x18e: {  	v39 =	vor.u32 v14, v2;
	v3 =	vadd.f32 v6, v3  }
0x18f: {  	v13 =	vor.u32 $0x1002, v0;
	v12 =	vor.u32 v11, v2  }
0x190: {  	v8 =	vor.u32 v13, v1;
	[tilespmem:s30+$0x84D0] =	vst v3  }
0x191: {  	v14 =	vor.u32 $0x1003, v0;
	v3 =	vor.u32 v13, v2;
	v5 =	vld.idx.msk [tilespmem:v5+s24+$0x0], $0xffff  }
0x192: {  	v10 =	vor.u32 v14, v2;
	v7 =	vld.idx.msk [tilespmem:v7+s24+$0x0], $0xffff  }
0x193: {  	v9 =	vor.u32 v14, v1;
	v4 =	vld.idx.msk [tilespmem:v39+s22+$0x0], $0xffff  }
0x194: {  	v6 =	vld.idx.msk [tilespmem:v12+s22+$0x0], $0xffff;
	v39 =	vor.u32 $0x1004, v0  }
0x195: {  	v8 =	vld.idx.msk [tilespmem:v8+s24+$0x0], $0xffff;
	v12 =	vor.u32 v39, v2  }
0x196: {  	v11 =	vor.u32 v39, v1;
	v39 =	vor.u32 $0x1005, v0;
	v3 =	vld.idx.msk [tilespmem:v3+s22+$0x0], $0xffff  }
0x197: {  	v10 =	vld.idx.msk [tilespmem:v10+s22+$0x0], $0xffff;
	v14 =	vor.u32 v39, v2  }
0x198: {  	v15 =	vor.u32 $0x1006, v0;
	v9 =	vld.idx.msk [tilespmem:v9+s24+$0x0], $0xffff;
	v13 =	vor.u32 v39, v1  }
0x199: {  	v39 =	vor.u32 v15, v2;
	v4 =	vmul.f32 v5, v4;
	v5 =	vmul.f32 v7, v6  }
0x19a: {  	v7 =	vld.idx.msk [tilespmem:v12+s22+$0x0], $0xffff;
	v12 =	vor.u32 v15, v1;
	v15 =	vor.u32 $0x1007, v0  }
0x19b: {  	v4 =	vadd.f32 v5, v4;
	v5 =	vld.idx.msk [tilespmem:v11+s24+$0x0], $0xffff;
	v3 =	vmul.f32 v8, v3;
	v8 =	vor.u32 v15, v2  }
0x19c: {  	v11 =	vld.idx.msk [tilespmem:v14+s22+$0x0], $0xffff;
	v14 =	vor.u32 v15, v1;
	v15 =	vor.u32 $0x1008, v0  }
0x19d: {  	v3 =	vadd.f32 v3, v4;
	v4 =	vmul.f32 v9, v10;
	v9 =	vld.idx.msk [tilespmem:v13+s24+$0x0], $0xffff;
	v10 =	vor.u32 v15, v2  }
0x19e: {  	v6 =	vld.idx.msk [tilespmem:v39+s22+$0x0], $0xffff;
	v39 =	vor.u32 v15, v1;
	v15 =	vor.u32 $0x1009, v0  }
0x19f: {  	v3 =	vadd.f32 v4, v3;
	v4 =	vld.idx.msk [tilespmem:v12+s24+$0x0], $0xffff;
	v12 =	vor.u32 v15, v2  }
0x1a0: {  	v5 =	vmul.f32 v5, v7;
	v7 =	vld.idx.msk [tilespmem:v8+s22+$0x0], $0xffff;
	v8 =	vor.u32 v15, v1;
	v15 =	vor.u32 $0x100A, v0  }
0x1a1: {  	v14 =	vld.idx.msk [tilespmem:v14+s24+$0x0], $0xffff;
	v16 =	vor.u32 v15, v2  }
0x1a2: {  	v3 =	vadd.f32 v5, v3;
	v5 =	vmul.f32 v9, v11;
	v9 =	vld.idx.msk [tilespmem:v10+s22+$0x0], $0xffff;
	v10 =	vor.u32 v15, v1  }
0x1a3: {  	v11 =	vld.idx.msk [tilespmem:v39+s24+$0x0], $0xffff;
	v39 =	vor.u32 $0x100B, v0  }
0x1a4: {  	v3 =	vadd.f32 v5, v3;
	v4 =	vmul.f32 v4, v6;
	v5 =	vld.idx.msk [tilespmem:v12+s22+$0x0], $0xffff;
	v6 =	vor.u32 v39, v2  }
0x1a5: {  	v13 =	vor.u32 $0x100C, v0;
	v12 =	vor.u32 v39, v1;
	v8 =	vld.idx.msk [tilespmem:v8+s24+$0x0], $0xffff  }
0x1a6: {  	v39 =	vmul.f32 v14, v7;
	v14 =	vor.u32 v13, v2;
	v3 =	vadd.f32 v4, v3;
	v7 =	vld.idx.msk [tilespmem:v16+s22+$0x0], $0xffff  }
0x1a7: {  	v15 =	vor.u32 $0x100D, v0;
	v13 =	vor.u32 v13, v1;
	v10 =	vld.idx.msk [tilespmem:v10+s24+$0x0], $0xffff  }
0x1a8: {  	v3 =	vadd.f32 v39, v3;
	v39 =	vmul.f32 v11, v9;
	v9 =	vor.u32 v15, v2  }
0x1a9: {  	v11 =	vor.u32 v15, v1;
	v15 =	vor.u32 $0x100E, v0;
	v6 =	vld.idx.msk [tilespmem:v6+s22+$0x0], $0xffff  }
0x1aa: {  	v3 =	vadd.f32 v39, v3;
	v39 =	vmul.f32 v8, v5;
	v5 =	vld.idx.msk [tilespmem:v12+s24+$0x0], $0xffff;
	v8 =	vor.u32 v15, v2  }
0x1ab: {  	v12 =	vld.idx.msk [tilespmem:v14+s22+$0x0], $0xffff;
	v14 =	vor.u32 v15, v1;
	v15 =	vor.u32 $0x100F, v0  }
0x1ac: {  	v3 =	vadd.f32 v39, v3;
	v4 =	vmul.f32 v10, v7;
	v7 =	vld.idx.msk [tilespmem:v13+s24+$0x0], $0xffff;
	v10 =	vor.u32 v15, v2  }
0x1ad: {  	v39 =	vor.u32 v15, v1;
	v15 =	vor.u32 $0x1010, v0;
	v9 =	vld.idx.msk [tilespmem:v9+s22+$0x0], $0xffff  }
0x1ae: {  	v3 =	vadd.f32 v4, v3;
	v4 =	vld.idx.msk [tilespmem:v11+s24+$0x0], $0xffff;
	v11 =	vor.u32 v15, v2  }
0x1af: {  	v5 =	vmul.f32 v5, v6;
	v6 =	vld.idx.msk [tilespmem:v8+s22+$0x0], $0xffff;
	v8 =	vor.u32 v15, v1;
	v15 =	vor.u32 $0x1011, v0  }
0x1b0: {  	v14 =	vld.idx.msk [tilespmem:v14+s24+$0x0], $0xffff;
	v16 =	vor.u32 v15, v2  }
0x1b1: {  	v3 =	vadd.f32 v5, v3;
	v5 =	vmul.f32 v7, v12;
	v7 =	vld.idx.msk [tilespmem:v10+s22+$0x0], $0xffff;
	v10 =	vor.u32 v15, v1  }
0x1b2: {  	v12 =	vld.idx.msk [tilespmem:v39+s24+$0x0], $0xffff;
	v39 =	vor.u32 $0x1012, v0  }
0x1b3: {  	v3 =	vadd.f32 v5, v3;
	v4 =	vmul.f32 v4, v9;
	v5 =	vld.idx.msk [tilespmem:v11+s22+$0x0], $0xffff;
	v9 =	vor.u32 v39, v2  }
0x1b4: {  	v13 =	vor.u32 $0x1013, v0;
	v11 =	vor.u32 v39, v1;
	v8 =	vld.idx.msk [tilespmem:v8+s24+$0x0], $0xffff  }
0x1b5: {  	v39 =	vmul.f32 v14, v6;
	v14 =	vor.u32 v13, v2;
	v3 =	vadd.f32 v4, v3;
	v6 =	vld.idx.msk [tilespmem:v16+s22+$0x0], $0xffff  }
0x1b6: {  	v15 =	vor.u32 $0x1014, v0;
	v13 =	vor.u32 v13, v1;
	v10 =	vld.idx.msk [tilespmem:v10+s24+$0x0], $0xffff  }
0x1b7: {  	v3 =	vadd.f32 v39, v3;
	v39 =	vmul.f32 v12, v7;
	v7 =	vor.u32 v15, v2  }
0x1b8: {  	v12 =	vor.u32 v15, v1;
	v15 =	vor.u32 $0x1015, v0;
	v9 =	vld.idx.msk [tilespmem:v9+s22+$0x0], $0xffff  }
0x1b9: {  	v3 =	vadd.f32 v39, v3;
	v39 =	vmul.f32 v8, v5;
	v5 =	vld.idx.msk [tilespmem:v11+s24+$0x0], $0xffff;
	v8 =	vor.u32 v15, v2  }
0x1ba: {  	v11 =	vld.idx.msk [tilespmem:v14+s22+$0x0], $0xffff;
	v14 =	vor.u32 v15, v1;
	v15 =	vor.u32 $0x1016, v0  }
0x1bb: {  	v3 =	vadd.f32 v39, v3;
	v4 =	vmul.f32 v10, v6;
	v6 =	vld.idx.msk [tilespmem:v13+s24+$0x0], $0xffff;
	v10 =	vor.u32 v15, v2  }
0x1bc: {  	v39 =	vor.u32 v15, v1;
	v15 =	vor.u32 $0x1017, v0;
	v7 =	vld.idx.msk [tilespmem:v7+s22+$0x0], $0xffff  }
0x1bd: {  	v3 =	vadd.f32 v4, v3;
	v4 =	vld.idx.msk [tilespmem:v12+s24+$0x0], $0xffff;
	v12 =	vor.u32 v15, v2  }
0x1be: {  	v5 =	vmul.f32 v5, v9;
	v8 =	vld.idx.msk [tilespmem:v8+s22+$0x0], $0xffff;
	v9 =	vor.u32 v15, v1;
	v15 =	vor.u32 $0x1018, v0  }
0x1bf: {  	v14 =	vld.idx.msk [tilespmem:v14+s24+$0x0], $0xffff;
	v16 =	vor.u32 v15, v2  }
0x1c0: {  	v3 =	vadd.f32 v5, v3;
	v5 =	vmul.f32 v6, v11;
	v6 =	vld.idx.msk [tilespmem:v10+s22+$0x0], $0xffff;
	v10 =	vor.u32 v15, v1  }
0x1c1: {  	v11 =	vld.idx.msk [tilespmem:v39+s24+$0x0], $0xffff;
	v39 =	vor.u32 $0x1019, v0  }
0x1c2: {  	v3 =	vadd.f32 v5, v3;
	v4 =	vmul.f32 v4, v7;
	v5 =	vld.idx.msk [tilespmem:v12+s22+$0x0], $0xffff;
	v7 =	vor.u32 v39, v2  }
0x1c3: {  	v13 =	vor.u32 $0x101A, v0;
	v12 =	vor.u32 v39, v1;
	v9 =	vld.idx.msk [tilespmem:v9+s24+$0x0], $0xffff  }
0x1c4: {  	v39 =	vmul.f32 v14, v8;
	v14 =	vor.u32 v13, v2;
	v3 =	vadd.f32 v4, v3;
	v8 =	vld.idx.msk [tilespmem:v16+s22+$0x0], $0xffff  }
0x1c5: {  	v15 =	vor.u32 $0x101B, v0;
	v13 =	vor.u32 v13, v1;
	v10 =	vld.idx.msk [tilespmem:v10+s24+$0x0], $0xffff  }
0x1c6: {  	v3 =	vadd.f32 v39, v3;
	v39 =	vmul.f32 v11, v6;
	v6 =	vor.u32 v15, v2  }
0x1c7: {  	v11 =	vor.u32 v15, v1;
	v15 =	vor.u32 $0x101C, v0;
	v7 =	vld.idx.msk [tilespmem:v7+s22+$0x0], $0xffff  }
0x1c8: {  	v3 =	vadd.f32 v39, v3;
	v39 =	vmul.f32 v9, v5;
	v5 =	vld.idx.msk [tilespmem:v12+s24+$0x0], $0xffff;
	v9 =	vor.u32 v15, v2  }
0x1c9: {  	v12 =	vld.idx.msk [tilespmem:v14+s22+$0x0], $0xffff;
	v14 =	vor.u32 v15, v1;
	v15 =	vor.u32 $0x101D, v0  }
0x1ca: {  	v3 =	vadd.f32 v39, v3;
	v4 =	vmul.f32 v10, v8;
	v8 =	vld.idx.msk [tilespmem:v13+s24+$0x0], $0xffff;
	v10 =	vor.u32 v15, v2  }
0x1cb: {  	v39 =	vor.u32 v15, v1;
	v15 =	vor.u32 $0x101E, v0;
	v6 =	vld.idx.msk [tilespmem:v6+s22+$0x0], $0xffff  }
0x1cc: {  	v3 =	vadd.f32 v4, v3;
	v4 =	vld.idx.msk [tilespmem:v11+s24+$0x0], $0xffff;
	v11 =	vor.u32 v15, v2  }
0x1cd: {  	v5 =	vmul.f32 v5, v7;
	v7 =	vld.idx.msk [tilespmem:v9+s22+$0x0], $0xffff;
	v9 =	vor.u32 v15, v1;
	v15 =	vor.u32 $0x101F, v0  }
0x1ce: {  	v14 =	vld.idx.msk [tilespmem:v14+s24+$0x0], $0xffff;
	v2 =	vor.u32 v15, v2  }
0x1cf: {  	v12 =	vmul.f32 v8, v12;
	v8 =	vld.idx.msk [tilespmem:v10+s22+$0x0], $0xffff  }
0x1d0: {  	v1 =	vor.u32 v15, v1;
	v3 =	vadd.f32 v5, v3;
	v39 =	vld.idx.msk [tilespmem:v39+s24+$0x0], $0xffff  }
0x1d1: {  	v5 =	vld.idx.msk [tilespmem:v11+s22+$0x0], $0xffff  }
0x1d2: {  	v3 =	vadd.f32 v12, v3;
	v4 =	vmul.f32 v4, v6;
	v12 =	vld.idx.msk [tilespmem:v9+s24+$0x0], $0xffff  }
0x1d3: {  	v13 =	vmul.f32 v14, v7;
	v7 =	vld.idx.msk [tilespmem:v2+s22+$0x0], $0xffff  }
0x1d4: {  	v3 =	vadd.f32 v4, v3;
	v2 =	vld [tilespmem:s30+$0xFFFFFFF0]  }
0x1d5: {  	v1 =	vld.idx.msk [tilespmem:v1+s24+$0x0], $0xffff  }
0x1d6: {  	v14 =	vmul.f32 v39, v8;
	v39 =	vld [tilespmem:s30+$0x1F0];
	v3 =	vadd.f32 v13, v3;
	_ =	sdelay $0x1  }
0x1d7: {  	v3 =	vadd.f32 v14, v3;
	v11 =	vmul.f32 v12, v5  }
0x1d8: {  	v13 =	vor.u32 $0x1800, v0;
	v2 =	vshrl.u32 v2, $0x8  }
0x1d9: {  	v14 =	vmul.f32 v1, v7;
	v3 =	vadd.f32 v11, v3;
	v2 =	vand.u32 $0x60, v2  }
0x1da: {  	v12 =	vshrl.u32 v39, $0x8;
	v11 =	vor.u32 $0x1801, v0;
	v39 =	vor.u32 v13, v2  }
0x1db: {  	v1 =	vand.u32 $0x60, v12;
	v12 =	vor.u32 v11, v2  }
0x1dc: {  	v5 =	vor.u32 v13, v1;
	v3 =	vadd.f32 v14, v3  }
0x1dd: {  	v7 =	vor.u32 v11, v1;
	v13 =	vor.u32 $0x1802, v0  }
0x1de: {  	v8 =	vor.u32 v13, v1;
	[tilespmem:s30+$0x84E0] =	vst v3  }
0x1df: {  	v14 =	vor.u32 $0x1803, v0;
	v3 =	vor.u32 v13, v2;
	v4 =	vld.idx.msk [tilespmem:v39+s22+$0x0], $0xffff  }
0x1e0: {  	v10 =	vor.u32 v14, v2;
	v6 =	vld.idx.msk [tilespmem:v12+s22+$0x0], $0xffff  }
0x1e1: {  	v9 =	vor.u32 v14, v1;
	v5 =	vld.idx.msk [tilespmem:v5+s24+$0x0], $0xffff  }
0x1e2: {  	v39 =	vor.u32 $0x1804, v0;
	v7 =	vld.idx.msk [tilespmem:v7+s24+$0x0], $0xffff  }
0x1e3: {  	v12 =	vor.u32 v39, v2;
	v8 =	vld.idx.msk [tilespmem:v8+s24+$0x0], $0xffff  }
0x1e4: {  	v11 =	vor.u32 v39, v1;
	v39 =	vor.u32 $0x1805, v0;
	v3 =	vld.idx.msk [tilespmem:v3+s22+$0x0], $0xffff  }
0x1e5: {  	v10 =	vld.idx.msk [tilespmem:v10+s22+$0x0], $0xffff;
	v14 =	vor.u32 v39, v2  }
0x1e6: {  	v15 =	vor.u32 $0x1806, v0;
	v9 =	vld.idx.msk [tilespmem:v9+s24+$0x0], $0xffff;
	v13 =	vor.u32 v39, v1  }
0x1e7: {  	v39 =	vor.u32 v15, v2;
	v4 =	vmul.f32 v5, v4;
	v5 =	vmul.f32 v7, v6  }
0x1e8: {  	v7 =	vld.idx.msk [tilespmem:v12+s22+$0x0], $0xffff;
	v12 =	vor.u32 v15, v1;
	v15 =	vor.u32 $0x1807, v0  }
0x1e9: {  	v4 =	vadd.f32 v5, v4;
	v3 =	vmul.f32 v8, v3;
	v5 =	vld.idx.msk [tilespmem:v11+s24+$0x0], $0xffff;
	v8 =	vor.u32 v15, v2  }
0x1ea: {  	v11 =	vld.idx.msk [tilespmem:v14+s22+$0x0], $0xffff;
	v14 =	vor.u32 v15, v1;
	v15 =	vor.u32 $0x1808, v0  }
0x1eb: {  	v3 =	vadd.f32 v3, v4;
	v4 =	vmul.f32 v9, v10;
	v9 =	vld.idx.msk [tilespmem:v13+s24+$0x0], $0xffff;
	v10 =	vor.u32 v15, v2  }
0x1ec: {  	v6 =	vld.idx.msk [tilespmem:v39+s22+$0x0], $0xffff;
	v39 =	vor.u32 v15, v1;
	v15 =	vor.u32 $0x1809, v0  }
0x1ed: {  	v3 =	vadd.f32 v4, v3;
	v4 =	vld.idx.msk [tilespmem:v12+s24+$0x0], $0xffff;
	v12 =	vor.u32 v15, v2  }
0x1ee: {  	v5 =	vmul.f32 v5, v7;
	v7 =	vld.idx.msk [tilespmem:v8+s22+$0x0], $0xffff;
	v8 =	vor.u32 v15, v1;
	v15 =	vor.u32 $0x180A, v0  }
0x1ef: {  	v14 =	vld.idx.msk [tilespmem:v14+s24+$0x0], $0xffff;
	v16 =	vor.u32 v15, v2  }
0x1f0: {  	v3 =	vadd.f32 v5, v3;
	v5 =	vmul.f32 v9, v11;
	v9 =	vld.idx.msk [tilespmem:v10+s22+$0x0], $0xffff;
	v10 =	vor.u32 v15, v1  }
0x1f1: {  	v11 =	vld.idx.msk [tilespmem:v39+s24+$0x0], $0xffff;
	v39 =	vor.u32 $0x180B, v0  }
0x1f2: {  	v3 =	vadd.f32 v5, v3;
	v4 =	vmul.f32 v4, v6;
	v5 =	vld.idx.msk [tilespmem:v12+s22+$0x0], $0xffff;
	v6 =	vor.u32 v39, v2  }
0x1f3: {  	v13 =	vor.u32 $0x180C, v0;
	v12 =	vor.u32 v39, v1;
	v8 =	vld.idx.msk [tilespmem:v8+s24+$0x0], $0xffff  }
0x1f4: {  	v39 =	vmul.f32 v14, v7;
	v14 =	vor.u32 v13, v2;
	v3 =	vadd.f32 v4, v3;
	v7 =	vld.idx.msk [tilespmem:v16+s22+$0x0], $0xffff  }
0x1f5: {  	v15 =	vor.u32 $0x180D, v0;
	v13 =	vor.u32 v13, v1;
	v10 =	vld.idx.msk [tilespmem:v10+s24+$0x0], $0xffff  }
0x1f6: {  	v3 =	vadd.f32 v39, v3;
	v39 =	vmul.f32 v11, v9;
	v9 =	vor.u32 v15, v2  }
0x1f7: {  	v11 =	vor.u32 v15, v1;
	v15 =	vor.u32 $0x180E, v0;
	v6 =	vld.idx.msk [tilespmem:v6+s22+$0x0], $0xffff  }
0x1f8: {  	v3 =	vadd.f32 v39, v3;
	v39 =	vmul.f32 v8, v5;
	v5 =	vld.idx.msk [tilespmem:v12+s24+$0x0], $0xffff;
	v8 =	vor.u32 v15, v2  }
0x1f9: {  	v12 =	vld.idx.msk [tilespmem:v14+s22+$0x0], $0xffff;
	v14 =	vor.u32 v15, v1;
	v15 =	vor.u32 $0x180F, v0  }
0x1fa: {  	v3 =	vadd.f32 v39, v3;
	v4 =	vmul.f32 v10, v7;
	v7 =	vld.idx.msk [tilespmem:v13+s24+$0x0], $0xffff;
	v10 =	vor.u32 v15, v2  }
0x1fb: {  	v39 =	vor.u32 v15, v1;
	v15 =	vor.u32 $0x1810, v0;
	v9 =	vld.idx.msk [tilespmem:v9+s22+$0x0], $0xffff  }
0x1fc: {  	v3 =	vadd.f32 v4, v3;
	v4 =	vld.idx.msk [tilespmem:v11+s24+$0x0], $0xffff;
	v11 =	vor.u32 v15, v2  }
0x1fd: {  	v5 =	vmul.f32 v5, v6;
	v6 =	vld.idx.msk [tilespmem:v8+s22+$0x0], $0xffff;
	v8 =	vor.u32 v15, v1;
	v15 =	vor.u32 $0x1811, v0  }
0x1fe: {  	v14 =	vld.idx.msk [tilespmem:v14+s24+$0x0], $0xffff;
	v16 =	vor.u32 v15, v2  }
0x1ff: {  	v3 =	vadd.f32 v5, v3;
	v5 =	vmul.f32 v7, v12;
	v7 =	vld.idx.msk [tilespmem:v10+s22+$0x0], $0xffff;
	v10 =	vor.u32 v15, v1  }
0x200: {  	v12 =	vld.idx.msk [tilespmem:v39+s24+$0x0], $0xffff;
	v39 =	vor.u32 $0x1812, v0  }
0x201: {  	v3 =	vadd.f32 v5, v3;
	v4 =	vmul.f32 v4, v9;
	v5 =	vld.idx.msk [tilespmem:v11+s22+$0x0], $0xffff;
	v9 =	vor.u32 v39, v2  }
0x202: {  	v13 =	vor.u32 $0x1813, v0;
	v11 =	vor.u32 v39, v1;
	v8 =	vld.idx.msk [tilespmem:v8+s24+$0x0], $0xffff  }
0x203: {  	v39 =	vmul.f32 v14, v6;
	v14 =	vor.u32 v13, v2;
	v3 =	vadd.f32 v4, v3;
	v6 =	vld.idx.msk [tilespmem:v16+s22+$0x0], $0xffff  }
0x204: {  	v15 =	vor.u32 $0x1814, v0;
	v13 =	vor.u32 v13, v1;
	v10 =	vld.idx.msk [tilespmem:v10+s24+$0x0], $0xffff  }
0x205: {  	v3 =	vadd.f32 v39, v3;
	v39 =	vmul.f32 v12, v7;
	v7 =	vor.u32 v15, v2  }
0x206: {  	v12 =	vor.u32 v15, v1;
	v15 =	vor.u32 $0x1815, v0;
	v9 =	vld.idx.msk [tilespmem:v9+s22+$0x0], $0xffff  }
0x207: {  	v3 =	vadd.f32 v39, v3;
	v39 =	vmul.f32 v8, v5;
	v5 =	vld.idx.msk [tilespmem:v11+s24+$0x0], $0xffff;
	v8 =	vor.u32 v15, v2  }
0x208: {  	v11 =	vld.idx.msk [tilespmem:v14+s22+$0x0], $0xffff;
	v14 =	vor.u32 v15, v1;
	v15 =	vor.u32 $0x1816, v0  }
0x209: {  	v3 =	vadd.f32 v39, v3;
	v4 =	vmul.f32 v10, v6;
	v6 =	vld.idx.msk [tilespmem:v13+s24+$0x0], $0xffff;
	v10 =	vor.u32 v15, v2  }
0x20a: {  	v39 =	vor.u32 v15, v1;
	v15 =	vor.u32 $0x1817, v0;
	v7 =	vld.idx.msk [tilespmem:v7+s22+$0x0], $0xffff  }
0x20b: {  	v3 =	vadd.f32 v4, v3;
	v4 =	vld.idx.msk [tilespmem:v12+s24+$0x0], $0xffff;
	v12 =	vor.u32 v15, v2  }
0x20c: {  	v5 =	vmul.f32 v5, v9;
	v8 =	vld.idx.msk [tilespmem:v8+s22+$0x0], $0xffff;
	v9 =	vor.u32 v15, v1;
	v15 =	vor.u32 $0x1818, v0  }
0x20d: {  	v14 =	vld.idx.msk [tilespmem:v14+s24+$0x0], $0xffff;
	v16 =	vor.u32 v15, v2  }
0x20e: {  	v3 =	vadd.f32 v5, v3;
	v5 =	vmul.f32 v6, v11;
	v6 =	vld.idx.msk [tilespmem:v10+s22+$0x0], $0xffff;
	v10 =	vor.u32 v15, v1  }
0x20f: {  	v11 =	vld.idx.msk [tilespmem:v39+s24+$0x0], $0xffff;
	v39 =	vor.u32 $0x1819, v0  }
0x210: {  	v3 =	vadd.f32 v5, v3;
	v4 =	vmul.f32 v4, v7;
	v5 =	vld.idx.msk [tilespmem:v12+s22+$0x0], $0xffff;
	v7 =	vor.u32 v39, v2  }
0x211: {  	v13 =	vor.u32 $0x181A, v0;
	v12 =	vor.u32 v39, v1;
	v9 =	vld.idx.msk [tilespmem:v9+s24+$0x0], $0xffff  }
0x212: {  	v39 =	vmul.f32 v14, v8;
	v14 =	vor.u32 v13, v2;
	v3 =	vadd.f32 v4, v3;
	v8 =	vld.idx.msk [tilespmem:v16+s22+$0x0], $0xffff  }
0x213: {  	v15 =	vor.u32 $0x181B, v0;
	v13 =	vor.u32 v13, v1;
	v10 =	vld.idx.msk [tilespmem:v10+s24+$0x0], $0xffff  }
0x214: {  	v3 =	vadd.f32 v39, v3;
	v39 =	vmul.f32 v11, v6;
	v6 =	vor.u32 v15, v2  }
0x215: {  	v11 =	vor.u32 v15, v1;
	v15 =	vor.u32 $0x181C, v0;
	v7 =	vld.idx.msk [tilespmem:v7+s22+$0x0], $0xffff  }
0x216: {  	v3 =	vadd.f32 v39, v3;
	v39 =	vmul.f32 v9, v5;
	v5 =	vld.idx.msk [tilespmem:v12+s24+$0x0], $0xffff;
	v9 =	vor.u32 v15, v2  }
0x217: {  	v12 =	vld.idx.msk [tilespmem:v14+s22+$0x0], $0xffff;
	v14 =	vor.u32 v15, v1;
	v15 =	vor.u32 $0x181D, v0  }
0x218: {  	v3 =	vadd.f32 v39, v3;
	v4 =	vmul.f32 v10, v8;
	v8 =	vld.idx.msk [tilespmem:v13+s24+$0x0], $0xffff;
	v10 =	vor.u32 v15, v2  }
0x219: {  	v39 =	vor.u32 v15, v1;
	v15 =	vor.u32 $0x181E, v0;
	v6 =	vld.idx.msk [tilespmem:v6+s22+$0x0], $0xffff  }
0x21a: {  	v3 =	vadd.f32 v4, v3;
	v4 =	vld.idx.msk [tilespmem:v11+s24+$0x0], $0xffff;
	v11 =	vor.u32 v15, v2  }
0x21b: {  	v5 =	vmul.f32 v5, v7;
	v7 =	vld.idx.msk [tilespmem:v9+s22+$0x0], $0xffff;
	v9 =	vor.u32 v15, v1;
	v15 =	vor.u32 $0x181F, v0  }
0x21c: {  	v14 =	vld.idx.msk [tilespmem:v14+s24+$0x0], $0xffff;
	v2 =	vor.u32 v15, v2  }
0x21d: {  	v12 =	vmul.f32 v8, v12;
	v8 =	vld.idx.msk [tilespmem:v10+s22+$0x0], $0xffff  }
0x21e: {  	v1 =	vor.u32 v15, v1;
	v3 =	vadd.f32 v5, v3;
	v39 =	vld.idx.msk [tilespmem:v39+s24+$0x0], $0xffff  }
0x21f: {  	v5 =	vld.idx.msk [tilespmem:v11+s22+$0x0], $0xffff  }
0x220: {  	v3 =	vadd.f32 v12, v3;
	v4 =	vmul.f32 v4, v6;
	v12 =	vld.idx.msk [tilespmem:v9+s24+$0x0], $0xffff  }
0x221: {  	v13 =	vmul.f32 v14, v7;
	v7 =	vld.idx.msk [tilespmem:v2+s22+$0x0], $0xffff  }
0x222: {  	v3 =	vadd.f32 v4, v3;
	v2 =	vld [tilespmem:s30+$0x0]  }
0x223: {  	v1 =	vld.idx.msk [tilespmem:v1+s24+$0x0], $0xffff  }
0x224: {  	v14 =	vmul.f32 v39, v8;
	v39 =	vld [tilespmem:s30+$0x200];
	v3 =	vadd.f32 v13, v3;
	_ =	sdelay $0x1  }
0x225: {  	v3 =	vadd.f32 v14, v3;
	v11 =	vmul.f32 v12, v5  }
0x226: {  	v13 =	vor.u32 $0x2000, v0;
	v2 =	vshrl.u32 v2, $0x8  }
0x227: {  	v14 =	vmul.f32 v1, v7;
	v3 =	vadd.f32 v11, v3;
	v2 =	vand.u32 $0x60, v2  }
0x228: {  	v12 =	vshrl.u32 v39, $0x8;
	v11 =	vor.u32 $0x2001, v0;
	v39 =	vor.u32 v13, v2  }
0x229: {  	v1 =	vand.u32 $0x60, v12;
	v12 =	vor.u32 v11, v2  }
0x22a: {  	v5 =	vor.u32 v13, v1;
	v3 =	vadd.f32 v14, v3  }
0x22b: {  	v7 =	vor.u32 v11, v1;
	v13 =	vor.u32 $0x2002, v0  }
0x22c: {  	v8 =	vor.u32 v13, v1;
	[tilespmem:s30+$0x84F0] =	vst v3  }
0x22d: {  	v14 =	vor.u32 $0x2003, v0;
	v3 =	vor.u32 v13, v2;
	v4 =	vld.idx.msk [tilespmem:v39+s22+$0x0], $0xffff  }
0x22e: {  	v10 =	vor.u32 v14, v2;
	v6 =	vld.idx.msk [tilespmem:v12+s22+$0x0], $0xffff  }
0x22f: {  	v9 =	vor.u32 v14, v1;
	v5 =	vld.idx.msk [tilespmem:v5+s24+$0x0], $0xffff  }
0x230: {  	v39 =	vor.u32 $0x2004, v0;
	v7 =	vld.idx.msk [tilespmem:v7+s24+$0x0], $0xffff  }
0x231: {  	v12 =	vor.u32 v39, v2;
	v8 =	vld.idx.msk [tilespmem:v8+s24+$0x0], $0xffff  }
0x232: {  	v11 =	vor.u32 v39, v1;
	v39 =	vor.u32 $0x2005, v0;
	v3 =	vld.idx.msk [tilespmem:v3+s22+$0x0], $0xffff  }
0x233: {  	v10 =	vld.idx.msk [tilespmem:v10+s22+$0x0], $0xffff;
	v14 =	vor.u32 v39, v2  }
0x234: {  	v15 =	vor.u32 $0x2006, v0;
	v9 =	vld.idx.msk [tilespmem:v9+s24+$0x0], $0xffff;
	v13 =	vor.u32 v39, v1  }
0x235: {  	v39 =	vor.u32 v15, v2;
	v4 =	vmul.f32 v5, v4;
	v5 =	vmul.f32 v7, v6  }
0x236: {  	v7 =	vld.idx.msk [tilespmem:v12+s22+$0x0], $0xffff;
	v12 =	vor.u32 v15, v1;
	v15 =	vor.u32 $0x2007, v0  }
0x237: {  	v4 =	vadd.f32 v5, v4;
	v3 =	vmul.f32 v8, v3;
	v5 =	vld.idx.msk [tilespmem:v11+s24+$0x0], $0xffff;
	v8 =	vor.u32 v15, v2  }
0x238: {  	v11 =	vld.idx.msk [tilespmem:v14+s22+$0x0], $0xffff;
	v14 =	vor.u32 v15, v1;
	v15 =	vor.u32 $0x2008, v0  }
0x239: {  	v3 =	vadd.f32 v3, v4;
	v4 =	vmul.f32 v9, v10;
	v9 =	vld.idx.msk [tilespmem:v13+s24+$0x0], $0xffff;
	v10 =	vor.u32 v15, v2  }
0x23a: {  	v6 =	vld.idx.msk [tilespmem:v39+s22+$0x0], $0xffff;
	v39 =	vor.u32 v15, v1;
	v15 =	vor.u32 $0x2009, v0  }
0x23b: {  	v3 =	vadd.f32 v4, v3;
	v4 =	vld.idx.msk [tilespmem:v12+s24+$0x0], $0xffff;
	v12 =	vor.u32 v15, v2  }
0x23c: {  	v5 =	vmul.f32 v5, v7;
	v7 =	vld.idx.msk [tilespmem:v8+s22+$0x0], $0xffff;
	v8 =	vor.u32 v15, v1;
	v15 =	vor.u32 $0x200A, v0  }
0x23d: {  	v14 =	vld.idx.msk [tilespmem:v14+s24+$0x0], $0xffff;
	v16 =	vor.u32 v15, v2  }
0x23e: {  	v3 =	vadd.f32 v5, v3;
	v5 =	vmul.f32 v9, v11;
	v9 =	vld.idx.msk [tilespmem:v10+s22+$0x0], $0xffff;
	v10 =	vor.u32 v15, v1  }
0x23f: {  	v11 =	vld.idx.msk [tilespmem:v39+s24+$0x0], $0xffff;
	v39 =	vor.u32 $0x200B, v0  }
0x240: {  	v3 =	vadd.f32 v5, v3;
	v4 =	vmul.f32 v4, v6;
	v5 =	vld.idx.msk [tilespmem:v12+s22+$0x0], $0xffff;
	v6 =	vor.u32 v39, v2  }
0x241: {  	v13 =	vor.u32 $0x200C, v0;
	v12 =	vor.u32 v39, v1;
	v8 =	vld.idx.msk [tilespmem:v8+s24+$0x0], $0xffff  }
0x242: {  	v39 =	vmul.f32 v14, v7;
	v14 =	vor.u32 v13, v2;
	v3 =	vadd.f32 v4, v3;
	v7 =	vld.idx.msk [tilespmem:v16+s22+$0x0], $0xffff  }
0x243: {  	v15 =	vor.u32 $0x200D, v0;
	v13 =	vor.u32 v13, v1;
	v10 =	vld.idx.msk [tilespmem:v10+s24+$0x0], $0xffff  }
0x244: {  	v3 =	vadd.f32 v39, v3;
	v39 =	vmul.f32 v11, v9;
	v9 =	vor.u32 v15, v2  }
0x245: {  	v11 =	vor.u32 v15, v1;
	v15 =	vor.u32 $0x200E, v0;
	v6 =	vld.idx.msk [tilespmem:v6+s22+$0x0], $0xffff  }
0x246: {  	v3 =	vadd.f32 v39, v3;
	v39 =	vmul.f32 v8, v5;
	v5 =	vld.idx.msk [tilespmem:v12+s24+$0x0], $0xffff;
	v8 =	vor.u32 v15, v2  }
0x247: {  	v12 =	vld.idx.msk [tilespmem:v14+s22+$0x0], $0xffff;
	v14 =	vor.u32 v15, v1;
	v15 =	vor.u32 $0x200F, v0  }
0x248: {  	v3 =	vadd.f32 v39, v3;
	v4 =	vmul.f32 v10, v7;
	v7 =	vld.idx.msk [tilespmem:v13+s24+$0x0], $0xffff;
	v10 =	vor.u32 v15, v2  }
0x249: {  	v39 =	vor.u32 v15, v1;
	v15 =	vor.u32 $0x2010, v0;
	v9 =	vld.idx.msk [tilespmem:v9+s22+$0x0], $0xffff  }
0x24a: {  	v3 =	vadd.f32 v4, v3;
	v4 =	vld.idx.msk [tilespmem:v11+s24+$0x0], $0xffff;
	v11 =	vor.u32 v15, v2  }
0x24b: {  	v5 =	vmul.f32 v5, v6;
	v6 =	vld.idx.msk [tilespmem:v8+s22+$0x0], $0xffff;
	v8 =	vor.u32 v15, v1;
	v15 =	vor.u32 $0x2011, v0  }
0x24c: {  	v14 =	vld.idx.msk [tilespmem:v14+s24+$0x0], $0xffff;
	v16 =	vor.u32 v15, v2  }
0x24d: {  	v3 =	vadd.f32 v5, v3;
	v5 =	vmul.f32 v7, v12;
	v7 =	vld.idx.msk [tilespmem:v10+s22+$0x0], $0xffff;
	v10 =	vor.u32 v15, v1  }
0x24e: {  	v12 =	vld.idx.msk [tilespmem:v39+s24+$0x0], $0xffff;
	v39 =	vor.u32 $0x2012, v0  }
0x24f: {  	v3 =	vadd.f32 v5, v3;
	v4 =	vmul.f32 v4, v9;
	v5 =	vld.idx.msk [tilespmem:v11+s22+$0x0], $0xffff;
	v9 =	vor.u32 v39, v2  }
0x250: {  	v13 =	vor.u32 $0x2013, v0;
	v11 =	vor.u32 v39, v1;
	v8 =	vld.idx.msk [tilespmem:v8+s24+$0x0], $0xffff  }
0x251: {  	v39 =	vmul.f32 v14, v6;
	v14 =	vor.u32 v13, v2;
	v3 =	vadd.f32 v4, v3;
	v6 =	vld.idx.msk [tilespmem:v16+s22+$0x0], $0xffff  }
0x252: {  	v15 =	vor.u32 $0x2014, v0;
	v13 =	vor.u32 v13, v1;
	v10 =	vld.idx.msk [tilespmem:v10+s24+$0x0], $0xffff  }
0x253: {  	v3 =	vadd.f32 v39, v3;
	v39 =	vmul.f32 v12, v7;
	v7 =	vor.u32 v15, v2  }
0x254: {  	v12 =	vor.u32 v15, v1;
	v15 =	vor.u32 $0x2015, v0;
	v9 =	vld.idx.msk [tilespmem:v9+s22+$0x0], $0xffff  }
0x255: {  	v3 =	vadd.f32 v39, v3;
	v39 =	vmul.f32 v8, v5;
	v5 =	vld.idx.msk [tilespmem:v11+s24+$0x0], $0xffff;
	v8 =	vor.u32 v15, v2  }
0x256: {  	v11 =	vld.idx.msk [tilespmem:v14+s22+$0x0], $0xffff;
	v14 =	vor.u32 v15, v1;
	v15 =	vor.u32 $0x2016, v0  }
0x257: {  	v3 =	vadd.f32 v39, v3;
	v4 =	vmul.f32 v10, v6;
	v6 =	vld.idx.msk [tilespmem:v13+s24+$0x0], $0xffff;
	v10 =	vor.u32 v15, v2  }
0x258: {  	v39 =	vor.u32 v15, v1;
	v15 =	vor.u32 $0x2017, v0;
	v7 =	vld.idx.msk [tilespmem:v7+s22+$0x0], $0xffff  }
0x259: {  	v3 =	vadd.f32 v4, v3;
	v4 =	vld.idx.msk [tilespmem:v12+s24+$0x0], $0xffff;
	v12 =	vor.u32 v15, v2  }
0x25a: {  	v5 =	vmul.f32 v5, v9;
	v8 =	vld.idx.msk [tilespmem:v8+s22+$0x0], $0xffff;
	v9 =	vor.u32 v15, v1;
	v15 =	vor.u32 $0x2018, v0  }
0x25b: {  	v14 =	vld.idx.msk [tilespmem:v14+s24+$0x0], $0xffff;
	v16 =	vor.u32 v15, v2  }
0x25c: {  	v3 =	vadd.f32 v5, v3;
	v5 =	vmul.f32 v6, v11;
	v6 =	vld.idx.msk [tilespmem:v10+s22+$0x0], $0xffff;
	v10 =	vor.u32 v15, v1  }
0x25d: {  	v11 =	vld.idx.msk [tilespmem:v39+s24+$0x0], $0xffff;
	v39 =	vor.u32 $0x2019, v0  }
0x25e: {  	v3 =	vadd.f32 v5, v3;
	v4 =	vmul.f32 v4, v7;
	v5 =	vld.idx.msk [tilespmem:v12+s22+$0x0], $0xffff;
	v7 =	vor.u32 v39, v2  }
0x25f: {  	v13 =	vor.u32 $0x201A, v0;
	v12 =	vor.u32 v39, v1;
	v9 =	vld.idx.msk [tilespmem:v9+s24+$0x0], $0xffff  }
0x260: {  	v39 =	vmul.f32 v14, v8;
	v14 =	vor.u32 v13, v2;
	v3 =	vadd.f32 v4, v3;
	v8 =	vld.idx.msk [tilespmem:v16+s22+$0x0], $0xffff  }
0x261: {  	v15 =	vor.u32 $0x201B, v0;
	v13 =	vor.u32 v13, v1;
	v10 =	vld.idx.msk [tilespmem:v10+s24+$0x0], $0xffff  }
0x262: {  	v3 =	vadd.f32 v39, v3;
	v39 =	vmul.f32 v11, v6;
	v6 =	vor.u32 v15, v2  }
0x263: {  	v11 =	vor.u32 v15, v1;
	v15 =	vor.u32 $0x201C, v0;
	v7 =	vld.idx.msk [tilespmem:v7+s22+$0x0], $0xffff  }
0x264: {  	v3 =	vadd.f32 v39, v3;
	v39 =	vmul.f32 v9, v5;
	v5 =	vld.idx.msk [tilespmem:v12+s24+$0x0], $0xffff;
	v9 =	vor.u32 v15, v2  }
0x265: {  	v12 =	vld.idx.msk [tilespmem:v14+s22+$0x0], $0xffff;
	v14 =	vor.u32 v15, v1;
	v15 =	vor.u32 $0x201D, v0  }
0x266: {  	v3 =	vadd.f32 v39, v3;
	v4 =	vmul.f32 v10, v8;
	v8 =	vld.idx.msk [tilespmem:v13+s24+$0x0], $0xffff;
	v10 =	vor.u32 v15, v2  }
0x267: {  	v39 =	vor.u32 v15, v1;
	v15 =	vor.u32 $0x201E, v0;
	v6 =	vld.idx.msk [tilespmem:v6+s22+$0x0], $0xffff  }
0x268: {  	v3 =	vadd.f32 v4, v3;
	v4 =	vld.idx.msk [tilespmem:v11+s24+$0x0], $0xffff;
	v11 =	vor.u32 v15, v2  }
0x269: {  	v5 =	vmul.f32 v5, v7;
	v7 =	vld.idx.msk [tilespmem:v9+s22+$0x0], $0xffff;
	v9 =	vor.u32 v15, v1;
	v15 =	vor.u32 $0x201F, v0  }
0x26a: {  	v14 =	vld.idx.msk [tilespmem:v14+s24+$0x0], $0xffff;
	v2 =	vor.u32 v15, v2  }
0x26b: {  	v12 =	vmul.f32 v8, v12;
	v8 =	vld.idx.msk [tilespmem:v10+s22+$0x0], $0xffff  }
0x26c: {  	v1 =	vor.u32 v15, v1;
	v3 =	vadd.f32 v5, v3;
	v39 =	vld.idx.msk [tilespmem:v39+s24+$0x0], $0xffff  }
0x26d: {  	v5 =	vld.idx.msk [tilespmem:v11+s22+$0x0], $0xffff  }
0x26e: {  	v3 =	vadd.f32 v12, v3;
	v4 =	vmul.f32 v4, v6;
	v12 =	vld.idx.msk [tilespmem:v9+s24+$0x0], $0xffff  }
0x26f: {  	v13 =	vmul.f32 v14, v7;
	v7 =	vld.idx.msk [tilespmem:v2+s22+$0x0], $0xffff  }
0x270: {  	v3 =	vadd.f32 v4, v3;
	v2 =	vld [tilespmem:s30+$0x10]  }
0x271: {  	v1 =	vld.idx.msk [tilespmem:v1+s24+$0x0], $0xffff  }
0x272: {  	v14 =	vmul.f32 v39, v8;
	v39 =	vld [tilespmem:s30+$0x210];
	v3 =	vadd.f32 v13, v3;
	_ =	sdelay $0x1  }
0x273: {  	v3 =	vadd.f32 v14, v3;
	v11 =	vmul.f32 v12, v5  }
0x274: {  	v13 =	vor.u32 $0x2800, v0;
	v2 =	vshrl.u32 v2, $0x8  }
0x275: {  	v14 =	vmul.f32 v1, v7;
	v3 =	vadd.f32 v11, v3;
	v2 =	vand.u32 $0x60, v2  }
0x276: {  	v12 =	vshrl.u32 v39, $0x8;
	v11 =	vor.u32 $0x2801, v0;
	v39 =	vor.u32 v13, v2  }
0x277: {  	v1 =	vand.u32 $0x60, v12;
	v12 =	vor.u32 v11, v2  }
0x278: {  	v5 =	vor.u32 v13, v1;
	v3 =	vadd.f32 v14, v3  }
0x279: {  	v7 =	vor.u32 v11, v1;
	v13 =	vor.u32 $0x2802, v0  }
0x27a: {  	v8 =	vor.u32 v13, v1;
	[tilespmem:s30+$0x8500] =	vst v3  }
0x27b: {  	v14 =	vor.u32 $0x2803, v0;
	v3 =	vor.u32 v13, v2;
	v4 =	vld.idx.msk [tilespmem:v39+s22+$0x0], $0xffff  }
0x27c: {  	v10 =	vor.u32 v14, v2;
	v6 =	vld.idx.msk [tilespmem:v12+s22+$0x0], $0xffff  }
0x27d: {  	v9 =	vor.u32 v14, v1;
	v5 =	vld.idx.msk [tilespmem:v5+s24+$0x0], $0xffff  }
0x27e: {  	v39 =	vor.u32 $0x2804, v0;
	v7 =	vld.idx.msk [tilespmem:v7+s24+$0x0], $0xffff  }
0x27f: {  	v12 =	vor.u32 v39, v2;
	v8 =	vld.idx.msk [tilespmem:v8+s24+$0x0], $0xffff  }
0x280: {  	v11 =	vor.u32 v39, v1;
	v39 =	vor.u32 $0x2805, v0;
	v3 =	vld.idx.msk [tilespmem:v3+s22+$0x0], $0xffff  }
0x281: {  	v10 =	vld.idx.msk [tilespmem:v10+s22+$0x0], $0xffff;
	v14 =	vor.u32 v39, v2  }
0x282: {  	v15 =	vor.u32 $0x2806, v0;
	v9 =	vld.idx.msk [tilespmem:v9+s24+$0x0], $0xffff;
	v13 =	vor.u32 v39, v1  }
0x283: {  	v39 =	vor.u32 v15, v2;
	v4 =	vmul.f32 v5, v4;
	v5 =	vmul.f32 v7, v6  }
0x284: {  	v7 =	vld.idx.msk [tilespmem:v12+s22+$0x0], $0xffff;
	v12 =	vor.u32 v15, v1;
	v15 =	vor.u32 $0x2807, v0  }
0x285: {  	v4 =	vadd.f32 v5, v4;
	v3 =	vmul.f32 v8, v3;
	v5 =	vld.idx.msk [tilespmem:v11+s24+$0x0], $0xffff;
	v8 =	vor.u32 v15, v2  }
0x286: {  	v11 =	vld.idx.msk [tilespmem:v14+s22+$0x0], $0xffff;
	v14 =	vor.u32 v15, v1;
	v15 =	vor.u32 $0x2808, v0  }
0x287: {  	v3 =	vadd.f32 v3, v4;
	v4 =	vmul.f32 v9, v10;
	v9 =	vld.idx.msk [tilespmem:v13+s24+$0x0], $0xffff;
	v10 =	vor.u32 v15, v2  }
0x288: {  	v6 =	vld.idx.msk [tilespmem:v39+s22+$0x0], $0xffff;
	v39 =	vor.u32 v15, v1;
	v15 =	vor.u32 $0x2809, v0  }
0x289: {  	v3 =	vadd.f32 v4, v3;
	v4 =	vld.idx.msk [tilespmem:v12+s24+$0x0], $0xffff;
	v12 =	vor.u32 v15, v2  }
0x28a: {  	v5 =	vmul.f32 v5, v7;
	v7 =	vld.idx.msk [tilespmem:v8+s22+$0x0], $0xffff;
	v8 =	vor.u32 v15, v1;
	v15 =	vor.u32 $0x280A, v0  }
0x28b: {  	v14 =	vld.idx.msk [tilespmem:v14+s24+$0x0], $0xffff;
	v16 =	vor.u32 v15, v2  }
0x28c: {  	v3 =	vadd.f32 v5, v3;
	v5 =	vmul.f32 v9, v11;
	v9 =	vld.idx.msk [tilespmem:v10+s22+$0x0], $0xffff;
	v10 =	vor.u32 v15, v1  }
0x28d: {  	v11 =	vld.idx.msk [tilespmem:v39+s24+$0x0], $0xffff;
	v39 =	vor.u32 $0x280B, v0  }
0x28e: {  	v3 =	vadd.f32 v5, v3;
	v4 =	vmul.f32 v4, v6;
	v5 =	vld.idx.msk [tilespmem:v12+s22+$0x0], $0xffff;
	v6 =	vor.u32 v39, v2  }
0x28f: {  	v13 =	vor.u32 $0x280C, v0;
	v12 =	vor.u32 v39, v1;
	v8 =	vld.idx.msk [tilespmem:v8+s24+$0x0], $0xffff  }
0x290: {  	v39 =	vmul.f32 v14, v7;
	v14 =	vor.u32 v13, v2;
	v3 =	vadd.f32 v4, v3;
	v7 =	vld.idx.msk [tilespmem:v16+s22+$0x0], $0xffff  }
0x291: {  	v15 =	vor.u32 $0x280D, v0;
	v13 =	vor.u32 v13, v1;
	v10 =	vld.idx.msk [tilespmem:v10+s24+$0x0], $0xffff  }
0x292: {  	v3 =	vadd.f32 v39, v3;
	v39 =	vmul.f32 v11, v9;
	v9 =	vor.u32 v15, v2  }
0x293: {  	v11 =	vor.u32 v15, v1;
	v15 =	vor.u32 $0x280E, v0;
	v6 =	vld.idx.msk [tilespmem:v6+s22+$0x0], $0xffff  }
0x294: {  	v3 =	vadd.f32 v39, v3;
	v39 =	vmul.f32 v8, v5;
	v5 =	vld.idx.msk [tilespmem:v12+s24+$0x0], $0xffff;
	v8 =	vor.u32 v15, v2  }
0x295: {  	v12 =	vld.idx.msk [tilespmem:v14+s22+$0x0], $0xffff;
	v14 =	vor.u32 v15, v1;
	v15 =	vor.u32 $0x280F, v0  }
0x296: {  	v3 =	vadd.f32 v39, v3;
	v4 =	vmul.f32 v10, v7;
	v7 =	vld.idx.msk [tilespmem:v13+s24+$0x0], $0xffff;
	v10 =	vor.u32 v15, v2  }
0x297: {  	v39 =	vor.u32 v15, v1;
	v15 =	vor.u32 $0x2810, v0;
	v9 =	vld.idx.msk [tilespmem:v9+s22+$0x0], $0xffff  }
0x298: {  	v3 =	vadd.f32 v4, v3;
	v4 =	vld.idx.msk [tilespmem:v11+s24+$0x0], $0xffff;
	v11 =	vor.u32 v15, v2  }
0x299: {  	v5 =	vmul.f32 v5, v6;
	v6 =	vld.idx.msk [tilespmem:v8+s22+$0x0], $0xffff;
	v8 =	vor.u32 v15, v1;
	v15 =	vor.u32 $0x2811, v0  }
0x29a: {  	v14 =	vld.idx.msk [tilespmem:v14+s24+$0x0], $0xffff;
	v16 =	vor.u32 v15, v2  }
0x29b: {  	v3 =	vadd.f32 v5, v3;
	v5 =	vmul.f32 v7, v12;
	v7 =	vld.idx.msk [tilespmem:v10+s22+$0x0], $0xffff;
	v10 =	vor.u32 v15, v1  }
0x29c: {  	v12 =	vld.idx.msk [tilespmem:v39+s24+$0x0], $0xffff;
	v39 =	vor.u32 $0x2812, v0  }
0x29d: {  	v3 =	vadd.f32 v5, v3;
	v4 =	vmul.f32 v4, v9;
	v5 =	vld.idx.msk [tilespmem:v11+s22+$0x0], $0xffff;
	v9 =	vor.u32 v39, v2  }
0x29e: {  	v13 =	vor.u32 $0x2813, v0;
	v11 =	vor.u32 v39, v1;
	v8 =	vld.idx.msk [tilespmem:v8+s24+$0x0], $0xffff  }
0x29f: {  	v39 =	vmul.f32 v14, v6;
	v14 =	vor.u32 v13, v2;
	v3 =	vadd.f32 v4, v3;
	v6 =	vld.idx.msk [tilespmem:v16+s22+$0x0], $0xffff  }
0x2a0: {  	v15 =	vor.u32 $0x2814, v0;
	v13 =	vor.u32 v13, v1;
	v10 =	vld.idx.msk [tilespmem:v10+s24+$0x0], $0xffff  }
0x2a1: {  	v3 =	vadd.f32 v39, v3;
	v39 =	vmul.f32 v12, v7;
	v7 =	vor.u32 v15, v2  }
0x2a2: {  	v12 =	vor.u32 v15, v1;
	v15 =	vor.u32 $0x2815, v0;
	v9 =	vld.idx.msk [tilespmem:v9+s22+$0x0], $0xffff  }
0x2a3: {  	v3 =	vadd.f32 v39, v3;
	v39 =	vmul.f32 v8, v5;
	v5 =	vld.idx.msk [tilespmem:v11+s24+$0x0], $0xffff;
	v8 =	vor.u32 v15, v2  }
0x2a4: {  	v11 =	vld.idx.msk [tilespmem:v14+s22+$0x0], $0xffff;
	v14 =	vor.u32 v15, v1;
	v15 =	vor.u32 $0x2816, v0  }
0x2a5: {  	v3 =	vadd.f32 v39, v3;
	v4 =	vmul.f32 v10, v6;
	v6 =	vld.idx.msk [tilespmem:v13+s24+$0x0], $0xffff;
	v10 =	vor.u32 v15, v2  }
0x2a6: {  	v39 =	vor.u32 v15, v1;
	v15 =	vor.u32 $0x2817, v0;
	v7 =	vld.idx.msk [tilespmem:v7+s22+$0x0], $0xffff  }
0x2a7: {  	v3 =	vadd.f32 v4, v3;
	v4 =	vld.idx.msk [tilespmem:v12+s24+$0x0], $0xffff;
	v12 =	vor.u32 v15, v2  }
0x2a8: {  	v5 =	vmul.f32 v5, v9;
	v8 =	vld.idx.msk [tilespmem:v8+s22+$0x0], $0xffff;
	v9 =	vor.u32 v15, v1;
	v15 =	vor.u32 $0x2818, v0  }
0x2a9: {  	v14 =	vld.idx.msk [tilespmem:v14+s24+$0x0], $0xffff;
	v16 =	vor.u32 v15, v2  }
0x2aa: {  	v3 =	vadd.f32 v5, v3;
	v5 =	vmul.f32 v6, v11;
	v6 =	vld.idx.msk [tilespmem:v10+s22+$0x0], $0xffff;
	v10 =	vor.u32 v15, v1  }
0x2ab: {  	v11 =	vld.idx.msk [tilespmem:v39+s24+$0x0], $0xffff;
	v39 =	vor.u32 $0x2819, v0  }
0x2ac: {  	v3 =	vadd.f32 v5, v3;
	v4 =	vmul.f32 v4, v7;
	v5 =	vld.idx.msk [tilespmem:v12+s22+$0x0], $0xffff;
	v7 =	vor.u32 v39, v2  }
0x2ad: {  	v13 =	vor.u32 $0x281A, v0;
	v12 =	vor.u32 v39, v1;
	v9 =	vld.idx.msk [tilespmem:v9+s24+$0x0], $0xffff  }
0x2ae: {  	v39 =	vmul.f32 v14, v8;
	v14 =	vor.u32 v13, v2;
	v3 =	vadd.f32 v4, v3;
	v8 =	vld.idx.msk [tilespmem:v16+s22+$0x0], $0xffff  }
0x2af: {  	v15 =	vor.u32 $0x281B, v0;
	v13 =	vor.u32 v13, v1;
	v10 =	vld.idx.msk [tilespmem:v10+s24+$0x0], $0xffff  }
0x2b0: {  	v3 =	vadd.f32 v39, v3;
	v39 =	vmul.f32 v11, v6;
	v6 =	vor.u32 v15, v2  }
0x2b1: {  	v11 =	vor.u32 v15, v1;
	v15 =	vor.u32 $0x281C, v0;
	v7 =	vld.idx.msk [tilespmem:v7+s22+$0x0], $0xffff  }
0x2b2: {  	v3 =	vadd.f32 v39, v3;
	v39 =	vmul.f32 v9, v5;
	v5 =	vld.idx.msk [tilespmem:v12+s24+$0x0], $0xffff;
	v9 =	vor.u32 v15, v2  }
0x2b3: {  	v12 =	vld.idx.msk [tilespmem:v14+s22+$0x0], $0xffff;
	v14 =	vor.u32 v15, v1;
	v15 =	vor.u32 $0x281D, v0  }
0x2b4: {  	v3 =	vadd.f32 v39, v3;
	v4 =	vmul.f32 v10, v8;
	v8 =	vld.idx.msk [tilespmem:v13+s24+$0x0], $0xffff;
	v10 =	vor.u32 v15, v2  }
0x2b5: {  	v39 =	vor.u32 v15, v1;
	v15 =	vor.u32 $0x281E, v0;
	v6 =	vld.idx.msk [tilespmem:v6+s22+$0x0], $0xffff  }
0x2b6: {  	v3 =	vadd.f32 v4, v3;
	v4 =	vld.idx.msk [tilespmem:v11+s24+$0x0], $0xffff;
	v11 =	vor.u32 v15, v2  }
0x2b7: {  	v5 =	vmul.f32 v5, v7;
	v7 =	vld.idx.msk [tilespmem:v9+s22+$0x0], $0xffff;
	v9 =	vor.u32 v15, v1;
	v15 =	vor.u32 $0x281F, v0  }
0x2b8: {  	v14 =	vld.idx.msk [tilespmem:v14+s24+$0x0], $0xffff;
	v2 =	vor.u32 v15, v2  }
0x2b9: {  	v12 =	vmul.f32 v8, v12;
	v8 =	vld.idx.msk [tilespmem:v10+s22+$0x0], $0xffff  }
0x2ba: {  	v1 =	vor.u32 v15, v1;
	v3 =	vadd.f32 v5, v3;
	v39 =	vld.idx.msk [tilespmem:v39+s24+$0x0], $0xffff  }
0x2bb: {  	v5 =	vld.idx.msk [tilespmem:v11+s22+$0x0], $0xffff  }
0x2bc: {  	v3 =	vadd.f32 v12, v3;
	v4 =	vmul.f32 v4, v6;
	v12 =	vld.idx.msk [tilespmem:v9+s24+$0x0], $0xffff  }
0x2bd: {  	v13 =	vmul.f32 v14, v7;
	v7 =	vld.idx.msk [tilespmem:v2+s22+$0x0], $0xffff  }
0x2be: {  	v3 =	vadd.f32 v4, v3;
	v2 =	vld [tilespmem:s30+$0x20]  }
0x2bf: {  	v1 =	vld.idx.msk [tilespmem:v1+s24+$0x0], $0xffff  }
0x2c0: {  	v14 =	vmul.f32 v39, v8;
	v39 =	vld [tilespmem:s30+$0x220];
	v3 =	vadd.f32 v13, v3;
	_ =	sdelay $0x1  }
0x2c1: {  	v3 =	vadd.f32 v14, v3;
	v11 =	vmul.f32 v12, v5  }
0x2c2: {  	v13 =	vor.u32 $0x3000, v0;
	v2 =	vshrl.u32 v2, $0x8  }
0x2c3: {  	v14 =	vmul.f32 v1, v7;
	v3 =	vadd.f32 v11, v3;
	v2 =	vand.u32 $0x60, v2  }
0x2c4: {  	v12 =	vshrl.u32 v39, $0x8;
	v11 =	vor.u32 $0x3001, v0;
	v39 =	vor.u32 v13, v2  }
0x2c5: {  	v1 =	vand.u32 $0x60, v12;
	v12 =	vor.u32 v11, v2  }
0x2c6: {  	v5 =	vor.u32 v13, v1;
	v3 =	vadd.f32 v14, v3  }
0x2c7: {  	v7 =	vor.u32 v11, v1;
	v13 =	vor.u32 $0x3002, v0  }
0x2c8: {  	v8 =	vor.u32 v13, v1;
	[tilespmem:s30+$0x8510] =	vst v3  }
0x2c9: {  	v14 =	vor.u32 $0x3003, v0;
	v3 =	vor.u32 v13, v2;
	v4 =	vld.idx.msk [tilespmem:v39+s22+$0x0], $0xffff  }
0x2ca: {  	v10 =	vor.u32 v14, v2;
	v6 =	vld.idx.msk [tilespmem:v12+s22+$0x0], $0xffff  }
0x2cb: {  	v9 =	vor.u32 v14, v1;
	v5 =	vld.idx.msk [tilespmem:v5+s24+$0x0], $0xffff  }
0x2cc: {  	v39 =	vor.u32 $0x3004, v0;
	v7 =	vld.idx.msk [tilespmem:v7+s24+$0x0], $0xffff  }
0x2cd: {  	v12 =	vor.u32 v39, v2;
	v8 =	vld.idx.msk [tilespmem:v8+s24+$0x0], $0xffff  }
0x2ce: {  	v11 =	vor.u32 v39, v1;
	v39 =	vor.u32 $0x3005, v0;
	v3 =	vld.idx.msk [tilespmem:v3+s22+$0x0], $0xffff  }
0x2cf: {  	v10 =	vld.idx.msk [tilespmem:v10+s22+$0x0], $0xffff;
	v14 =	vor.u32 v39, v2  }
0x2d0: {  	v15 =	vor.u32 $0x3006, v0;
	v9 =	vld.idx.msk [tilespmem:v9+s24+$0x0], $0xffff;
	v13 =	vor.u32 v39, v1  }
0x2d1: {  	v39 =	vor.u32 v15, v2;
	v4 =	vmul.f32 v5, v4;
	v5 =	vmul.f32 v7, v6  }
0x2d2: {  	v7 =	vld.idx.msk [tilespmem:v12+s22+$0x0], $0xffff;
	v12 =	vor.u32 v15, v1;
	v15 =	vor.u32 $0x3007, v0  }
0x2d3: {  	v4 =	vadd.f32 v5, v4;
	v3 =	vmul.f32 v8, v3;
	v5 =	vld.idx.msk [tilespmem:v11+s24+$0x0], $0xffff;
	v8 =	vor.u32 v15, v2  }
0x2d4: {  	v11 =	vld.idx.msk [tilespmem:v14+s22+$0x0], $0xffff;
	v14 =	vor.u32 v15, v1;
	v15 =	vor.u32 $0x3008, v0  }
0x2d5: {  	v3 =	vadd.f32 v3, v4;
	v4 =	vmul.f32 v9, v10;
	v9 =	vld.idx.msk [tilespmem:v13+s24+$0x0], $0xffff;
	v10 =	vor.u32 v15, v2  }
0x2d6: {  	v6 =	vld.idx.msk [tilespmem:v39+s22+$0x0], $0xffff;
	v39 =	vor.u32 v15, v1;
	v15 =	vor.u32 $0x3009, v0  }
0x2d7: {  	v3 =	vadd.f32 v4, v3;
	v4 =	vld.idx.msk [tilespmem:v12+s24+$0x0], $0xffff;
	v12 =	vor.u32 v15, v2  }
0x2d8: {  	v5 =	vmul.f32 v5, v7;
	v7 =	vld.idx.msk [tilespmem:v8+s22+$0x0], $0xffff;
	v8 =	vor.u32 v15, v1;
	v15 =	vor.u32 $0x300A, v0  }
0x2d9: {  	v14 =	vld.idx.msk [tilespmem:v14+s24+$0x0], $0xffff;
	v16 =	vor.u32 v15, v2  }
0x2da: {  	v3 =	vadd.f32 v5, v3;
	v5 =	vmul.f32 v9, v11;
	v9 =	vld.idx.msk [tilespmem:v10+s22+$0x0], $0xffff;
	v10 =	vor.u32 v15, v1  }
0x2db: {  	v11 =	vld.idx.msk [tilespmem:v39+s24+$0x0], $0xffff;
	v39 =	vor.u32 $0x300B, v0  }
0x2dc: {  	v3 =	vadd.f32 v5, v3;
	v4 =	vmul.f32 v4, v6;
	v5 =	vld.idx.msk [tilespmem:v12+s22+$0x0], $0xffff;
	v6 =	vor.u32 v39, v2  }
0x2dd: {  	v13 =	vor.u32 $0x300C, v0;
	v12 =	vor.u32 v39, v1;
	v8 =	vld.idx.msk [tilespmem:v8+s24+$0x0], $0xffff  }
0x2de: {  	v39 =	vmul.f32 v14, v7;
	v14 =	vor.u32 v13, v2;
	v3 =	vadd.f32 v4, v3;
	v7 =	vld.idx.msk [tilespmem:v16+s22+$0x0], $0xffff  }
0x2df: {  	v15 =	vor.u32 $0x300D, v0;
	v13 =	vor.u32 v13, v1;
	v10 =	vld.idx.msk [tilespmem:v10+s24+$0x0], $0xffff  }
0x2e0: {  	v3 =	vadd.f32 v39, v3;
	v39 =	vmul.f32 v11, v9;
	v9 =	vor.u32 v15, v2  }
0x2e1: {  	v11 =	vor.u32 v15, v1;
	v15 =	vor.u32 $0x300E, v0;
	v6 =	vld.idx.msk [tilespmem:v6+s22+$0x0], $0xffff  }
0x2e2: {  	v3 =	vadd.f32 v39, v3;
	v39 =	vmul.f32 v8, v5;
	v5 =	vld.idx.msk [tilespmem:v12+s24+$0x0], $0xffff;
	v8 =	vor.u32 v15, v2  }
0x2e3: {  	v12 =	vld.idx.msk [tilespmem:v14+s22+$0x0], $0xffff;
	v14 =	vor.u32 v15, v1;
	v15 =	vor.u32 $0x300F, v0  }
0x2e4: {  	v3 =	vadd.f32 v39, v3;
	v4 =	vmul.f32 v10, v7;
	v7 =	vld.idx.msk [tilespmem:v13+s24+$0x0], $0xffff;
	v10 =	vor.u32 v15, v2  }
0x2e5: {  	v39 =	vor.u32 v15, v1;
	v15 =	vor.u32 $0x3010, v0;
	v9 =	vld.idx.msk [tilespmem:v9+s22+$0x0], $0xffff  }
0x2e6: {  	v3 =	vadd.f32 v4, v3;
	v4 =	vld.idx.msk [tilespmem:v11+s24+$0x0], $0xffff;
	v11 =	vor.u32 v15, v2  }
0x2e7: {  	v5 =	vmul.f32 v5, v6;
	v6 =	vld.idx.msk [tilespmem:v8+s22+$0x0], $0xffff;
	v8 =	vor.u32 v15, v1;
	v15 =	vor.u32 $0x3011, v0  }
0x2e8: {  	v14 =	vld.idx.msk [tilespmem:v14+s24+$0x0], $0xffff;
	v16 =	vor.u32 v15, v2  }
0x2e9: {  	v3 =	vadd.f32 v5, v3;
	v5 =	vmul.f32 v7, v12;
	v7 =	vld.idx.msk [tilespmem:v10+s22+$0x0], $0xffff;
	v10 =	vor.u32 v15, v1  }
0x2ea: {  	v12 =	vld.idx.msk [tilespmem:v39+s24+$0x0], $0xffff;
	v39 =	vor.u32 $0x3012, v0  }
0x2eb: {  	v3 =	vadd.f32 v5, v3;
	v4 =	vmul.f32 v4, v9;
	v5 =	vld.idx.msk [tilespmem:v11+s22+$0x0], $0xffff;
	v9 =	vor.u32 v39, v2  }
0x2ec: {  	v13 =	vor.u32 $0x3013, v0;
	v11 =	vor.u32 v39, v1;
	v8 =	vld.idx.msk [tilespmem:v8+s24+$0x0], $0xffff  }
0x2ed: {  	v39 =	vmul.f32 v14, v6;
	v14 =	vor.u32 v13, v2;
	v3 =	vadd.f32 v4, v3;
	v6 =	vld.idx.msk [tilespmem:v16+s22+$0x0], $0xffff  }
0x2ee: {  	v15 =	vor.u32 $0x3014, v0;
	v13 =	vor.u32 v13, v1;
	v10 =	vld.idx.msk [tilespmem:v10+s24+$0x0], $0xffff  }
0x2ef: {  	v3 =	vadd.f32 v39, v3;
	v39 =	vmul.f32 v12, v7;
	v7 =	vor.u32 v15, v2  }
0x2f0: {  	v12 =	vor.u32 v15, v1;
	v15 =	vor.u32 $0x3015, v0;
	v9 =	vld.idx.msk [tilespmem:v9+s22+$0x0], $0xffff  }
0x2f1: {  	v3 =	vadd.f32 v39, v3;
	v39 =	vmul.f32 v8, v5;
	v5 =	vld.idx.msk [tilespmem:v11+s24+$0x0], $0xffff;
	v8 =	vor.u32 v15, v2  }
0x2f2: {  	v11 =	vld.idx.msk [tilespmem:v14+s22+$0x0], $0xffff;
	v14 =	vor.u32 v15, v1;
	v15 =	vor.u32 $0x3016, v0  }
0x2f3: {  	v3 =	vadd.f32 v39, v3;
	v4 =	vmul.f32 v10, v6;
	v6 =	vld.idx.msk [tilespmem:v13+s24+$0x0], $0xffff;
	v10 =	vor.u32 v15, v2  }
0x2f4: {  	v39 =	vor.u32 v15, v1;
	v15 =	vor.u32 $0x3017, v0;
	v7 =	vld.idx.msk [tilespmem:v7+s22+$0x0], $0xffff  }
0x2f5: {  	v3 =	vadd.f32 v4, v3;
	v4 =	vld.idx.msk [tilespmem:v12+s24+$0x0], $0xffff;
	v12 =	vor.u32 v15, v2  }
0x2f6: {  	v5 =	vmul.f32 v5, v9;
	v8 =	vld.idx.msk [tilespmem:v8+s22+$0x0], $0xffff;
	v9 =	vor.u32 v15, v1;
	v15 =	vor.u32 $0x3018, v0  }
0x2f7: {  	v14 =	vld.idx.msk [tilespmem:v14+s24+$0x0], $0xffff;
	v16 =	vor.u32 v15, v2  }
0x2f8: {  	v3 =	vadd.f32 v5, v3;
	v5 =	vmul.f32 v6, v11;
	v6 =	vld.idx.msk [tilespmem:v10+s22+$0x0], $0xffff;
	v10 =	vor.u32 v15, v1  }
0x2f9: {  	v11 =	vld.idx.msk [tilespmem:v39+s24+$0x0], $0xffff;
	v39 =	vor.u32 $0x3019, v0  }
0x2fa: {  	v3 =	vadd.f32 v5, v3;
	v4 =	vmul.f32 v4, v7;
	v5 =	vld.idx.msk [tilespmem:v12+s22+$0x0], $0xffff;
	v7 =	vor.u32 v39, v2  }
0x2fb: {  	v13 =	vor.u32 $0x301A, v0;
	v12 =	vor.u32 v39, v1;
	v9 =	vld.idx.msk [tilespmem:v9+s24+$0x0], $0xffff  }
0x2fc: {  	v39 =	vmul.f32 v14, v8;
	v14 =	vor.u32 v13, v2;
	v3 =	vadd.f32 v4, v3;
	v8 =	vld.idx.msk [tilespmem:v16+s22+$0x0], $0xffff  }
0x2fd: {  	v15 =	vor.u32 $0x301B, v0;
	v13 =	vor.u32 v13, v1;
	v10 =	vld.idx.msk [tilespmem:v10+s24+$0x0], $0xffff  }
0x2fe: {  	v3 =	vadd.f32 v39, v3;
	v39 =	vmul.f32 v11, v6;
	v6 =	vor.u32 v15, v2  }
0x2ff: {  	v11 =	vor.u32 v15, v1;
	v15 =	vor.u32 $0x301C, v0;
	v7 =	vld.idx.msk [tilespmem:v7+s22+$0x0], $0xffff  }
0x300: {  	v3 =	vadd.f32 v39, v3;
	v39 =	vmul.f32 v9, v5;
	v5 =	vld.idx.msk [tilespmem:v12+s24+$0x0], $0xffff;
	v9 =	vor.u32 v15, v2  }
0x301: {  	v12 =	vld.idx.msk [tilespmem:v14+s22+$0x0], $0xffff;
	v14 =	vor.u32 v15, v1;
	v15 =	vor.u32 $0x301D, v0  }
0x302: {  	v3 =	vadd.f32 v39, v3;
	v4 =	vmul.f32 v10, v8;
	v8 =	vld.idx.msk [tilespmem:v13+s24+$0x0], $0xffff;
	v10 =	vor.u32 v15, v2  }
0x303: {  	v39 =	vor.u32 v15, v1;
	v15 =	vor.u32 $0x301E, v0;
	v6 =	vld.idx.msk [tilespmem:v6+s22+$0x0], $0xffff  }
0x304: {  	v3 =	vadd.f32 v4, v3;
	v4 =	vld.idx.msk [tilespmem:v11+s24+$0x0], $0xffff;
	v11 =	vor.u32 v15, v2  }
0x305: {  	v5 =	vmul.f32 v5, v7;
	v7 =	vld.idx.msk [tilespmem:v9+s22+$0x0], $0xffff;
	v9 =	vor.u32 v15, v1  }
0x306: {  	v14 =	vld.idx.msk [tilespmem:v14+s24+$0x0], $0xffff  }
0x307: {  	v15 =	vor.u32 $0x301F, v0;
	v3 =	vadd.f32 v5, v3;
	v12 =	vmul.f32 v8, v12;
	v8 =	vld.idx.msk [tilespmem:v10+s22+$0x0], $0xffff  }
0x308: {  	v2 =	vor.u32 v15, v2;
	v39 =	vld.idx.msk [tilespmem:v39+s24+$0x0], $0xffff  }
0x309: {  	v1 =	vor.u32 v15, v1;
	v3 =	vadd.f32 v12, v3;
	v4 =	vmul.f32 v4, v6;
	v5 =	vld.idx.msk [tilespmem:v11+s22+$0x0], $0xffff  }
0x30a: {  	v6 =	vld.idx.msk [tilespmem:v9+s24+$0x0], $0xffff  }
0x30b: {  	v12 =	vld [tilespmem:s30+$0x30];
	v11 =	vmul.f32 v14, v7;
	v3 =	vadd.f32 v4, v3  }
0x30c: {  	v14 =	vld [tilespmem:s30+$0x230]  }
0x30d: {  	v2 =	vld.idx.msk [tilespmem:v2+s22+$0x0], $0xffff;
	v13 =	vmul.f32 v39, v8;
	v3 =	vadd.f32 v11, v3  }
0x30e: {  	v39 =	vld.idx.msk [tilespmem:v1+s24+$0x0], $0xffff  }
0x30f: {  	v1 =	vadd.f32 v13, v3;
	v3 =	vmul.f32 v6, v5;
	_ =	sdelay $0x1  }
0x310: {  	v3 =	vadd.f32 v3, v1;
	v1 =	vshrl.u32 v12, $0x8  }
0x311: {  	v13 =	vor.u32 $0x3800, v0;
	v12 =	vshrl.u32 v14, $0x8;
	v1 =	vand.u32 $0x60, v1  }
0x312: {  	v14 =	vmul.f32 v39, v2;
	v2 =	vand.u32 $0x60, v12;
	v39 =	vor.u32 v13, v1  }
0x313: {  	v11 =	vor.u32 $0x3801, v0;
	v5 =	vor.u32 v13, v2  }
0x314: {  	v3 =	vadd.f32 v14, v3;
	v12 =	vor.u32 v11, v1  }
0x315: {  	v7 =	vor.u32 v11, v2;
	v13 =	vor.u32 $0x3802, v0  }
0x316: {  	v8 =	vor.u32 v13, v2;
	[tilespmem:s30+$0x8520] =	vst v3  }
0x317: {  	v14 =	vor.u32 $0x3803, v0;
	v3 =	vor.u32 v13, v1;
	v4 =	vld.idx.msk [tilespmem:v39+s22+$0x0], $0xffff  }
0x318: {  	v10 =	vor.u32 v14, v1;
	v5 =	vld.idx.msk [tilespmem:v5+s24+$0x0], $0xffff  }
0x319: {  	v9 =	vor.u32 v14, v2;
	v6 =	vld.idx.msk [tilespmem:v12+s22+$0x0], $0xffff  }
0x31a: {  	v7 =	vld.idx.msk [tilespmem:v7+s24+$0x0], $0xffff;
	v39 =	vor.u32 $0x3804, v0  }
0x31b: {  	v12 =	vor.u32 v39, v1;
	v8 =	vld.idx.msk [tilespmem:v8+s24+$0x0], $0xffff  }
0x31c: {  	v11 =	vor.u32 v39, v2;
	v39 =	vor.u32 $0x3805, v0;
	v3 =	vld.idx.msk [tilespmem:v3+s22+$0x0], $0xffff  }
0x31d: {  	v10 =	vld.idx.msk [tilespmem:v10+s22+$0x0], $0xffff;
	v14 =	vor.u32 v39, v1  }
0x31e: {  	v15 =	vor.u32 $0x3806, v0;
	v9 =	vld.idx.msk [tilespmem:v9+s24+$0x0], $0xffff;
	v13 =	vor.u32 v39, v2  }
0x31f: {  	v39 =	vor.u32 v15, v1;
	v4 =	vmul.f32 v5, v4;
	v5 =	vmul.f32 v7, v6  }
0x320: {  	v7 =	vld.idx.msk [tilespmem:v12+s22+$0x0], $0xffff;
	v12 =	vor.u32 v15, v2;
	v15 =	vor.u32 $0x3807, v0  }
0x321: {  	v4 =	vadd.f32 v5, v4;
	v3 =	vmul.f32 v8, v3;
	v5 =	vld.idx.msk [tilespmem:v11+s24+$0x0], $0xffff;
	v8 =	vor.u32 v15, v1  }
0x322: {  	v11 =	vld.idx.msk [tilespmem:v14+s22+$0x0], $0xffff;
	v14 =	vor.u32 v15, v2;
	v15 =	vor.u32 $0x3808, v0  }
0x323: {  	v3 =	vadd.f32 v3, v4;
	v4 =	vmul.f32 v9, v10;
	v9 =	vld.idx.msk [tilespmem:v13+s24+$0x0], $0xffff;
	v10 =	vor.u32 v15, v1  }
0x324: {  	v6 =	vld.idx.msk [tilespmem:v39+s22+$0x0], $0xffff;
	v39 =	vor.u32 v15, v2;
	v15 =	vor.u32 $0x3809, v0  }
0x325: {  	v3 =	vadd.f32 v4, v3;
	v4 =	vld.idx.msk [tilespmem:v12+s24+$0x0], $0xffff;
	v12 =	vor.u32 v15, v1  }
0x326: {  	v5 =	vmul.f32 v5, v7;
	v7 =	vld.idx.msk [tilespmem:v8+s22+$0x0], $0xffff;
	v8 =	vor.u32 v15, v2;
	v15 =	vor.u32 $0x380A, v0  }
0x327: {  	v14 =	vld.idx.msk [tilespmem:v14+s24+$0x0], $0xffff;
	v16 =	vor.u32 v15, v1  }
0x328: {  	v3 =	vadd.f32 v5, v3;
	v5 =	vmul.f32 v9, v11;
	v9 =	vld.idx.msk [tilespmem:v10+s22+$0x0], $0xffff;
	v10 =	vor.u32 v15, v2  }
0x329: {  	v11 =	vld.idx.msk [tilespmem:v39+s24+$0x0], $0xffff;
	v39 =	vor.u32 $0x380B, v0  }
0x32a: {  	v3 =	vadd.f32 v5, v3;
	v4 =	vmul.f32 v4, v6;
	v5 =	vld.idx.msk [tilespmem:v12+s22+$0x0], $0xffff;
	v6 =	vor.u32 v39, v1  }
0x32b: {  	v13 =	vor.u32 $0x380C, v0;
	v12 =	vor.u32 v39, v2;
	v8 =	vld.idx.msk [tilespmem:v8+s24+$0x0], $0xffff  }
0x32c: {  	v39 =	vmul.f32 v14, v7;
	v14 =	vor.u32 v13, v1;
	v3 =	vadd.f32 v4, v3;
	v7 =	vld.idx.msk [tilespmem:v16+s22+$0x0], $0xffff  }
0x32d: {  	v15 =	vor.u32 $0x380D, v0;
	v13 =	vor.u32 v13, v2;
	v10 =	vld.idx.msk [tilespmem:v10+s24+$0x0], $0xffff  }
0x32e: {  	v3 =	vadd.f32 v39, v3;
	v39 =	vmul.f32 v11, v9;
	v9 =	vor.u32 v15, v1  }
0x32f: {  	v11 =	vor.u32 v15, v2;
	v15 =	vor.u32 $0x380E, v0;
	v6 =	vld.idx.msk [tilespmem:v6+s22+$0x0], $0xffff  }
0x330: {  	v3 =	vadd.f32 v39, v3;
	v39 =	vmul.f32 v8, v5;
	v5 =	vld.idx.msk [tilespmem:v12+s24+$0x0], $0xffff;
	v8 =	vor.u32 v15, v1  }
0x331: {  	v12 =	vld.idx.msk [tilespmem:v14+s22+$0x0], $0xffff;
	v14 =	vor.u32 v15, v2;
	v15 =	vor.u32 $0x380F, v0  }
0x332: {  	v3 =	vadd.f32 v39, v3;
	v4 =	vmul.f32 v10, v7;
	v7 =	vld.idx.msk [tilespmem:v13+s24+$0x0], $0xffff;
	v10 =	vor.u32 v15, v1  }
0x333: {  	v39 =	vor.u32 v15, v2;
	v15 =	vor.u32 $0x3810, v0;
	v9 =	vld.idx.msk [tilespmem:v9+s22+$0x0], $0xffff  }
0x334: {  	v3 =	vadd.f32 v4, v3;
	v4 =	vld.idx.msk [tilespmem:v11+s24+$0x0], $0xffff;
	v11 =	vor.u32 v15, v1  }
0x335: {  	v5 =	vmul.f32 v5, v6;
	v6 =	vld.idx.msk [tilespmem:v8+s22+$0x0], $0xffff;
	v8 =	vor.u32 v15, v2;
	v15 =	vor.u32 $0x3811, v0  }
0x336: {  	v14 =	vld.idx.msk [tilespmem:v14+s24+$0x0], $0xffff;
	v16 =	vor.u32 v15, v1  }
0x337: {  	v3 =	vadd.f32 v5, v3;
	v5 =	vmul.f32 v7, v12;
	v7 =	vld.idx.msk [tilespmem:v10+s22+$0x0], $0xffff;
	v10 =	vor.u32 v15, v2  }
0x338: {  	v12 =	vld.idx.msk [tilespmem:v39+s24+$0x0], $0xffff;
	v39 =	vor.u32 $0x3812, v0  }
0x339: {  	v3 =	vadd.f32 v5, v3;
	v4 =	vmul.f32 v4, v9;
	v5 =	vld.idx.msk [tilespmem:v11+s22+$0x0], $0xffff;
	v9 =	vor.u32 v39, v1  }
0x33a: {  	v13 =	vor.u32 $0x3813, v0;
	v11 =	vor.u32 v39, v2;
	v8 =	vld.idx.msk [tilespmem:v8+s24+$0x0], $0xffff  }
0x33b: {  	v39 =	vmul.f32 v14, v6;
	v14 =	vor.u32 v13, v1;
	v3 =	vadd.f32 v4, v3;
	v6 =	vld.idx.msk [tilespmem:v16+s22+$0x0], $0xffff  }
0x33c: {  	v15 =	vor.u32 $0x3814, v0;
	v13 =	vor.u32 v13, v2;
	v10 =	vld.idx.msk [tilespmem:v10+s24+$0x0], $0xffff  }
0x33d: {  	v3 =	vadd.f32 v39, v3;
	v39 =	vmul.f32 v12, v7;
	v7 =	vor.u32 v15, v1  }
0x33e: {  	v12 =	vor.u32 v15, v2;
	v15 =	vor.u32 $0x3815, v0;
	v9 =	vld.idx.msk [tilespmem:v9+s22+$0x0], $0xffff  }
0x33f: {  	v3 =	vadd.f32 v39, v3;
	v39 =	vmul.f32 v8, v5;
	v5 =	vld.idx.msk [tilespmem:v11+s24+$0x0], $0xffff;
	v8 =	vor.u32 v15, v1  }
0x340: {  	v11 =	vld.idx.msk [tilespmem:v14+s22+$0x0], $0xffff;
	v14 =	vor.u32 v15, v2;
	v15 =	vor.u32 $0x3816, v0  }
0x341: {  	v3 =	vadd.f32 v39, v3;
	v4 =	vmul.f32 v10, v6;
	v6 =	vld.idx.msk [tilespmem:v13+s24+$0x0], $0xffff;
	v10 =	vor.u32 v15, v1  }
0x342: {  	v39 =	vor.u32 v15, v2;
	v15 =	vor.u32 $0x3817, v0;
	v7 =	vld.idx.msk [tilespmem:v7+s22+$0x0], $0xffff  }
0x343: {  	v3 =	vadd.f32 v4, v3;
	v4 =	vld.idx.msk [tilespmem:v12+s24+$0x0], $0xffff;
	v12 =	vor.u32 v15, v1  }
0x344: {  	v5 =	vmul.f32 v5, v9;
	v8 =	vld.idx.msk [tilespmem:v8+s22+$0x0], $0xffff;
	v9 =	vor.u32 v15, v2;
	v15 =	vor.u32 $0x3818, v0  }
0x345: {  	v14 =	vld.idx.msk [tilespmem:v14+s24+$0x0], $0xffff;
	v16 =	vor.u32 v15, v1  }
0x346: {  	v3 =	vadd.f32 v5, v3;
	v5 =	vmul.f32 v6, v11;
	v6 =	vld.idx.msk [tilespmem:v10+s22+$0x0], $0xffff;
	v10 =	vor.u32 v15, v2  }
0x347: {  	v11 =	vld.idx.msk [tilespmem:v39+s24+$0x0], $0xffff;
	v39 =	vor.u32 $0x3819, v0  }
0x348: {  	v3 =	vadd.f32 v5, v3;
	v4 =	vmul.f32 v4, v7;
	v5 =	vld.idx.msk [tilespmem:v12+s22+$0x0], $0xffff;
	v7 =	vor.u32 v39, v1  }
0x349: {  	v13 =	vor.u32 $0x381A, v0;
	v12 =	vor.u32 v39, v2;
	v9 =	vld.idx.msk [tilespmem:v9+s24+$0x0], $0xffff  }
0x34a: {  	v39 =	vmul.f32 v14, v8;
	v14 =	vor.u32 v13, v1;
	v3 =	vadd.f32 v4, v3;
	v8 =	vld.idx.msk [tilespmem:v16+s22+$0x0], $0xffff  }
0x34b: {  	v15 =	vor.u32 $0x381B, v0;
	v13 =	vor.u32 v13, v2;
	v10 =	vld.idx.msk [tilespmem:v10+s24+$0x0], $0xffff  }
0x34c: {  	v3 =	vadd.f32 v39, v3;
	v39 =	vmul.f32 v11, v6;
	v6 =	vor.u32 v15, v1  }
0x34d: {  	v11 =	vor.u32 v15, v2;
	v15 =	vor.u32 $0x381C, v0;
	v7 =	vld.idx.msk [tilespmem:v7+s22+$0x0], $0xffff  }
0x34e: {  	v3 =	vadd.f32 v39, v3;
	v39 =	vmul.f32 v9, v5;
	v5 =	vld.idx.msk [tilespmem:v12+s24+$0x0], $0xffff;
	v9 =	vor.u32 v15, v1  }
0x34f: {  	v12 =	vld.idx.msk [tilespmem:v14+s22+$0x0], $0xffff;
	v14 =	vor.u32 v15, v2;
	v15 =	vor.u32 $0x381D, v0  }
0x350: {  	v3 =	vadd.f32 v39, v3;
	v4 =	vmul.f32 v10, v8;
	v8 =	vld.idx.msk [tilespmem:v13+s24+$0x0], $0xffff;
	v10 =	vor.u32 v15, v1  }
0x351: {  	v39 =	vor.u32 v15, v2;
	v15 =	vor.u32 $0x381E, v0;
	v6 =	vld.idx.msk [tilespmem:v6+s22+$0x0], $0xffff  }
0x352: {  	v3 =	vadd.f32 v4, v3;
	v4 =	vld.idx.msk [tilespmem:v11+s24+$0x0], $0xffff;
	v11 =	vor.u32 v15, v1  }
0x353: {  	v5 =	vmul.f32 v5, v7;
	v7 =	vld.idx.msk [tilespmem:v9+s22+$0x0], $0xffff;
	v9 =	vor.u32 v15, v2;
	v15 =	vor.u32 $0x381F, v0  }
0x354: {  	v14 =	vld.idx.msk [tilespmem:v14+s24+$0x0], $0xffff;
	v1 =	vor.u32 v15, v1  }
0x355: {  	v2 =	vor.u32 v15, v2;
	v3 =	vadd.f32 v5, v3;
	v12 =	vmul.f32 v8, v12;
	v8 =	vld.idx.msk [tilespmem:v10+s22+$0x0], $0xffff  }
0x356: {  	v39 =	vld.idx.msk [tilespmem:v39+s24+$0x0], $0xffff  }
0x357: {  	v3 =	vadd.f32 v12, v3;
	v4 =	vmul.f32 v4, v6;
	v11 =	vld.idx.msk [tilespmem:v11+s22+$0x0], $0xffff  }
0x358: {  	v12 =	vld.idx.msk [tilespmem:v9+s24+$0x0], $0xffff  }
0x359: {  	v13 =	vmul.f32 v14, v7;
	v3 =	vadd.f32 v4, v3;
	v1 =	vld.idx.msk [tilespmem:v1+s22+$0x0], $0xffff  }
0x35a: {  	v2 =	vld.idx.msk [tilespmem:v2+s24+$0x0], $0xffff  }
0x35b: {  	v14 =	vmul.f32 v39, v8;
	v3 =	vadd.f32 v13, v3;
	_ =	sdelay $0x1  }
0x35c: {  	v3 =	vadd.f32 v14, v3;
	v39 =	vmul.f32 v12, v11  }
0x35d: {  	p0 =	sne.s32 s29, $0x700  }
.Ltmp0:
0x35e: {  	v1 =	vmul.f32 v2, v1;
	v3 =	vadd.f32 v39, v3;
	(pc) =	sbr.rel @p0 .LBB2_2-.Ltmp0, $3  }
0x35f: {  	_ = 	snop  }
0x360: {  	v1 =	vadd.f32 v1, v3;
	_ =	sdelay $0x1  }
0x361: {  	s29 =	sadd.s32 $0x200, s29;
	[tilespmem:s30+$0x8530] =	vst v1  }
0x362: {  	s28 =	sadd.s32 $0x1, s28  }
0x363: {  	p0 =	sne.s32 s28, s13  }
.Ltmp1:
0x364: {  	_ = 	snop;
	(pc) =	sbr.rel @p0 .LBB2_1-.Ltmp1, $4  }
0x365: {  	[hbm4b:s12+s1] =	stream.linear.scatter [tilespmem:s26], [sflag:$0x2], $0x200, $0x38;
	[tilespmem:$0x8700] =	vst v63  }
0x366: {  	_ =	swait.ge [sflag:s14], $0x200  }
0x367: {  	[sflag:s14] =	ssyncset.done $0x0  }
0x368: {  	[sflag:s14] =	ssyncadd.s32 $0xFFFFFE00  }
0x369: {  	_ =	sfence.sel $0x180000  }
0x36a: {  	[bflag:$0x0] =	sbarrier.arrive $0xFFFF  }
0x36b: {  	p0 =	sne.s32 s3, $0x0;
	_ =	strace $0x90000047  }
0x36c: {  	s0 =	sadd.s32 @!p0 $0x100000, s0;
	[bflag:$0x2] =	sbarrier.arrive $0xFFFF  }
0x36d: {  	[sflag:s0] =	ssyncadd.tile.s32 @!p0 $0x1;
	_ =	shalt  }
.Lfunc_end2:
_tile_overlayer_lowered:
.L_overlay_start_2:
0x36e: {  	(tag) =	ssettag $0x2  }
0x36f: {  	s0 =	rddreg [dreg:$0x0];
	s2 =	stileid.u32  }
0x370: {  	s1 =	rddreg [dreg:$0x1];
	p0 =	sne.s32 s2, $0x0  }
0x371: {  	s3 =	rddreg [dreg:$0x2];
	[bflag:$0x3] =	sbarrier.arrive $0xFFFF;
	s2 =	simm.s32 @!p0 $0x1C02  }
0x372: {  	[timem:s3], [sflag:s2] =	dma.local @!p0 [hbm:s0], s1  }
0x373: {  	s0 =	simm.s32 @!p0 $0x2  }
0x374: {  	_ =	swait.ge @!p0 [sflag:s0], s1  }
0x375: {  	s1 =	ssub.s32 @!p0 $0x0, s1;
	[sflag:s0] =	ssyncset.done @!p0 $0x0  }
0x376: {  	[sflag:s0] =	ssyncadd.s32 @!p0 s1  }
0x377: {  	[bflag:$0x3] =	sbarrier.arrive $0xFFFF  }
0x378: {  	_ =	shalt  }

</sc_bundles>
